<compile_context>
chip_gen: v7x
topology: tpu7x:2x2x1
jax: 0.10.2.dev20260603
libtpu: 0.0.44.dev20260713+nightly
codegen_flags: <defaults>
</compile_context>

<pallas_src>
import functools

import numpy as np
import jax
import jax.numpy as jnp
from jax import lax
from jax.experimental import pallas as pl
from jax.experimental.pallas import tpu as pltpu
from jax.experimental.pallas import tpu_sc as plsc

IMG = 224
PATCH = 14
NPATCH = (IMG // PATCH) ** 2
PDIM = PATCH * PATCH
PDIM_PAD = 256
D = 512
E = 8
NHEAD = 8
HD = D // NHEAD
FF = 4 * D
B = 8
NTOK = B * NPATCH
EPAD = 128
NEG = -1e30

R = 256
G = (2 * NTOK) // R + E
S = G * R


def _mm(a, b):
    return lax.dot_general(a, b, (((a.ndim - 1,), (0,)), ((), ())),
                           preferred_element_type=jnp.float32)


def _mm_t(a, b):
    return lax.dot_general(a, b, (((1,), (1,)), ((), ())),
                           preferred_element_type=jnp.float32)


def _pos_encoding_np():
    pos = np.arange(NPATCH, dtype=np.float32)[:, None]
    div = np.exp(np.arange(0, D, 2, dtype=np.float32)
                 * (-np.log(10000.0) / D)).astype(np.float32)
    pe = np.zeros((NPATCH, D), np.float32)
    pe[:, 0::2] = np.sin(pos * div)
    pe[:, 1::2] = np.cos(pos * div)
    return pe


def _noise(seed):
    n = jax.random.normal(jax.random.key(seed), (B, NPATCH, E),
                          dtype=jnp.float32).reshape(NTOK, E)
    return jnp.pad(n, ((0, 0), (0, EPAD - E)))


_PE = _pos_encoding_np()


def _row(v):
    return v.reshape(1, -1)


def _pad_e(w):
    return jnp.pad(w, [(0, 0)] * (w.ndim - 1) + [(0, EPAD - E)])


def _mega_body(embed, refs):
    if embed:
        (xin_ref, wpe_ref, bpe_ref, pe_ref,
         wip_ref, bip_ref, wq_ref, wk_ref, wv_ref, wo_ref, bo_ref,
         wr_ref, br_ref, wn_ref, bn_ref, noise_ref,
         attn_ref, route_ref, posi0_ref, posi1_ref, spi_ref, srci_ref,
         route_scr, carry, carr_all, offs, pos_scr0, pos_scr1) = refs
    else:
        (y0_ref, y1_ref, routep_ref, lng_ref, lnb_ref, wvp_ref, bvp_ref,
         wip_ref, bip_ref, wq_ref, wk_ref, wv_ref, wo_ref, bo_ref,
         wr_ref, br_ref, wn_ref, bn_ref, noise_ref,
         fv_ref, attn_ref, route_ref, posi0_ref, posi1_ref, spi_ref,
         srci_ref, route_scr, carry, carr_all, offs,
         pos_scr0, pos_scr1) = refs
    g = pl.program_id(0)
    colid = lax.broadcasted_iota(jnp.int32, (NPATCH, EPAD), 1)
    colf = colid.astype(jnp.float32)

    @pl.when(g < B)
    def _():
        if embed:
            x = _mm(xin_ref[...], wpe_ref[...]) + bpe_ref[...] + pe_ref[...]
        else:
            blkp = routep_ref[...]
            g0 = jnp.sum(jnp.where(colid == 2, blkp, 0.0), axis=1,
                         keepdims=True)
            g1 = jnp.sum(jnp.where(colid == 3, blkp, 0.0), axis=1,
                         keepdims=True)
            a = g0 * y0_ref[...] + g1 * y1_ref[...]
            mu = jnp.mean(a, axis=1, keepdims=True)
            var = jnp.mean((a - mu) ** 2, axis=1, keepdims=True)
            ln = (lng_ref[...] * (a - mu) * lax.rsqrt(var + 1e-5)
                  + lnb_ref[...])
            x = _mm(ln, wvp_ref[...]) + bvp_ref[...]
            fv_ref[...] = x
        y = _mm(x, wip_ref[...]) + bip_ref[...]
        q = _mm(y, wq_ref[...])
        k = _mm(y, wk_ref[...])
        v = _mm(y, wv_ref[...])
        row = lax.broadcasted_iota(jnp.int32, (NPATCH, NPATCH), 0)
        colt = lax.broadcasted_iota(jnp.int32, (NPATCH, NPATCH), 1)
        causal = colt <= row
        o_parts = []
        for h in range(NHEAD):
            s = h * HD
            qh = q[:, s:s + HD]
            kh = k[:, s:s + HD]
            vh = v[:, s:s + HD]
            wei = _mm_t(qh, kh) * (HD ** -0.5)
            wei = jnp.where(causal, wei, NEG)
            m = jnp.max(wei, axis=1, keepdims=True)
            p = jnp.exp(wei - m)
            p = p / jnp.sum(p, axis=1, keepdims=True)
            o_parts.append(_mm(p, vh))
        o = jnp.concatenate(o_parts, axis=1)
        attn = _mm(o, wo_ref[...]) + bo_ref[...]
        attn_ref[...] = attn

        logits = _mm(attn, wr_ref[...]) + br_ref[...]
        nl = _mm(attn, wn_ref[...]) + bn_ref[...]
        sp = jnp.maximum(nl, 0.0) + jnp.log1p(jnp.exp(-jnp.abs(nl)))
        noisy = logits + noise_ref[...] * sp
        noisy = jnp.where(colid < E, noisy, NEG)
        m1 = jnp.max(noisy, axis=1, keepdims=True)
        e0 = jnp.min(jnp.where(noisy == m1, colid, EPAD), axis=1,
                     keepdims=True)
        m2 = jnp.max(jnp.where(colid == e0, NEG, noisy), axis=1,
                     keepdims=True)
        e1 = jnp.min(jnp.where((noisy == m2) & (colid != e0), colid, EPAD),
                     axis=1, keepdims=True)
        selp = jnp.where(noisy >= m2, jnp.exp(noisy - m1), 0.0)
        z = jnp.sum(selp, axis=1, keepdims=True)
        g0o = 1.0 / z
        g1o = jnp.exp(m2 - m1) / z
        route = (jnp.where(colid == 0, e0.astype(jnp.float32), 0.0)
                 + jnp.where(colid == 1, e1.astype(jnp.float32), 0.0)
                 + jnp.where(colid == 2, g0o, 0.0)
                 + jnp.where(colid == 3, g1o, 0.0))
        route_ref[...] = route
        route_scr[pl.ds(g * NPATCH, NPATCH), :] = route

        oh0 = jnp.where(colf == e0.astype(jnp.float32), 1.0, 0.0)
        oh1 = jnp.where(colf == e1.astype(jnp.float32), 1.0, 0.0)

        @pl.when(g == 0)
        def _():
            carry[...] = jnp.zeros_like(carry)

        carr_all[pl.ds(g, 1), :] = carry[...]
        carry[...] += (jnp.sum(oh0, axis=0, keepdims=True)
                       + jnp.sum(oh1, axis=0, keepdims=True))

    @pl.when(g == B)
    def _():
        counts = carry[...]
        pcr = jnp.ceil(counts / R)
        rowi = lax.broadcasted_iota(jnp.int32, (EPAD, EPAD), 0)
        coli = lax.broadcasted_iota(jnp.int32, (EPAD, EPAD), 1)
        incl = jnp.where(rowi <= coli, 1.0, 0.0)
        strict = jnp.where(rowi < coli, 1.0, 0.0)
        ends = _mm(pcr, incl)
        offs[...] = _mm(pcr * R, strict)
        ge = jnp.where((coli < E) & (rowi.astype(jnp.float32)
                                     >= jnp.broadcast_to(ends, (EPAD, EPAD))),
                       1.0, 0.0)
        texp = jnp.minimum(jnp.sum(ge, axis=1, keepdims=True),
                           float(E - 1))
        nt = jnp.sum(jnp.where(coli[0:1] == E - 1, ends, 0.0), axis=1,
                     keepdims=True)
        rowc = lax.broadcasted_iota(jnp.int32, (EPAD, 1), 0)
        spi_ref[...] = jnp.where(rowc == G, nt, texp).astype(jnp.int32)

    @pl.when((g >= B) & (g < 2 * B))
    def _():
        t = g - B
        blk = route_scr[pl.ds(t * NPATCH, NPATCH), :]
        oh0 = jnp.where(colf == blk[:, 0:1], 1.0, 0.0)
        oh1 = jnp.where(colf == blk[:, 1:2], 1.0, 0.0)
        carr = carr_all[pl.ds(t, 1), :]
        rowi = lax.broadcasted_iota(jnp.int32, (NPATCH, NPATCH), 0)
        coli = lax.broadcasted_iota(jnp.int32, (NPATCH, NPATCH), 1)
        tri = jnp.where(rowi >= coli, 1.0, 0.0)
        c0 = _mm(tri, oh0) - oh0
        s0 = jnp.sum(oh0, axis=0, keepdims=True)
        c1 = _mm(tri, oh1) - oh1 + s0
        base = offs[...] + carr
        p0 = jnp.sum(oh0 * (base + c0), axis=1, keepdims=True)
        p1 = jnp.sum(oh1 * (base + c1), axis=1, keepdims=True)
        posi0_ref[...] = p0.astype(jnp.int32)
        posi1_ref[...] = p1.astype(jnp.int32)
        pos_scr0[pl.ds(t * NPATCH, NPATCH), :] = p0
        pos_scr1[pl.ds(t * NPATCH, NPATCH), :] = p1

    @pl.when(g >= 2 * B)
    def _():
        t = g - 2 * B
        slotid = (jnp.float32(t * R)
                  + lax.broadcasted_iota(jnp.int32, (1, R), 1)
                  .astype(jnp.float32))
        tokid = lax.broadcasted_iota(jnp.int32, (NTOK, 1), 0).astype(
            jnp.float32)
        hit = ((pos_scr0[...] == slotid) | (pos_scr1[...] == slotid))
        src = jnp.sum(jnp.where(hit, tokid, 0.0), axis=0, keepdims=True)
        srci_ref[pl.ds(t, 1), :] = src.astype(jnp.int32)


def _mega(p, noise, embed, front_args):
    img = lambda bs: pl.BlockSpec(bs, lambda g: (jnp.minimum(g, B - 1), 0))
    full = lambda a: pl.BlockSpec(a.shape, lambda g: (0,) * a.ndim)
    wr = _pad_e(p['Wr'])
    br = _row(_pad_e(p['br']))
    wn = _pad_e(p['Wn'])
    bn = _row(_pad_e(p['bn']))
    shared = [p['Wip'], _row(p['bip']), p['Wq'], p['Wk'], p['Wv'], p['Wo'],
              _row(p['bo']), wr, br, wn, bn]
    if embed:
        xin, wpe, bpe, pe = front_args
        args = [xin, wpe, _row(bpe), pe] + shared + [noise]
        in_specs = ([img((NPATCH, PDIM_PAD))] + [full(a) for a in args[1:4]]
                    + [full(a) for a in shared]
                    + [img((NPATCH, EPAD))])
        n_extra_out = 0
    else:
        y0, y1, routep, lng, lnb, wvp, bvp = front_args
        args = ([y0, y1, routep, _row(lng), _row(lnb), wvp, _row(bvp)]
                + shared + [noise])
        in_specs = ([img((NPATCH, D)), img((NPATCH, D)), img((NPATCH, EPAD))]
                    + [full(a) for a in args[3:7]]
                    + [full(a) for a in shared]
                    + [img((NPATCH, EPAD))])
        n_extra_out = 1

    pos_idx = lambda g: (jnp.clip(g - B, 0, B - 1), 0)
    out_specs = [img((NPATCH, D)), img((NPATCH, EPAD)),
                 pl.BlockSpec((NPATCH, 1), pos_idx),
                 pl.BlockSpec((NPATCH, 1), pos_idx),
                 pl.BlockSpec((EPAD, 1), lambda g: (0, 0)),
                 pl.BlockSpec((G, R), lambda g: (0, 0))]
    out_shape = [jax.ShapeDtypeStruct((NTOK, D), jnp.float32),
                 jax.ShapeDtypeStruct((NTOK, EPAD), jnp.float32),
                 jax.ShapeDtypeStruct((NTOK, 1), jnp.int32),
                 jax.ShapeDtypeStruct((NTOK, 1), jnp.int32),
                 jax.ShapeDtypeStruct((EPAD, 1), jnp.int32),
                 jax.ShapeDtypeStruct((G, R), jnp.int32)]
    if not embed:
        out_specs = [img((NPATCH, D))] + out_specs
        out_shape = [jax.ShapeDtypeStruct((NTOK, D), jnp.float32)] + out_shape

    def body(*refs):
        _mega_body(embed, refs)

    outs = pl.pallas_call(
        body,
        grid=(2 * B + G,),
        in_specs=in_specs,
        out_specs=out_specs,
        out_shape=out_shape,
        scratch_shapes=[pltpu.VMEM((NTOK, EPAD), jnp.float32),
                        pltpu.VMEM((1, EPAD), jnp.float32),
                        pltpu.VMEM((B, EPAD), jnp.float32),
                        pltpu.VMEM((1, EPAD), jnp.float32),
                        pltpu.VMEM((NTOK, 1), jnp.float32),
                        pltpu.VMEM((NTOK, 1), jnp.float32)],
    )(*args)
    return outs


_NW = 32
_CH = NTOK // _NW


def _wid():
    return lax.axis_index("s") * 2 + lax.axis_index("c")


_SCH = S // _NW


@functools.cache
def _sc_dispatch_kernel():
    mesh = plsc.VectorSubcoreMesh(core_axis_name="c", subcore_axis_name="s")

    @functools.partial(
        pl.kernel, mesh=mesh,
        out_type=jax.ShapeDtypeStruct((S, D), jnp.float32),
        scratch_types=[pltpu.VMEM((_CH,), jnp.int32),
                       pltpu.VMEM((_CH, D), jnp.float32),
                       pltpu.SemaphoreType.DMA],
    )
    def k(attn_hbm, src_hbm, xg_hbm, idx_v, rows_v, sem):
        base = _wid() * _SCH
        for c in range(_SCH // _CH):
            off = base + c * _CH
            pltpu.sync_copy(src_hbm.at[pl.ds(off, _CH)], idx_v)
            pltpu.async_copy(attn_hbm.at[idx_v], rows_v, sem).wait()
            pltpu.sync_copy(rows_v, xg_hbm.at[pl.ds(off, _CH)])

    return k


def _sc_dispatch(attn, src):
    return _sc_dispatch_kernel()(attn, src)


@functools.cache
def _sc_combine_kernel():
    mesh = plsc.VectorSubcoreMesh(core_axis_name="c", subcore_axis_name="s")

    @functools.partial(
        pl.kernel, mesh=mesh,
        out_type=[jax.ShapeDtypeStruct((NTOK, D), jnp.float32),
                  jax.ShapeDtypeStruct((NTOK, D), jnp.float32)],
        scratch_types=[pltpu.VMEM((_CH,), jnp.int32),
                       pltpu.VMEM((_CH, D), jnp.float32),
                       pltpu.SemaphoreType.DMA],
    )
    def k(eo_hbm, pos0_hbm, pos1_hbm, y0_hbm, y1_hbm, idx_v, rows_v, sem):
        base = _wid() * _CH
        pltpu.sync_copy(pos0_hbm.at[pl.ds(base, _CH)], idx_v)
        pltpu.async_copy(eo_hbm.at[idx_v], rows_v, sem).wait()
        pltpu.sync_copy(rows_v, y0_hbm.at[pl.ds(base, _CH)])
        pltpu.sync_copy(pos1_hbm.at[pl.ds(base, _CH)], idx_v)
        pltpu.async_copy(eo_hbm.at[idx_v], rows_v, sem).wait()
        pltpu.sync_copy(rows_v, y1_hbm.at[pl.ds(base, _CH)])

    return k


def _sc_combine(eo, pos0, pos1):
    return _sc_combine_kernel()(eo, pos0, pos1)


def _gexpert_body(sp_ref, xg_ref, w1_ref, b1_ref, w2_ref, b2_ref, eo_ref):
    g = pl.program_id(0)

    @pl.when(g < sp_ref[G])
    def _():
        h = jnp.maximum(_mm(xg_ref[...], w1_ref[0]) + b1_ref[0], 0.0)
        eo_ref[...] = _mm(h, w2_ref[0]) + b2_ref[0]


def _gexpert(sp, xg, p):
    grid_spec = pltpu.PrefetchScalarGridSpec(
        num_scalar_prefetch=1,
        grid=(G,),
        in_specs=[
            pl.BlockSpec((R, D), lambda g, s: (g, 0)),
            pl.BlockSpec((1, D, FF), lambda g, s: (s[g], 0, 0)),
            pl.BlockSpec((1, 1, FF), lambda g, s: (s[g], 0, 0)),
            pl.BlockSpec((1, FF, D), lambda g, s: (s[g], 0, 0)),
            pl.BlockSpec((1, 1, D), lambda g, s: (s[g], 0, 0)),
        ],
        out_specs=pl.BlockSpec((R, D), lambda g, s: (g, 0)),
    )
    return pl.pallas_call(
        _gexpert_body,
        grid_spec=grid_spec,
        out_shape=jax.ShapeDtypeStruct((S, D), jnp.float32),
    )(sp, xg, p['W1'], p['b1'][:, None, :], p['W2'], p['b2'][:, None, :])


def _final_body(y0_ref, y1_ref, route_ref, lng_ref, lnb_ref, wv_ref, bv_ref,
                wc_ref, bc_ref, sv_ref, gv_ref, cv_ref, gv_all):
    i = pl.program_id(0)
    blk = route_ref[...]
    colid = lax.broadcasted_iota(jnp.int32, (NPATCH, EPAD), 1)
    g0 = jnp.sum(jnp.where(colid == 2, blk, 0.0), axis=1, keepdims=True)
    g1 = jnp.sum(jnp.where(colid == 3, blk, 0.0), axis=1, keepdims=True)
    a = g0 * y0_ref[...] + g1 * y1_ref[...]
    mu = jnp.mean(a, axis=1, keepdims=True)
    var = jnp.mean((a - mu) ** 2, axis=1, keepdims=True)
    ln = lng_ref[...] * (a - mu) * lax.rsqrt(var + 1e-5) + lnb_ref[...]
    proj = _mm(ln, wv_ref[...]) + bv_ref[...]
    sv_ref[...] = proj
    grow = jnp.sum(proj, axis=0, keepdims=True)
    gv_ref[0] = grow
    gv_all[pl.ds(i, 1), :] = grow

    @pl.when(i == B - 1)
    def _():
        cv_ref[...] = _mm(gv_all[...], wc_ref[...]) + bc_ref[...]


def _final(y0, y1, route, p, wv, bv, wc, bc):
    full = lambda a: pl.BlockSpec(a.shape, lambda i: (0,) * a.ndim)
    args = [y0, y1, route, _row(p['ln_g']), _row(p['ln_b']), wv, _row(bv),
            wc, _row(bc)]
    return pl.pallas_call(
        _final_body,
        grid=(B,),
        in_specs=[pl.BlockSpec((NPATCH, D), lambda i: (i, 0)),
                  pl.BlockSpec((NPATCH, D), lambda i: (i, 0)),
                  pl.BlockSpec((NPATCH, EPAD), lambda i: (i, 0))]
                 + [full(a) for a in args[3:]],
        out_specs=[pl.BlockSpec((NPATCH, D), lambda i: (i, 0)),
                   pl.BlockSpec((1, 1, D), lambda i: (i, 0, 0)),
                   pl.BlockSpec((B, D), lambda i: (0, 0))],
        out_shape=[jax.ShapeDtypeStruct((NTOK, D), jnp.float32),
                   jax.ShapeDtypeStruct((B, 1, D), jnp.float32),
                   jax.ShapeDtypeStruct((B, D), jnp.float32)],
        scratch_shapes=[pltpu.VMEM((B, D), jnp.float32)],
    )(*args)


def _sparse_block(attn, pos0i, pos1i, spi, srci, p):
    pos0 = pos0i.reshape(NTOK)
    pos1 = pos1i.reshape(NTOK)
    src = srci.reshape(S)
    sp = spi.reshape(-1)[:G + 1]
    xg = _sc_dispatch(attn, src)
    eo = _gexpert(sp, xg, p)
    return _sc_combine(eo, pos0, pos1)


def kernel(x, params):
    p = params
    hp = IMG // PATCH
    patches = x.reshape(B, 1, hp, PATCH, hp, PATCH).transpose(0, 1, 2, 4, 3, 5)
    patches = patches.reshape(B, 1, hp * hp, PDIM).transpose(0, 2, 1, 3)
    patches = patches.reshape(NTOK, PDIM)
    patches = jnp.pad(patches, ((0, 0), (0, PDIM_PAD - PDIM)))
    wpe = jnp.pad(p['W_pe'], ((0, PDIM_PAD - PDIM), (0, 0)))

    m1, m2 = p['moe1'], p['moe2']
    attn1, route1, p01, p11, sp1, src1 = _mega(
        m1, _noise(1), True, (patches, wpe, p['b_pe'], _PE))
    y0a, y1a = _sparse_block(attn1, p01, p11, sp1, src1, m1)

    fv, attn2, route2, p02, p12, sp2, src2 = _mega(
        m2, _noise(2), False,
        (y0a, y1a, route1, m1['ln_g'], m1['ln_b'], p['W_v'], p['b_v']))
    y0b, y1b = _sparse_block(attn2, p02, p12, sp2, src2, m2)

    sv, gv, cv = _final(y0b, y1b, route2, m2, p['W_v'], p['b_v'],
                        p['W_c'], p['b_c'])

    fv = fv.reshape(B, NPATCH, D)
    sv = sv.reshape(B, NPATCH, D)
    return (fv, sv, gv.reshape(B, D), cv)

# --- scband reference (transcript-rebuilt; emitter-appended) ---
"""Pipeline reference for scband-image-mo-e-89361089561040 (READ-ONLY COPY).

The authoritative reference and input builder live on the scoring server;
editing this copy changes nothing except your own understanding.
"""

import jax, jax.numpy as jnp
import numpy as np

IMG = 224
PATCH = 14
NPATCH = (IMG // PATCH) ** 2
PDIM = PATCH * PATCH
D = 512
E = 8
TOPK = 2
NHEAD = 8
FF = 4 * D
B = 8

def _w(key, shape):
    return jax.random.normal(key, shape, dtype=jnp.float32) * 0.02

def _moe_params(key):
    ks = jax.random.split(key, 12)
    return {
        'Wip': _w(ks[0], (D, D)), 'bip': jnp.zeros((D,), jnp.float32),
        'Wq': _w(ks[1], (D, D)), 'Wk': _w(ks[2], (D, D)), 'Wv': _w(ks[3], (D, D)),
        'Wo': _w(ks[4], (D, D)), 'bo': jnp.zeros((D,), jnp.float32),
        'Wr': _w(ks[5], (D, E)), 'br': jnp.zeros((E,), jnp.float32),
        'Wn': _w(ks[6], (D, E)), 'bn': jnp.zeros((E,), jnp.float32),
        'W1': _w(ks[7], (E, D, FF)), 'b1': jnp.zeros((E, FF), jnp.float32),
        'W2': _w(ks[8], (E, FF, D)), 'b2': jnp.zeros((E, D), jnp.float32),
        'ln_g': jnp.ones((D,), jnp.float32), 'ln_b': jnp.zeros((D,), jnp.float32),
    }

def setup_inputs(seed: int = 0):
    key = jax.random.key(seed)
    ks = jax.random.split(key, 8)
    x = jax.random.normal(ks[0], (B, 1, IMG, IMG), dtype=jnp.float32)
    params = {
        'W_pe': _w(ks[1], (PDIM, D)), 'b_pe': jnp.zeros((D,), jnp.float32),
        'moe1': _moe_params(ks[2]),
        'moe2': _moe_params(ks[3]),
        'W_v': _w(ks[4], (D, D)), 'b_v': jnp.zeros((D,), jnp.float32),
        'W_c': _w(ks[5], (D, D)), 'b_c': jnp.zeros((D,), jnp.float32),
    }
    return {'x': x, 'params': params}

def _positional_encoding(T, d):
    pos = jnp.arange(T, dtype=jnp.float32)[:, None]
    div = jnp.exp(jnp.arange(0, d, 2, dtype=jnp.float32) * (-jnp.log(10000.0) / d))
    pe = jnp.zeros((T, d), jnp.float32)
    pe = pe.at[:, 0::2].set(jnp.sin(pos * div))
    pe = pe.at[:, 1::2].set(jnp.cos(pos * div))
    return pe

def _layer_norm(x, g, b):
    mu = jnp.mean(x, axis=-1, keepdims=True)
    var = jnp.var(x, axis=-1, keepdims=True)
    return g * (x - mu) / jnp.sqrt(var + 1e-5) + b

def _mha(x, p):
    b, t, d = x.shape
    hd = d // NHEAD
    q = (x @ p['Wq']).reshape(b, t, NHEAD, hd).transpose(0, 2, 1, 3)
    k = (x @ p['Wk']).reshape(b, t, NHEAD, hd).transpose(0, 2, 1, 3)
    v = (x @ p['Wv']).reshape(b, t, NHEAD, hd).transpose(0, 2, 1, 3)
    wei = jnp.einsum('bhqd,bhkd->bhqk', q, k) * (hd ** -0.5)
    mask = jnp.tril(jnp.ones((t, t), bool))
    wei = jnp.where(mask[None, None], wei, -jnp.inf)
    wei = jax.nn.softmax(wei, axis=-1)
    out = jnp.einsum('bhqk,bhkd->bhqd', wei, v)
    out = out.transpose(0, 2, 1, 3).reshape(b, t, d)
    return out @ p['Wo'] + p['bo']

def _sparse_moe(x, p, noise_seed):
    b, t, d = x.shape
    logits = x @ p['Wr'] + p['br']
    noise_logits = x @ p['Wn'] + p['bn']
    noise = jax.random.normal(jax.random.key(noise_seed), logits.shape, dtype=jnp.float32) * jax.nn.softplus(noise_logits)
    noisy = logits + noise
    topv, topi = jax.lax.top_k(noisy, TOPK)
    sel = jnp.sum(jax.nn.one_hot(topi, E, dtype=jnp.float32), axis=-2) > 0
    sparse = jnp.where(sel, noisy, -jnp.inf)
    gate = jax.nn.softmax(sparse, axis=-1)
    flat_x = x.reshape(-1, d)
    flat_g = gate.reshape(-1, E)
    h = jax.nn.relu(jnp.einsum('td,edf->etf', flat_x, p['W1']) + p['b1'][:, None, :])
    eo = jnp.einsum('etf,efd->etd', h, p['W2']) + p['b2'][:, None, :]
    out = jnp.einsum('te,etd->td', flat_g, eo)
    return out.reshape(b, t, d)

def _moe_layer(x, p, noise_seed):
    x = x @ p['Wip'] + p['bip']
    x = _mha(x, p)
    x = _sparse_moe(x, p, noise_seed)
    return _layer_norm(x, p['ln_g'], p['ln_b'])

def _forward(x, params):
    b, c, h, w = x.shape
    hp, wp = h // PATCH, w // PATCH
    patches = x.reshape(b, c, hp, PATCH, wp, PATCH).transpose(0, 1, 2, 4, 3, 5)
    patches = patches.reshape(b, c, hp * wp, PDIM).transpose(0, 2, 1, 3).reshape(b, -1, PDIM)
    xe = patches @ params['W_pe'] + params['b_pe']
    xe = xe + _positional_encoding(xe.shape[1], D)[None]
    o1 = _moe_layer(xe, params['moe1'], 1)
    fv = o1 @ params['W_v'] + params['b_v']
    o2 = _moe_layer(fv, params['moe2'], 2)
    sv = o2 @ params['W_v'] + params['b_v']
    gv = jnp.sum(sv, axis=1)
    cv = gv @ params['W_c'] + params['b_c']
    return (fv, sv, gv, cv)

def reference(x, params):
    return _forward(x, params)

if __name__ == "__main__":
    import jax
    _d = setup_inputs()
    print(jax.jit(kernel)(*tuple(_d.values())))

</pallas_src>

<mosaic_0001>
#map = affine_map<(d0, d1) -> (0, 0)>
#map1 = affine_map<(d0, d1) -> (0)>
module attributes {stable_mosaic.version = 14 : i64} {
  func.func @k(%arg0: i32, %arg1: i32, %arg2: memref<2048x512xf32, #tpu.memory_space<hbm>>, %arg3: memref<6144xi32, #tpu.memory_space<hbm>>, %arg4: memref<6144x512xf32, #tpu.memory_space<hbm>>, %arg5: memref<64xi32, #tpu.memory_space<vmem>>, %arg6: memref<64x512xf32, #tpu.memory_space<vmem>>, %arg7: memref<!tpu.dma_semaphore, #tpu.memory_space<semaphore_mem>>) attributes {dimension_semantics = [#tpu.dimension_semantics<core_parallel>, #tpu.dimension_semantics<subcore_parallel>], iteration_bounds = array<i64: 2, 16>, scalar_prefetch = 0 : i64, scratch_operands = 3 : i64, tpu.core_type = #tpu.core_type<sc_vector_subcore>, window_params = [{transform_indices = #map}, {transform_indices = #map1}, {transform_indices = #map}]} {
    %mul3A = arith.constant 2 : i32
    %mul3A_0 = arith.muli %arg1, %mul3A : i32
    %add3A = arith.addi %mul3A_0, %arg0 : i32
    %mul3A_1 = arith.constant 192 : i32
    %mul3A_2 = arith.muli %add3A, %mul3A_1 : i32
    %add3A_3 = arith.constant 0 : i32
    %add3A_4 = arith.addi %mul3A_2, %add3A_3 : i32
    "tpu.region"() ({
      %run_scoped3A = tpu.sem_alloc : memref<!tpu.dma_semaphore, #tpu.memory_space<semaphore_mem>>
      %dma_start3A_25 = tpu.memref_slice %arg3[%add3A_4] : memref<6144xi32, #tpu.memory_space<hbm>> -> memref<64xi32, #tpu.memory_space<hbm>>
      %dma_start3A_26 = tpu.memref_slice %arg3[%add3A_4] : memref<6144xi32, #tpu.memory_space<hbm>> -> memref<64xi32, #tpu.memory_space<hbm>>
      tpu.enqueue_dma source(%dma_start3A_26 : memref<64xi32, #tpu.memory_space<hbm>>) target(%arg5 : memref<64xi32, #tpu.memory_space<vmem>>) target_semaphore(%run_scoped3A : memref<!tpu.dma_semaphore, #tpu.memory_space<semaphore_mem>>)
      %dma_wait3A_27 = tpu.memref_slice %arg3[%add3A_4] : memref<6144xi32, #tpu.memory_space<hbm>> -> memref<64xi32, #tpu.memory_space<hbm>>
      %dma_wait3A_28 = tpu.memref_slice %arg3[%add3A_4] : memref<6144xi32, #tpu.memory_space<hbm>> -> memref<64xi32, #tpu.memory_space<hbm>>
      tpu.wait_dma2 semaphore(%run_scoped3A : memref<!tpu.dma_semaphore, #tpu.memory_space<semaphore_mem>>) src(%dma_wait3A_28 : memref<64xi32, #tpu.memory_space<hbm>>) dst(%arg5 : memref<64xi32, #tpu.memory_space<vmem>>)
      tpu.yield
    }) : () -> ()
    %dma_start3A = arith.constant 0 : i32
    %dma_start3A_5 = arith.constant 0 : i32
    %dma_start3A_6 = tpu.memref_slice %arg2[%dma_start3A, %dma_start3A_5] : memref<2048x512xf32, #tpu.memory_space<hbm>> -> memref<2048x512xf32, #tpu.memory_space<hbm>>
    tpu.enqueue_indirect_dma source(%dma_start3A_6 : memref<2048x512xf32, #tpu.memory_space<hbm>>) target(%arg6 : memref<64x512xf32, #tpu.memory_space<vmem>>) offsets(%arg5 : memref<64xi32, #tpu.memory_space<vmem>>) semaphore(%arg7 : memref<!tpu.dma_semaphore, #tpu.memory_space<semaphore_mem>>)
    %dma_wait3A = arith.constant 0 : i32
    %dma_wait3A_7 = arith.constant 0 : i32
    %dma_wait3A_8 = tpu.memref_slice %arg2[%dma_wait3A, %dma_wait3A_7] : memref<2048x512xf32, #tpu.memory_space<hbm>> -> memref<2048x512xf32, #tpu.memory_space<hbm>>
    tpu.wait_indirect_dma semaphore(%arg7 : memref<!tpu.dma_semaphore, #tpu.memory_space<semaphore_mem>>) src(%dma_wait3A_8 : memref<2048x512xf32, #tpu.memory_space<hbm>>) dst(%arg6 : memref<64x512xf32, #tpu.memory_space<vmem>>)
    "tpu.region"() ({
      %run_scoped3A = tpu.sem_alloc : memref<!tpu.dma_semaphore, #tpu.memory_space<semaphore_mem>>
      %dma_start3A_25 = arith.constant 0 : i32
      %dma_start3A_26 = tpu.memref_slice %arg4[%add3A_4, %dma_start3A_25] : memref<6144x512xf32, #tpu.memory_space<hbm>> -> memref<64x512xf32, #tpu.memory_space<hbm>>
      %dma_start3A_27 = arith.constant 0 : i32
      %dma_start3A_28 = tpu.memref_slice %arg4[%add3A_4, %dma_start3A_27] : memref<6144x512xf32, #tpu.memory_space<hbm>> -> memref<64x512xf32, #tpu.memory_space<hbm>>
      tpu.enqueue_dma source(%arg6 : memref<64x512xf32, #tpu.memory_space<vmem>>) target(%dma_start3A_28 : memref<64x512xf32, #tpu.memory_space<hbm>>) target_semaphore(%run_scoped3A : memref<!tpu.dma_semaphore, #tpu.memory_space<semaphore_mem>>)
      %dma_wait3A_29 = arith.constant 0 : i32
      %dma_wait3A_30 = tpu.memref_slice %arg4[%add3A_4, %dma_wait3A_29] : memref<6144x512xf32, #tpu.memory_space<hbm>> -> memref<64x512xf32, #tpu.memory_space<hbm>>
      %dma_wait3A_31 = arith.constant 0 : i32
      %dma_wait3A_32 = tpu.memref_slice %arg4[%add3A_4, %dma_wait3A_31] : memref<6144x512xf32, #tpu.memory_space<hbm>> -> memref<64x512xf32, #tpu.memory_space<hbm>>
      tpu.wait_dma2 semaphore(%run_scoped3A : memref<!tpu.dma_semaphore, #tpu.memory_space<semaphore_mem>>) src(%arg6 : memref<64x512xf32, #tpu.memory_space<vmem>>) dst(%dma_wait3A_32 : memref<64x512xf32, #tpu.memory_space<hbm>>)
      tpu.yield
    }) : () -> ()
    %add3A_9 = arith.constant 64 : i32
    %add3A_10 = arith.addi %mul3A_2, %add3A_9 : i32
    "tpu.region"() ({
      %run_scoped3A = tpu.sem_alloc : memref<!tpu.dma_semaphore, #tpu.memory_space<semaphore_mem>>
      %dma_start3A_25 = tpu.memref_slice %arg3[%add3A_10] : memref<6144xi32, #tpu.memory_space<hbm>> -> memref<64xi32, #tpu.memory_space<hbm>>
      %dma_start3A_26 = tpu.memref_slice %arg3[%add3A_10] : memref<6144xi32, #tpu.memory_space<hbm>> -> memref<64xi32, #tpu.memory_space<hbm>>
      tpu.enqueue_dma source(%dma_start3A_26 : memref<64xi32, #tpu.memory_space<hbm>>) target(%arg5 : memref<64xi32, #tpu.memory_space<vmem>>) target_semaphore(%run_scoped3A : memref<!tpu.dma_semaphore, #tpu.memory_space<semaphore_mem>>)
      %dma_wait3A_27 = tpu.memref_slice %arg3[%add3A_10] : memref<6144xi32, #tpu.memory_space<hbm>> -> memref<64xi32, #tpu.memory_space<hbm>>
      %dma_wait3A_28 = tpu.memref_slice %arg3[%add3A_10] : memref<6144xi32, #tpu.memory_space<hbm>> -> memref<64xi32, #tpu.memory_space<hbm>>
      tpu.wait_dma2 semaphore(%run_scoped3A : memref<!tpu.dma_semaphore, #tpu.memory_space<semaphore_mem>>) src(%dma_wait3A_28 : memref<64xi32, #tpu.memory_space<hbm>>) dst(%arg5 : memref<64xi32, #tpu.memory_space<vmem>>)
      tpu.yield
    }) : () -> ()
    %dma_start3A_11 = arith.constant 0 : i32
    %dma_start3A_12 = arith.constant 0 : i32
    %dma_start3A_13 = tpu.memref_slice %arg2[%dma_start3A_11, %dma_start3A_12] : memref<2048x512xf32, #tpu.memory_space<hbm>> -> memref<2048x512xf32, #tpu.memory_space<hbm>>
    tpu.enqueue_indirect_dma source(%dma_start3A_13 : memref<2048x512xf32, #tpu.memory_space<hbm>>) target(%arg6 : memref<64x512xf32, #tpu.memory_space<vmem>>) offsets(%arg5 : memref<64xi32, #tpu.memory_space<vmem>>) semaphore(%arg7 : memref<!tpu.dma_semaphore, #tpu.memory_space<semaphore_mem>>)
    %dma_wait3A_14 = arith.constant 0 : i32
    %dma_wait3A_15 = arith.constant 0 : i32
    %dma_wait3A_16 = tpu.memref_slice %arg2[%dma_wait3A_14, %dma_wait3A_15] : memref<2048x512xf32, #tpu.memory_space<hbm>> -> memref<2048x512xf32, #tpu.memory_space<hbm>>
    tpu.wait_indirect_dma semaphore(%arg7 : memref<!tpu.dma_semaphore, #tpu.memory_space<semaphore_mem>>) src(%dma_wait3A_16 : memref<2048x512xf32, #tpu.memory_space<hbm>>) dst(%arg6 : memref<64x512xf32, #tpu.memory_space<vmem>>)
    "tpu.region"() ({
      %run_scoped3A = tpu.sem_alloc : memref<!tpu.dma_semaphore, #tpu.memory_space<semaphore_mem>>
      %dma_start3A_25 = arith.constant 0 : i32
      %dma_start3A_26 = tpu.memref_slice %arg4[%add3A_10, %dma_start3A_25] : memref<6144x512xf32, #tpu.memory_space<hbm>> -> memref<64x512xf32, #tpu.memory_space<hbm>>
      %dma_start3A_27 = arith.constant 0 : i32
      %dma_start3A_28 = tpu.memref_slice %arg4[%add3A_10, %dma_start3A_27] : memref<6144x512xf32, #tpu.memory_space<hbm>> -> memref<64x512xf32, #tpu.memory_space<hbm>>
      tpu.enqueue_dma source(%arg6 : memref<64x512xf32, #tpu.memory_space<vmem>>) target(%dma_start3A_28 : memref<64x512xf32, #tpu.memory_space<hbm>>) target_semaphore(%run_scoped3A : memref<!tpu.dma_semaphore, #tpu.memory_space<semaphore_mem>>)
      %dma_wait3A_29 = arith.constant 0 : i32
      %dma_wait3A_30 = tpu.memref_slice %arg4[%add3A_10, %dma_wait3A_29] : memref<6144x512xf32, #tpu.memory_space<hbm>> -> memref<64x512xf32, #tpu.memory_space<hbm>>
      %dma_wait3A_31 = arith.constant 0 : i32
      %dma_wait3A_32 = tpu.memref_slice %arg4[%add3A_10, %dma_wait3A_31] : memref<6144x512xf32, #tpu.memory_space<hbm>> -> memref<64x512xf32, #tpu.memory_space<hbm>>
      tpu.wait_dma2 semaphore(%run_scoped3A : memref<!tpu.dma_semaphore, #tpu.memory_space<semaphore_mem>>) src(%arg6 : memref<64x512xf32, #tpu.memory_space<vmem>>) dst(%dma_wait3A_32 : memref<64x512xf32, #tpu.memory_space<hbm>>)
      tpu.yield
    }) : () -> ()
    %add3A_17 = arith.constant 128 : i32
    %add3A_18 = arith.addi %mul3A_2, %add3A_17 : i32
    "tpu.region"() ({
      %run_scoped3A = tpu.sem_alloc : memref<!tpu.dma_semaphore, #tpu.memory_space<semaphore_mem>>
      %dma_start3A_25 = tpu.memref_slice %arg3[%add3A_18] : memref<6144xi32, #tpu.memory_space<hbm>> -> memref<64xi32, #tpu.memory_space<hbm>>
      %dma_start3A_26 = tpu.memref_slice %arg3[%add3A_18] : memref<6144xi32, #tpu.memory_space<hbm>> -> memref<64xi32, #tpu.memory_space<hbm>>
      tpu.enqueue_dma source(%dma_start3A_26 : memref<64xi32, #tpu.memory_space<hbm>>) target(%arg5 : memref<64xi32, #tpu.memory_space<vmem>>) target_semaphore(%run_scoped3A : memref<!tpu.dma_semaphore, #tpu.memory_space<semaphore_mem>>)
      %dma_wait3A_27 = tpu.memref_slice %arg3[%add3A_18] : memref<6144xi32, #tpu.memory_space<hbm>> -> memref<64xi32, #tpu.memory_space<hbm>>
      %dma_wait3A_28 = tpu.memref_slice %arg3[%add3A_18] : memref<6144xi32, #tpu.memory_space<hbm>> -> memref<64xi32, #tpu.memory_space<hbm>>
      tpu.wait_dma2 semaphore(%run_scoped3A : memref<!tpu.dma_semaphore, #tpu.memory_space<semaphore_mem>>) src(%dma_wait3A_28 : memref<64xi32, #tpu.memory_space<hbm>>) dst(%arg5 : memref<64xi32, #tpu.memory_space<vmem>>)
      tpu.yield
    }) : () -> ()
    %dma_start3A_19 = arith.constant 0 : i32
    %dma_start3A_20 = arith.constant 0 : i32
    %dma_start3A_21 = tpu.memref_slice %arg2[%dma_start3A_19, %dma_start3A_20] : memref<2048x512xf32, #tpu.memory_space<hbm>> -> memref<2048x512xf32, #tpu.memory_space<hbm>>
    tpu.enqueue_indirect_dma source(%dma_start3A_21 : memref<2048x512xf32, #tpu.memory_space<hbm>>) target(%arg6 : memref<64x512xf32, #tpu.memory_space<vmem>>) offsets(%arg5 : memref<64xi32, #tpu.memory_space<vmem>>) semaphore(%arg7 : memref<!tpu.dma_semaphore, #tpu.memory_space<semaphore_mem>>)
    %dma_wait3A_22 = arith.constant 0 : i32
    %dma_wait3A_23 = arith.constant 0 : i32
    %dma_wait3A_24 = tpu.memref_slice %arg2[%dma_wait3A_22, %dma_wait3A_23] : memref<2048x512xf32, #tpu.memory_space<hbm>> -> memref<2048x512xf32, #tpu.memory_space<hbm>>
    tpu.wait_indirect_dma semaphore(%arg7 : memref<!tpu.dma_semaphore, #tpu.memory_space<semaphore_mem>>) src(%dma_wait3A_24 : memref<2048x512xf32, #tpu.memory_space<hbm>>) dst(%arg6 : memref<64x512xf32, #tpu.memory_space<vmem>>)
    "tpu.region"() ({
      %run_scoped3A = tpu.sem_alloc : memref<!tpu.dma_semaphore, #tpu.memory_space<semaphore_mem>>
      %dma_start3A_25 = arith.constant 0 : i32
      %dma_start3A_26 = tpu.memref_slice %arg4[%add3A_18, %dma_start3A_25] : memref<6144x512xf32, #tpu.memory_space<hbm>> -> memref<64x512xf32, #tpu.memory_space<hbm>>
      %dma_start3A_27 = arith.constant 0 : i32
      %dma_start3A_28 = tpu.memref_slice %arg4[%add3A_18, %dma_start3A_27] : memref<6144x512xf32, #tpu.memory_space<hbm>> -> memref<64x512xf32, #tpu.memory_space<hbm>>
      tpu.enqueue_dma source(%arg6 : memref<64x512xf32, #tpu.memory_space<vmem>>) target(%dma_start3A_28 : memref<64x512xf32, #tpu.memory_space<hbm>>) target_semaphore(%run_scoped3A : memref<!tpu.dma_semaphore, #tpu.memory_space<semaphore_mem>>)
      %dma_wait3A_29 = arith.constant 0 : i32
      %dma_wait3A_30 = tpu.memref_slice %arg4[%add3A_18, %dma_wait3A_29] : memref<6144x512xf32, #tpu.memory_space<hbm>> -> memref<64x512xf32, #tpu.memory_space<hbm>>
      %dma_wait3A_31 = arith.constant 0 : i32
      %dma_wait3A_32 = tpu.memref_slice %arg4[%add3A_18, %dma_wait3A_31] : memref<6144x512xf32, #tpu.memory_space<hbm>> -> memref<64x512xf32, #tpu.memory_space<hbm>>
      tpu.wait_dma2 semaphore(%run_scoped3A : memref<!tpu.dma_semaphore, #tpu.memory_space<semaphore_mem>>) src(%arg6 : memref<64x512xf32, #tpu.memory_space<vmem>>) dst(%dma_wait3A_32 : memref<64x512xf32, #tpu.memory_space<hbm>>)
      tpu.yield
    }) : () -> ()
    return
  }
}

#map = affine_map<(d0, d1) -> (0, 0)>
#map1 = affine_map<(d0, d1) -> (0)>
module attributes {stable_mosaic.version = 14 : i64} {
  func.func @k(%arg0: i32, %arg1: i32, %arg2: memref<2048x512xf32, #tpu.memory_space<hbm>>, %arg3: memref<6144xi32, #tpu.memory_space<hbm>>, %arg4: memref<6144x512xf32, #tpu.memory_space<hbm>>, %arg5: memref<64xi32, #tpu.memory_space<vmem>>, %arg6: memref<64x512xf32, #tpu.memory_space<vmem>>, %arg7: memref<!tpu.dma_semaphore, #tpu.memory_space<semaphore_mem>>) attributes {dimension_semantics = [#tpu.dimension_semantics<core_parallel>, #tpu.dimension_semantics<subcore_parallel>], iteration_bounds = array<i64: 2, 16>, scalar_prefetch = 0 : i64, scratch_operands = 3 : i64, tpu.core_type = #tpu.core_type<sc_vector_subcore>, window_params = [{transform_indices = #map}, {transform_indices = #map1}, {transform_indices = #map}]} {
    %mul3A = arith.constant 2 : i32
    %mul3A_0 = arith.muli %arg1, %mul3A : i32
    %add3A = arith.addi %mul3A_0, %arg0 : i32
    %mul3A_1 = arith.constant 192 : i32
    %mul3A_2 = arith.muli %add3A, %mul3A_1 : i32
    %add3A_3 = arith.constant 0 : i32
    %add3A_4 = arith.addi %mul3A_2, %add3A_3 : i32
    "tpu.region"() ({
      %run_scoped3A = tpu.sem_alloc : memref<!tpu.dma_semaphore, #tpu.memory_space<semaphore_mem>>
      %dma_start3A_25 = tpu.memref_slice %arg3[%add3A_4] : memref<6144xi32, #tpu.memory_space<hbm>> -> memref<64xi32, #tpu.memory_space<hbm>>
      %dma_start3A_26 = tpu.memref_slice %arg3[%add3A_4] : memref<6144xi32, #tpu.memory_space<hbm>> -> memref<64xi32, #tpu.memory_space<hbm>>
      tpu.enqueue_dma source(%dma_start3A_26 : memref<64xi32, #tpu.memory_space<hbm>>) target(%arg5 : memref<64xi32, #tpu.memory_space<vmem>>) target_semaphore(%run_scoped3A : memref<!tpu.dma_semaphore, #tpu.memory_space<semaphore_mem>>)
      %dma_wait3A_27 = tpu.memref_slice %arg3[%add3A_4] : memref<6144xi32, #tpu.memory_space<hbm>> -> memref<64xi32, #tpu.memory_space<hbm>>
      %dma_wait3A_28 = tpu.memref_slice %arg3[%add3A_4] : memref<6144xi32, #tpu.memory_space<hbm>> -> memref<64xi32, #tpu.memory_space<hbm>>
      tpu.wait_dma2 semaphore(%run_scoped3A : memref<!tpu.dma_semaphore, #tpu.memory_space<semaphore_mem>>) src(%dma_wait3A_28 : memref<64xi32, #tpu.memory_space<hbm>>) dst(%arg5 : memref<64xi32, #tpu.memory_space<vmem>>)
      tpu.yield
    }) : () -> ()
    %dma_start3A = arith.constant 0 : i32
    %dma_start3A_5 = arith.constant 0 : i32
    %dma_start3A_6 = tpu.memref_slice %arg2[%dma_start3A, %dma_start3A_5] : memref<2048x512xf32, #tpu.memory_space<hbm>> -> memref<2048x512xf32, #tpu.memory_space<hbm>>
    tpu.enqueue_indirect_dma source(%dma_start3A_6 : memref<2048x512xf32, #tpu.memory_space<hbm>>) target(%arg6 : memref<64x512xf32, #tpu.memory_space<vmem>>) offsets(%arg5 : memref<64xi32, #tpu.memory_space<vmem>>) semaphore(%arg7 : memref<!tpu.dma_semaphore, #tpu.memory_space<semaphore_mem>>)
    %dma_wait3A = arith.constant 0 : i32
    %dma_wait3A_7 = arith.constant 0 : i32
    %dma_wait3A_8 = tpu.memref_slice %arg2[%dma_wait3A, %dma_wait3A_7] : memref<2048x512xf32, #tpu.memory_space<hbm>> -> memref<2048x512xf32, #tpu.memory_space<hbm>>
    tpu.wait_indirect_dma semaphore(%arg7 : memref<!tpu.dma_semaphore, #tpu.memory_space<semaphore_mem>>) src(%dma_wait3A_8 : memref<2048x512xf32, #tpu.memory_space<hbm>>) dst(%arg6 : memref<64x512xf32, #tpu.memory_space<vmem>>)
    "tpu.region"() ({
      %run_scoped3A = tpu.sem_alloc : memref<!tpu.dma_semaphore, #tpu.memory_space<semaphore_mem>>
      %dma_start3A_25 = arith.constant 0 : i32
      %dma_start3A_26 = tpu.memref_slice %arg4[%add3A_4, %dma_start3A_25] : memref<6144x512xf32, #tpu.memory_space<hbm>> -> memref<64x512xf32, #tpu.memory_space<hbm>>
      %dma_start3A_27 = arith.constant 0 : i32
      %dma_start3A_28 = tpu.memref_slice %arg4[%add3A_4, %dma_start3A_27] : memref<6144x512xf32, #tpu.memory_space<hbm>> -> memref<64x512xf32, #tpu.memory_space<hbm>>
      tpu.enqueue_dma source(%arg6 : memref<64x512xf32, #tpu.memory_space<vmem>>) target(%dma_start3A_28 : memref<64x512xf32, #tpu.memory_space<hbm>>) target_semaphore(%run_scoped3A : memref<!tpu.dma_semaphore, #tpu.memory_space<semaphore_mem>>)
      %dma_wait3A_29 = arith.constant 0 : i32
      %dma_wait3A_30 = tpu.memref_slice %arg4[%add3A_4, %dma_wait3A_29] : memref<6144x512xf32, #tpu.memory_space<hbm>> -> memref<64x512xf32, #tpu.memory_space<hbm>>
      %dma_wait3A_31 = arith.constant 0 : i32
      %dma_wait3A_32 = tpu.memref_slice %arg4[%add3A_4, %dma_wait3A_31] : memref<6144x512xf32, #tpu.memory_space<hbm>> -> memref<64x512xf32, #tpu.memory_space<hbm>>
      tpu.wait_dma2 semaphore(%run_scoped3A : memref<!tpu.dma_semaphore, #tpu.memory_space<semaphore_mem>>) src(%arg6 : memref<64x512xf32, #tpu.memory_space<vmem>>) dst(%dma_wait3A_32 : memref<64x512xf32, #tpu.memory_space<hbm>>)
      tpu.yield
    }) : () -> ()
    %add3A_9 = arith.constant 64 : i32
    %add3A_10 = arith.addi %mul3A_2, %add3A_9 : i32
    "tpu.region"() ({
      %run_scoped3A = tpu.sem_alloc : memref<!tpu.dma_semaphore, #tpu.memory_space<semaphore_mem>>
      %dma_start3A_25 = tpu.memref_slice %arg3[%add3A_10] : memref<6144xi32, #tpu.memory_space<hbm>> -> memref<64xi32, #tpu.memory_space<hbm>>
      %dma_start3A_26 = tpu.memref_slice %arg3[%add3A_10] : memref<6144xi32, #tpu.memory_space<hbm>> -> memref<64xi32, #tpu.memory_space<hbm>>
      tpu.enqueue_dma source(%dma_start3A_26 : memref<64xi32, #tpu.memory_space<hbm>>) target(%arg5 : memref<64xi32, #tpu.memory_space<vmem>>) target_semaphore(%run_scoped3A : memref<!tpu.dma_semaphore, #tpu.memory_space<semaphore_mem>>)
      %dma_wait3A_27 = tpu.memref_slice %arg3[%add3A_10] : memref<6144xi32, #tpu.memory_space<hbm>> -> memref<64xi32, #tpu.memory_space<hbm>>
      %dma_wait3A_28 = tpu.memref_slice %arg3[%add3A_10] : memref<6144xi32, #tpu.memory_space<hbm>> -> memref<64xi32, #tpu.memory_space<hbm>>
      tpu.wait_dma2 semaphore(%run_scoped3A : memref<!tpu.dma_semaphore, #tpu.memory_space<semaphore_mem>>) src(%dma_wait3A_28 : memref<64xi32, #tpu.memory_space<hbm>>) dst(%arg5 : memref<64xi32, #tpu.memory_space<vmem>>)
      tpu.yield
    }) : () -> ()
    %dma_start3A_11 = arith.constant 0 : i32
    %dma_start3A_12 = arith.constant 0 : i32
    %dma_start3A_13 = tpu.memref_slice %arg2[%dma_start3A_11, %dma_start3A_12] : memref<2048x512xf32, #tpu.memory_space<hbm>> -> memref<2048x512xf32, #tpu.memory_space<hbm>>
    tpu.enqueue_indirect_dma source(%dma_start3A_13 : memref<2048x512xf32, #tpu.memory_space<hbm>>) target(%arg6 : memref<64x512xf32, #tpu.memory_space<vmem>>) offsets(%arg5 : memref<64xi32, #tpu.memory_space<vmem>>) semaphore(%arg7 : memref<!tpu.dma_semaphore, #tpu.memory_space<semaphore_mem>>)
    %dma_wait3A_14 = arith.constant 0 : i32
    %dma_wait3A_15 = arith.constant 0 : i32
    %dma_wait3A_16 = tpu.memref_slice %arg2[%dma_wait3A_14, %dma_wait3A_15] : memref<2048x512xf32, #tpu.memory_space<hbm>> -> memref<2048x512xf32, #tpu.memory_space<hbm>>
    tpu.wait_indirect_dma semaphore(%arg7 : memref<!tpu.dma_semaphore, #tpu.memory_space<semaphore_mem>>) src(%dma_wait3A_16 : memref<2048x512xf32, #tpu.memory_space<hbm>>) dst(%arg6 : memref<64x512xf32, #tpu.memory_space<vmem>>)
    "tpu.region"() ({
      %run_scoped3A = tpu.sem_alloc : memref<!tpu.dma_semaphore, #tpu.memory_space<semaphore_mem>>
      %dma_start3A_25 = arith.constant 0 : i32
      %dma_start3A_26 = tpu.memref_slice %arg4[%add3A_10, %dma_start3A_25] : memref<6144x512xf32, #tpu.memory_space<hbm>> -> memref<64x512xf32, #tpu.memory_space<hbm>>
      %dma_start3A_27 = arith.constant 0 : i32
      %dma_start3A_28 = tpu.memref_slice %arg4[%add3A_10, %dma_start3A_27] : memref<6144x512xf32, #tpu.memory_space<hbm>> -> memref<64x512xf32, #tpu.memory_space<hbm>>
      tpu.enqueue_dma source(%arg6 : memref<64x512xf32, #tpu.memory_space<vmem>>) target(%dma_start3A_28 : memref<64x512xf32, #tpu.memory_space<hbm>>) target_semaphore(%run_scoped3A : memref<!tpu.dma_semaphore, #tpu.memory_space<semaphore_mem>>)
      %dma_wait3A_29 = arith.constant 0 : i32
      %dma_wait3A_30 = tpu.memref_slice %arg4[%add3A_10, %dma_wait3A_29] : memref<6144x512xf32, #tpu.memory_space<hbm>> -> memref<64x512xf32, #tpu.memory_space<hbm>>
      %dma_wait3A_31 = arith.constant 0 : i32
      %dma_wait3A_32 = tpu.memref_slice %arg4[%add3A_10, %dma_wait3A_31] : memref<6144x512xf32, #tpu.memory_space<hbm>> -> memref<64x512xf32, #tpu.memory_space<hbm>>
      tpu.wait_dma2 semaphore(%run_scoped3A : memref<!tpu.dma_semaphore, #tpu.memory_space<semaphore_mem>>) src(%arg6 : memref<64x512xf32, #tpu.memory_space<vmem>>) dst(%dma_wait3A_32 : memref<64x512xf32, #tpu.memory_space<hbm>>)
      tpu.yield
    }) : () -> ()
    %add3A_17 = arith.constant 128 : i32
    %add3A_18 = arith.addi %mul3A_2, %add3A_17 : i32
    "tpu.region"() ({
      %run_scoped3A = tpu.sem_alloc : memref<!tpu.dma_semaphore, #tpu.memory_space<semaphore_mem>>
      %dma_start3A_25 = tpu.memref_slice %arg3[%add3A_18] : memref<6144xi32, #tpu.memory_space<hbm>> -> memref<64xi32, #tpu.memory_space<hbm>>
      %dma_start3A_26 = tpu.memref_slice %arg3[%add3A_18] : memref<6144xi32, #tpu.memory_space<hbm>> -> memref<64xi32, #tpu.memory_space<hbm>>
      tpu.enqueue_dma source(%dma_start3A_26 : memref<64xi32, #tpu.memory_space<hbm>>) target(%arg5 : memref<64xi32, #tpu.memory_space<vmem>>) target_semaphore(%run_scoped3A : memref<!tpu.dma_semaphore, #tpu.memory_space<semaphore_mem>>)
      %dma_wait3A_27 = tpu.memref_slice %arg3[%add3A_18] : memref<6144xi32, #tpu.memory_space<hbm>> -> memref<64xi32, #tpu.memory_space<hbm>>
      %dma_wait3A_28 = tpu.memref_slice %arg3[%add3A_18] : memref<6144xi32, #tpu.memory_space<hbm>> -> memref<64xi32, #tpu.memory_space<hbm>>
      tpu.wait_dma2 semaphore(%run_scoped3A : memref<!tpu.dma_semaphore, #tpu.memory_space<semaphore_mem>>) src(%dma_wait3A_28 : memref<64xi32, #tpu.memory_space<hbm>>) dst(%arg5 : memref<64xi32, #tpu.memory_space<vmem>>)
      tpu.yield
    }) : () -> ()
    %dma_start3A_19 = arith.constant 0 : i32
    %dma_start3A_20 = arith.constant 0 : i32
    %dma_start3A_21 = tpu.memref_slice %arg2[%dma_start3A_19, %dma_start3A_20] : memref<2048x512xf32, #tpu.memory_space<hbm>> -> memref<2048x512xf32, #tpu.memory_space<hbm>>
    tpu.enqueue_indirect_dma source(%dma_start3A_21 : memref<2048x512xf32, #tpu.memory_space<hbm>>) target(%arg6 : memref<64x512xf32, #tpu.memory_space<vmem>>) offsets(%arg5 : memref<64xi32, #tpu.memory_space<vmem>>) semaphore(%arg7 : memref<!tpu.dma_semaphore, #tpu.memory_space<semaphore_mem>>)
    %dma_wait3A_22 = arith.constant 0 : i32
    %dma_wait3A_23 = arith.constant 0 : i32
    %dma_wait3A_24 = tpu.memref_slice %arg2[%dma_wait3A_22, %dma_wait3A_23] : memref<2048x512xf32, #tpu.memory_space<hbm>> -> memref<2048x512xf32, #tpu.memory_space<hbm>>
    tpu.wait_indirect_dma semaphore(%arg7 : memref<!tpu.dma_semaphore, #tpu.memory_space<semaphore_mem>>) src(%dma_wait3A_24 : memref<2048x512xf32, #tpu.memory_space<hbm>>) dst(%arg6 : memref<64x512xf32, #tpu.memory_space<vmem>>)
    "tpu.region"() ({
      %run_scoped3A = tpu.sem_alloc : memref<!tpu.dma_semaphore, #tpu.memory_space<semaphore_mem>>
      %dma_start3A_25 = arith.constant 0 : i32
      %dma_start3A_26 = tpu.memref_slice %arg4[%add3A_18, %dma_start3A_25] : memref<6144x512xf32, #tpu.memory_space<hbm>> -> memref<64x512xf32, #tpu.memory_space<hbm>>
      %dma_start3A_27 = arith.constant 0 : i32
      %dma_start3A_28 = tpu.memref_slice %arg4[%add3A_18, %dma_start3A_27] : memref<6144x512xf32, #tpu.memory_space<hbm>> -> memref<64x512xf32, #tpu.memory_space<hbm>>
      tpu.enqueue_dma source(%arg6 : memref<64x512xf32, #tpu.memory_space<vmem>>) target(%dma_start3A_28 : memref<64x512xf32, #tpu.memory_space<hbm>>) target_semaphore(%run_scoped3A : memref<!tpu.dma_semaphore, #tpu.memory_space<semaphore_mem>>)
      %dma_wait3A_29 = arith.constant 0 : i32
      %dma_wait3A_30 = tpu.memref_slice %arg4[%add3A_18, %dma_wait3A_29] : memref<6144x512xf32, #tpu.memory_space<hbm>> -> memref<64x512xf32, #tpu.memory_space<hbm>>
      %dma_wait3A_31 = arith.constant 0 : i32
      %dma_wait3A_32 = tpu.memref_slice %arg4[%add3A_18, %dma_wait3A_31] : memref<6144x512xf32, #tpu.memory_space<hbm>> -> memref<64x512xf32, #tpu.memory_space<hbm>>
      tpu.wait_dma2 semaphore(%run_scoped3A : memref<!tpu.dma_semaphore, #tpu.memory_space<semaphore_mem>>) src(%arg6 : memref<64x512xf32, #tpu.memory_space<vmem>>) dst(%dma_wait3A_32 : memref<64x512xf32, #tpu.memory_space<hbm>>)
      tpu.yield
    }) : () -> ()
    return
  }
}

#map = affine_map<(d0, d1) -> (0, 0)>
#map1 = affine_map<(d0, d1) -> (0)>
module attributes {stable_mosaic.version = 14 : i64} {
  func.func @k(%arg0: i32, %arg1: i32, %arg2: memref<6144x512xf32, #tpu.memory_space<hbm>>, %arg3: memref<2048xi32, #tpu.memory_space<hbm>>, %arg4: memref<2048xi32, #tpu.memory_space<hbm>>, %arg5: memref<2048x512xf32, #tpu.memory_space<hbm>>, %arg6: memref<2048x512xf32, #tpu.memory_space<hbm>>, %arg7: memref<64xi32, #tpu.memory_space<vmem>>, %arg8: memref<64x512xf32, #tpu.memory_space<vmem>>, %arg9: memref<!tpu.dma_semaphore, #tpu.memory_space<semaphore_mem>>) attributes {dimension_semantics = [#tpu.dimension_semantics<core_parallel>, #tpu.dimension_semantics<subcore_parallel>], iteration_bounds = array<i64: 2, 16>, scalar_prefetch = 0 : i64, scratch_operands = 3 : i64, tpu.core_type = #tpu.core_type<sc_vector_subcore>, window_params = [{transform_indices = #map}, {transform_indices = #map1}, {transform_indices = #map1}, {transform_indices = #map}, {transform_indices = #map}]} {
    %mul3A = arith.constant 2 : i32
    %mul3A_0 = arith.muli %arg1, %mul3A : i32
    %add3A = arith.addi %mul3A_0, %arg0 : i32
    %mul3A_1 = arith.constant 64 : i32
    %mul3A_2 = arith.muli %add3A, %mul3A_1 : i32
    "tpu.region"() ({
      %run_scoped3A = tpu.sem_alloc : memref<!tpu.dma_semaphore, #tpu.memory_space<semaphore_mem>>
      %dma_start3A_13 = tpu.memref_slice %arg3[%mul3A_2] : memref<2048xi32, #tpu.memory_space<hbm>> -> memref<64xi32, #tpu.memory_space<hbm>>
      %dma_start3A_14 = tpu.memref_slice %arg3[%mul3A_2] : memref<2048xi32, #tpu.memory_space<hbm>> -> memref<64xi32, #tpu.memory_space<hbm>>
      tpu.enqueue_dma source(%dma_start3A_14 : memref<64xi32, #tpu.memory_space<hbm>>) target(%arg7 : memref<64xi32, #tpu.memory_space<vmem>>) target_semaphore(%run_scoped3A : memref<!tpu.dma_semaphore, #tpu.memory_space<semaphore_mem>>)
      %dma_wait3A_15 = tpu.memref_slice %arg3[%mul3A_2] : memref<2048xi32, #tpu.memory_space<hbm>> -> memref<64xi32, #tpu.memory_space<hbm>>
      %dma_wait3A_16 = tpu.memref_slice %arg3[%mul3A_2] : memref<2048xi32, #tpu.memory_space<hbm>> -> memref<64xi32, #tpu.memory_space<hbm>>
      tpu.wait_dma2 semaphore(%run_scoped3A : memref<!tpu.dma_semaphore, #tpu.memory_space<semaphore_mem>>) src(%dma_wait3A_16 : memref<64xi32, #tpu.memory_space<hbm>>) dst(%arg7 : memref<64xi32, #tpu.memory_space<vmem>>)
      tpu.yield
    }) : () -> ()
    %dma_start3A = arith.constant 0 : i32
    %dma_start3A_3 = arith.constant 0 : i32
    %dma_start3A_4 = tpu.memref_slice %arg2[%dma_start3A, %dma_start3A_3] : memref<6144x512xf32, #tpu.memory_space<hbm>> -> memref<6144x512xf32, #tpu.memory_space<hbm>>
    tpu.enqueue_indirect_dma source(%dma_start3A_4 : memref<6144x512xf32, #tpu.memory_space<hbm>>) target(%arg8 : memref<64x512xf32, #tpu.memory_space<vmem>>) offsets(%arg7 : memref<64xi32, #tpu.memory_space<vmem>>) semaphore(%arg9 : memref<!tpu.dma_semaphore, #tpu.memory_space<semaphore_mem>>)
    %dma_wait3A = arith.constant 0 : i32
    %dma_wait3A_5 = arith.constant 0 : i32
    %dma_wait3A_6 = tpu.memref_slice %arg2[%dma_wait3A, %dma_wait3A_5] : memref<6144x512xf32, #tpu.memory_space<hbm>> -> memref<6144x512xf32, #tpu.memory_space<hbm>>
    tpu.wait_indirect_dma semaphore(%arg9 : memref<!tpu.dma_semaphore, #tpu.memory_space<semaphore_mem>>) src(%dma_wait3A_6 : memref<6144x512xf32, #tpu.memory_space<hbm>>) dst(%arg8 : memref<64x512xf32, #tpu.memory_space<vmem>>)
    "tpu.region"() ({
      %run_scoped3A = tpu.sem_alloc : memref<!tpu.dma_semaphore, #tpu.memory_space<semaphore_mem>>
      %dma_start3A_13 = arith.constant 0 : i32
      %dma_start3A_14 = tpu.memref_slice %arg5[%mul3A_2, %dma_start3A_13] : memref<2048x512xf32, #tpu.memory_space<hbm>> -> memref<64x512xf32, #tpu.memory_space<hbm>>
      %dma_start3A_15 = arith.constant 0 : i32
      %dma_start3A_16 = tpu.memref_slice %arg5[%mul3A_2, %dma_start3A_15] : memref<2048x512xf32, #tpu.memory_space<hbm>> -> memref<64x512xf32, #tpu.memory_space<hbm>>
      tpu.enqueue_dma source(%arg8 : memref<64x512xf32, #tpu.memory_space<vmem>>) target(%dma_start3A_16 : memref<64x512xf32, #tpu.memory_space<hbm>>) target_semaphore(%run_scoped3A : memref<!tpu.dma_semaphore, #tpu.memory_space<semaphore_mem>>)
      %dma_wait3A_17 = arith.constant 0 : i32
      %dma_wait3A_18 = tpu.memref_slice %arg5[%mul3A_2, %dma_wait3A_17] : memref<2048x512xf32, #tpu.memory_space<hbm>> -> memref<64x512xf32, #tpu.memory_space<hbm>>
      %dma_wait3A_19 = arith.constant 0 : i32
      %dma_wait3A_20 = tpu.memref_slice %arg5[%mul3A_2, %dma_wait3A_19] : memref<2048x512xf32, #tpu.memory_space<hbm>> -> memref<64x512xf32, #tpu.memory_space<hbm>>
      tpu.wait_dma2 semaphore(%run_scoped3A : memref<!tpu.dma_semaphore, #tpu.memory_space<semaphore_mem>>) src(%arg8 : memref<64x512xf32, #tpu.memory_space<vmem>>) dst(%dma_wait3A_20 : memref<64x512xf32, #tpu.memory_space<hbm>>)
      tpu.yield
    }) : () -> ()
    "tpu.region"() ({
      %run_scoped3A = tpu.sem_alloc : memref<!tpu.dma_semaphore, #tpu.memory_space<semaphore_mem>>
      %dma_start3A_13 = tpu.memref_slice %arg4[%mul3A_2] : memref<2048xi32, #tpu.memory_space<hbm>> -> memref<64xi32, #tpu.memory_space<hbm>>
      %dma_start3A_14 = tpu.memref_slice %arg4[%mul3A_2] : memref<2048xi32, #tpu.memory_space<hbm>> -> memref<64xi32, #tpu.memory_space<hbm>>
      tpu.enqueue_dma source(%dma_start3A_14 : memref<64xi32, #tpu.memory_space<hbm>>) target(%arg7 : memref<64xi32, #tpu.memory_space<vmem>>) target_semaphore(%run_scoped3A : memref<!tpu.dma_semaphore, #tpu.memory_space<semaphore_mem>>)
      %dma_wait3A_15 = tpu.memref_slice %arg4[%mul3A_2] : memref<2048xi32, #tpu.memory_space<hbm>> -> memref<64xi32, #tpu.memory_space<hbm>>
      %dma_wait3A_16 = tpu.memref_slice %arg4[%mul3A_2] : memref<2048xi32, #tpu.memory_space<hbm>> -> memref<64xi32, #tpu.memory_space<hbm>>
      tpu.wait_dma2 semaphore(%run_scoped3A : memref<!tpu.dma_semaphore, #tpu.memory_space<semaphore_mem>>) src(%dma_wait3A_16 : memref<64xi32, #tpu.memory_space<hbm>>) dst(%arg7 : memref<64xi32, #tpu.memory_space<vmem>>)
      tpu.yield
    }) : () -> ()
    %dma_start3A_7 = arith.constant 0 : i32
    %dma_start3A_8 = arith.constant 0 : i32
    %dma_start3A_9 = tpu.memref_slice %arg2[%dma_start3A_7, %dma_start3A_8] : memref<6144x512xf32, #tpu.memory_space<hbm>> -> memref<6144x512xf32, #tpu.memory_space<hbm>>
    tpu.enqueue_indirect_dma source(%dma_start3A_9 : memref<6144x512xf32, #tpu.memory_space<hbm>>) target(%arg8 : memref<64x512xf32, #tpu.memory_space<vmem>>) offsets(%arg7 : memref<64xi32, #tpu.memory_space<vmem>>) semaphore(%arg9 : memref<!tpu.dma_semaphore, #tpu.memory_space<semaphore_mem>>)
    %dma_wait3A_10 = arith.constant 0 : i32
    %dma_wait3A_11 = arith.constant 0 : i32
    %dma_wait3A_12 = tpu.memref_slice %arg2[%dma_wait3A_10, %dma_wait3A_11] : memref<6144x512xf32, #tpu.memory_space<hbm>> -> memref<6144x512xf32, #tpu.memory_space<hbm>>
    tpu.wait_indirect_dma semaphore(%arg9 : memref<!tpu.dma_semaphore, #tpu.memory_space<semaphore_mem>>) src(%dma_wait3A_12 : memref<6144x512xf32, #tpu.memory_space<hbm>>) dst(%arg8 : memref<64x512xf32, #tpu.memory_space<vmem>>)
    "tpu.region"() ({
      %run_scoped3A = tpu.sem_alloc : memref<!tpu.dma_semaphore, #tpu.memory_space<semaphore_mem>>
      %dma_start3A_13 = arith.constant 0 : i32
      %dma_start3A_14 = tpu.memref_slice %arg6[%mul3A_2, %dma_start3A_13] : memref<2048x512xf32, #tpu.memory_space<hbm>> -> memref<64x512xf32, #tpu.memory_space<hbm>>
      %dma_start3A_15 = arith.constant 0 : i32
      %dma_start3A_16 = tpu.memref_slice %arg6[%mul3A_2, %dma_start3A_15] : memref<2048x512xf32, #tpu.memory_space<hbm>> -> memref<64x512xf32, #tpu.memory_space<hbm>>
      tpu.enqueue_dma source(%arg8 : memref<64x512xf32, #tpu.memory_space<vmem>>) target(%dma_start3A_16 : memref<64x512xf32, #tpu.memory_space<hbm>>) target_semaphore(%run_scoped3A : memref<!tpu.dma_semaphore, #tpu.memory_space<semaphore_mem>>)
      %dma_wait3A_17 = arith.constant 0 : i32
      %dma_wait3A_18 = tpu.memref_slice %arg6[%mul3A_2, %dma_wait3A_17] : memref<2048x512xf32, #tpu.memory_space<hbm>> -> memref<64x512xf32, #tpu.memory_space<hbm>>
      %dma_wait3A_19 = arith.constant 0 : i32
      %dma_wait3A_20 = tpu.memref_slice %arg6[%mul3A_2, %dma_wait3A_19] : memref<2048x512xf32, #tpu.memory_space<hbm>> -> memref<64x512xf32, #tpu.memory_space<hbm>>
      tpu.wait_dma2 semaphore(%run_scoped3A : memref<!tpu.dma_semaphore, #tpu.memory_space<semaphore_mem>>) src(%arg8 : memref<64x512xf32, #tpu.memory_space<vmem>>) dst(%dma_wait3A_20 : memref<64x512xf32, #tpu.memory_space<hbm>>)
      tpu.yield
    }) : () -> ()
    return
  }
}

#map = affine_map<(d0, d1) -> (0, 0)>
#map1 = affine_map<(d0, d1) -> (0)>
module attributes {stable_mosaic.version = 14 : i64} {
  func.func @k(%arg0: i32, %arg1: i32, %arg2: memref<6144x512xf32, #tpu.memory_space<hbm>>, %arg3: memref<2048xi32, #tpu.memory_space<hbm>>, %arg4: memref<2048xi32, #tpu.memory_space<hbm>>, %arg5: memref<2048x512xf32, #tpu.memory_space<hbm>>, %arg6: memref<2048x512xf32, #tpu.memory_space<hbm>>, %arg7: memref<64xi32, #tpu.memory_space<vmem>>, %arg8: memref<64x512xf32, #tpu.memory_space<vmem>>, %arg9: memref<!tpu.dma_semaphore, #tpu.memory_space<semaphore_mem>>) attributes {dimension_semantics = [#tpu.dimension_semantics<core_parallel>, #tpu.dimension_semantics<subcore_parallel>], iteration_bounds = array<i64: 2, 16>, scalar_prefetch = 0 : i64, scratch_operands = 3 : i64, tpu.core_type = #tpu.core_type<sc_vector_subcore>, window_params = [{transform_indices = #map}, {transform_indices = #map1}, {transform_indices = #map1}, {transform_indices = #map}, {transform_indices = #map}]} {
    %mul3A = arith.constant 2 : i32
    %mul3A_0 = arith.muli %arg1, %mul3A : i32
    %add3A = arith.addi %mul3A_0, %arg0 : i32
    %mul3A_1 = arith.constant 64 : i32
    %mul3A_2 = arith.muli %add3A, %mul3A_1 : i32
    "tpu.region"() ({
      %run_scoped3A = tpu.sem_alloc : memref<!tpu.dma_semaphore, #tpu.memory_space<semaphore_mem>>
      %dma_start3A_13 = tpu.memref_slice %arg3[%mul3A_2] : memref<2048xi32, #tpu.memory_space<hbm>> -> memref<64xi32, #tpu.memory_space<hbm>>
      %dma_start3A_14 = tpu.memref_slice %arg3[%mul3A_2] : memref<2048xi32, #tpu.memory_space<hbm>> -> memref<64xi32, #tpu.memory_space<hbm>>
      tpu.enqueue_dma source(%dma_start3A_14 : memref<64xi32, #tpu.memory_space<hbm>>) target(%arg7 : memref<64xi32, #tpu.memory_space<vmem>>) target_semaphore(%run_scoped3A : memref<!tpu.dma_semaphore, #tpu.memory_space<semaphore_mem>>)
      %dma_wait3A_15 = tpu.memref_slice %arg3[%mul3A_2] : memref<2048xi32, #tpu.memory_space<hbm>> -> memref<64xi32, #tpu.memory_space<hbm>>
      %dma_wait3A_16 = tpu.memref_slice %arg3[%mul3A_2] : memref<2048xi32, #tpu.memory_space<hbm>> -> memref<64xi32, #tpu.memory_space<hbm>>
      tpu.wait_dma2 semaphore(%run_scoped3A : memref<!tpu.dma_semaphore, #tpu.memory_space<semaphore_mem>>) src(%dma_wait3A_16 : memref<64xi32, #tpu.memory_space<hbm>>) dst(%arg7 : memref<64xi32, #tpu.memory_space<vmem>>)
      tpu.yield
    }) : () -> ()
    %dma_start3A = arith.constant 0 : i32
    %dma_start3A_3 = arith.constant 0 : i32
    %dma_start3A_4 = tpu.memref_slice %arg2[%dma_start3A, %dma_start3A_3] : memref<6144x512xf32, #tpu.memory_space<hbm>> -> memref<6144x512xf32, #tpu.memory_space<hbm>>
    tpu.enqueue_indirect_dma source(%dma_start3A_4 : memref<6144x512xf32, #tpu.memory_space<hbm>>) target(%arg8 : memref<64x512xf32, #tpu.memory_space<vmem>>) offsets(%arg7 : memref<64xi32, #tpu.memory_space<vmem>>) semaphore(%arg9 : memref<!tpu.dma_semaphore, #tpu.memory_space<semaphore_mem>>)
    %dma_wait3A = arith.constant 0 : i32
    %dma_wait3A_5 = arith.constant 0 : i32
    %dma_wait3A_6 = tpu.memref_slice %arg2[%dma_wait3A, %dma_wait3A_5] : memref<6144x512xf32, #tpu.memory_space<hbm>> -> memref<6144x512xf32, #tpu.memory_space<hbm>>
    tpu.wait_indirect_dma semaphore(%arg9 : memref<!tpu.dma_semaphore, #tpu.memory_space<semaphore_mem>>) src(%dma_wait3A_6 : memref<6144x512xf32, #tpu.memory_space<hbm>>) dst(%arg8 : memref<64x512xf32, #tpu.memory_space<vmem>>)
    "tpu.region"() ({
      %run_scoped3A = tpu.sem_alloc : memref<!tpu.dma_semaphore, #tpu.memory_space<semaphore_mem>>
      %dma_start3A_13 = arith.constant 0 : i32
      %dma_start3A_14 = tpu.memref_slice %arg5[%mul3A_2, %dma_start3A_13] : memref<2048x512xf32, #tpu.memory_space<hbm>> -> memref<64x512xf32, #tpu.memory_space<hbm>>
      %dma_start3A_15 = arith.constant 0 : i32
      %dma_start3A_16 = tpu.memref_slice %arg5[%mul3A_2, %dma_start3A_15] : memref<2048x512xf32, #tpu.memory_space<hbm>> -> memref<64x512xf32, #tpu.memory_space<hbm>>
      tpu.enqueue_dma source(%arg8 : memref<64x512xf32, #tpu.memory_space<vmem>>) target(%dma_start3A_16 : memref<64x512xf32, #tpu.memory_space<hbm>>) target_semaphore(%run_scoped3A : memref<!tpu.dma_semaphore, #tpu.memory_space<semaphore_mem>>)
      %dma_wait3A_17 = arith.constant 0 : i32
      %dma_wait3A_18 = tpu.memref_slice %arg5[%mul3A_2, %dma_wait3A_17] : memref<2048x512xf32, #tpu.memory_space<hbm>> -> memref<64x512xf32, #tpu.memory_space<hbm>>
      %dma_wait3A_19 = arith.constant 0 : i32
      %dma_wait3A_20 = tpu.memref_slice %arg5[%mul3A_2, %dma_wait3A_19] : memref<2048x512xf32, #tpu.memory_space<hbm>> -> memref<64x512xf32, #tpu.memory_space<hbm>>
      tpu.wait_dma2 semaphore(%run_scoped3A : memref<!tpu.dma_semaphore, #tpu.memory_space<semaphore_mem>>) src(%arg8 : memref<64x512xf32, #tpu.memory_space<vmem>>) dst(%dma_wait3A_20 : memref<64x512xf32, #tpu.memory_space<hbm>>)
      tpu.yield
    }) : () -> ()
    "tpu.region"() ({
      %run_scoped3A = tpu.sem_alloc : memref<!tpu.dma_semaphore, #tpu.memory_space<semaphore_mem>>
      %dma_start3A_13 = tpu.memref_slice %arg4[%mul3A_2] : memref<2048xi32, #tpu.memory_space<hbm>> -> memref<64xi32, #tpu.memory_space<hbm>>
      %dma_start3A_14 = tpu.memref_slice %arg4[%mul3A_2] : memref<2048xi32, #tpu.memory_space<hbm>> -> memref<64xi32, #tpu.memory_space<hbm>>
      tpu.enqueue_dma source(%dma_start3A_14 : memref<64xi32, #tpu.memory_space<hbm>>) target(%arg7 : memref<64xi32, #tpu.memory_space<vmem>>) target_semaphore(%run_scoped3A : memref<!tpu.dma_semaphore, #tpu.memory_space<semaphore_mem>>)
      %dma_wait3A_15 = tpu.memref_slice %arg4[%mul3A_2] : memref<2048xi32, #tpu.memory_space<hbm>> -> memref<64xi32, #tpu.memory_space<hbm>>
      %dma_wait3A_16 = tpu.memref_slice %arg4[%mul3A_2] : memref<2048xi32, #tpu.memory_space<hbm>> -> memref<64xi32, #tpu.memory_space<hbm>>
      tpu.wait_dma2 semaphore(%run_scoped3A : memref<!tpu.dma_semaphore, #tpu.memory_space<semaphore_mem>>) src(%dma_wait3A_16 : memref<64xi32, #tpu.memory_space<hbm>>) dst(%arg7 : memref<64xi32, #tpu.memory_space<vmem>>)
      tpu.yield
    }) : () -> ()
    %dma_start3A_7 = arith.constant 0 : i32
    %dma_start3A_8 = arith.constant 0 : i32
    %dma_start3A_9 = tpu.memref_slice %arg2[%dma_start3A_7, %dma_start3A_8] : memref<6144x512xf32, #tpu.memory_space<hbm>> -> memref<6144x512xf32, #tpu.memory_space<hbm>>
    tpu.enqueue_indirect_dma source(%dma_start3A_9 : memref<6144x512xf32, #tpu.memory_space<hbm>>) target(%arg8 : memref<64x512xf32, #tpu.memory_space<vmem>>) offsets(%arg7 : memref<64xi32, #tpu.memory_space<vmem>>) semaphore(%arg9 : memref<!tpu.dma_semaphore, #tpu.memory_space<semaphore_mem>>)
    %dma_wait3A_10 = arith.constant 0 : i32
    %dma_wait3A_11 = arith.constant 0 : i32
    %dma_wait3A_12 = tpu.memref_slice %arg2[%dma_wait3A_10, %dma_wait3A_11] : memref<6144x512xf32, #tpu.memory_space<hbm>> -> memref<6144x512xf32, #tpu.memory_space<hbm>>
    tpu.wait_indirect_dma semaphore(%arg9 : memref<!tpu.dma_semaphore, #tpu.memory_space<semaphore_mem>>) src(%dma_wait3A_12 : memref<6144x512xf32, #tpu.memory_space<hbm>>) dst(%arg8 : memref<64x512xf32, #tpu.memory_space<vmem>>)
    "tpu.region"() ({
      %run_scoped3A = tpu.sem_alloc : memref<!tpu.dma_semaphore, #tpu.memory_space<semaphore_mem>>
      %dma_start3A_13 = arith.constant 0 : i32
      %dma_start3A_14 = tpu.memref_slice %arg6[%mul3A_2, %dma_start3A_13] : memref<2048x512xf32, #tpu.memory_space<hbm>> -> memref<64x512xf32, #tpu.memory_space<hbm>>
      %dma_start3A_15 = arith.constant 0 : i32
      %dma_start3A_16 = tpu.memref_slice %arg6[%mul3A_2, %dma_start3A_15] : memref<2048x512xf32, #tpu.memory_space<hbm>> -> memref<64x512xf32, #tpu.memory_space<hbm>>
      tpu.enqueue_dma source(%arg8 : memref<64x512xf32, #tpu.memory_space<vmem>>) target(%dma_start3A_16 : memref<64x512xf32, #tpu.memory_space<hbm>>) target_semaphore(%run_scoped3A : memref<!tpu.dma_semaphore, #tpu.memory_space<semaphore_mem>>)
      %dma_wait3A_17 = arith.constant 0 : i32
      %dma_wait3A_18 = tpu.memref_slice %arg6[%mul3A_2, %dma_wait3A_17] : memref<2048x512xf32, #tpu.memory_space<hbm>> -> memref<64x512xf32, #tpu.memory_space<hbm>>
      %dma_wait3A_19 = arith.constant 0 : i32
      %dma_wait3A_20 = tpu.memref_slice %arg6[%mul3A_2, %dma_wait3A_19] : memref<2048x512xf32, #tpu.memory_space<hbm>> -> memref<64x512xf32, #tpu.memory_space<hbm>>
      tpu.wait_dma2 semaphore(%run_scoped3A : memref<!tpu.dma_semaphore, #tpu.memory_space<semaphore_mem>>) src(%arg8 : memref<64x512xf32, #tpu.memory_space<vmem>>) dst(%dma_wait3A_20 : memref<64x512xf32, #tpu.memory_space<hbm>>)
      tpu.yield
    }) : () -> ()
    return
  }
}

module attributes {stable_mosaic.version = 14 : i64} {
  func.func @body(%arg0: i32, %arg1: memref<256x256xf32, #tpu.memory_space<vmem>>, %arg2: memref<256x512xf32, #tpu.memory_space<vmem>>, %arg3: memref<1x512xf32, #tpu.memory_space<vmem>>, %arg4: memref<256x512xf32, #tpu.memory_space<vmem>>, %arg5: memref<512x512xf32, #tpu.memory_space<vmem>>, %arg6: memref<1x512xf32, #tpu.memory_space<vmem>>, %arg7: memref<512x512xf32, #tpu.memory_space<vmem>>, %arg8: memref<512x512xf32, #tpu.memory_space<vmem>>, %arg9: memref<512x512xf32, #tpu.memory_space<vmem>>, %arg10: memref<512x512xf32, #tpu.memory_space<vmem>>, %arg11: memref<1x512xf32, #tpu.memory_space<vmem>>, %arg12: memref<512x128xf32, #tpu.memory_space<vmem>>, %arg13: memref<1x128xf32, #tpu.memory_space<vmem>>, %arg14: memref<512x128xf32, #tpu.memory_space<vmem>>, %arg15: memref<1x128xf32, #tpu.memory_space<vmem>>, %arg16: memref<256x128xf32, #tpu.memory_space<vmem>>, %arg17: memref<256x512xf32, #tpu.memory_space<vmem>>, %arg18: memref<256x128xf32, #tpu.memory_space<vmem>>, %arg19: memref<256x1xi32, #tpu.memory_space<vmem>>, %arg20: memref<256x1xi32, #tpu.memory_space<vmem>>, %arg21: memref<128x1xi32, #tpu.memory_space<vmem>>, %arg22: memref<24x256xi32, #tpu.memory_space<vmem>>, %arg23: memref<2048x128xf32, #tpu.memory_space<vmem>>, %arg24: memref<1x128xf32, #tpu.memory_space<vmem>>, %arg25: memref<8x128xf32, #tpu.memory_space<vmem>>, %arg26: memref<1x128xf32, #tpu.memory_space<vmem>>, %arg27: memref<2048x1xf32, #tpu.memory_space<vmem>>, %arg28: memref<2048x1xf32, #tpu.memory_space<vmem>>) attributes {dimension_semantics = [#tpu.dimension_semantics<arbitrary>], iteration_bounds = array<i64: 40>, scalar_prefetch = 0 : i64, scratch_operands = 6 : i64, tpu.core_type = #tpu.core_type<tc>, window_params = [{transform_indices = @transform_0, window_bounds = array<i64: 256, 256>}, {pipeline_mode = #tpu.pipeline_mode<synchronous>, transform_indices = @transform_1, window_bounds = array<i64: 256, 512>}, {pipeline_mode = #tpu.pipeline_mode<synchronous>, transform_indices = @transform_2, window_bounds = array<i64: 1, 512>}, {pipeline_mode = #tpu.pipeline_mode<synchronous>, transform_indices = @transform_3, window_bounds = array<i64: 256, 512>}, {pipeline_mode = #tpu.pipeline_mode<synchronous>, transform_indices = @transform_4, window_bounds = array<i64: 512, 512>}, {pipeline_mode = #tpu.pipeline_mode<synchronous>, transform_indices = @transform_5, window_bounds = array<i64: 1, 512>}, {pipeline_mode = #tpu.pipeline_mode<synchronous>, transform_indices = @transform_6, window_bounds = array<i64: 512, 512>}, {pipeline_mode = #tpu.pipeline_mode<synchronous>, transform_indices = @transform_7, window_bounds = array<i64: 512, 512>}, {pipeline_mode = #tpu.pipeline_mode<synchronous>, transform_indices = @transform_8, window_bounds = array<i64: 512, 512>}, {pipeline_mode = #tpu.pipeline_mode<synchronous>, transform_indices = @transform_9, window_bounds = array<i64: 512, 512>}, {pipeline_mode = #tpu.pipeline_mode<synchronous>, transform_indices = @transform_10, window_bounds = array<i64: 1, 512>}, {pipeline_mode = #tpu.pipeline_mode<synchronous>, transform_indices = @transform_11, window_bounds = array<i64: 512, 128>}, {pipeline_mode = #tpu.pipeline_mode<synchronous>, transform_indices = @transform_12, window_bounds = array<i64: 1, 128>}, {pipeline_mode = #tpu.pipeline_mode<synchronous>, transform_indices = @transform_13, window_bounds = array<i64: 512, 128>}, {pipeline_mode = #tpu.pipeline_mode<synchronous>, transform_indices = @transform_14, window_bounds = array<i64: 1, 128>}, {transform_indices = @transform_15, window_bounds = array<i64: 256, 128>}, {transform_indices = @transform_16, window_bounds = array<i64: 256, 512>}, {transform_indices = @transform_17, window_bounds = array<i64: 256, 128>}, {transform_indices = @transform_18, window_bounds = array<i64: 256, 1>}, {transform_indices = @transform_19, window_bounds = array<i64: 256, 1>}, {pipeline_mode = #tpu.pipeline_mode<synchronous>, transform_indices = @transform_20, window_bounds = array<i64: 128, 1>}, {pipeline_mode = #tpu.pipeline_mode<synchronous>, transform_indices = @transform_21, window_bounds = array<i64: 24, 256>}]} {
    %iota3A = tpu.iota {dimensions = array<i32: 1>} : vector<256x128xi32>
    %convert_element_type3A = arith.sitofp %iota3A : vector<256x128xi32> to vector<256x128xf32>
    %lt3A = arith.constant 8 : i32
    %lt3A_0 = arith.cmpi slt, %arg0, %lt3A : i32
    %convert_element_type3A_1 = arith.extui %lt3A_0 : i1 to i32
    %cond3A = arith.constant 0 : i32
    %cond3A_2 = arith.cmpi ne, %convert_element_type3A_1, %cond3A : i32
    scf.if %cond3A_2 {
      %get3A = arith.constant 0 : index
      %get3A_18 = arith.constant 0 : index
      %get3A_19 = vector.load %arg1[%get3A, %get3A_18] : memref<256x256xf32, #tpu.memory_space<vmem>>, vector<256x256xf32>
      %get3A_20 = arith.constant 0 : index
      %get3A_21 = arith.constant 0 : index
      %get3A_22 = vector.load %arg2[%get3A_20, %get3A_21] : memref<256x512xf32, #tpu.memory_space<vmem>>, vector<256x512xf32>
      %dot_general3A = arith.constant dense<0.000000e+00> : vector<256x512xf32>
      %dot_general3A_23 = tpu.matmul %get3A_19, %get3A_22, %dot_general3A {dimension_numbers = #tpu.dot_dimension_numbers<[1], [0], [0], [1], [0, 0, 1, 1], [], []>, transpose_lhs_hint = false} : vector<256x256xf32>, vector<256x512xf32>, vector<256x512xf32> -> vector<256x512xf32>
      %get3A_24 = arith.constant 0 : index
      %get3A_25 = arith.constant 0 : index
      %get3A_26 = vector.load %arg3[%get3A_24, %get3A_25] : memref<1x512xf32, #tpu.memory_space<vmem>>, vector<1x512xf32>
      %add3A = vector.broadcast %get3A_26 : vector<1x512xf32> to vector<256x512xf32>
      %add3A_27 = arith.addf %dot_general3A_23, %add3A : vector<256x512xf32>
      %get3A_28 = arith.constant 0 : index
      %get3A_29 = arith.constant 0 : index
      %get3A_30 = vector.load %arg4[%get3A_28, %get3A_29] : memref<256x512xf32, #tpu.memory_space<vmem>>, vector<256x512xf32>
      %add3A_31 = arith.addf %add3A_27, %get3A_30 : vector<256x512xf32>
      %get3A_32 = arith.constant 0 : index
      %get3A_33 = arith.constant 0 : index
      %get3A_34 = vector.load %arg5[%get3A_32, %get3A_33] : memref<512x512xf32, #tpu.memory_space<vmem>>, vector<512x512xf32>
      %dot_general3A_35 = arith.constant dense<0.000000e+00> : vector<256x512xf32>
      %dot_general3A_36 = tpu.matmul %add3A_31, %get3A_34, %dot_general3A_35 {dimension_numbers = #tpu.dot_dimension_numbers<[1], [0], [0], [1], [0, 0, 1, 1], [], []>, transpose_lhs_hint = false} : vector<256x512xf32>, vector<512x512xf32>, vector<256x512xf32> -> vector<256x512xf32>
      %get3A_37 = arith.constant 0 : index
      %get3A_38 = arith.constant 0 : index
      %get3A_39 = vector.load %arg6[%get3A_37, %get3A_38] : memref<1x512xf32, #tpu.memory_space<vmem>>, vector<1x512xf32>
      %add3A_40 = vector.broadcast %get3A_39 : vector<1x512xf32> to vector<256x512xf32>
      %add3A_41 = arith.addf %dot_general3A_36, %add3A_40 : vector<256x512xf32>
      %get3A_42 = arith.constant 0 : index
      %get3A_43 = arith.constant 0 : index
      %get3A_44 = vector.load %arg7[%get3A_42, %get3A_43] : memref<512x512xf32, #tpu.memory_space<vmem>>, vector<512x512xf32>
      %dot_general3A_45 = arith.constant dense<0.000000e+00> : vector<256x512xf32>
      %dot_general3A_46 = tpu.matmul %add3A_41, %get3A_44, %dot_general3A_45 {dimension_numbers = #tpu.dot_dimension_numbers<[1], [0], [0], [1], [0, 0, 1, 1], [], []>, transpose_lhs_hint = false} : vector<256x512xf32>, vector<512x512xf32>, vector<256x512xf32> -> vector<256x512xf32>
      %get3A_47 = arith.constant 0 : index
      %get3A_48 = arith.constant 0 : index
      %get3A_49 = vector.load %arg8[%get3A_47, %get3A_48] : memref<512x512xf32, #tpu.memory_space<vmem>>, vector<512x512xf32>
      %dot_general3A_50 = arith.constant dense<0.000000e+00> : vector<256x512xf32>
      %dot_general3A_51 = tpu.matmul %add3A_41, %get3A_49, %dot_general3A_50 {dimension_numbers = #tpu.dot_dimension_numbers<[1], [0], [0], [1], [0, 0, 1, 1], [], []>, transpose_lhs_hint = false} : vector<256x512xf32>, vector<512x512xf32>, vector<256x512xf32> -> vector<256x512xf32>
      %get3A_52 = arith.constant 0 : index
      %get3A_53 = arith.constant 0 : index
      %get3A_54 = vector.load %arg9[%get3A_52, %get3A_53] : memref<512x512xf32, #tpu.memory_space<vmem>>, vector<512x512xf32>
      %dot_general3A_55 = arith.constant dense<0.000000e+00> : vector<256x512xf32>
      %dot_general3A_56 = tpu.matmul %add3A_41, %get3A_54, %dot_general3A_55 {dimension_numbers = #tpu.dot_dimension_numbers<[1], [0], [0], [1], [0, 0, 1, 1], [], []>, transpose_lhs_hint = false} : vector<256x512xf32>, vector<512x512xf32>, vector<256x512xf32> -> vector<256x512xf32>
      %iota3A_57 = tpu.iota {dimensions = array<i32: 0>} : vector<256x256xi32>
      %iota3A_58 = tpu.iota {dimensions = array<i32: 1>} : vector<256x256xi32>
      %le3A = arith.cmpi sle, %iota3A_58, %iota3A_57 : vector<256x256xi32>
      %slice3A = vector.extract_strided_slice %dot_general3A_46 {offsets = [0, 0], sizes = [256, 64], strides = [1, 1]} : vector<256x512xf32> to vector<256x64xf32>
      %slice3A_59 = vector.extract_strided_slice %dot_general3A_51 {offsets = [0, 0], sizes = [256, 64], strides = [1, 1]} : vector<256x512xf32> to vector<256x64xf32>
      %slice3A_60 = vector.extract_strided_slice %dot_general3A_56 {offsets = [0, 0], sizes = [256, 64], strides = [1, 1]} : vector<256x512xf32> to vector<256x64xf32>
      %dot_general3A_61 = arith.constant dense<0.000000e+00> : vector<256x256xf32>
      %dot_general3A_62 = tpu.matmul %slice3A, %slice3A_59, %dot_general3A_61 {dimension_numbers = #tpu.dot_dimension_numbers<[1], [1], [0], [0], [0, 0, 1, 0], [], []>, transpose_lhs_hint = false} : vector<256x64xf32>, vector<256x64xf32>, vector<256x256xf32> -> vector<256x256xf32>
      %mul3A = arith.constant 1.250000e-01 : f32
      %mul3A_63 = vector.broadcast %mul3A : f32 to vector<256x256xf32>
      %mul3A_64 = arith.mulf %dot_general3A_62, %mul3A_63 : vector<256x256xf32>
      %jit3A = arith.constant -1.000000e+30 : f32
      %broadcast_in_dim3A = vector.broadcast %jit3A : f32 to vector<256x256xf32>
      %select_n3A = arith.select %le3A, %mul3A_64, %broadcast_in_dim3A : vector<256x256xi1>, vector<256x256xf32>
      %reduce_max3A = arith.constant dense<0xFF800000> : vector<256xf32>
      %reduce_max3A_65 = vector.multi_reduction <maximumf>, %select_n3A, %reduce_max3A [1] : vector<256x256xf32> to vector<256xf32>
      %broadcast_in_dim3A_66 = vector.shape_cast %reduce_max3A_65 : vector<256xf32> to vector<256x1xf32>
      %sub3A = vector.broadcast %broadcast_in_dim3A_66 : vector<256x1xf32> to vector<256x256xf32>
      %sub3A_67 = arith.subf %select_n3A, %sub3A : vector<256x256xf32>
      %exp3A = math.exp %sub3A_67 : vector<256x256xf32>
      %reduce_sum3A = arith.constant dense<0.000000e+00> : vector<256xf32>
      %reduce_sum3A_68 = vector.multi_reduction <add>, %exp3A, %reduce_sum3A [1] : vector<256x256xf32> to vector<256xf32>
      %broadcast_in_dim3A_69 = vector.shape_cast %reduce_sum3A_68 : vector<256xf32> to vector<256x1xf32>
      %div3A = vector.broadcast %broadcast_in_dim3A_69 : vector<256x1xf32> to vector<256x256xf32>
      %div3A_70 = arith.divf %exp3A, %div3A : vector<256x256xf32>
      %dot_general3A_71 = arith.constant dense<0.000000e+00> : vector<256x64xf32>
      %dot_general3A_72 = tpu.matmul %div3A_70, %slice3A_60, %dot_general3A_71 {dimension_numbers = #tpu.dot_dimension_numbers<[1], [0], [0], [1], [0, 0, 1, 1], [], []>, transpose_lhs_hint = false} : vector<256x256xf32>, vector<256x64xf32>, vector<256x64xf32> -> vector<256x64xf32>
      %slice3A_73 = vector.extract_strided_slice %dot_general3A_46 {offsets = [0, 64], sizes = [256, 64], strides = [1, 1]} : vector<256x512xf32> to vector<256x64xf32>
      %slice3A_74 = vector.extract_strided_slice %dot_general3A_51 {offsets = [0, 64], sizes = [256, 64], strides = [1, 1]} : vector<256x512xf32> to vector<256x64xf32>
      %slice3A_75 = vector.extract_strided_slice %dot_general3A_56 {offsets = [0, 64], sizes = [256, 64], strides = [1, 1]} : vector<256x512xf32> to vector<256x64xf32>
      %dot_general3A_76 = arith.constant dense<0.000000e+00> : vector<256x256xf32>
      %dot_general3A_77 = tpu.matmul %slice3A_73, %slice3A_74, %dot_general3A_76 {dimension_numbers = #tpu.dot_dimension_numbers<[1], [1], [0], [0], [0, 0, 1, 0], [], []>, transpose_lhs_hint = false} : vector<256x64xf32>, vector<256x64xf32>, vector<256x256xf32> -> vector<256x256xf32>
      %mul3A_78 = arith.constant 1.250000e-01 : f32
      %mul3A_79 = vector.broadcast %mul3A_78 : f32 to vector<256x256xf32>
      %mul3A_80 = arith.mulf %dot_general3A_77, %mul3A_79 : vector<256x256xf32>
      %jit3A_81 = arith.constant -1.000000e+30 : f32
      %broadcast_in_dim3A_82 = vector.broadcast %jit3A_81 : f32 to vector<256x256xf32>
      %select_n3A_83 = arith.select %le3A, %mul3A_80, %broadcast_in_dim3A_82 : vector<256x256xi1>, vector<256x256xf32>
      %reduce_max3A_84 = arith.constant dense<0xFF800000> : vector<256xf32>
      %reduce_max3A_85 = vector.multi_reduction <maximumf>, %select_n3A_83, %reduce_max3A_84 [1] : vector<256x256xf32> to vector<256xf32>
      %broadcast_in_dim3A_86 = vector.shape_cast %reduce_max3A_85 : vector<256xf32> to vector<256x1xf32>
      %sub3A_87 = vector.broadcast %broadcast_in_dim3A_86 : vector<256x1xf32> to vector<256x256xf32>
      %sub3A_88 = arith.subf %select_n3A_83, %sub3A_87 : vector<256x256xf32>
      %exp3A_89 = math.exp %sub3A_88 : vector<256x256xf32>
      %reduce_sum3A_90 = arith.constant dense<0.000000e+00> : vector<256xf32>
      %reduce_sum3A_91 = vector.multi_reduction <add>, %exp3A_89, %reduce_sum3A_90 [1] : vector<256x256xf32> to vector<256xf32>
      %broadcast_in_dim3A_92 = vector.shape_cast %reduce_sum3A_91 : vector<256xf32> to vector<256x1xf32>
      %div3A_93 = vector.broadcast %broadcast_in_dim3A_92 : vector<256x1xf32> to vector<256x256xf32>
      %div3A_94 = arith.divf %exp3A_89, %div3A_93 : vector<256x256xf32>
      %dot_general3A_95 = arith.constant dense<0.000000e+00> : vector<256x64xf32>
      %dot_general3A_96 = tpu.matmul %div3A_94, %slice3A_75, %dot_general3A_95 {dimension_numbers = #tpu.dot_dimension_numbers<[1], [0], [0], [1], [0, 0, 1, 1], [], []>, transpose_lhs_hint = false} : vector<256x256xf32>, vector<256x64xf32>, vector<256x64xf32> -> vector<256x64xf32>
      %slice3A_97 = vector.extract_strided_slice %dot_general3A_46 {offsets = [0, 128], sizes = [256, 64], strides = [1, 1]} : vector<256x512xf32> to vector<256x64xf32>
      %slice3A_98 = vector.extract_strided_slice %dot_general3A_51 {offsets = [0, 128], sizes = [256, 64], strides = [1, 1]} : vector<256x512xf32> to vector<256x64xf32>
      %slice3A_99 = vector.extract_strided_slice %dot_general3A_56 {offsets = [0, 128], sizes = [256, 64], strides = [1, 1]} : vector<256x512xf32> to vector<256x64xf32>
      %dot_general3A_100 = arith.constant dense<0.000000e+00> : vector<256x256xf32>
      %dot_general3A_101 = tpu.matmul %slice3A_97, %slice3A_98, %dot_general3A_100 {dimension_numbers = #tpu.dot_dimension_numbers<[1], [1], [0], [0], [0, 0, 1, 0], [], []>, transpose_lhs_hint = false} : vector<256x64xf32>, vector<256x64xf32>, vector<256x256xf32> -> vector<256x256xf32>
      %mul3A_102 = arith.constant 1.250000e-01 : f32
      %mul3A_103 = vector.broadcast %mul3A_102 : f32 to vector<256x256xf32>
      %mul3A_104 = arith.mulf %dot_general3A_101, %mul3A_103 : vector<256x256xf32>
      %jit3A_105 = arith.constant -1.000000e+30 : f32
      %broadcast_in_dim3A_106 = vector.broadcast %jit3A_105 : f32 to vector<256x256xf32>
      %select_n3A_107 = arith.select %le3A, %mul3A_104, %broadcast_in_dim3A_106 : vector<256x256xi1>, vector<256x256xf32>
      %reduce_max3A_108 = arith.constant dense<0xFF800000> : vector<256xf32>
      %reduce_max3A_109 = vector.multi_reduction <maximumf>, %select_n3A_107, %reduce_max3A_108 [1] : vector<256x256xf32> to vector<256xf32>
      %broadcast_in_dim3A_110 = vector.shape_cast %reduce_max3A_109 : vector<256xf32> to vector<256x1xf32>
      %sub3A_111 = vector.broadcast %broadcast_in_dim3A_110 : vector<256x1xf32> to vector<256x256xf32>
      %sub3A_112 = arith.subf %select_n3A_107, %sub3A_111 : vector<256x256xf32>
      %exp3A_113 = math.exp %sub3A_112 : vector<256x256xf32>
      %reduce_sum3A_114 = arith.constant dense<0.000000e+00> : vector<256xf32>
      %reduce_sum3A_115 = vector.multi_reduction <add>, %exp3A_113, %reduce_sum3A_114 [1] : vector<256x256xf32> to vector<256xf32>
      %broadcast_in_dim3A_116 = vector.shape_cast %reduce_sum3A_115 : vector<256xf32> to vector<256x1xf32>
      %div3A_117 = vector.broadcast %broadcast_in_dim3A_116 : vector<256x1xf32> to vector<256x256xf32>
      %div3A_118 = arith.divf %exp3A_113, %div3A_117 : vector<256x256xf32>
      %dot_general3A_119 = arith.constant dense<0.000000e+00> : vector<256x64xf32>
      %dot_general3A_120 = tpu.matmul %div3A_118, %slice3A_99, %dot_general3A_119 {dimension_numbers = #tpu.dot_dimension_numbers<[1], [0], [0], [1], [0, 0, 1, 1], [], []>, transpose_lhs_hint = false} : vector<256x256xf32>, vector<256x64xf32>, vector<256x64xf32> -> vector<256x64xf32>
      %slice3A_121 = vector.extract_strided_slice %dot_general3A_46 {offsets = [0, 192], sizes = [256, 64], strides = [1, 1]} : vector<256x512xf32> to vector<256x64xf32>
      %slice3A_122 = vector.extract_strided_slice %dot_general3A_51 {offsets = [0, 192], sizes = [256, 64], strides = [1, 1]} : vector<256x512xf32> to vector<256x64xf32>
      %slice3A_123 = vector.extract_strided_slice %dot_general3A_56 {offsets = [0, 192], sizes = [256, 64], strides = [1, 1]} : vector<256x512xf32> to vector<256x64xf32>
      %dot_general3A_124 = arith.constant dense<0.000000e+00> : vector<256x256xf32>
      %dot_general3A_125 = tpu.matmul %slice3A_121, %slice3A_122, %dot_general3A_124 {dimension_numbers = #tpu.dot_dimension_numbers<[1], [1], [0], [0], [0, 0, 1, 0], [], []>, transpose_lhs_hint = false} : vector<256x64xf32>, vector<256x64xf32>, vector<256x256xf32> -> vector<256x256xf32>
      %mul3A_126 = arith.constant 1.250000e-01 : f32
      %mul3A_127 = vector.broadcast %mul3A_126 : f32 to vector<256x256xf32>
      %mul3A_128 = arith.mulf %dot_general3A_125, %mul3A_127 : vector<256x256xf32>
      %jit3A_129 = arith.constant -1.000000e+30 : f32
      %broadcast_in_dim3A_130 = vector.broadcast %jit3A_129 : f32 to vector<256x256xf32>
      %select_n3A_131 = arith.select %le3A, %mul3A_128, %broadcast_in_dim3A_130 : vector<256x256xi1>, vector<256x256xf32>
      %reduce_max3A_132 = arith.constant dense<0xFF800000> : vector<256xf32>
      %reduce_max3A_133 = vector.multi_reduction <maximumf>, %select_n3A_131, %reduce_max3A_132 [1] : vector<256x256xf32> to vector<256xf32>
      %broadcast_in_dim3A_134 = vector.shape_cast %reduce_max3A_133 : vector<256xf32> to vector<256x1xf32>
      %sub3A_135 = vector.broadcast %broadcast_in_dim3A_134 : vector<256x1xf32> to vector<256x256xf32>
      %sub3A_136 = arith.subf %select_n3A_131, %sub3A_135 : vector<256x256xf32>
      %exp3A_137 = math.exp %sub3A_136 : vector<256x256xf32>
      %reduce_sum3A_138 = arith.constant dense<0.000000e+00> : vector<256xf32>
      %reduce_sum3A_139 = vector.multi_reduction <add>, %exp3A_137, %reduce_sum3A_138 [1] : vector<256x256xf32> to vector<256xf32>
      %broadcast_in_dim3A_140 = vector.shape_cast %reduce_sum3A_139 : vector<256xf32> to vector<256x1xf32>
      %div3A_141 = vector.broadcast %broadcast_in_dim3A_140 : vector<256x1xf32> to vector<256x256xf32>
      %div3A_142 = arith.divf %exp3A_137, %div3A_141 : vector<256x256xf32>
      %dot_general3A_143 = arith.constant dense<0.000000e+00> : vector<256x64xf32>
      %dot_general3A_144 = tpu.matmul %div3A_142, %slice3A_123, %dot_general3A_143 {dimension_numbers = #tpu.dot_dimension_numbers<[1], [0], [0], [1], [0, 0, 1, 1], [], []>, transpose_lhs_hint = false} : vector<256x256xf32>, vector<256x64xf32>, vector<256x64xf32> -> vector<256x64xf32>
      %slice3A_145 = vector.extract_strided_slice %dot_general3A_46 {offsets = [0, 256], sizes = [256, 64], strides = [1, 1]} : vector<256x512xf32> to vector<256x64xf32>
      %slice3A_146 = vector.extract_strided_slice %dot_general3A_51 {offsets = [0, 256], sizes = [256, 64], strides = [1, 1]} : vector<256x512xf32> to vector<256x64xf32>
      %slice3A_147 = vector.extract_strided_slice %dot_general3A_56 {offsets = [0, 256], sizes = [256, 64], strides = [1, 1]} : vector<256x512xf32> to vector<256x64xf32>
      %dot_general3A_148 = arith.constant dense<0.000000e+00> : vector<256x256xf32>
      %dot_general3A_149 = tpu.matmul %slice3A_145, %slice3A_146, %dot_general3A_148 {dimension_numbers = #tpu.dot_dimension_numbers<[1], [1], [0], [0], [0, 0, 1, 0], [], []>, transpose_lhs_hint = false} : vector<256x64xf32>, vector<256x64xf32>, vector<256x256xf32> -> vector<256x256xf32>
      %mul3A_150 = arith.constant 1.250000e-01 : f32
      %mul3A_151 = vector.broadcast %mul3A_150 : f32 to vector<256x256xf32>
      %mul3A_152 = arith.mulf %dot_general3A_149, %mul3A_151 : vector<256x256xf32>
      %jit3A_153 = arith.constant -1.000000e+30 : f32
      %broadcast_in_dim3A_154 = vector.broadcast %jit3A_153 : f32 to vector<256x256xf32>
      %select_n3A_155 = arith.select %le3A, %mul3A_152, %broadcast_in_dim3A_154 : vector<256x256xi1>, vector<256x256xf32>
      %reduce_max3A_156 = arith.constant dense<0xFF800000> : vector<256xf32>
      %reduce_max3A_157 = vector.multi_reduction <maximumf>, %select_n3A_155, %reduce_max3A_156 [1] : vector<256x256xf32> to vector<256xf32>
      %broadcast_in_dim3A_158 = vector.shape_cast %reduce_max3A_157 : vector<256xf32> to vector<256x1xf32>
      %sub3A_159 = vector.broadcast %broadcast_in_dim3A_158 : vector<256x1xf32> to vector<256x256xf32>
      %sub3A_160 = arith.subf %select_n3A_155, %sub3A_159 : vector<256x256xf32>
      %exp3A_161 = math.exp %sub3A_160 : vector<256x256xf32>
      %reduce_sum3A_162 = arith.constant dense<0.000000e+00> : vector<256xf32>
      %reduce_sum3A_163 = vector.multi_reduction <add>, %exp3A_161, %reduce_sum3A_162 [1] : vector<256x256xf32> to vector<256xf32>
      %broadcast_in_dim3A_164 = vector.shape_cast %reduce_sum3A_163 : vector<256xf32> to vector<256x1xf32>
      %div3A_165 = vector.broadcast %broadcast_in_dim3A_164 : vector<256x1xf32> to vector<256x256xf32>
      %div3A_166 = arith.divf %exp3A_161, %div3A_165 : vector<256x256xf32>
      %dot_general3A_167 = arith.constant dense<0.000000e+00> : vector<256x64xf32>
      %dot_general3A_168 = tpu.matmul %div3A_166, %slice3A_147, %dot_general3A_167 {dimension_numbers = #tpu.dot_dimension_numbers<[1], [0], [0], [1], [0, 0, 1, 1], [], []>, transpose_lhs_hint = false} : vector<256x256xf32>, vector<256x64xf32>, vector<256x64xf32> -> vector<256x64xf32>
      %slice3A_169 = vector.extract_strided_slice %dot_general3A_46 {offsets = [0, 320], sizes = [256, 64], strides = [1, 1]} : vector<256x512xf32> to vector<256x64xf32>
      %slice3A_170 = vector.extract_strided_slice %dot_general3A_51 {offsets = [0, 320], sizes = [256, 64], strides = [1, 1]} : vector<256x512xf32> to vector<256x64xf32>
      %slice3A_171 = vector.extract_strided_slice %dot_general3A_56 {offsets = [0, 320], sizes = [256, 64], strides = [1, 1]} : vector<256x512xf32> to vector<256x64xf32>
      %dot_general3A_172 = arith.constant dense<0.000000e+00> : vector<256x256xf32>
      %dot_general3A_173 = tpu.matmul %slice3A_169, %slice3A_170, %dot_general3A_172 {dimension_numbers = #tpu.dot_dimension_numbers<[1], [1], [0], [0], [0, 0, 1, 0], [], []>, transpose_lhs_hint = false} : vector<256x64xf32>, vector<256x64xf32>, vector<256x256xf32> -> vector<256x256xf32>
      %mul3A_174 = arith.constant 1.250000e-01 : f32
      %mul3A_175 = vector.broadcast %mul3A_174 : f32 to vector<256x256xf32>
      %mul3A_176 = arith.mulf %dot_general3A_173, %mul3A_175 : vector<256x256xf32>
      %jit3A_177 = arith.constant -1.000000e+30 : f32
      %broadcast_in_dim3A_178 = vector.broadcast %jit3A_177 : f32 to vector<256x256xf32>
      %select_n3A_179 = arith.select %le3A, %mul3A_176, %broadcast_in_dim3A_178 : vector<256x256xi1>, vector<256x256xf32>
      %reduce_max3A_180 = arith.constant dense<0xFF800000> : vector<256xf32>
      %reduce_max3A_181 = vector.multi_reduction <maximumf>, %select_n3A_179, %reduce_max3A_180 [1] : vector<256x256xf32> to vector<256xf32>
      %broadcast_in_dim3A_182 = vector.shape_cast %reduce_max3A_181 : vector<256xf32> to vector<256x1xf32>
      %sub3A_183 = vector.broadcast %broadcast_in_dim3A_182 : vector<256x1xf32> to vector<256x256xf32>
      %sub3A_184 = arith.subf %select_n3A_179, %sub3A_183 : vector<256x256xf32>
      %exp3A_185 = math.exp %sub3A_184 : vector<256x256xf32>
      %reduce_sum3A_186 = arith.constant dense<0.000000e+00> : vector<256xf32>
      %reduce_sum3A_187 = vector.multi_reduction <add>, %exp3A_185, %reduce_sum3A_186 [1] : vector<256x256xf32> to vector<256xf32>
      %broadcast_in_dim3A_188 = vector.shape_cast %reduce_sum3A_187 : vector<256xf32> to vector<256x1xf32>
      %div3A_189 = vector.broadcast %broadcast_in_dim3A_188 : vector<256x1xf32> to vector<256x256xf32>
      %div3A_190 = arith.divf %exp3A_185, %div3A_189 : vector<256x256xf32>
      %dot_general3A_191 = arith.constant dense<0.000000e+00> : vector<256x64xf32>
      %dot_general3A_192 = tpu.matmul %div3A_190, %slice3A_171, %dot_general3A_191 {dimension_numbers = #tpu.dot_dimension_numbers<[1], [0], [0], [1], [0, 0, 1, 1], [], []>, transpose_lhs_hint = false} : vector<256x256xf32>, vector<256x64xf32>, vector<256x64xf32> -> vector<256x64xf32>
      %slice3A_193 = vector.extract_strided_slice %dot_general3A_46 {offsets = [0, 384], sizes = [256, 64], strides = [1, 1]} : vector<256x512xf32> to vector<256x64xf32>
      %slice3A_194 = vector.extract_strided_slice %dot_general3A_51 {offsets = [0, 384], sizes = [256, 64], strides = [1, 1]} : vector<256x512xf32> to vector<256x64xf32>
      %slice3A_195 = vector.extract_strided_slice %dot_general3A_56 {offsets = [0, 384], sizes = [256, 64], strides = [1, 1]} : vector<256x512xf32> to vector<256x64xf32>
      %dot_general3A_196 = arith.constant dense<0.000000e+00> : vector<256x256xf32>
      %dot_general3A_197 = tpu.matmul %slice3A_193, %slice3A_194, %dot_general3A_196 {dimension_numbers = #tpu.dot_dimension_numbers<[1], [1], [0], [0], [0, 0, 1, 0], [], []>, transpose_lhs_hint = false} : vector<256x64xf32>, vector<256x64xf32>, vector<256x256xf32> -> vector<256x256xf32>
      %mul3A_198 = arith.constant 1.250000e-01 : f32
      %mul3A_199 = vector.broadcast %mul3A_198 : f32 to vector<256x256xf32>
      %mul3A_200 = arith.mulf %dot_general3A_197, %mul3A_199 : vector<256x256xf32>
      %jit3A_201 = arith.constant -1.000000e+30 : f32
      %broadcast_in_dim3A_202 = vector.broadcast %jit3A_201 : f32 to vector<256x256xf32>
      %select_n3A_203 = arith.select %le3A, %mul3A_200, %broadcast_in_dim3A_202 : vector<256x256xi1>, vector<256x256xf32>
      %reduce_max3A_204 = arith.constant dense<0xFF800000> : vector<256xf32>
      %reduce_max3A_205 = vector.multi_reduction <maximumf>, %select_n3A_203, %reduce_max3A_204 [1] : vector<256x256xf32> to vector<256xf32>
      %broadcast_in_dim3A_206 = vector.shape_cast %reduce_max3A_205 : vector<256xf32> to vector<256x1xf32>
      %sub3A_207 = vector.broadcast %broadcast_in_dim3A_206 : vector<256x1xf32> to vector<256x256xf32>
      %sub3A_208 = arith.subf %select_n3A_203, %sub3A_207 : vector<256x256xf32>
      %exp3A_209 = math.exp %sub3A_208 : vector<256x256xf32>
      %reduce_sum3A_210 = arith.constant dense<0.000000e+00> : vector<256xf32>
      %reduce_sum3A_211 = vector.multi_reduction <add>, %exp3A_209, %reduce_sum3A_210 [1] : vector<256x256xf32> to vector<256xf32>
      %broadcast_in_dim3A_212 = vector.shape_cast %reduce_sum3A_211 : vector<256xf32> to vector<256x1xf32>
      %div3A_213 = vector.broadcast %broadcast_in_dim3A_212 : vector<256x1xf32> to vector<256x256xf32>
      %div3A_214 = arith.divf %exp3A_209, %div3A_213 : vector<256x256xf32>
      %dot_general3A_215 = arith.constant dense<0.000000e+00> : vector<256x64xf32>
      %dot_general3A_216 = tpu.matmul %div3A_214, %slice3A_195, %dot_general3A_215 {dimension_numbers = #tpu.dot_dimension_numbers<[1], [0], [0], [1], [0, 0, 1, 1], [], []>, transpose_lhs_hint = false} : vector<256x256xf32>, vector<256x64xf32>, vector<256x64xf32> -> vector<256x64xf32>
      %slice3A_217 = vector.extract_strided_slice %dot_general3A_46 {offsets = [0, 448], sizes = [256, 64], strides = [1, 1]} : vector<256x512xf32> to vector<256x64xf32>
      %slice3A_218 = vector.extract_strided_slice %dot_general3A_51 {offsets = [0, 448], sizes = [256, 64], strides = [1, 1]} : vector<256x512xf32> to vector<256x64xf32>
      %slice3A_219 = vector.extract_strided_slice %dot_general3A_56 {offsets = [0, 448], sizes = [256, 64], strides = [1, 1]} : vector<256x512xf32> to vector<256x64xf32>
      %dot_general3A_220 = arith.constant dense<0.000000e+00> : vector<256x256xf32>
      %dot_general3A_221 = tpu.matmul %slice3A_217, %slice3A_218, %dot_general3A_220 {dimension_numbers = #tpu.dot_dimension_numbers<[1], [1], [0], [0], [0, 0, 1, 0], [], []>, transpose_lhs_hint = false} : vector<256x64xf32>, vector<256x64xf32>, vector<256x256xf32> -> vector<256x256xf32>
      %mul3A_222 = arith.constant 1.250000e-01 : f32
      %mul3A_223 = vector.broadcast %mul3A_222 : f32 to vector<256x256xf32>
      %mul3A_224 = arith.mulf %dot_general3A_221, %mul3A_223 : vector<256x256xf32>
      %jit3A_225 = arith.constant -1.000000e+30 : f32
      %broadcast_in_dim3A_226 = vector.broadcast %jit3A_225 : f32 to vector<256x256xf32>
      %select_n3A_227 = arith.select %le3A, %mul3A_224, %broadcast_in_dim3A_226 : vector<256x256xi1>, vector<256x256xf32>
      %reduce_max3A_228 = arith.constant dense<0xFF800000> : vector<256xf32>
      %reduce_max3A_229 = vector.multi_reduction <maximumf>, %select_n3A_227, %reduce_max3A_228 [1] : vector<256x256xf32> to vector<256xf32>
      %broadcast_in_dim3A_230 = vector.shape_cast %reduce_max3A_229 : vector<256xf32> to vector<256x1xf32>
      %sub3A_231 = vector.broadcast %broadcast_in_dim3A_230 : vector<256x1xf32> to vector<256x256xf32>
      %sub3A_232 = arith.subf %select_n3A_227, %sub3A_231 : vector<256x256xf32>
      %exp3A_233 = math.exp %sub3A_232 : vector<256x256xf32>
      %reduce_sum3A_234 = arith.constant dense<0.000000e+00> : vector<256xf32>
      %reduce_sum3A_235 = vector.multi_reduction <add>, %exp3A_233, %reduce_sum3A_234 [1] : vector<256x256xf32> to vector<256xf32>
      %broadcast_in_dim3A_236 = vector.shape_cast %reduce_sum3A_235 : vector<256xf32> to vector<256x1xf32>
      %div3A_237 = vector.broadcast %broadcast_in_dim3A_236 : vector<256x1xf32> to vector<256x256xf32>
      %div3A_238 = arith.divf %exp3A_233, %div3A_237 : vector<256x256xf32>
      %dot_general3A_239 = arith.constant dense<0.000000e+00> : vector<256x64xf32>
      %dot_general3A_240 = tpu.matmul %div3A_238, %slice3A_219, %dot_general3A_239 {dimension_numbers = #tpu.dot_dimension_numbers<[1], [0], [0], [1], [0, 0, 1, 1], [], []>, transpose_lhs_hint = false} : vector<256x256xf32>, vector<256x64xf32>, vector<256x64xf32> -> vector<256x64xf32>
      %concatenate3A = tpu.concatenate %dot_general3A_72, %dot_general3A_96, %dot_general3A_120, %dot_general3A_144, %dot_general3A_168, %dot_general3A_192, %dot_general3A_216, %dot_general3A_240 in 1 : vector<256x64xf32>, vector<256x64xf32>, vector<256x64xf32>, vector<256x64xf32>, vector<256x64xf32>, vector<256x64xf32>, vector<256x64xf32>, vector<256x64xf32> -> vector<256x512xf32>
      %get3A_241 = arith.constant 0 : index
      %get3A_242 = arith.constant 0 : index
      %get3A_243 = vector.load %arg10[%get3A_241, %get3A_242] : memref<512x512xf32, #tpu.memory_space<vmem>>, vector<512x512xf32>
      %dot_general3A_244 = arith.constant dense<0.000000e+00> : vector<256x512xf32>
      %dot_general3A_245 = tpu.matmul %concatenate3A, %get3A_243, %dot_general3A_244 {dimension_numbers = #tpu.dot_dimension_numbers<[1], [0], [0], [1], [0, 0, 1, 1], [], []>, transpose_lhs_hint = false} : vector<256x512xf32>, vector<512x512xf32>, vector<256x512xf32> -> vector<256x512xf32>
      %get3A_246 = arith.constant 0 : index
      %get3A_247 = arith.constant 0 : index
      %get3A_248 = vector.load %arg11[%get3A_246, %get3A_247] : memref<1x512xf32, #tpu.memory_space<vmem>>, vector<1x512xf32>
      %add3A_249 = vector.broadcast %get3A_248 : vector<1x512xf32> to vector<256x512xf32>
      %add3A_250 = arith.addf %dot_general3A_245, %add3A_249 : vector<256x512xf32>
      %swap3A = arith.constant 0 : index
      %swap3A_251 = arith.constant 0 : index
      %swap3A_252 = vector.load %arg17[%swap3A, %swap3A_251] : memref<256x512xf32, #tpu.memory_space<vmem>>, vector<256x512xf32>
      tpu.vector_store %arg17[%swap3A, %swap3A_251], %add3A_250 {strides = array<i32>} : memref<256x512xf32, #tpu.memory_space<vmem>>, vector<256x512xf32>,
      %get3A_253 = arith.constant 0 : index
      %get3A_254 = arith.constant 0 : index
      %get3A_255 = vector.load %arg12[%get3A_253, %get3A_254] : memref<512x128xf32, #tpu.memory_space<vmem>>, vector<512x128xf32>
      %dot_general3A_256 = arith.constant dense<0.000000e+00> : vector<256x128xf32>
      %dot_general3A_257 = tpu.matmul %add3A_250, %get3A_255, %dot_general3A_256 {dimension_numbers = #tpu.dot_dimension_numbers<[1], [0], [0], [1], [0, 0, 1, 1], [], []>, transpose_lhs_hint = false} : vector<256x512xf32>, vector<512x128xf32>, vector<256x128xf32> -> vector<256x128xf32>
      %get3A_258 = arith.constant 0 : index
      %get3A_259 = arith.constant 0 : index
      %get3A_260 = vector.load %arg13[%get3A_258, %get3A_259] : memref<1x128xf32, #tpu.memory_space<vmem>>, vector<1x128xf32>
      %add3A_261 = vector.broadcast %get3A_260 : vector<1x128xf32> to vector<256x128xf32>
      %add3A_262 = arith.addf %dot_general3A_257, %add3A_261 : vector<256x128xf32>
      %get3A_263 = arith.constant 0 : index
      %get3A_264 = arith.constant 0 : index
      %get3A_265 = vector.load %arg14[%get3A_263, %get3A_264] : memref<512x128xf32, #tpu.memory_space<vmem>>, vector<512x128xf32>
      %dot_general3A_266 = arith.constant dense<0.000000e+00> : vector<256x128xf32>
      %dot_general3A_267 = tpu.matmul %add3A_250, %get3A_265, %dot_general3A_266 {dimension_numbers = #tpu.dot_dimension_numbers<[1], [0], [0], [1], [0, 0, 1, 1], [], []>, transpose_lhs_hint = false} : vector<256x512xf32>, vector<512x128xf32>, vector<256x128xf32> -> vector<256x128xf32>
      %get3A_268 = arith.constant 0 : index
      %get3A_269 = arith.constant 0 : index
      %get3A_270 = vector.load %arg15[%get3A_268, %get3A_269] : memref<1x128xf32, #tpu.memory_space<vmem>>, vector<1x128xf32>
      %add3A_271 = vector.broadcast %get3A_270 : vector<1x128xf32> to vector<256x128xf32>
      %add3A_272 = arith.addf %dot_general3A_267, %add3A_271 : vector<256x128xf32>
      %max3A = arith.constant 0.000000e+00 : f32
      %max3A_273 = vector.broadcast %max3A : f32 to vector<256x128xf32>
      %max3A_274 = arith.maximumf %add3A_272, %max3A_273 : vector<256x128xf32>
      %abs3A = math.absf %add3A_272 : vector<256x128xf32>
      %neg3A = arith.constant 0.000000e+00 : f32
      %neg3A_275 = vector.broadcast %neg3A : f32 to vector<256x128xf32>
      %neg3A_276 = arith.subf %neg3A_275, %abs3A : vector<256x128xf32>
      %exp3A_277 = math.exp %neg3A_276 : vector<256x128xf32>
      %log1p3A = math.log1p %exp3A_277 : vector<256x128xf32>
      %add3A_278 = arith.addf %max3A_274, %log1p3A : vector<256x128xf32>
      %get3A_279 = arith.constant 0 : index
      %get3A_280 = arith.constant 0 : index
      %get3A_281 = vector.load %arg16[%get3A_279, %get3A_280] : memref<256x128xf32, #tpu.memory_space<vmem>>, vector<256x128xf32>
      %mul3A_282 = arith.mulf %get3A_281, %add3A_278 : vector<256x128xf32>
      %add3A_283 = arith.addf %add3A_262, %mul3A_282 : vector<256x128xf32>
      %lt3A_284 = arith.constant 8 : i32
      %lt3A_285 = vector.broadcast %lt3A_284 : i32 to vector<256x128xi32>
      %lt3A_286 = arith.cmpi slt, %iota3A, %lt3A_285 : vector<256x128xi32>
      %jit3A_287 = arith.constant -1.000000e+30 : f32
      %broadcast_in_dim3A_288 = vector.broadcast %jit3A_287 : f32 to vector<256x128xf32>
      %select_n3A_289 = arith.select %lt3A_286, %add3A_283, %broadcast_in_dim3A_288 : vector<256x128xi1>, vector<256x128xf32>
      %reduce_max3A_290 = arith.constant dense<0xFF800000> : vector<256xf32>
      %reduce_max3A_291 = vector.multi_reduction <maximumf>, %select_n3A_289, %reduce_max3A_290 [1] : vector<256x128xf32> to vector<256xf32>
      %broadcast_in_dim3A_292 = vector.shape_cast %reduce_max3A_291 : vector<256xf32> to vector<256x1xf32>
      %eq3A_293 = vector.broadcast %broadcast_in_dim3A_292 : vector<256x1xf32> to vector<256x128xf32>
      %eq3A_294 = arith.cmpf oeq, %select_n3A_289, %eq3A_293 : vector<256x128xf32>
      %jit3A_295 = arith.constant 128 : i32
      %broadcast_in_dim3A_296 = vector.broadcast %jit3A_295 : i32 to vector<256x128xi32>
      %select_n3A_297 = arith.select %eq3A_294, %iota3A, %broadcast_in_dim3A_296 : vector<256x128xi1>, vector<256x128xi32>
      %reduce_min3A = arith.constant dense<2147483647> : vector<256xi32>
      %reduce_min3A_298 = vector.multi_reduction <minsi>, %select_n3A_297, %reduce_min3A [1] : vector<256x128xi32> to vector<256xi32>
      %broadcast_in_dim3A_299 = vector.shape_cast %reduce_min3A_298 : vector<256xi32> to vector<256x1xi32>
      %eq3A_300 = vector.broadcast %broadcast_in_dim3A_299 : vector<256x1xi32> to vector<256x128xi32>
      %eq3A_301 = arith.cmpi eq, %iota3A, %eq3A_300 : vector<256x128xi32>
      %jit3A_302 = arith.constant -1.000000e+30 : f32
      %broadcast_in_dim3A_303 = vector.broadcast %jit3A_302 : f32 to vector<256x128xf32>
      %select_n3A_304 = arith.select %eq3A_301, %broadcast_in_dim3A_303, %select_n3A_289 : vector<256x128xi1>, vector<256x128xf32>
      %reduce_max3A_305 = arith.constant dense<0xFF800000> : vector<256xf32>
      %reduce_max3A_306 = vector.multi_reduction <maximumf>, %select_n3A_304, %reduce_max3A_305 [1] : vector<256x128xf32> to vector<256xf32>
      %broadcast_in_dim3A_307 = vector.shape_cast %reduce_max3A_306 : vector<256xf32> to vector<256x1xf32>
      %eq3A_308 = vector.broadcast %broadcast_in_dim3A_307 : vector<256x1xf32> to vector<256x128xf32>
      %eq3A_309 = arith.cmpf oeq, %select_n3A_289, %eq3A_308 : vector<256x128xf32>
      %ne3A = vector.broadcast %broadcast_in_dim3A_299 : vector<256x1xi32> to vector<256x128xi32>
      %ne3A_310 = arith.cmpi ne, %iota3A, %ne3A : vector<256x128xi32>
      %and3A_311 = arith.andi %eq3A_309, %ne3A_310 : vector<256x128xi1>
      %jit3A_312 = arith.constant 128 : i32
      %broadcast_in_dim3A_313 = vector.broadcast %jit3A_312 : i32 to vector<256x128xi32>
      %select_n3A_314 = arith.select %and3A_311, %iota3A, %broadcast_in_dim3A_313 : vector<256x128xi1>, vector<256x128xi32>
      %reduce_min3A_315 = arith.constant dense<2147483647> : vector<256xi32>
      %reduce_min3A_316 = vector.multi_reduction <minsi>, %select_n3A_314, %reduce_min3A_315 [1] : vector<256x128xi32> to vector<256xi32>
      %broadcast_in_dim3A_317 = vector.shape_cast %reduce_min3A_316 : vector<256xi32> to vector<256x1xi32>
      %ge3A_318 = vector.broadcast %broadcast_in_dim3A_307 : vector<256x1xf32> to vector<256x128xf32>
      %ge3A_319 = arith.cmpf oge, %select_n3A_289, %ge3A_318 : vector<256x128xf32>
      %sub3A_320 = vector.broadcast %broadcast_in_dim3A_292 : vector<256x1xf32> to vector<256x128xf32>
      %sub3A_321 = arith.subf %select_n3A_289, %sub3A_320 : vector<256x128xf32>
      %exp3A_322 = math.exp %sub3A_321 : vector<256x128xf32>
      %jit3A_323 = arith.constant 0.000000e+00 : f32
      %broadcast_in_dim3A_324 = vector.broadcast %jit3A_323 : f32 to vector<256x128xf32>
      %select_n3A_325 = arith.select %ge3A_319, %exp3A_322, %broadcast_in_dim3A_324 : vector<256x128xi1>, vector<256x128xf32>
      %reduce_sum3A_326 = arith.constant dense<0.000000e+00> : vector<256xf32>
      %reduce_sum3A_327 = vector.multi_reduction <add>, %select_n3A_325, %reduce_sum3A_326 [1] : vector<256x128xf32> to vector<256xf32>
      %broadcast_in_dim3A_328 = vector.shape_cast %reduce_sum3A_327 : vector<256xf32> to vector<256x1xf32>
      %div3A_329 = arith.constant 1.000000e+00 : f32
      %div3A_330 = vector.broadcast %div3A_329 : f32 to vector<256x1xf32>
      %div3A_331 = arith.divf %div3A_330, %broadcast_in_dim3A_328 : vector<256x1xf32>
      %sub3A_332 = arith.subf %broadcast_in_dim3A_307, %broadcast_in_dim3A_292 : vector<256x1xf32>
      %exp3A_333 = math.exp %sub3A_332 : vector<256x1xf32>
      %div3A_334 = arith.divf %exp3A_333, %broadcast_in_dim3A_328 : vector<256x1xf32>
      %eq3A_335 = arith.constant 0 : i32
      %eq3A_336 = vector.broadcast %eq3A_335 : i32 to vector<256x128xi32>
      %eq3A_337 = arith.cmpi eq, %iota3A, %eq3A_336 : vector<256x128xi32>
      %convert_element_type3A_338 = arith.sitofp %broadcast_in_dim3A_299 : vector<256x1xi32> to vector<256x1xf32>
      %jit3A_339 = arith.constant 0.000000e+00 : f32
      %broadcast_in_dim3A_340 = vector.shape_cast %convert_element_type3A_338 : vector<256x1xf32> to vector<256x1xf32>
      %broadcast_in_dim3A_341 = vector.broadcast %broadcast_in_dim3A_340 : vector<256x1xf32> to vector<256x128xf32>
      %broadcast_in_dim3A_342 = vector.broadcast %jit3A_339 : f32 to vector<256x128xf32>
      %select_n3A_343 = arith.select %eq3A_337, %broadcast_in_dim3A_341, %broadcast_in_dim3A_342 : vector<256x128xi1>, vector<256x128xf32>
      %eq3A_344 = arith.constant 1 : i32
      %eq3A_345 = vector.broadcast %eq3A_344 : i32 to vector<256x128xi32>
      %eq3A_346 = arith.cmpi eq, %iota3A, %eq3A_345 : vector<256x128xi32>
      %convert_element_type3A_347 = arith.sitofp %broadcast_in_dim3A_317 : vector<256x1xi32> to vector<256x1xf32>
      %jit3A_348 = arith.constant 0.000000e+00 : f32
      %broadcast_in_dim3A_349 = vector.shape_cast %convert_element_type3A_347 : vector<256x1xf32> to vector<256x1xf32>
      %broadcast_in_dim3A_350 = vector.broadcast %broadcast_in_dim3A_349 : vector<256x1xf32> to vector<256x128xf32>
      %broadcast_in_dim3A_351 = vector.broadcast %jit3A_348 : f32 to vector<256x128xf32>
      %select_n3A_352 = arith.select %eq3A_346, %broadcast_in_dim3A_350, %broadcast_in_dim3A_351 : vector<256x128xi1>, vector<256x128xf32>
      %add3A_353 = arith.addf %select_n3A_343, %select_n3A_352 : vector<256x128xf32>
      %eq3A_354 = arith.constant 2 : i32
      %eq3A_355 = vector.broadcast %eq3A_354 : i32 to vector<256x128xi32>
      %eq3A_356 = arith.cmpi eq, %iota3A, %eq3A_355 : vector<256x128xi32>
      %jit3A_357 = arith.constant 0.000000e+00 : f32
      %broadcast_in_dim3A_358 = vector.shape_cast %div3A_331 : vector<256x1xf32> to vector<256x1xf32>
      %broadcast_in_dim3A_359 = vector.broadcast %broadcast_in_dim3A_358 : vector<256x1xf32> to vector<256x128xf32>
      %broadcast_in_dim3A_360 = vector.broadcast %jit3A_357 : f32 to vector<256x128xf32>
      %select_n3A_361 = arith.select %eq3A_356, %broadcast_in_dim3A_359, %broadcast_in_dim3A_360 : vector<256x128xi1>, vector<256x128xf32>
      %add3A_362 = arith.addf %add3A_353, %select_n3A_361 : vector<256x128xf32>
      %eq3A_363 = arith.constant 3 : i32
      %eq3A_364 = vector.broadcast %eq3A_363 : i32 to vector<256x128xi32>
      %eq3A_365 = arith.cmpi eq, %iota3A, %eq3A_364 : vector<256x128xi32>
      %jit3A_366 = arith.constant 0.000000e+00 : f32
      %broadcast_in_dim3A_367 = vector.shape_cast %div3A_334 : vector<256x1xf32> to vector<256x1xf32>
      %broadcast_in_dim3A_368 = vector.broadcast %broadcast_in_dim3A_367 : vector<256x1xf32> to vector<256x128xf32>
      %broadcast_in_dim3A_369 = vector.broadcast %jit3A_366 : f32 to vector<256x128xf32>
      %select_n3A_370 = arith.select %eq3A_365, %broadcast_in_dim3A_368, %broadcast_in_dim3A_369 : vector<256x128xi1>, vector<256x128xf32>
      %add3A_371 = arith.addf %add3A_362, %select_n3A_370 : vector<256x128xf32>
      %swap3A_372 = arith.constant 0 : index
      %swap3A_373 = arith.constant 0 : index
      %swap3A_374 = vector.load %arg18[%swap3A_372, %swap3A_373] : memref<256x128xf32, #tpu.memory_space<vmem>>, vector<256x128xf32>
      tpu.vector_store %arg18[%swap3A_372, %swap3A_373], %add3A_371 {strides = array<i32>} : memref<256x128xf32, #tpu.memory_space<vmem>>, vector<256x128xf32>,
      %mul3A_375 = arith.constant 256 : i32
      %mul3A_376 = arith.muli %arg0, %mul3A_375 : i32
      %swap3A_377 = arith.index_cast %mul3A_376 : i32 to index
      %swap3A_378 = arith.constant 0 : index
      %swap3A_379 = vector.load %arg23[%swap3A_377, %swap3A_378] : memref<2048x128xf32, #tpu.memory_space<vmem>>, vector<256x128xf32>
      tpu.vector_store %arg23[%swap3A_377, %swap3A_378], %add3A_371 {strides = array<i32>} : memref<2048x128xf32, #tpu.memory_space<vmem>>, vector<256x128xf32>,
      %convert_element_type3A_380 = arith.sitofp %broadcast_in_dim3A_299 : vector<256x1xi32> to vector<256x1xf32>
      %eq3A_381 = vector.broadcast %convert_element_type3A_380 : vector<256x1xf32> to vector<256x128xf32>
      %eq3A_382 = arith.cmpf oeq, %convert_element_type3A, %eq3A_381 : vector<256x128xf32>
      %jit3A_383 = arith.constant 1.000000e+00 : f32
      %jit3A_384 = arith.constant 0.000000e+00 : f32
      %broadcast_in_dim3A_385 = vector.broadcast %jit3A_383 : f32 to vector<256x128xf32>
      %broadcast_in_dim3A_386 = vector.broadcast %jit3A_384 : f32 to vector<256x128xf32>
      %select_n3A_387 = arith.select %eq3A_382, %broadcast_in_dim3A_385, %broadcast_in_dim3A_386 : vector<256x128xi1>, vector<256x128xf32>
      %convert_element_type3A_388 = arith.sitofp %broadcast_in_dim3A_317 : vector<256x1xi32> to vector<256x1xf32>
      %eq3A_389 = vector.broadcast %convert_element_type3A_388 : vector<256x1xf32> to vector<256x128xf32>
      %eq3A_390 = arith.cmpf oeq, %convert_element_type3A, %eq3A_389 : vector<256x128xf32>
      %jit3A_391 = arith.constant 1.000000e+00 : f32
      %jit3A_392 = arith.constant 0.000000e+00 : f32
      %broadcast_in_dim3A_393 = vector.broadcast %jit3A_391 : f32 to vector<256x128xf32>
      %broadcast_in_dim3A_394 = vector.broadcast %jit3A_392 : f32 to vector<256x128xf32>
      %select_n3A_395 = arith.select %eq3A_390, %broadcast_in_dim3A_393, %broadcast_in_dim3A_394 : vector<256x128xi1>, vector<256x128xf32>
      %eq3A_396 = arith.constant 0 : i32
      %eq3A_397 = arith.cmpi eq, %arg0, %eq3A_396 : i32
      %convert_element_type3A_398 = arith.extui %eq3A_397 : i1 to i32
      %cond3A_399 = arith.constant 0 : i32
      %cond3A_400 = arith.cmpi ne, %convert_element_type3A_398, %cond3A_399 : i32
      scf.if %cond3A_400 {
        %broadcast_in_dim3A_421 = arith.constant 0.000000e+00 : f32
        %broadcast_in_dim3A_422 = vector.broadcast %broadcast_in_dim3A_421 : f32 to vector<1x128xf32>
        %swap3A_423 = arith.constant 0 : index
        %swap3A_424 = arith.constant 0 : index
        %swap3A_425 = vector.load %arg24[%swap3A_423, %swap3A_424] : memref<1x128xf32, #tpu.memory_space<vmem>>, vector<1x128xf32>
        tpu.vector_store %arg24[%swap3A_423, %swap3A_424], %broadcast_in_dim3A_422 {strides = array<i32>} : memref<1x128xf32, #tpu.memory_space<vmem>>, vector<1x128xf32>,
      } else {
      }
      %get3A_401 = arith.constant 0 : index
      %get3A_402 = arith.constant 0 : index
      %get3A_403 = vector.load %arg24[%get3A_401, %get3A_402] : memref<1x128xf32, #tpu.memory_space<vmem>>, vector<1x128xf32>
      %swap3A_404 = arith.index_cast %arg0 : i32 to index
      %swap3A_405 = arith.constant 0 : index
      %swap3A_406 = vector.load %arg25[%swap3A_404, %swap3A_405] : memref<8x128xf32, #tpu.memory_space<vmem>>, vector<1x128xf32>
      tpu.vector_store %arg25[%swap3A_404, %swap3A_405], %get3A_403 {strides = array<i32>} : memref<8x128xf32, #tpu.memory_space<vmem>>, vector<1x128xf32>,
      %get3A_407 = arith.constant 0 : index
      %get3A_408 = arith.constant 0 : index
      %get3A_409 = vector.load %arg24[%get3A_407, %get3A_408] : memref<1x128xf32, #tpu.memory_space<vmem>>, vector<1x128xf32>
      %reduce_sum3A_410 = arith.constant dense<0.000000e+00> : vector<128xf32>
      %reduce_sum3A_411 = vector.multi_reduction <add>, %select_n3A_387, %reduce_sum3A_410 [0] : vector<256x128xf32> to vector<128xf32>
      %broadcast_in_dim3A_412 = vector.shape_cast %reduce_sum3A_411 : vector<128xf32> to vector<1x128xf32>
      %reduce_sum3A_413 = arith.constant dense<0.000000e+00> : vector<128xf32>
      %reduce_sum3A_414 = vector.multi_reduction <add>, %select_n3A_395, %reduce_sum3A_413 [0] : vector<256x128xf32> to vector<128xf32>
      %broadcast_in_dim3A_415 = vector.shape_cast %reduce_sum3A_414 : vector<128xf32> to vector<1x128xf32>
      %add3A_416 = arith.addf %broadcast_in_dim3A_412, %broadcast_in_dim3A_415 : vector<1x128xf32>
      %add3A_417 = arith.addf %get3A_409, %add3A_416 : vector<1x128xf32>
      %swap3A_418 = arith.constant 0 : index
      %swap3A_419 = arith.constant 0 : index
      %swap3A_420 = vector.load %arg24[%swap3A_418, %swap3A_419] : memref<1x128xf32, #tpu.memory_space<vmem>>, vector<1x128xf32>
      tpu.vector_store %arg24[%swap3A_418, %swap3A_419], %add3A_417 {strides = array<i32>} : memref<1x128xf32, #tpu.memory_space<vmem>>, vector<1x128xf32>,
    } else {
    }
    %eq3A = arith.constant 8 : i32
    %eq3A_3 = arith.cmpi eq, %arg0, %eq3A : i32
    %convert_element_type3A_4 = arith.extui %eq3A_3 : i1 to i32
    %cond3A_5 = arith.constant 0 : i32
    %cond3A_6 = arith.cmpi ne, %convert_element_type3A_4, %cond3A_5 : i32
    scf.if %cond3A_6 {
      %get3A = arith.constant 0 : index
      %get3A_18 = arith.constant 0 : index
      %get3A_19 = vector.load %arg24[%get3A, %get3A_18] : memref<1x128xf32, #tpu.memory_space<vmem>>, vector<1x128xf32>
      %div3A = arith.constant 2.560000e+02 : f32
      %div3A_20 = vector.broadcast %div3A : f32 to vector<1x128xf32>
      %div3A_21 = arith.divf %get3A_19, %div3A_20 : vector<1x128xf32>
      %ceil3A = math.ceil %div3A_21 : vector<1x128xf32>
      %iota3A_22 = tpu.iota {dimensions = array<i32: 0>} : vector<128x128xi32>
      %iota3A_23 = tpu.iota {dimensions = array<i32: 1>} : vector<128x128xi32>
      %le3A = arith.cmpi sle, %iota3A_22, %iota3A_23 : vector<128x128xi32>
      %jit3A = arith.constant 1.000000e+00 : f32
      %jit3A_24 = arith.constant 0.000000e+00 : f32
      %broadcast_in_dim3A = vector.broadcast %jit3A : f32 to vector<128x128xf32>
      %broadcast_in_dim3A_25 = vector.broadcast %jit3A_24 : f32 to vector<128x128xf32>
      %select_n3A = arith.select %le3A, %broadcast_in_dim3A, %broadcast_in_dim3A_25 : vector<128x128xi1>, vector<128x128xf32>
      %lt3A_26 = arith.cmpi slt, %iota3A_22, %iota3A_23 : vector<128x128xi32>
      %jit3A_27 = arith.constant 1.000000e+00 : f32
      %jit3A_28 = arith.constant 0.000000e+00 : f32
      %broadcast_in_dim3A_29 = vector.broadcast %jit3A_27 : f32 to vector<128x128xf32>
      %broadcast_in_dim3A_30 = vector.broadcast %jit3A_28 : f32 to vector<128x128xf32>
      %select_n3A_31 = arith.select %lt3A_26, %broadcast_in_dim3A_29, %broadcast_in_dim3A_30 : vector<128x128xi1>, vector<128x128xf32>
      %dot_general3A = arith.constant dense<0.000000e+00> : vector<1x128xf32>
      %dot_general3A_32 = tpu.matmul %ceil3A, %select_n3A, %dot_general3A {dimension_numbers = #tpu.dot_dimension_numbers<[1], [0], [0], [1], [0, 0, 1, 1], [], []>, transpose_lhs_hint = false} : vector<1x128xf32>, vector<128x128xf32>, vector<1x128xf32> -> vector<1x128xf32>
      %mul3A = arith.constant 2.560000e+02 : f32
      %mul3A_33 = vector.broadcast %mul3A : f32 to vector<1x128xf32>
      %mul3A_34 = arith.mulf %ceil3A, %mul3A_33 : vector<1x128xf32>
      %dot_general3A_35 = arith.constant dense<0.000000e+00> : vector<1x128xf32>
      %dot_general3A_36 = tpu.matmul %mul3A_34, %select_n3A_31, %dot_general3A_35 {dimension_numbers = #tpu.dot_dimension_numbers<[1], [0], [0], [1], [0, 0, 1, 1], [], []>, transpose_lhs_hint = false} : vector<1x128xf32>, vector<128x128xf32>, vector<1x128xf32> -> vector<1x128xf32>
      %swap3A = arith.constant 0 : index
      %swap3A_37 = arith.constant 0 : index
      %swap3A_38 = vector.load %arg26[%swap3A, %swap3A_37] : memref<1x128xf32, #tpu.memory_space<vmem>>, vector<1x128xf32>
      tpu.vector_store %arg26[%swap3A, %swap3A_37], %dot_general3A_36 {strides = array<i32>} : memref<1x128xf32, #tpu.memory_space<vmem>>, vector<1x128xf32>,
      %lt3A_39 = arith.constant 8 : i32
      %lt3A_40 = vector.broadcast %lt3A_39 : i32 to vector<128x128xi32>
      %lt3A_41 = arith.cmpi slt, %iota3A_23, %lt3A_40 : vector<128x128xi32>
      %convert_element_type3A_42 = arith.sitofp %iota3A_22 : vector<128x128xi32> to vector<128x128xf32>
      %broadcast_in_dim3A_43 = vector.shape_cast %dot_general3A_32 : vector<1x128xf32> to vector<1x128xf32>
      %broadcast_in_dim3A_44 = vector.broadcast %broadcast_in_dim3A_43 : vector<1x128xf32> to vector<128x128xf32>
      %ge3A_45 = arith.cmpf oge, %convert_element_type3A_42, %broadcast_in_dim3A_44 : vector<128x128xf32>
      %and3A_46 = arith.andi %lt3A_41, %ge3A_45 : vector<128x128xi1>
      %jit3A_47 = arith.constant 1.000000e+00 : f32
      %jit3A_48 = arith.constant 0.000000e+00 : f32
      %broadcast_in_dim3A_49 = vector.broadcast %jit3A_47 : f32 to vector<128x128xf32>
      %broadcast_in_dim3A_50 = vector.broadcast %jit3A_48 : f32 to vector<128x128xf32>
      %select_n3A_51 = arith.select %and3A_46, %broadcast_in_dim3A_49, %broadcast_in_dim3A_50 : vector<128x128xi1>, vector<128x128xf32>
      %reduce_sum3A = arith.constant dense<0.000000e+00> : vector<128xf32>
      %reduce_sum3A_52 = vector.multi_reduction <add>, %select_n3A_51, %reduce_sum3A [1] : vector<128x128xf32> to vector<128xf32>
      %broadcast_in_dim3A_53 = vector.shape_cast %reduce_sum3A_52 : vector<128xf32> to vector<128x1xf32>
      %min3A = arith.constant 7.000000e+00 : f32
      %min3A_54 = vector.broadcast %min3A : f32 to vector<128x1xf32>
      %min3A_55 = arith.minimumf %broadcast_in_dim3A_53, %min3A_54 : vector<128x1xf32>
      %slice3A = vector.extract_strided_slice %iota3A_23 {offsets = [0, 0], sizes = [1, 128], strides = [1, 1]} : vector<128x128xi32> to vector<1x128xi32>
      %eq3A_56 = arith.constant 7 : i32
      %eq3A_57 = vector.broadcast %eq3A_56 : i32 to vector<1x128xi32>
      %eq3A_58 = arith.cmpi eq, %slice3A, %eq3A_57 : vector<1x128xi32>
      %jit3A_59 = arith.constant 0.000000e+00 : f32
      %broadcast_in_dim3A_60 = vector.broadcast %jit3A_59 : f32 to vector<1x128xf32>
      %select_n3A_61 = arith.select %eq3A_58, %dot_general3A_32, %broadcast_in_dim3A_60 : vector<1x128xi1>, vector<1x128xf32>
      %reduce_sum3A_62 = arith.constant dense<0.000000e+00> : vector<1xf32>
      %reduce_sum3A_63 = vector.multi_reduction <add>, %select_n3A_61, %reduce_sum3A_62 [1] : vector<1x128xf32> to vector<1xf32>
      %broadcast_in_dim3A_64 = vector.shape_cast %reduce_sum3A_63 : vector<1xf32> to vector<1x1xf32>
      %iota3A_65 = tpu.iota {dimensions = array<i32: 0>} : vector<128x1xi32>
      %eq3A_66 = arith.constant 24 : i32
      %eq3A_67 = vector.broadcast %eq3A_66 : i32 to vector<128x1xi32>
      %eq3A_68 = arith.cmpi eq, %iota3A_65, %eq3A_67 : vector<128x1xi32>
      %broadcast_in_dim3A_69 = vector.shape_cast %broadcast_in_dim3A_64 : vector<1x1xf32> to vector<1x1xf32>
      %broadcast_in_dim3A_70 = vector.broadcast %broadcast_in_dim3A_69 : vector<1x1xf32> to vector<128x1xf32>
      %select_n3A_71 = arith.select %eq3A_68, %broadcast_in_dim3A_70, %min3A_55 : vector<128x1xi1>, vector<128x1xf32>
      %convert_element_type3A_72 = arith.fptosi %select_n3A_71 : vector<128x1xf32> to vector<128x1xi32>
      %swap3A_73 = arith.constant 0 : index
      %swap3A_74 = arith.constant 0 : index
      %swap3A_75 = vector.load %arg21[%swap3A_73, %swap3A_74] : memref<128x1xi32, #tpu.memory_space<vmem>>, vector<128x1xi32>
      tpu.vector_store %arg21[%swap3A_73, %swap3A_74], %convert_element_type3A_72 {strides = array<i32>} : memref<128x1xi32, #tpu.memory_space<vmem>>, vector<128x1xi32>,
    } else {
    }
    %ge3A = arith.constant 8 : i32
    %ge3A_7 = arith.cmpi sge, %arg0, %ge3A : i32
    %lt3A_8 = arith.constant 16 : i32
    %lt3A_9 = arith.cmpi slt, %arg0, %lt3A_8 : i32
    %and3A = arith.andi %ge3A_7, %lt3A_9 : i1
    %convert_element_type3A_10 = arith.extui %and3A : i1 to i32
    %cond3A_11 = arith.constant 0 : i32
    %cond3A_12 = arith.cmpi ne, %convert_element_type3A_10, %cond3A_11 : i32
    scf.if %cond3A_12 {
      %sub3A = arith.constant 8 : i32
      %sub3A_18 = arith.subi %arg0, %sub3A : i32
      %mul3A = arith.constant 256 : i32
      %mul3A_19 = arith.muli %sub3A_18, %mul3A : i32
      %get3A = arith.index_cast %mul3A_19 : i32 to index
      %get3A_20 = arith.constant 0 : index
      %get3A_21 = vector.load %arg23[%get3A, %get3A_20] : memref<2048x128xf32, #tpu.memory_space<vmem>>, vector<256x128xf32>
      %slice3A = vector.extract_strided_slice %get3A_21 {offsets = [0, 0], sizes = [256, 1], strides = [1, 1]} : vector<256x128xf32> to vector<256x1xf32>
      %eq3A_22 = vector.broadcast %slice3A : vector<256x1xf32> to vector<256x128xf32>
      %eq3A_23 = arith.cmpf oeq, %convert_element_type3A, %eq3A_22 : vector<256x128xf32>
      %jit3A = arith.constant 1.000000e+00 : f32
      %jit3A_24 = arith.constant 0.000000e+00 : f32
      %broadcast_in_dim3A = vector.broadcast %jit3A : f32 to vector<256x128xf32>
      %broadcast_in_dim3A_25 = vector.broadcast %jit3A_24 : f32 to vector<256x128xf32>
      %select_n3A = arith.select %eq3A_23, %broadcast_in_dim3A, %broadcast_in_dim3A_25 : vector<256x128xi1>, vector<256x128xf32>
      %slice3A_26 = vector.extract_strided_slice %get3A_21 {offsets = [0, 1], sizes = [256, 1], strides = [1, 1]} : vector<256x128xf32> to vector<256x1xf32>
      %eq3A_27 = vector.broadcast %slice3A_26 : vector<256x1xf32> to vector<256x128xf32>
      %eq3A_28 = arith.cmpf oeq, %convert_element_type3A, %eq3A_27 : vector<256x128xf32>
      %jit3A_29 = arith.constant 1.000000e+00 : f32
      %jit3A_30 = arith.constant 0.000000e+00 : f32
      %broadcast_in_dim3A_31 = vector.broadcast %jit3A_29 : f32 to vector<256x128xf32>
      %broadcast_in_dim3A_32 = vector.broadcast %jit3A_30 : f32 to vector<256x128xf32>
      %select_n3A_33 = arith.select %eq3A_28, %broadcast_in_dim3A_31, %broadcast_in_dim3A_32 : vector<256x128xi1>, vector<256x128xf32>
      %get3A_34 = arith.index_cast %sub3A_18 : i32 to index
      %get3A_35 = arith.constant 0 : index
      %get3A_36 = vector.load %arg25[%get3A_34, %get3A_35] : memref<8x128xf32, #tpu.memory_space<vmem>>, vector<1x128xf32>
      %iota3A_37 = tpu.iota {dimensions = array<i32: 0>} : vector<256x256xi32>
      %iota3A_38 = tpu.iota {dimensions = array<i32: 1>} : vector<256x256xi32>
      %ge3A_39 = arith.cmpi sge, %iota3A_37, %iota3A_38 : vector<256x256xi32>
      %jit3A_40 = arith.constant 1.000000e+00 : f32
      %jit3A_41 = arith.constant 0.000000e+00 : f32
      %broadcast_in_dim3A_42 = vector.broadcast %jit3A_40 : f32 to vector<256x256xf32>
      %broadcast_in_dim3A_43 = vector.broadcast %jit3A_41 : f32 to vector<256x256xf32>
      %select_n3A_44 = arith.select %ge3A_39, %broadcast_in_dim3A_42, %broadcast_in_dim3A_43 : vector<256x256xi1>, vector<256x256xf32>
      %dot_general3A = arith.constant dense<0.000000e+00> : vector<256x128xf32>
      %dot_general3A_45 = tpu.matmul %select_n3A_44, %select_n3A, %dot_general3A {dimension_numbers = #tpu.dot_dimension_numbers<[1], [0], [0], [1], [0, 0, 1, 1], [], []>, transpose_lhs_hint = false} : vector<256x256xf32>, vector<256x128xf32>, vector<256x128xf32> -> vector<256x128xf32>
      %sub3A_46 = arith.subf %dot_general3A_45, %select_n3A : vector<256x128xf32>
      %reduce_sum3A = arith.constant dense<0.000000e+00> : vector<128xf32>
      %reduce_sum3A_47 = vector.multi_reduction <add>, %select_n3A, %reduce_sum3A [0] : vector<256x128xf32> to vector<128xf32>
      %broadcast_in_dim3A_48 = vector.shape_cast %reduce_sum3A_47 : vector<128xf32> to vector<1x128xf32>
      %dot_general3A_49 = arith.constant dense<0.000000e+00> : vector<256x128xf32>
      %dot_general3A_50 = tpu.matmul %select_n3A_44, %select_n3A_33, %dot_general3A_49 {dimension_numbers = #tpu.dot_dimension_numbers<[1], [0], [0], [1], [0, 0, 1, 1], [], []>, transpose_lhs_hint = false} : vector<256x256xf32>, vector<256x128xf32>, vector<256x128xf32> -> vector<256x128xf32>
      %sub3A_51 = arith.subf %dot_general3A_50, %select_n3A_33 : vector<256x128xf32>
      %add3A = vector.broadcast %broadcast_in_dim3A_48 : vector<1x128xf32> to vector<256x128xf32>
      %add3A_52 = arith.addf %sub3A_51, %add3A : vector<256x128xf32>
      %get3A_53 = arith.constant 0 : index
      %get3A_54 = arith.constant 0 : index
      %get3A_55 = vector.load %arg26[%get3A_53, %get3A_54] : memref<1x128xf32, #tpu.memory_space<vmem>>, vector<1x128xf32>
      %add3A_56 = arith.addf %get3A_55, %get3A_36 : vector<1x128xf32>
      %add3A_57 = vector.broadcast %add3A_56 : vector<1x128xf32> to vector<256x128xf32>
      %add3A_58 = arith.addf %add3A_57, %sub3A_46 : vector<256x128xf32>
      %mul3A_59 = arith.mulf %select_n3A, %add3A_58 : vector<256x128xf32>
      %reduce_sum3A_60 = arith.constant dense<0.000000e+00> : vector<256xf32>
      %reduce_sum3A_61 = vector.multi_reduction <add>, %mul3A_59, %reduce_sum3A_60 [1] : vector<256x128xf32> to vector<256xf32>
      %broadcast_in_dim3A_62 = vector.shape_cast %reduce_sum3A_61 : vector<256xf32> to vector<256x1xf32>
      %add3A_63 = vector.broadcast %add3A_56 : vector<1x128xf32> to vector<256x128xf32>
      %add3A_64 = arith.addf %add3A_63, %add3A_52 : vector<256x128xf32>
      %mul3A_65 = arith.mulf %select_n3A_33, %add3A_64 : vector<256x128xf32>
      %reduce_sum3A_66 = arith.constant dense<0.000000e+00> : vector<256xf32>
      %reduce_sum3A_67 = vector.multi_reduction <add>, %mul3A_65, %reduce_sum3A_66 [1] : vector<256x128xf32> to vector<256xf32>
      %broadcast_in_dim3A_68 = vector.shape_cast %reduce_sum3A_67 : vector<256xf32> to vector<256x1xf32>
      %convert_element_type3A_69 = arith.fptosi %broadcast_in_dim3A_62 : vector<256x1xf32> to vector<256x1xi32>
      %swap3A = arith.constant 0 : index
      %swap3A_70 = arith.constant 0 : index
      %swap3A_71 = vector.load %arg19[%swap3A, %swap3A_70] : memref<256x1xi32, #tpu.memory_space<vmem>>, vector<256x1xi32>
      tpu.vector_store %arg19[%swap3A, %swap3A_70], %convert_element_type3A_69 {strides = array<i32>} : memref<256x1xi32, #tpu.memory_space<vmem>>, vector<256x1xi32>,
      %convert_element_type3A_72 = arith.fptosi %broadcast_in_dim3A_68 : vector<256x1xf32> to vector<256x1xi32>
      %swap3A_73 = arith.constant 0 : index
      %swap3A_74 = arith.constant 0 : index
      %swap3A_75 = vector.load %arg20[%swap3A_73, %swap3A_74] : memref<256x1xi32, #tpu.memory_space<vmem>>, vector<256x1xi32>
      tpu.vector_store %arg20[%swap3A_73, %swap3A_74], %convert_element_type3A_72 {strides = array<i32>} : memref<256x1xi32, #tpu.memory_space<vmem>>, vector<256x1xi32>,
      %mul3A_76 = arith.constant 256 : i32
      %mul3A_77 = arith.muli %sub3A_18, %mul3A_76 : i32
      %swap3A_78 = arith.index_cast %mul3A_77 : i32 to index
      %swap3A_79 = arith.constant 0 : index
      %swap3A_80 = vector.load %arg27[%swap3A_78, %swap3A_79] : memref<2048x1xf32, #tpu.memory_space<vmem>>, vector<256x1xf32>
      tpu.vector_store %arg27[%swap3A_78, %swap3A_79], %broadcast_in_dim3A_62 {strides = array<i32>} : memref<2048x1xf32, #tpu.memory_space<vmem>>, vector<256x1xf32>,
      %mul3A_81 = arith.constant 256 : i32
      %mul3A_82 = arith.muli %sub3A_18, %mul3A_81 : i32
      %swap3A_83 = arith.index_cast %mul3A_82 : i32 to index
      %swap3A_84 = arith.constant 0 : index
      %swap3A_85 = vector.load %arg28[%swap3A_83, %swap3A_84] : memref<2048x1xf32, #tpu.memory_space<vmem>>, vector<256x1xf32>
      tpu.vector_store %arg28[%swap3A_83, %swap3A_84], %broadcast_in_dim3A_68 {strides = array<i32>} : memref<2048x1xf32, #tpu.memory_space<vmem>>, vector<256x1xf32>,
    } else {
    }
    %ge3A_13 = arith.constant 16 : i32
    %ge3A_14 = arith.cmpi sge, %arg0, %ge3A_13 : i32
    %convert_element_type3A_15 = arith.extui %ge3A_14 : i1 to i32
    %cond3A_16 = arith.constant 0 : i32
    %cond3A_17 = arith.cmpi ne, %convert_element_type3A_15, %cond3A_16 : i32
    scf.if %cond3A_17 {
      %sub3A = arith.constant 16 : i32
      %sub3A_18 = arith.subi %arg0, %sub3A : i32
      %mul3A = arith.constant 256 : i32
      %mul3A_19 = arith.muli %sub3A_18, %mul3A : i32
      %convert_element_type3A_20 = arith.sitofp %mul3A_19 : i32 to f32
      %iota3A_21 = tpu.iota {dimensions = array<i32: 1>} : vector<1x256xi32>
      %convert_element_type3A_22 = arith.sitofp %iota3A_21 : vector<1x256xi32> to vector<1x256xf32>
      %add3A = vector.broadcast %convert_element_type3A_20 : f32 to vector<1x256xf32>
      %add3A_23 = arith.addf %add3A, %convert_element_type3A_22 : vector<1x256xf32>
      %iota3A_24 = tpu.iota {dimensions = array<i32: 0>} : vector<2048x1xi32>
      %convert_element_type3A_25 = arith.sitofp %iota3A_24 : vector<2048x1xi32> to vector<2048x1xf32>
      %get3A = arith.constant 0 : index
      %get3A_26 = arith.constant 0 : index
      %get3A_27 = vector.load %arg27[%get3A, %get3A_26] : memref<2048x1xf32, #tpu.memory_space<vmem>>, vector<2048x1xf32>
      %eq3A_28 = vector.broadcast %get3A_27 : vector<2048x1xf32> to vector<2048x256xf32>
      %eq3A_29 = vector.broadcast %add3A_23 : vector<1x256xf32> to vector<2048x256xf32>
      %eq3A_30 = arith.cmpf oeq, %eq3A_28, %eq3A_29 : vector<2048x256xf32>
      %get3A_31 = arith.constant 0 : index
      %get3A_32 = arith.constant 0 : index
      %get3A_33 = vector.load %arg28[%get3A_31, %get3A_32] : memref<2048x1xf32, #tpu.memory_space<vmem>>, vector<2048x1xf32>
      %eq3A_34 = vector.broadcast %get3A_33 : vector<2048x1xf32> to vector<2048x256xf32>
      %eq3A_35 = vector.broadcast %add3A_23 : vector<1x256xf32> to vector<2048x256xf32>
      %eq3A_36 = arith.cmpf oeq, %eq3A_34, %eq3A_35 : vector<2048x256xf32>
      %or3A = arith.ori %eq3A_30, %eq3A_36 : vector<2048x256xi1>
      %jit3A = arith.constant 0.000000e+00 : f32
      %broadcast_in_dim3A = vector.shape_cast %convert_element_type3A_25 : vector<2048x1xf32> to vector<2048x1xf32>
      %broadcast_in_dim3A_37 = vector.broadcast %broadcast_in_dim3A : vector<2048x1xf32> to vector<2048x256xf32>
      %broadcast_in_dim3A_38 = vector.broadcast %jit3A : f32 to vector<2048x256xf32>
      %select_n3A = arith.select %or3A, %broadcast_in_dim3A_37, %broadcast_in_dim3A_38 : vector<2048x256xi1>, vector<2048x256xf32>
      %reduce_sum3A = arith.constant dense<0.000000e+00> : vector<256xf32>
      %reduce_sum3A_39 = vector.multi_reduction <add>, %select_n3A, %reduce_sum3A [0] : vector<2048x256xf32> to vector<256xf32>
      %broadcast_in_dim3A_40 = vector.shape_cast %reduce_sum3A_39 : vector<256xf32> to vector<1x256xf32>
      %convert_element_type3A_41 = arith.fptosi %broadcast_in_dim3A_40 : vector<1x256xf32> to vector<1x256xi32>
      %swap3A = arith.index_cast %sub3A_18 : i32 to index
      %swap3A_42 = arith.constant 0 : index
      %swap3A_43 = vector.load %arg22[%swap3A, %swap3A_42] : memref<24x256xi32, #tpu.memory_space<vmem>>, vector<1x256xi32>
      tpu.vector_store %arg22[%swap3A, %swap3A_42], %convert_element_type3A_41 {strides = array<i32>} : memref<24x256xi32, #tpu.memory_space<vmem>>, vector<1x256xi32>,
    } else {
    }
    return
  }
  func.func @transform_0(%arg0: i32) -> (i32, i32) {
    %min3A = arith.constant 7 : i32
    %min3A_0 = arith.minsi %arg0, %min3A : i32
    %c0_i32 = arith.constant 0 : i32
    %c0_i32_1 = arith.constant 0 : i32
    return %min3A_0, %c0_i32 : i32, i32
  }
  func.func @transform_1(%arg0: i32) -> (i32, i32) {
    %c0_i32 = arith.constant 0 : i32
    %c0_i32_0 = arith.constant 0 : i32
    %c0_i32_1 = arith.constant 0 : i32
    return %c0_i32, %c0_i32_0 : i32, i32
  }
  func.func @transform_2(%arg0: i32) -> (i32, i32) {
    %c0_i32 = arith.constant 0 : i32
    %c0_i32_0 = arith.constant 0 : i32
    %c0_i32_1 = arith.constant 0 : i32
    return %c0_i32, %c0_i32_0 : i32, i32
  }
  func.func @transform_3(%arg0: i32) -> (i32, i32) {
    %c0_i32 = arith.constant 0 : i32
    %c0_i32_0 = arith.constant 0 : i32
    %c0_i32_1 = arith.constant 0 : i32
    return %c0_i32, %c0_i32_0 : i32, i32
  }
  func.func @transform_4(%arg0: i32) -> (i32, i32) {
    %c0_i32 = arith.constant 0 : i32
    %c0_i32_0 = arith.constant 0 : i32
    %c0_i32_1 = arith.constant 0 : i32
    return %c0_i32, %c0_i32_0 : i32, i32
  }
  func.func @transform_5(%arg0: i32) -> (i32, i32) {
    %c0_i32 = arith.constant 0 : i32
    %c0_i32_0 = arith.constant 0 : i32
    %c0_i32_1 = arith.constant 0 : i32
    return %c0_i32, %c0_i32_0 : i32, i32
  }
  func.func @transform_6(%arg0: i32) -> (i32, i32) {
    %c0_i32 = arith.constant 0 : i32
    %c0_i32_0 = arith.constant 0 : i32
    %c0_i32_1 = arith.constant 0 : i32
    return %c0_i32, %c0_i32_0 : i32, i32
  }
  func.func @transform_7(%arg0: i32) -> (i32, i32) {
    %c0_i32 = arith.constant 0 : i32
    %c0_i32_0 = arith.constant 0 : i32
    %c0_i32_1 = arith.constant 0 : i32
    return %c0_i32, %c0_i32_0 : i32, i32
  }
  func.func @transform_8(%arg0: i32) -> (i32, i32) {
    %c0_i32 = arith.constant 0 : i32
    %c0_i32_0 = arith.constant 0 : i32
    %c0_i32_1 = arith.constant 0 : i32
    return %c0_i32, %c0_i32_0 : i32, i32
  }
  func.func @transform_9(%arg0: i32) -> (i32, i32) {
    %c0_i32 = arith.constant 0 : i32
    %c0_i32_0 = arith.constant 0 : i32
    %c0_i32_1 = arith.constant 0 : i32
    return %c0_i32, %c0_i32_0 : i32, i32
  }
  func.func @transform_10(%arg0: i32) -> (i32, i32) {
    %c0_i32 = arith.constant 0 : i32
    %c0_i32_0 = arith.constant 0 : i32
    %c0_i32_1 = arith.constant 0 : i32
    return %c0_i32, %c0_i32_0 : i32, i32
  }
  func.func @transform_11(%arg0: i32) -> (i32, i32) {
    %c0_i32 = arith.constant 0 : i32
    %c0_i32_0 = arith.constant 0 : i32
    %c0_i32_1 = arith.constant 0 : i32
    return %c0_i32, %c0_i32_0 : i32, i32
  }
  func.func @transform_12(%arg0: i32) -> (i32, i32) {
    %c0_i32 = arith.constant 0 : i32
    %c0_i32_0 = arith.constant 0 : i32
    %c0_i32_1 = arith.constant 0 : i32
    return %c0_i32, %c0_i32_0 : i32, i32
  }
  func.func @transform_13(%arg0: i32) -> (i32, i32) {
    %c0_i32 = arith.constant 0 : i32
    %c0_i32_0 = arith.constant 0 : i32
    %c0_i32_1 = arith.constant 0 : i32
    return %c0_i32, %c0_i32_0 : i32, i32
  }
  func.func @transform_14(%arg0: i32) -> (i32, i32) {
    %c0_i32 = arith.constant 0 : i32
    %c0_i32_0 = arith.constant 0 : i32
    %c0_i32_1 = arith.constant 0 : i32
    return %c0_i32, %c0_i32_0 : i32, i32
  }
  func.func @transform_15(%arg0: i32) -> (i32, i32) {
    %min3A = arith.constant 7 : i32
    %min3A_0 = arith.minsi %arg0, %min3A : i32
    %c0_i32 = arith.constant 0 : i32
    %c0_i32_1 = arith.constant 0 : i32
    return %min3A_0, %c0_i32 : i32, i32
  }
  func.func @transform_16(%arg0: i32) -> (i32, i32) {
    %min3A = arith.constant 7 : i32
    %min3A_0 = arith.minsi %arg0, %min3A : i32
    %c0_i32 = arith.constant 0 : i32
    %c0_i32_1 = arith.constant 0 : i32
    return %min3A_0, %c0_i32 : i32, i32
  }
  func.func @transform_17(%arg0: i32) -> (i32, i32) {
    %min3A = arith.constant 7 : i32
    %min3A_0 = arith.minsi %arg0, %min3A : i32
    %c0_i32 = arith.constant 0 : i32
    %c0_i32_1 = arith.constant 0 : i32
    return %min3A_0, %c0_i32 : i32, i32
  }
  func.func @transform_18(%arg0: i32) -> (i32, i32) {
    %sub3A = arith.constant 8 : i32
    %sub3A_0 = arith.subi %arg0, %sub3A : i32
    %jit3A = arith.constant 0 : i32
    %jit3A_1 = arith.constant 7 : i32
    %max3A = arith.maxsi %jit3A, %sub3A_0 : i32
    %min3A = arith.minsi %jit3A_1, %max3A : i32
    %c0_i32 = arith.constant 0 : i32
    %c0_i32_2 = arith.constant 0 : i32
    return %min3A, %c0_i32 : i32, i32
  }
  func.func @transform_19(%arg0: i32) -> (i32, i32) {
    %sub3A = arith.constant 8 : i32
    %sub3A_0 = arith.subi %arg0, %sub3A : i32
    %jit3A = arith.constant 0 : i32
    %jit3A_1 = arith.constant 7 : i32
    %max3A = arith.maxsi %jit3A, %sub3A_0 : i32
    %min3A = arith.minsi %jit3A_1, %max3A : i32
    %c0_i32 = arith.constant 0 : i32
    %c0_i32_2 = arith.constant 0 : i32
    return %min3A, %c0_i32 : i32, i32
  }
  func.func @transform_20(%arg0: i32) -> (i32, i32) {
    %c0_i32 = arith.constant 0 : i32
    %c0_i32_0 = arith.constant 0 : i32
    %c0_i32_1 = arith.constant 0 : i32
    return %c0_i32, %c0_i32_0 : i32, i32
  }
  func.func @transform_21(%arg0: i32) -> (i32, i32) {
    %c0_i32 = arith.constant 0 : i32
    %c0_i32_0 = arith.constant 0 : i32
    %c0_i32_1 = arith.constant 0 : i32
    return %c0_i32, %c0_i32_0 : i32, i32
  }
}

module attributes {stable_mosaic.version = 14 : i64} {
  func.func @_gexpert_body(%arg0: i32, %arg1: memref<25xi32, #tpu.memory_space<smem>>, %arg2: memref<256x512xf32, #tpu.memory_space<vmem>>, %arg3: memref<1x512x2048xf32, #tpu.memory_space<vmem>>, %arg4: memref<1x1x2048xf32, #tpu.memory_space<vmem>>, %arg5: memref<1x2048x512xf32, #tpu.memory_space<vmem>>, %arg6: memref<1x1x512xf32, #tpu.memory_space<vmem>>, %arg7: memref<256x512xf32, #tpu.memory_space<vmem>>) attributes {dimension_semantics = [#tpu.dimension_semantics<arbitrary>], iteration_bounds = array<i64: 24>, scalar_prefetch = 1 : i64, scratch_operands = 0 : i64, tpu.core_type = #tpu.core_type<tc>, window_params = [{transform_indices = @transform_0, window_bounds = array<i64: 256, 512>}, {transform_indices = @transform_1, window_bounds = array<i64: 1, 512, 2048>}, {transform_indices = @transform_2, window_bounds = array<i64: 1, 1, 2048>}, {transform_indices = @transform_3, window_bounds = array<i64: 1, 2048, 512>}, {transform_indices = @transform_4, window_bounds = array<i64: 1, 1, 512>}, {transform_indices = @transform_5, window_bounds = array<i64: 256, 512>}]} {
    %get3A = arith.constant 24 : index
    %get3A_0 = memref.load %arg1[%get3A] : memref<25xi32, #tpu.memory_space<smem>>
    %lt3A = arith.cmpi slt, %arg0, %get3A_0 : i32
    %convert_element_type3A = arith.extui %lt3A : i1 to i32
    %cond3A = arith.constant 0 : i32
    %cond3A_1 = arith.cmpi ne, %convert_element_type3A, %cond3A : i32
    scf.if %cond3A_1 {
      %get3A_2 = arith.constant 0 : index
      %get3A_3 = arith.constant 0 : index
      %get3A_4 = vector.load %arg2[%get3A_2, %get3A_3] : memref<256x512xf32, #tpu.memory_space<vmem>>, vector<256x512xf32>
      %get3A_5 = arith.constant 0 : index
      %get3A_6 = arith.constant 0 : index
      %get3A_7 = arith.constant 0 : index
      %get3A_8 = vector.load %arg3[%get3A_5, %get3A_6, %get3A_7] : memref<1x512x2048xf32, #tpu.memory_space<vmem>>, vector<1x512x2048xf32>
      %get3A_9 = vector.shape_cast %get3A_8 : vector<1x512x2048xf32> to vector<512x2048xf32>
      %dot_general3A = arith.constant dense<0.000000e+00> : vector<256x2048xf32>
      %dot_general3A_10 = tpu.matmul %get3A_4, %get3A_9, %dot_general3A {dimension_numbers = #tpu.dot_dimension_numbers<[1], [0], [0], [1], [0, 0, 1, 1], [], []>, transpose_lhs_hint = false} : vector<256x512xf32>, vector<512x2048xf32>, vector<256x2048xf32> -> vector<256x2048xf32>
      %get3A_11 = arith.constant 0 : index
      %get3A_12 = arith.constant 0 : index
      %get3A_13 = arith.constant 0 : index
      %get3A_14 = vector.load %arg4[%get3A_11, %get3A_12, %get3A_13] : memref<1x1x2048xf32, #tpu.memory_space<vmem>>, vector<1x1x2048xf32>
      %get3A_15 = vector.shape_cast %get3A_14 : vector<1x1x2048xf32> to vector<1x2048xf32>
      %add3A = vector.broadcast %get3A_15 : vector<1x2048xf32> to vector<256x2048xf32>
      %add3A_16 = arith.addf %dot_general3A_10, %add3A : vector<256x2048xf32>
      %max3A = arith.constant 0.000000e+00 : f32
      %max3A_17 = vector.broadcast %max3A : f32 to vector<256x2048xf32>
      %max3A_18 = arith.maximumf %add3A_16, %max3A_17 : vector<256x2048xf32>
      %get3A_19 = arith.constant 0 : index
      %get3A_20 = arith.constant 0 : index
      %get3A_21 = arith.constant 0 : index
      %get3A_22 = vector.load %arg5[%get3A_19, %get3A_20, %get3A_21] : memref<1x2048x512xf32, #tpu.memory_space<vmem>>, vector<1x2048x512xf32>
      %get3A_23 = vector.shape_cast %get3A_22 : vector<1x2048x512xf32> to vector<2048x512xf32>
      %dot_general3A_24 = arith.constant dense<0.000000e+00> : vector<256x512xf32>
      %dot_general3A_25 = tpu.matmul %max3A_18, %get3A_23, %dot_general3A_24 {dimension_numbers = #tpu.dot_dimension_numbers<[1], [0], [0], [1], [0, 0, 1, 1], [], []>, transpose_lhs_hint = false} : vector<256x2048xf32>, vector<2048x512xf32>, vector<256x512xf32> -> vector<256x512xf32>
      %get3A_26 = arith.constant 0 : index
      %get3A_27 = arith.constant 0 : index
      %get3A_28 = arith.constant 0 : index
      %get3A_29 = vector.load %arg6[%get3A_26, %get3A_27, %get3A_28] : memref<1x1x512xf32, #tpu.memory_space<vmem>>, vector<1x1x512xf32>
      %get3A_30 = vector.shape_cast %get3A_29 : vector<1x1x512xf32> to vector<1x512xf32>
      %add3A_31 = vector.broadcast %get3A_30 : vector<1x512xf32> to vector<256x512xf32>
      %add3A_32 = arith.addf %dot_general3A_25, %add3A_31 : vector<256x512xf32>
      %swap3A = arith.constant 0 : index
      %swap3A_33 = arith.constant 0 : index
      %swap3A_34 = vector.load %arg7[%swap3A, %swap3A_33] : memref<256x512xf32, #tpu.memory_space<vmem>>, vector<256x512xf32>
      tpu.vector_store %arg7[%swap3A, %swap3A_33], %add3A_32 {strides = array<i32>} : memref<256x512xf32, #tpu.memory_space<vmem>>, vector<256x512xf32>,
    } else {
    }
    return
  }
  func.func @transform_0(%arg0: i32, %arg1: memref<25xi32, #tpu.memory_space<smem>>) -> (i32, i32) {
    %c0_i32 = arith.constant 0 : i32
    %c0_i32_0 = arith.constant 0 : i32
    return %arg0, %c0_i32 : i32, i32
  }
  func.func @transform_1(%arg0: i32, %arg1: memref<25xi32, #tpu.memory_space<smem>>) -> (i32, i32, i32) {
    %get3A = arith.index_cast %arg0 : i32 to index
    %get3A_0 = memref.load %arg1[%get3A] : memref<25xi32, #tpu.memory_space<smem>>
    %c0_i32 = arith.constant 0 : i32
    %c0_i32_1 = arith.constant 0 : i32
    %c0_i32_2 = arith.constant 0 : i32
    return %get3A_0, %c0_i32, %c0_i32_1 : i32, i32, i32
  }
  func.func @transform_2(%arg0: i32, %arg1: memref<25xi32, #tpu.memory_space<smem>>) -> (i32, i32, i32) {
    %get3A = arith.index_cast %arg0 : i32 to index
    %get3A_0 = memref.load %arg1[%get3A] : memref<25xi32, #tpu.memory_space<smem>>
    %c0_i32 = arith.constant 0 : i32
    %c0_i32_1 = arith.constant 0 : i32
    %c0_i32_2 = arith.constant 0 : i32
    return %get3A_0, %c0_i32, %c0_i32_1 : i32, i32, i32
  }
  func.func @transform_3(%arg0: i32, %arg1: memref<25xi32, #tpu.memory_space<smem>>) -> (i32, i32, i32) {
    %get3A = arith.index_cast %arg0 : i32 to index
    %get3A_0 = memref.load %arg1[%get3A] : memref<25xi32, #tpu.memory_space<smem>>
    %c0_i32 = arith.constant 0 : i32
    %c0_i32_1 = arith.constant 0 : i32
    %c0_i32_2 = arith.constant 0 : i32
    return %get3A_0, %c0_i32, %c0_i32_1 : i32, i32, i32
  }
  func.func @transform_4(%arg0: i32, %arg1: memref<25xi32, #tpu.memory_space<smem>>) -> (i32, i32, i32) {
    %get3A = arith.index_cast %arg0 : i32 to index
    %get3A_0 = memref.load %arg1[%get3A] : memref<25xi32, #tpu.memory_space<smem>>
    %c0_i32 = arith.constant 0 : i32
    %c0_i32_1 = arith.constant 0 : i32
    %c0_i32_2 = arith.constant 0 : i32
    return %get3A_0, %c0_i32, %c0_i32_1 : i32, i32, i32
  }
  func.func @transform_5(%arg0: i32, %arg1: memref<25xi32, #tpu.memory_space<smem>>) -> (i32, i32) {
    %c0_i32 = arith.constant 0 : i32
    %c0_i32_0 = arith.constant 0 : i32
    return %arg0, %c0_i32 : i32, i32
  }
}

module attributes {stable_mosaic.version = 14 : i64} {
  func.func @body(%arg0: i32, %arg1: memref<256x512xf32, #tpu.memory_space<vmem>>, %arg2: memref<256x512xf32, #tpu.memory_space<vmem>>, %arg3: memref<256x128xf32, #tpu.memory_space<vmem>>, %arg4: memref<1x512xf32, #tpu.memory_space<vmem>>, %arg5: memref<1x512xf32, #tpu.memory_space<vmem>>, %arg6: memref<512x512xf32, #tpu.memory_space<vmem>>, %arg7: memref<1x512xf32, #tpu.memory_space<vmem>>, %arg8: memref<512x512xf32, #tpu.memory_space<vmem>>, %arg9: memref<1x512xf32, #tpu.memory_space<vmem>>, %arg10: memref<512x512xf32, #tpu.memory_space<vmem>>, %arg11: memref<512x512xf32, #tpu.memory_space<vmem>>, %arg12: memref<512x512xf32, #tpu.memory_space<vmem>>, %arg13: memref<512x512xf32, #tpu.memory_space<vmem>>, %arg14: memref<1x512xf32, #tpu.memory_space<vmem>>, %arg15: memref<512x128xf32, #tpu.memory_space<vmem>>, %arg16: memref<1x128xf32, #tpu.memory_space<vmem>>, %arg17: memref<512x128xf32, #tpu.memory_space<vmem>>, %arg18: memref<1x128xf32, #tpu.memory_space<vmem>>, %arg19: memref<256x128xf32, #tpu.memory_space<vmem>>, %arg20: memref<256x512xf32, #tpu.memory_space<vmem>>, %arg21: memref<256x512xf32, #tpu.memory_space<vmem>>, %arg22: memref<256x128xf32, #tpu.memory_space<vmem>>, %arg23: memref<256x1xi32, #tpu.memory_space<vmem>>, %arg24: memref<256x1xi32, #tpu.memory_space<vmem>>, %arg25: memref<128x1xi32, #tpu.memory_space<vmem>>, %arg26: memref<24x256xi32, #tpu.memory_space<vmem>>, %arg27: memref<2048x128xf32, #tpu.memory_space<vmem>>, %arg28: memref<1x128xf32, #tpu.memory_space<vmem>>, %arg29: memref<8x128xf32, #tpu.memory_space<vmem>>, %arg30: memref<1x128xf32, #tpu.memory_space<vmem>>, %arg31: memref<2048x1xf32, #tpu.memory_space<vmem>>, %arg32: memref<2048x1xf32, #tpu.memory_space<vmem>>) attributes {dimension_semantics = [#tpu.dimension_semantics<arbitrary>], iteration_bounds = array<i64: 40>, scalar_prefetch = 0 : i64, scratch_operands = 6 : i64, tpu.core_type = #tpu.core_type<tc>, window_params = [{transform_indices = @transform_0, window_bounds = array<i64: 256, 512>}, {transform_indices = @transform_1, window_bounds = array<i64: 256, 512>}, {transform_indices = @transform_2, window_bounds = array<i64: 256, 128>}, {pipeline_mode = #tpu.pipeline_mode<synchronous>, transform_indices = @transform_3, window_bounds = array<i64: 1, 512>}, {pipeline_mode = #tpu.pipeline_mode<synchronous>, transform_indices = @transform_4, window_bounds = array<i64: 1, 512>}, {pipeline_mode = #tpu.pipeline_mode<synchronous>, transform_indices = @transform_5, window_bounds = array<i64: 512, 512>}, {pipeline_mode = #tpu.pipeline_mode<synchronous>, transform_indices = @transform_6, window_bounds = array<i64: 1, 512>}, {pipeline_mode = #tpu.pipeline_mode<synchronous>, transform_indices = @transform_7, window_bounds = array<i64: 512, 512>}, {pipeline_mode = #tpu.pipeline_mode<synchronous>, transform_indices = @transform_8, window_bounds = array<i64: 1, 512>}, {pipeline_mode = #tpu.pipeline_mode<synchronous>, transform_indices = @transform_9, window_bounds = array<i64: 512, 512>}, {pipeline_mode = #tpu.pipeline_mode<synchronous>, transform_indices = @transform_10, window_bounds = array<i64: 512, 512>}, {pipeline_mode = #tpu.pipeline_mode<synchronous>, transform_indices = @transform_11, window_bounds = array<i64: 512, 512>}, {pipeline_mode = #tpu.pipeline_mode<synchronous>, transform_indices = @transform_12, window_bounds = array<i64: 512, 512>}, {pipeline_mode = #tpu.pipeline_mode<synchronous>, transform_indices = @transform_13, window_bounds = array<i64: 1, 512>}, {pipeline_mode = #tpu.pipeline_mode<synchronous>, transform_indices = @transform_14, window_bounds = array<i64: 512, 128>}, {pipeline_mode = #tpu.pipeline_mode<synchronous>, transform_indices = @transform_15, window_bounds = array<i64: 1, 128>}, {pipeline_mode = #tpu.pipeline_mode<synchronous>, transform_indices = @transform_16, window_bounds = array<i64: 512, 128>}, {pipeline_mode = #tpu.pipeline_mode<synchronous>, transform_indices = @transform_17, window_bounds = array<i64: 1, 128>}, {transform_indices = @transform_18, window_bounds = array<i64: 256, 128>}, {transform_indices = @transform_19, window_bounds = array<i64: 256, 512>}, {transform_indices = @transform_20, window_bounds = array<i64: 256, 512>}, {transform_indices = @transform_21, window_bounds = array<i64: 256, 128>}, {transform_indices = @transform_22, window_bounds = array<i64: 256, 1>}, {transform_indices = @transform_23, window_bounds = array<i64: 256, 1>}, {pipeline_mode = #tpu.pipeline_mode<synchronous>, transform_indices = @transform_24, window_bounds = array<i64: 128, 1>}, {pipeline_mode = #tpu.pipeline_mode<synchronous>, transform_indices = @transform_25, window_bounds = array<i64: 24, 256>}]} {
    %iota3A = tpu.iota {dimensions = array<i32: 1>} : vector<256x128xi32>
    %convert_element_type3A = arith.sitofp %iota3A : vector<256x128xi32> to vector<256x128xf32>
    %lt3A = arith.constant 8 : i32
    %lt3A_0 = arith.cmpi slt, %arg0, %lt3A : i32
    %convert_element_type3A_1 = arith.extui %lt3A_0 : i1 to i32
    %cond3A = arith.constant 0 : i32
    %cond3A_2 = arith.cmpi ne, %convert_element_type3A_1, %cond3A : i32
    scf.if %cond3A_2 {
      %get3A = arith.constant 0 : index
      %get3A_18 = arith.constant 0 : index
      %get3A_19 = vector.load %arg3[%get3A, %get3A_18] : memref<256x128xf32, #tpu.memory_space<vmem>>, vector<256x128xf32>
      %eq3A_20 = arith.constant 2 : i32
      %eq3A_21 = vector.broadcast %eq3A_20 : i32 to vector<256x128xi32>
      %eq3A_22 = arith.cmpi eq, %iota3A, %eq3A_21 : vector<256x128xi32>
      %jit3A = arith.constant 0.000000e+00 : f32
      %broadcast_in_dim3A = vector.broadcast %jit3A : f32 to vector<256x128xf32>
      %select_n3A = arith.select %eq3A_22, %get3A_19, %broadcast_in_dim3A : vector<256x128xi1>, vector<256x128xf32>
      %reduce_sum3A = arith.constant dense<0.000000e+00> : vector<256xf32>
      %reduce_sum3A_23 = vector.multi_reduction <add>, %select_n3A, %reduce_sum3A [1] : vector<256x128xf32> to vector<256xf32>
      %broadcast_in_dim3A_24 = vector.shape_cast %reduce_sum3A_23 : vector<256xf32> to vector<256x1xf32>
      %eq3A_25 = arith.constant 3 : i32
      %eq3A_26 = vector.broadcast %eq3A_25 : i32 to vector<256x128xi32>
      %eq3A_27 = arith.cmpi eq, %iota3A, %eq3A_26 : vector<256x128xi32>
      %jit3A_28 = arith.constant 0.000000e+00 : f32
      %broadcast_in_dim3A_29 = vector.broadcast %jit3A_28 : f32 to vector<256x128xf32>
      %select_n3A_30 = arith.select %eq3A_27, %get3A_19, %broadcast_in_dim3A_29 : vector<256x128xi1>, vector<256x128xf32>
      %reduce_sum3A_31 = arith.constant dense<0.000000e+00> : vector<256xf32>
      %reduce_sum3A_32 = vector.multi_reduction <add>, %select_n3A_30, %reduce_sum3A_31 [1] : vector<256x128xf32> to vector<256xf32>
      %broadcast_in_dim3A_33 = vector.shape_cast %reduce_sum3A_32 : vector<256xf32> to vector<256x1xf32>
      %get3A_34 = arith.constant 0 : index
      %get3A_35 = arith.constant 0 : index
      %get3A_36 = vector.load %arg1[%get3A_34, %get3A_35] : memref<256x512xf32, #tpu.memory_space<vmem>>, vector<256x512xf32>
      %mul3A = vector.broadcast %broadcast_in_dim3A_24 : vector<256x1xf32> to vector<256x512xf32>
      %mul3A_37 = arith.mulf %mul3A, %get3A_36 : vector<256x512xf32>
      %get3A_38 = arith.constant 0 : index
      %get3A_39 = arith.constant 0 : index
      %get3A_40 = vector.load %arg2[%get3A_38, %get3A_39] : memref<256x512xf32, #tpu.memory_space<vmem>>, vector<256x512xf32>
      %mul3A_41 = vector.broadcast %broadcast_in_dim3A_33 : vector<256x1xf32> to vector<256x512xf32>
      %mul3A_42 = arith.mulf %mul3A_41, %get3A_40 : vector<256x512xf32>
      %add3A = arith.addf %mul3A_37, %mul3A_42 : vector<256x512xf32>
      %reduce_sum3A_43 = arith.constant dense<0.000000e+00> : vector<256xf32>
      %reduce_sum3A_44 = vector.multi_reduction <add>, %add3A, %reduce_sum3A_43 [1] : vector<256x512xf32> to vector<256xf32>
      %broadcast_in_dim3A_45 = vector.shape_cast %reduce_sum3A_44 : vector<256xf32> to vector<256x1xf32>
      %div3A = arith.constant 5.120000e+02 : f32
      %div3A_46 = vector.broadcast %div3A : f32 to vector<256x1xf32>
      %div3A_47 = arith.divf %broadcast_in_dim3A_45, %div3A_46 : vector<256x1xf32>
      %sub3A = vector.broadcast %div3A_47 : vector<256x1xf32> to vector<256x512xf32>
      %sub3A_48 = arith.subf %add3A, %sub3A : vector<256x512xf32>
      %integer_pow3A = arith.mulf %sub3A_48, %sub3A_48 : vector<256x512xf32>
      %reduce_sum3A_49 = arith.constant dense<0.000000e+00> : vector<256xf32>
      %reduce_sum3A_50 = vector.multi_reduction <add>, %integer_pow3A, %reduce_sum3A_49 [1] : vector<256x512xf32> to vector<256xf32>
      %broadcast_in_dim3A_51 = vector.shape_cast %reduce_sum3A_50 : vector<256xf32> to vector<256x1xf32>
      %div3A_52 = arith.constant 5.120000e+02 : f32
      %div3A_53 = vector.broadcast %div3A_52 : f32 to vector<256x1xf32>
      %div3A_54 = arith.divf %broadcast_in_dim3A_51, %div3A_53 : vector<256x1xf32>
      %get3A_55 = arith.constant 0 : index
      %get3A_56 = arith.constant 0 : index
      %get3A_57 = vector.load %arg4[%get3A_55, %get3A_56] : memref<1x512xf32, #tpu.memory_space<vmem>>, vector<1x512xf32>
      %sub3A_58 = vector.broadcast %div3A_47 : vector<256x1xf32> to vector<256x512xf32>
      %sub3A_59 = arith.subf %add3A, %sub3A_58 : vector<256x512xf32>
      %mul3A_60 = vector.broadcast %get3A_57 : vector<1x512xf32> to vector<256x512xf32>
      %mul3A_61 = arith.mulf %mul3A_60, %sub3A_59 : vector<256x512xf32>
      %add3A_62 = arith.constant 9.99999974E-6 : f32
      %add3A_63 = vector.broadcast %add3A_62 : f32 to vector<256x1xf32>
      %add3A_64 = arith.addf %div3A_54, %add3A_63 : vector<256x1xf32>
      %rsqrt3A = math.rsqrt %add3A_64 : vector<256x1xf32>
      %mul3A_65 = vector.broadcast %rsqrt3A : vector<256x1xf32> to vector<256x512xf32>
      %mul3A_66 = arith.mulf %mul3A_61, %mul3A_65 : vector<256x512xf32>
      %get3A_67 = arith.constant 0 : index
      %get3A_68 = arith.constant 0 : index
      %get3A_69 = vector.load %arg5[%get3A_67, %get3A_68] : memref<1x512xf32, #tpu.memory_space<vmem>>, vector<1x512xf32>
      %add3A_70 = vector.broadcast %get3A_69 : vector<1x512xf32> to vector<256x512xf32>
      %add3A_71 = arith.addf %mul3A_66, %add3A_70 : vector<256x512xf32>
      %get3A_72 = arith.constant 0 : index
      %get3A_73 = arith.constant 0 : index
      %get3A_74 = vector.load %arg6[%get3A_72, %get3A_73] : memref<512x512xf32, #tpu.memory_space<vmem>>, vector<512x512xf32>
      %dot_general3A = arith.constant dense<0.000000e+00> : vector<256x512xf32>
      %dot_general3A_75 = tpu.matmul %add3A_71, %get3A_74, %dot_general3A {dimension_numbers = #tpu.dot_dimension_numbers<[1], [0], [0], [1], [0, 0, 1, 1], [], []>, transpose_lhs_hint = false} : vector<256x512xf32>, vector<512x512xf32>, vector<256x512xf32> -> vector<256x512xf32>
      %get3A_76 = arith.constant 0 : index
      %get3A_77 = arith.constant 0 : index
      %get3A_78 = vector.load %arg7[%get3A_76, %get3A_77] : memref<1x512xf32, #tpu.memory_space<vmem>>, vector<1x512xf32>
      %add3A_79 = vector.broadcast %get3A_78 : vector<1x512xf32> to vector<256x512xf32>
      %add3A_80 = arith.addf %dot_general3A_75, %add3A_79 : vector<256x512xf32>
      %swap3A = arith.constant 0 : index
      %swap3A_81 = arith.constant 0 : index
      %swap3A_82 = vector.load %arg20[%swap3A, %swap3A_81] : memref<256x512xf32, #tpu.memory_space<vmem>>, vector<256x512xf32>
      tpu.vector_store %arg20[%swap3A, %swap3A_81], %add3A_80 {strides = array<i32>} : memref<256x512xf32, #tpu.memory_space<vmem>>, vector<256x512xf32>,
      %get3A_83 = arith.constant 0 : index
      %get3A_84 = arith.constant 0 : index
      %get3A_85 = vector.load %arg8[%get3A_83, %get3A_84] : memref<512x512xf32, #tpu.memory_space<vmem>>, vector<512x512xf32>
      %dot_general3A_86 = arith.constant dense<0.000000e+00> : vector<256x512xf32>
      %dot_general3A_87 = tpu.matmul %add3A_80, %get3A_85, %dot_general3A_86 {dimension_numbers = #tpu.dot_dimension_numbers<[1], [0], [0], [1], [0, 0, 1, 1], [], []>, transpose_lhs_hint = false} : vector<256x512xf32>, vector<512x512xf32>, vector<256x512xf32> -> vector<256x512xf32>
      %get3A_88 = arith.constant 0 : index
      %get3A_89 = arith.constant 0 : index
      %get3A_90 = vector.load %arg9[%get3A_88, %get3A_89] : memref<1x512xf32, #tpu.memory_space<vmem>>, vector<1x512xf32>
      %add3A_91 = vector.broadcast %get3A_90 : vector<1x512xf32> to vector<256x512xf32>
      %add3A_92 = arith.addf %dot_general3A_87, %add3A_91 : vector<256x512xf32>
      %get3A_93 = arith.constant 0 : index
      %get3A_94 = arith.constant 0 : index
      %get3A_95 = vector.load %arg10[%get3A_93, %get3A_94] : memref<512x512xf32, #tpu.memory_space<vmem>>, vector<512x512xf32>
      %dot_general3A_96 = arith.constant dense<0.000000e+00> : vector<256x512xf32>
      %dot_general3A_97 = tpu.matmul %add3A_92, %get3A_95, %dot_general3A_96 {dimension_numbers = #tpu.dot_dimension_numbers<[1], [0], [0], [1], [0, 0, 1, 1], [], []>, transpose_lhs_hint = false} : vector<256x512xf32>, vector<512x512xf32>, vector<256x512xf32> -> vector<256x512xf32>
      %get3A_98 = arith.constant 0 : index
      %get3A_99 = arith.constant 0 : index
      %get3A_100 = vector.load %arg11[%get3A_98, %get3A_99] : memref<512x512xf32, #tpu.memory_space<vmem>>, vector<512x512xf32>
      %dot_general3A_101 = arith.constant dense<0.000000e+00> : vector<256x512xf32>
      %dot_general3A_102 = tpu.matmul %add3A_92, %get3A_100, %dot_general3A_101 {dimension_numbers = #tpu.dot_dimension_numbers<[1], [0], [0], [1], [0, 0, 1, 1], [], []>, transpose_lhs_hint = false} : vector<256x512xf32>, vector<512x512xf32>, vector<256x512xf32> -> vector<256x512xf32>
      %get3A_103 = arith.constant 0 : index
      %get3A_104 = arith.constant 0 : index
      %get3A_105 = vector.load %arg12[%get3A_103, %get3A_104] : memref<512x512xf32, #tpu.memory_space<vmem>>, vector<512x512xf32>
      %dot_general3A_106 = arith.constant dense<0.000000e+00> : vector<256x512xf32>
      %dot_general3A_107 = tpu.matmul %add3A_92, %get3A_105, %dot_general3A_106 {dimension_numbers = #tpu.dot_dimension_numbers<[1], [0], [0], [1], [0, 0, 1, 1], [], []>, transpose_lhs_hint = false} : vector<256x512xf32>, vector<512x512xf32>, vector<256x512xf32> -> vector<256x512xf32>
      %iota3A_108 = tpu.iota {dimensions = array<i32: 0>} : vector<256x256xi32>
      %iota3A_109 = tpu.iota {dimensions = array<i32: 1>} : vector<256x256xi32>
      %le3A = arith.cmpi sle, %iota3A_109, %iota3A_108 : vector<256x256xi32>
      %slice3A = vector.extract_strided_slice %dot_general3A_97 {offsets = [0, 0], sizes = [256, 64], strides = [1, 1]} : vector<256x512xf32> to vector<256x64xf32>
      %slice3A_110 = vector.extract_strided_slice %dot_general3A_102 {offsets = [0, 0], sizes = [256, 64], strides = [1, 1]} : vector<256x512xf32> to vector<256x64xf32>
      %slice3A_111 = vector.extract_strided_slice %dot_general3A_107 {offsets = [0, 0], sizes = [256, 64], strides = [1, 1]} : vector<256x512xf32> to vector<256x64xf32>
      %dot_general3A_112 = arith.constant dense<0.000000e+00> : vector<256x256xf32>
      %dot_general3A_113 = tpu.matmul %slice3A, %slice3A_110, %dot_general3A_112 {dimension_numbers = #tpu.dot_dimension_numbers<[1], [1], [0], [0], [0, 0, 1, 0], [], []>, transpose_lhs_hint = false} : vector<256x64xf32>, vector<256x64xf32>, vector<256x256xf32> -> vector<256x256xf32>
      %mul3A_114 = arith.constant 1.250000e-01 : f32
      %mul3A_115 = vector.broadcast %mul3A_114 : f32 to vector<256x256xf32>
      %mul3A_116 = arith.mulf %dot_general3A_113, %mul3A_115 : vector<256x256xf32>
      %jit3A_117 = arith.constant -1.000000e+30 : f32
      %broadcast_in_dim3A_118 = vector.broadcast %jit3A_117 : f32 to vector<256x256xf32>
      %select_n3A_119 = arith.select %le3A, %mul3A_116, %broadcast_in_dim3A_118 : vector<256x256xi1>, vector<256x256xf32>
      %reduce_max3A = arith.constant dense<0xFF800000> : vector<256xf32>
      %reduce_max3A_120 = vector.multi_reduction <maximumf>, %select_n3A_119, %reduce_max3A [1] : vector<256x256xf32> to vector<256xf32>
      %broadcast_in_dim3A_121 = vector.shape_cast %reduce_max3A_120 : vector<256xf32> to vector<256x1xf32>
      %sub3A_122 = vector.broadcast %broadcast_in_dim3A_121 : vector<256x1xf32> to vector<256x256xf32>
      %sub3A_123 = arith.subf %select_n3A_119, %sub3A_122 : vector<256x256xf32>
      %exp3A = math.exp %sub3A_123 : vector<256x256xf32>
      %reduce_sum3A_124 = arith.constant dense<0.000000e+00> : vector<256xf32>
      %reduce_sum3A_125 = vector.multi_reduction <add>, %exp3A, %reduce_sum3A_124 [1] : vector<256x256xf32> to vector<256xf32>
      %broadcast_in_dim3A_126 = vector.shape_cast %reduce_sum3A_125 : vector<256xf32> to vector<256x1xf32>
      %div3A_127 = vector.broadcast %broadcast_in_dim3A_126 : vector<256x1xf32> to vector<256x256xf32>
      %div3A_128 = arith.divf %exp3A, %div3A_127 : vector<256x256xf32>
      %dot_general3A_129 = arith.constant dense<0.000000e+00> : vector<256x64xf32>
      %dot_general3A_130 = tpu.matmul %div3A_128, %slice3A_111, %dot_general3A_129 {dimension_numbers = #tpu.dot_dimension_numbers<[1], [0], [0], [1], [0, 0, 1, 1], [], []>, transpose_lhs_hint = false} : vector<256x256xf32>, vector<256x64xf32>, vector<256x64xf32> -> vector<256x64xf32>
      %slice3A_131 = vector.extract_strided_slice %dot_general3A_97 {offsets = [0, 64], sizes = [256, 64], strides = [1, 1]} : vector<256x512xf32> to vector<256x64xf32>
      %slice3A_132 = vector.extract_strided_slice %dot_general3A_102 {offsets = [0, 64], sizes = [256, 64], strides = [1, 1]} : vector<256x512xf32> to vector<256x64xf32>
      %slice3A_133 = vector.extract_strided_slice %dot_general3A_107 {offsets = [0, 64], sizes = [256, 64], strides = [1, 1]} : vector<256x512xf32> to vector<256x64xf32>
      %dot_general3A_134 = arith.constant dense<0.000000e+00> : vector<256x256xf32>
      %dot_general3A_135 = tpu.matmul %slice3A_131, %slice3A_132, %dot_general3A_134 {dimension_numbers = #tpu.dot_dimension_numbers<[1], [1], [0], [0], [0, 0, 1, 0], [], []>, transpose_lhs_hint = false} : vector<256x64xf32>, vector<256x64xf32>, vector<256x256xf32> -> vector<256x256xf32>
      %mul3A_136 = arith.constant 1.250000e-01 : f32
      %mul3A_137 = vector.broadcast %mul3A_136 : f32 to vector<256x256xf32>
      %mul3A_138 = arith.mulf %dot_general3A_135, %mul3A_137 : vector<256x256xf32>
      %jit3A_139 = arith.constant -1.000000e+30 : f32
      %broadcast_in_dim3A_140 = vector.broadcast %jit3A_139 : f32 to vector<256x256xf32>
      %select_n3A_141 = arith.select %le3A, %mul3A_138, %broadcast_in_dim3A_140 : vector<256x256xi1>, vector<256x256xf32>
      %reduce_max3A_142 = arith.constant dense<0xFF800000> : vector<256xf32>
      %reduce_max3A_143 = vector.multi_reduction <maximumf>, %select_n3A_141, %reduce_max3A_142 [1] : vector<256x256xf32> to vector<256xf32>
      %broadcast_in_dim3A_144 = vector.shape_cast %reduce_max3A_143 : vector<256xf32> to vector<256x1xf32>
      %sub3A_145 = vector.broadcast %broadcast_in_dim3A_144 : vector<256x1xf32> to vector<256x256xf32>
      %sub3A_146 = arith.subf %select_n3A_141, %sub3A_145 : vector<256x256xf32>
      %exp3A_147 = math.exp %sub3A_146 : vector<256x256xf32>
      %reduce_sum3A_148 = arith.constant dense<0.000000e+00> : vector<256xf32>
      %reduce_sum3A_149 = vector.multi_reduction <add>, %exp3A_147, %reduce_sum3A_148 [1] : vector<256x256xf32> to vector<256xf32>
      %broadcast_in_dim3A_150 = vector.shape_cast %reduce_sum3A_149 : vector<256xf32> to vector<256x1xf32>
      %div3A_151 = vector.broadcast %broadcast_in_dim3A_150 : vector<256x1xf32> to vector<256x256xf32>
      %div3A_152 = arith.divf %exp3A_147, %div3A_151 : vector<256x256xf32>
      %dot_general3A_153 = arith.constant dense<0.000000e+00> : vector<256x64xf32>
      %dot_general3A_154 = tpu.matmul %div3A_152, %slice3A_133, %dot_general3A_153 {dimension_numbers = #tpu.dot_dimension_numbers<[1], [0], [0], [1], [0, 0, 1, 1], [], []>, transpose_lhs_hint = false} : vector<256x256xf32>, vector<256x64xf32>, vector<256x64xf32> -> vector<256x64xf32>
      %slice3A_155 = vector.extract_strided_slice %dot_general3A_97 {offsets = [0, 128], sizes = [256, 64], strides = [1, 1]} : vector<256x512xf32> to vector<256x64xf32>
      %slice3A_156 = vector.extract_strided_slice %dot_general3A_102 {offsets = [0, 128], sizes = [256, 64], strides = [1, 1]} : vector<256x512xf32> to vector<256x64xf32>
      %slice3A_157 = vector.extract_strided_slice %dot_general3A_107 {offsets = [0, 128], sizes = [256, 64], strides = [1, 1]} : vector<256x512xf32> to vector<256x64xf32>
      %dot_general3A_158 = arith.constant dense<0.000000e+00> : vector<256x256xf32>
      %dot_general3A_159 = tpu.matmul %slice3A_155, %slice3A_156, %dot_general3A_158 {dimension_numbers = #tpu.dot_dimension_numbers<[1], [1], [0], [0], [0, 0, 1, 0], [], []>, transpose_lhs_hint = false} : vector<256x64xf32>, vector<256x64xf32>, vector<256x256xf32> -> vector<256x256xf32>
      %mul3A_160 = arith.constant 1.250000e-01 : f32
      %mul3A_161 = vector.broadcast %mul3A_160 : f32 to vector<256x256xf32>
      %mul3A_162 = arith.mulf %dot_general3A_159, %mul3A_161 : vector<256x256xf32>
      %jit3A_163 = arith.constant -1.000000e+30 : f32
      %broadcast_in_dim3A_164 = vector.broadcast %jit3A_163 : f32 to vector<256x256xf32>
      %select_n3A_165 = arith.select %le3A, %mul3A_162, %broadcast_in_dim3A_164 : vector<256x256xi1>, vector<256x256xf32>
      %reduce_max3A_166 = arith.constant dense<0xFF800000> : vector<256xf32>
      %reduce_max3A_167 = vector.multi_reduction <maximumf>, %select_n3A_165, %reduce_max3A_166 [1] : vector<256x256xf32> to vector<256xf32>
      %broadcast_in_dim3A_168 = vector.shape_cast %reduce_max3A_167 : vector<256xf32> to vector<256x1xf32>
      %sub3A_169 = vector.broadcast %broadcast_in_dim3A_168 : vector<256x1xf32> to vector<256x256xf32>
      %sub3A_170 = arith.subf %select_n3A_165, %sub3A_169 : vector<256x256xf32>
      %exp3A_171 = math.exp %sub3A_170 : vector<256x256xf32>
      %reduce_sum3A_172 = arith.constant dense<0.000000e+00> : vector<256xf32>
      %reduce_sum3A_173 = vector.multi_reduction <add>, %exp3A_171, %reduce_sum3A_172 [1] : vector<256x256xf32> to vector<256xf32>
      %broadcast_in_dim3A_174 = vector.shape_cast %reduce_sum3A_173 : vector<256xf32> to vector<256x1xf32>
      %div3A_175 = vector.broadcast %broadcast_in_dim3A_174 : vector<256x1xf32> to vector<256x256xf32>
      %div3A_176 = arith.divf %exp3A_171, %div3A_175 : vector<256x256xf32>
      %dot_general3A_177 = arith.constant dense<0.000000e+00> : vector<256x64xf32>
      %dot_general3A_178 = tpu.matmul %div3A_176, %slice3A_157, %dot_general3A_177 {dimension_numbers = #tpu.dot_dimension_numbers<[1], [0], [0], [1], [0, 0, 1, 1], [], []>, transpose_lhs_hint = false} : vector<256x256xf32>, vector<256x64xf32>, vector<256x64xf32> -> vector<256x64xf32>
      %slice3A_179 = vector.extract_strided_slice %dot_general3A_97 {offsets = [0, 192], sizes = [256, 64], strides = [1, 1]} : vector<256x512xf32> to vector<256x64xf32>
      %slice3A_180 = vector.extract_strided_slice %dot_general3A_102 {offsets = [0, 192], sizes = [256, 64], strides = [1, 1]} : vector<256x512xf32> to vector<256x64xf32>
      %slice3A_181 = vector.extract_strided_slice %dot_general3A_107 {offsets = [0, 192], sizes = [256, 64], strides = [1, 1]} : vector<256x512xf32> to vector<256x64xf32>
      %dot_general3A_182 = arith.constant dense<0.000000e+00> : vector<256x256xf32>
      %dot_general3A_183 = tpu.matmul %slice3A_179, %slice3A_180, %dot_general3A_182 {dimension_numbers = #tpu.dot_dimension_numbers<[1], [1], [0], [0], [0, 0, 1, 0], [], []>, transpose_lhs_hint = false} : vector<256x64xf32>, vector<256x64xf32>, vector<256x256xf32> -> vector<256x256xf32>
      %mul3A_184 = arith.constant 1.250000e-01 : f32
      %mul3A_185 = vector.broadcast %mul3A_184 : f32 to vector<256x256xf32>
      %mul3A_186 = arith.mulf %dot_general3A_183, %mul3A_185 : vector<256x256xf32>
      %jit3A_187 = arith.constant -1.000000e+30 : f32
      %broadcast_in_dim3A_188 = vector.broadcast %jit3A_187 : f32 to vector<256x256xf32>
      %select_n3A_189 = arith.select %le3A, %mul3A_186, %broadcast_in_dim3A_188 : vector<256x256xi1>, vector<256x256xf32>
      %reduce_max3A_190 = arith.constant dense<0xFF800000> : vector<256xf32>
      %reduce_max3A_191 = vector.multi_reduction <maximumf>, %select_n3A_189, %reduce_max3A_190 [1] : vector<256x256xf32> to vector<256xf32>
      %broadcast_in_dim3A_192 = vector.shape_cast %reduce_max3A_191 : vector<256xf32> to vector<256x1xf32>
      %sub3A_193 = vector.broadcast %broadcast_in_dim3A_192 : vector<256x1xf32> to vector<256x256xf32>
      %sub3A_194 = arith.subf %select_n3A_189, %sub3A_193 : vector<256x256xf32>
      %exp3A_195 = math.exp %sub3A_194 : vector<256x256xf32>
      %reduce_sum3A_196 = arith.constant dense<0.000000e+00> : vector<256xf32>
      %reduce_sum3A_197 = vector.multi_reduction <add>, %exp3A_195, %reduce_sum3A_196 [1] : vector<256x256xf32> to vector<256xf32>
      %broadcast_in_dim3A_198 = vector.shape_cast %reduce_sum3A_197 : vector<256xf32> to vector<256x1xf32>
      %div3A_199 = vector.broadcast %broadcast_in_dim3A_198 : vector<256x1xf32> to vector<256x256xf32>
      %div3A_200 = arith.divf %exp3A_195, %div3A_199 : vector<256x256xf32>
      %dot_general3A_201 = arith.constant dense<0.000000e+00> : vector<256x64xf32>
      %dot_general3A_202 = tpu.matmul %div3A_200, %slice3A_181, %dot_general3A_201 {dimension_numbers = #tpu.dot_dimension_numbers<[1], [0], [0], [1], [0, 0, 1, 1], [], []>, transpose_lhs_hint = false} : vector<256x256xf32>, vector<256x64xf32>, vector<256x64xf32> -> vector<256x64xf32>
      %slice3A_203 = vector.extract_strided_slice %dot_general3A_97 {offsets = [0, 256], sizes = [256, 64], strides = [1, 1]} : vector<256x512xf32> to vector<256x64xf32>
      %slice3A_204 = vector.extract_strided_slice %dot_general3A_102 {offsets = [0, 256], sizes = [256, 64], strides = [1, 1]} : vector<256x512xf32> to vector<256x64xf32>
      %slice3A_205 = vector.extract_strided_slice %dot_general3A_107 {offsets = [0, 256], sizes = [256, 64], strides = [1, 1]} : vector<256x512xf32> to vector<256x64xf32>
      %dot_general3A_206 = arith.constant dense<0.000000e+00> : vector<256x256xf32>
      %dot_general3A_207 = tpu.matmul %slice3A_203, %slice3A_204, %dot_general3A_206 {dimension_numbers = #tpu.dot_dimension_numbers<[1], [1], [0], [0], [0, 0, 1, 0], [], []>, transpose_lhs_hint = false} : vector<256x64xf32>, vector<256x64xf32>, vector<256x256xf32> -> vector<256x256xf32>
      %mul3A_208 = arith.constant 1.250000e-01 : f32
      %mul3A_209 = vector.broadcast %mul3A_208 : f32 to vector<256x256xf32>
      %mul3A_210 = arith.mulf %dot_general3A_207, %mul3A_209 : vector<256x256xf32>
      %jit3A_211 = arith.constant -1.000000e+30 : f32
      %broadcast_in_dim3A_212 = vector.broadcast %jit3A_211 : f32 to vector<256x256xf32>
      %select_n3A_213 = arith.select %le3A, %mul3A_210, %broadcast_in_dim3A_212 : vector<256x256xi1>, vector<256x256xf32>
      %reduce_max3A_214 = arith.constant dense<0xFF800000> : vector<256xf32>
      %reduce_max3A_215 = vector.multi_reduction <maximumf>, %select_n3A_213, %reduce_max3A_214 [1] : vector<256x256xf32> to vector<256xf32>
      %broadcast_in_dim3A_216 = vector.shape_cast %reduce_max3A_215 : vector<256xf32> to vector<256x1xf32>
      %sub3A_217 = vector.broadcast %broadcast_in_dim3A_216 : vector<256x1xf32> to vector<256x256xf32>
      %sub3A_218 = arith.subf %select_n3A_213, %sub3A_217 : vector<256x256xf32>
      %exp3A_219 = math.exp %sub3A_218 : vector<256x256xf32>
      %reduce_sum3A_220 = arith.constant dense<0.000000e+00> : vector<256xf32>
      %reduce_sum3A_221 = vector.multi_reduction <add>, %exp3A_219, %reduce_sum3A_220 [1] : vector<256x256xf32> to vector<256xf32>
      %broadcast_in_dim3A_222 = vector.shape_cast %reduce_sum3A_221 : vector<256xf32> to vector<256x1xf32>
      %div3A_223 = vector.broadcast %broadcast_in_dim3A_222 : vector<256x1xf32> to vector<256x256xf32>
      %div3A_224 = arith.divf %exp3A_219, %div3A_223 : vector<256x256xf32>
      %dot_general3A_225 = arith.constant dense<0.000000e+00> : vector<256x64xf32>
      %dot_general3A_226 = tpu.matmul %div3A_224, %slice3A_205, %dot_general3A_225 {dimension_numbers = #tpu.dot_dimension_numbers<[1], [0], [0], [1], [0, 0, 1, 1], [], []>, transpose_lhs_hint = false} : vector<256x256xf32>, vector<256x64xf32>, vector<256x64xf32> -> vector<256x64xf32>
      %slice3A_227 = vector.extract_strided_slice %dot_general3A_97 {offsets = [0, 320], sizes = [256, 64], strides = [1, 1]} : vector<256x512xf32> to vector<256x64xf32>
      %slice3A_228 = vector.extract_strided_slice %dot_general3A_102 {offsets = [0, 320], sizes = [256, 64], strides = [1, 1]} : vector<256x512xf32> to vector<256x64xf32>
      %slice3A_229 = vector.extract_strided_slice %dot_general3A_107 {offsets = [0, 320], sizes = [256, 64], strides = [1, 1]} : vector<256x512xf32> to vector<256x64xf32>
      %dot_general3A_230 = arith.constant dense<0.000000e+00> : vector<256x256xf32>
      %dot_general3A_231 = tpu.matmul %slice3A_227, %slice3A_228, %dot_general3A_230 {dimension_numbers = #tpu.dot_dimension_numbers<[1], [1], [0], [0], [0, 0, 1, 0], [], []>, transpose_lhs_hint = false} : vector<256x64xf32>, vector<256x64xf32>, vector<256x256xf32> -> vector<256x256xf32>
      %mul3A_232 = arith.constant 1.250000e-01 : f32
      %mul3A_233 = vector.broadcast %mul3A_232 : f32 to vector<256x256xf32>
      %mul3A_234 = arith.mulf %dot_general3A_231, %mul3A_233 : vector<256x256xf32>
      %jit3A_235 = arith.constant -1.000000e+30 : f32
      %broadcast_in_dim3A_236 = vector.broadcast %jit3A_235 : f32 to vector<256x256xf32>
      %select_n3A_237 = arith.select %le3A, %mul3A_234, %broadcast_in_dim3A_236 : vector<256x256xi1>, vector<256x256xf32>
      %reduce_max3A_238 = arith.constant dense<0xFF800000> : vector<256xf32>
      %reduce_max3A_239 = vector.multi_reduction <maximumf>, %select_n3A_237, %reduce_max3A_238 [1] : vector<256x256xf32> to vector<256xf32>
      %broadcast_in_dim3A_240 = vector.shape_cast %reduce_max3A_239 : vector<256xf32> to vector<256x1xf32>
      %sub3A_241 = vector.broadcast %broadcast_in_dim3A_240 : vector<256x1xf32> to vector<256x256xf32>
      %sub3A_242 = arith.subf %select_n3A_237, %sub3A_241 : vector<256x256xf32>
      %exp3A_243 = math.exp %sub3A_242 : vector<256x256xf32>
      %reduce_sum3A_244 = arith.constant dense<0.000000e+00> : vector<256xf32>
      %reduce_sum3A_245 = vector.multi_reduction <add>, %exp3A_243, %reduce_sum3A_244 [1] : vector<256x256xf32> to vector<256xf32>
      %broadcast_in_dim3A_246 = vector.shape_cast %reduce_sum3A_245 : vector<256xf32> to vector<256x1xf32>
      %div3A_247 = vector.broadcast %broadcast_in_dim3A_246 : vector<256x1xf32> to vector<256x256xf32>
      %div3A_248 = arith.divf %exp3A_243, %div3A_247 : vector<256x256xf32>
      %dot_general3A_249 = arith.constant dense<0.000000e+00> : vector<256x64xf32>
      %dot_general3A_250 = tpu.matmul %div3A_248, %slice3A_229, %dot_general3A_249 {dimension_numbers = #tpu.dot_dimension_numbers<[1], [0], [0], [1], [0, 0, 1, 1], [], []>, transpose_lhs_hint = false} : vector<256x256xf32>, vector<256x64xf32>, vector<256x64xf32> -> vector<256x64xf32>
      %slice3A_251 = vector.extract_strided_slice %dot_general3A_97 {offsets = [0, 384], sizes = [256, 64], strides = [1, 1]} : vector<256x512xf32> to vector<256x64xf32>
      %slice3A_252 = vector.extract_strided_slice %dot_general3A_102 {offsets = [0, 384], sizes = [256, 64], strides = [1, 1]} : vector<256x512xf32> to vector<256x64xf32>
      %slice3A_253 = vector.extract_strided_slice %dot_general3A_107 {offsets = [0, 384], sizes = [256, 64], strides = [1, 1]} : vector<256x512xf32> to vector<256x64xf32>
      %dot_general3A_254 = arith.constant dense<0.000000e+00> : vector<256x256xf32>
      %dot_general3A_255 = tpu.matmul %slice3A_251, %slice3A_252, %dot_general3A_254 {dimension_numbers = #tpu.dot_dimension_numbers<[1], [1], [0], [0], [0, 0, 1, 0], [], []>, transpose_lhs_hint = false} : vector<256x64xf32>, vector<256x64xf32>, vector<256x256xf32> -> vector<256x256xf32>
      %mul3A_256 = arith.constant 1.250000e-01 : f32
      %mul3A_257 = vector.broadcast %mul3A_256 : f32 to vector<256x256xf32>
      %mul3A_258 = arith.mulf %dot_general3A_255, %mul3A_257 : vector<256x256xf32>
      %jit3A_259 = arith.constant -1.000000e+30 : f32
      %broadcast_in_dim3A_260 = vector.broadcast %jit3A_259 : f32 to vector<256x256xf32>
      %select_n3A_261 = arith.select %le3A, %mul3A_258, %broadcast_in_dim3A_260 : vector<256x256xi1>, vector<256x256xf32>
      %reduce_max3A_262 = arith.constant dense<0xFF800000> : vector<256xf32>
      %reduce_max3A_263 = vector.multi_reduction <maximumf>, %select_n3A_261, %reduce_max3A_262 [1] : vector<256x256xf32> to vector<256xf32>
      %broadcast_in_dim3A_264 = vector.shape_cast %reduce_max3A_263 : vector<256xf32> to vector<256x1xf32>
      %sub3A_265 = vector.broadcast %broadcast_in_dim3A_264 : vector<256x1xf32> to vector<256x256xf32>
      %sub3A_266 = arith.subf %select_n3A_261, %sub3A_265 : vector<256x256xf32>
      %exp3A_267 = math.exp %sub3A_266 : vector<256x256xf32>
      %reduce_sum3A_268 = arith.constant dense<0.000000e+00> : vector<256xf32>
      %reduce_sum3A_269 = vector.multi_reduction <add>, %exp3A_267, %reduce_sum3A_268 [1] : vector<256x256xf32> to vector<256xf32>
      %broadcast_in_dim3A_270 = vector.shape_cast %reduce_sum3A_269 : vector<256xf32> to vector<256x1xf32>
      %div3A_271 = vector.broadcast %broadcast_in_dim3A_270 : vector<256x1xf32> to vector<256x256xf32>
      %div3A_272 = arith.divf %exp3A_267, %div3A_271 : vector<256x256xf32>
      %dot_general3A_273 = arith.constant dense<0.000000e+00> : vector<256x64xf32>
      %dot_general3A_274 = tpu.matmul %div3A_272, %slice3A_253, %dot_general3A_273 {dimension_numbers = #tpu.dot_dimension_numbers<[1], [0], [0], [1], [0, 0, 1, 1], [], []>, transpose_lhs_hint = false} : vector<256x256xf32>, vector<256x64xf32>, vector<256x64xf32> -> vector<256x64xf32>
      %slice3A_275 = vector.extract_strided_slice %dot_general3A_97 {offsets = [0, 448], sizes = [256, 64], strides = [1, 1]} : vector<256x512xf32> to vector<256x64xf32>
      %slice3A_276 = vector.extract_strided_slice %dot_general3A_102 {offsets = [0, 448], sizes = [256, 64], strides = [1, 1]} : vector<256x512xf32> to vector<256x64xf32>
      %slice3A_277 = vector.extract_strided_slice %dot_general3A_107 {offsets = [0, 448], sizes = [256, 64], strides = [1, 1]} : vector<256x512xf32> to vector<256x64xf32>
      %dot_general3A_278 = arith.constant dense<0.000000e+00> : vector<256x256xf32>
      %dot_general3A_279 = tpu.matmul %slice3A_275, %slice3A_276, %dot_general3A_278 {dimension_numbers = #tpu.dot_dimension_numbers<[1], [1], [0], [0], [0, 0, 1, 0], [], []>, transpose_lhs_hint = false} : vector<256x64xf32>, vector<256x64xf32>, vector<256x256xf32> -> vector<256x256xf32>
      %mul3A_280 = arith.constant 1.250000e-01 : f32
      %mul3A_281 = vector.broadcast %mul3A_280 : f32 to vector<256x256xf32>
      %mul3A_282 = arith.mulf %dot_general3A_279, %mul3A_281 : vector<256x256xf32>
      %jit3A_283 = arith.constant -1.000000e+30 : f32
      %broadcast_in_dim3A_284 = vector.broadcast %jit3A_283 : f32 to vector<256x256xf32>
      %select_n3A_285 = arith.select %le3A, %mul3A_282, %broadcast_in_dim3A_284 : vector<256x256xi1>, vector<256x256xf32>
      %reduce_max3A_286 = arith.constant dense<0xFF800000> : vector<256xf32>
      %reduce_max3A_287 = vector.multi_reduction <maximumf>, %select_n3A_285, %reduce_max3A_286 [1] : vector<256x256xf32> to vector<256xf32>
      %broadcast_in_dim3A_288 = vector.shape_cast %reduce_max3A_287 : vector<256xf32> to vector<256x1xf32>
      %sub3A_289 = vector.broadcast %broadcast_in_dim3A_288 : vector<256x1xf32> to vector<256x256xf32>
      %sub3A_290 = arith.subf %select_n3A_285, %sub3A_289 : vector<256x256xf32>
      %exp3A_291 = math.exp %sub3A_290 : vector<256x256xf32>
      %reduce_sum3A_292 = arith.constant dense<0.000000e+00> : vector<256xf32>
      %reduce_sum3A_293 = vector.multi_reduction <add>, %exp3A_291, %reduce_sum3A_292 [1] : vector<256x256xf32> to vector<256xf32>
      %broadcast_in_dim3A_294 = vector.shape_cast %reduce_sum3A_293 : vector<256xf32> to vector<256x1xf32>
      %div3A_295 = vector.broadcast %broadcast_in_dim3A_294 : vector<256x1xf32> to vector<256x256xf32>
      %div3A_296 = arith.divf %exp3A_291, %div3A_295 : vector<256x256xf32>
      %dot_general3A_297 = arith.constant dense<0.000000e+00> : vector<256x64xf32>
      %dot_general3A_298 = tpu.matmul %div3A_296, %slice3A_277, %dot_general3A_297 {dimension_numbers = #tpu.dot_dimension_numbers<[1], [0], [0], [1], [0, 0, 1, 1], [], []>, transpose_lhs_hint = false} : vector<256x256xf32>, vector<256x64xf32>, vector<256x64xf32> -> vector<256x64xf32>
      %concatenate3A = tpu.concatenate %dot_general3A_130, %dot_general3A_154, %dot_general3A_178, %dot_general3A_202, %dot_general3A_226, %dot_general3A_250, %dot_general3A_274, %dot_general3A_298 in 1 : vector<256x64xf32>, vector<256x64xf32>, vector<256x64xf32>, vector<256x64xf32>, vector<256x64xf32>, vector<256x64xf32>, vector<256x64xf32>, vector<256x64xf32> -> vector<256x512xf32>
      %get3A_299 = arith.constant 0 : index
      %get3A_300 = arith.constant 0 : index
      %get3A_301 = vector.load %arg13[%get3A_299, %get3A_300] : memref<512x512xf32, #tpu.memory_space<vmem>>, vector<512x512xf32>
      %dot_general3A_302 = arith.constant dense<0.000000e+00> : vector<256x512xf32>
      %dot_general3A_303 = tpu.matmul %concatenate3A, %get3A_301, %dot_general3A_302 {dimension_numbers = #tpu.dot_dimension_numbers<[1], [0], [0], [1], [0, 0, 1, 1], [], []>, transpose_lhs_hint = false} : vector<256x512xf32>, vector<512x512xf32>, vector<256x512xf32> -> vector<256x512xf32>
      %get3A_304 = arith.constant 0 : index
      %get3A_305 = arith.constant 0 : index
      %get3A_306 = vector.load %arg14[%get3A_304, %get3A_305] : memref<1x512xf32, #tpu.memory_space<vmem>>, vector<1x512xf32>
      %add3A_307 = vector.broadcast %get3A_306 : vector<1x512xf32> to vector<256x512xf32>
      %add3A_308 = arith.addf %dot_general3A_303, %add3A_307 : vector<256x512xf32>
      %swap3A_309 = arith.constant 0 : index
      %swap3A_310 = arith.constant 0 : index
      %swap3A_311 = vector.load %arg21[%swap3A_309, %swap3A_310] : memref<256x512xf32, #tpu.memory_space<vmem>>, vector<256x512xf32>
      tpu.vector_store %arg21[%swap3A_309, %swap3A_310], %add3A_308 {strides = array<i32>} : memref<256x512xf32, #tpu.memory_space<vmem>>, vector<256x512xf32>,
      %get3A_312 = arith.constant 0 : index
      %get3A_313 = arith.constant 0 : index
      %get3A_314 = vector.load %arg15[%get3A_312, %get3A_313] : memref<512x128xf32, #tpu.memory_space<vmem>>, vector<512x128xf32>
      %dot_general3A_315 = arith.constant dense<0.000000e+00> : vector<256x128xf32>
      %dot_general3A_316 = tpu.matmul %add3A_308, %get3A_314, %dot_general3A_315 {dimension_numbers = #tpu.dot_dimension_numbers<[1], [0], [0], [1], [0, 0, 1, 1], [], []>, transpose_lhs_hint = false} : vector<256x512xf32>, vector<512x128xf32>, vector<256x128xf32> -> vector<256x128xf32>
      %get3A_317 = arith.constant 0 : index
      %get3A_318 = arith.constant 0 : index
      %get3A_319 = vector.load %arg16[%get3A_317, %get3A_318] : memref<1x128xf32, #tpu.memory_space<vmem>>, vector<1x128xf32>
      %add3A_320 = vector.broadcast %get3A_319 : vector<1x128xf32> to vector<256x128xf32>
      %add3A_321 = arith.addf %dot_general3A_316, %add3A_320 : vector<256x128xf32>
      %get3A_322 = arith.constant 0 : index
      %get3A_323 = arith.constant 0 : index
      %get3A_324 = vector.load %arg17[%get3A_322, %get3A_323] : memref<512x128xf32, #tpu.memory_space<vmem>>, vector<512x128xf32>
      %dot_general3A_325 = arith.constant dense<0.000000e+00> : vector<256x128xf32>
      %dot_general3A_326 = tpu.matmul %add3A_308, %get3A_324, %dot_general3A_325 {dimension_numbers = #tpu.dot_dimension_numbers<[1], [0], [0], [1], [0, 0, 1, 1], [], []>, transpose_lhs_hint = false} : vector<256x512xf32>, vector<512x128xf32>, vector<256x128xf32> -> vector<256x128xf32>
      %get3A_327 = arith.constant 0 : index
      %get3A_328 = arith.constant 0 : index
      %get3A_329 = vector.load %arg18[%get3A_327, %get3A_328] : memref<1x128xf32, #tpu.memory_space<vmem>>, vector<1x128xf32>
      %add3A_330 = vector.broadcast %get3A_329 : vector<1x128xf32> to vector<256x128xf32>
      %add3A_331 = arith.addf %dot_general3A_326, %add3A_330 : vector<256x128xf32>
      %max3A = arith.constant 0.000000e+00 : f32
      %max3A_332 = vector.broadcast %max3A : f32 to vector<256x128xf32>
      %max3A_333 = arith.maximumf %add3A_331, %max3A_332 : vector<256x128xf32>
      %abs3A = math.absf %add3A_331 : vector<256x128xf32>
      %neg3A = arith.constant 0.000000e+00 : f32
      %neg3A_334 = vector.broadcast %neg3A : f32 to vector<256x128xf32>
      %neg3A_335 = arith.subf %neg3A_334, %abs3A : vector<256x128xf32>
      %exp3A_336 = math.exp %neg3A_335 : vector<256x128xf32>
      %log1p3A = math.log1p %exp3A_336 : vector<256x128xf32>
      %add3A_337 = arith.addf %max3A_333, %log1p3A : vector<256x128xf32>
      %get3A_338 = arith.constant 0 : index
      %get3A_339 = arith.constant 0 : index
      %get3A_340 = vector.load %arg19[%get3A_338, %get3A_339] : memref<256x128xf32, #tpu.memory_space<vmem>>, vector<256x128xf32>
      %mul3A_341 = arith.mulf %get3A_340, %add3A_337 : vector<256x128xf32>
      %add3A_342 = arith.addf %add3A_321, %mul3A_341 : vector<256x128xf32>
      %lt3A_343 = arith.constant 8 : i32
      %lt3A_344 = vector.broadcast %lt3A_343 : i32 to vector<256x128xi32>
      %lt3A_345 = arith.cmpi slt, %iota3A, %lt3A_344 : vector<256x128xi32>
      %jit3A_346 = arith.constant -1.000000e+30 : f32
      %broadcast_in_dim3A_347 = vector.broadcast %jit3A_346 : f32 to vector<256x128xf32>
      %select_n3A_348 = arith.select %lt3A_345, %add3A_342, %broadcast_in_dim3A_347 : vector<256x128xi1>, vector<256x128xf32>
      %reduce_max3A_349 = arith.constant dense<0xFF800000> : vector<256xf32>
      %reduce_max3A_350 = vector.multi_reduction <maximumf>, %select_n3A_348, %reduce_max3A_349 [1] : vector<256x128xf32> to vector<256xf32>
      %broadcast_in_dim3A_351 = vector.shape_cast %reduce_max3A_350 : vector<256xf32> to vector<256x1xf32>
      %eq3A_352 = vector.broadcast %broadcast_in_dim3A_351 : vector<256x1xf32> to vector<256x128xf32>
      %eq3A_353 = arith.cmpf oeq, %select_n3A_348, %eq3A_352 : vector<256x128xf32>
      %jit3A_354 = arith.constant 128 : i32
      %broadcast_in_dim3A_355 = vector.broadcast %jit3A_354 : i32 to vector<256x128xi32>
      %select_n3A_356 = arith.select %eq3A_353, %iota3A, %broadcast_in_dim3A_355 : vector<256x128xi1>, vector<256x128xi32>
      %reduce_min3A = arith.constant dense<2147483647> : vector<256xi32>
      %reduce_min3A_357 = vector.multi_reduction <minsi>, %select_n3A_356, %reduce_min3A [1] : vector<256x128xi32> to vector<256xi32>
      %broadcast_in_dim3A_358 = vector.shape_cast %reduce_min3A_357 : vector<256xi32> to vector<256x1xi32>
      %eq3A_359 = vector.broadcast %broadcast_in_dim3A_358 : vector<256x1xi32> to vector<256x128xi32>
      %eq3A_360 = arith.cmpi eq, %iota3A, %eq3A_359 : vector<256x128xi32>
      %jit3A_361 = arith.constant -1.000000e+30 : f32
      %broadcast_in_dim3A_362 = vector.broadcast %jit3A_361 : f32 to vector<256x128xf32>
      %select_n3A_363 = arith.select %eq3A_360, %broadcast_in_dim3A_362, %select_n3A_348 : vector<256x128xi1>, vector<256x128xf32>
      %reduce_max3A_364 = arith.constant dense<0xFF800000> : vector<256xf32>
      %reduce_max3A_365 = vector.multi_reduction <maximumf>, %select_n3A_363, %reduce_max3A_364 [1] : vector<256x128xf32> to vector<256xf32>
      %broadcast_in_dim3A_366 = vector.shape_cast %reduce_max3A_365 : vector<256xf32> to vector<256x1xf32>
      %eq3A_367 = vector.broadcast %broadcast_in_dim3A_366 : vector<256x1xf32> to vector<256x128xf32>
      %eq3A_368 = arith.cmpf oeq, %select_n3A_348, %eq3A_367 : vector<256x128xf32>
      %ne3A = vector.broadcast %broadcast_in_dim3A_358 : vector<256x1xi32> to vector<256x128xi32>
      %ne3A_369 = arith.cmpi ne, %iota3A, %ne3A : vector<256x128xi32>
      %and3A_370 = arith.andi %eq3A_368, %ne3A_369 : vector<256x128xi1>
      %jit3A_371 = arith.constant 128 : i32
      %broadcast_in_dim3A_372 = vector.broadcast %jit3A_371 : i32 to vector<256x128xi32>
      %select_n3A_373 = arith.select %and3A_370, %iota3A, %broadcast_in_dim3A_372 : vector<256x128xi1>, vector<256x128xi32>
      %reduce_min3A_374 = arith.constant dense<2147483647> : vector<256xi32>
      %reduce_min3A_375 = vector.multi_reduction <minsi>, %select_n3A_373, %reduce_min3A_374 [1] : vector<256x128xi32> to vector<256xi32>
      %broadcast_in_dim3A_376 = vector.shape_cast %reduce_min3A_375 : vector<256xi32> to vector<256x1xi32>
      %ge3A_377 = vector.broadcast %broadcast_in_dim3A_366 : vector<256x1xf32> to vector<256x128xf32>
      %ge3A_378 = arith.cmpf oge, %select_n3A_348, %ge3A_377 : vector<256x128xf32>
      %sub3A_379 = vector.broadcast %broadcast_in_dim3A_351 : vector<256x1xf32> to vector<256x128xf32>
      %sub3A_380 = arith.subf %select_n3A_348, %sub3A_379 : vector<256x128xf32>
      %exp3A_381 = math.exp %sub3A_380 : vector<256x128xf32>
      %jit3A_382 = arith.constant 0.000000e+00 : f32
      %broadcast_in_dim3A_383 = vector.broadcast %jit3A_382 : f32 to vector<256x128xf32>
      %select_n3A_384 = arith.select %ge3A_378, %exp3A_381, %broadcast_in_dim3A_383 : vector<256x128xi1>, vector<256x128xf32>
      %reduce_sum3A_385 = arith.constant dense<0.000000e+00> : vector<256xf32>
      %reduce_sum3A_386 = vector.multi_reduction <add>, %select_n3A_384, %reduce_sum3A_385 [1] : vector<256x128xf32> to vector<256xf32>
      %broadcast_in_dim3A_387 = vector.shape_cast %reduce_sum3A_386 : vector<256xf32> to vector<256x1xf32>
      %div3A_388 = arith.constant 1.000000e+00 : f32
      %div3A_389 = vector.broadcast %div3A_388 : f32 to vector<256x1xf32>
      %div3A_390 = arith.divf %div3A_389, %broadcast_in_dim3A_387 : vector<256x1xf32>
      %sub3A_391 = arith.subf %broadcast_in_dim3A_366, %broadcast_in_dim3A_351 : vector<256x1xf32>
      %exp3A_392 = math.exp %sub3A_391 : vector<256x1xf32>
      %div3A_393 = arith.divf %exp3A_392, %broadcast_in_dim3A_387 : vector<256x1xf32>
      %eq3A_394 = arith.constant 0 : i32
      %eq3A_395 = vector.broadcast %eq3A_394 : i32 to vector<256x128xi32>
      %eq3A_396 = arith.cmpi eq, %iota3A, %eq3A_395 : vector<256x128xi32>
      %convert_element_type3A_397 = arith.sitofp %broadcast_in_dim3A_358 : vector<256x1xi32> to vector<256x1xf32>
      %jit3A_398 = arith.constant 0.000000e+00 : f32
      %broadcast_in_dim3A_399 = vector.shape_cast %convert_element_type3A_397 : vector<256x1xf32> to vector<256x1xf32>
      %broadcast_in_dim3A_400 = vector.broadcast %broadcast_in_dim3A_399 : vector<256x1xf32> to vector<256x128xf32>
      %broadcast_in_dim3A_401 = vector.broadcast %jit3A_398 : f32 to vector<256x128xf32>
      %select_n3A_402 = arith.select %eq3A_396, %broadcast_in_dim3A_400, %broadcast_in_dim3A_401 : vector<256x128xi1>, vector<256x128xf32>
      %eq3A_403 = arith.constant 1 : i32
      %eq3A_404 = vector.broadcast %eq3A_403 : i32 to vector<256x128xi32>
      %eq3A_405 = arith.cmpi eq, %iota3A, %eq3A_404 : vector<256x128xi32>
      %convert_element_type3A_406 = arith.sitofp %broadcast_in_dim3A_376 : vector<256x1xi32> to vector<256x1xf32>
      %jit3A_407 = arith.constant 0.000000e+00 : f32
      %broadcast_in_dim3A_408 = vector.shape_cast %convert_element_type3A_406 : vector<256x1xf32> to vector<256x1xf32>
      %broadcast_in_dim3A_409 = vector.broadcast %broadcast_in_dim3A_408 : vector<256x1xf32> to vector<256x128xf32>
      %broadcast_in_dim3A_410 = vector.broadcast %jit3A_407 : f32 to vector<256x128xf32>
      %select_n3A_411 = arith.select %eq3A_405, %broadcast_in_dim3A_409, %broadcast_in_dim3A_410 : vector<256x128xi1>, vector<256x128xf32>
      %add3A_412 = arith.addf %select_n3A_402, %select_n3A_411 : vector<256x128xf32>
      %eq3A_413 = arith.constant 2 : i32
      %eq3A_414 = vector.broadcast %eq3A_413 : i32 to vector<256x128xi32>
      %eq3A_415 = arith.cmpi eq, %iota3A, %eq3A_414 : vector<256x128xi32>
      %jit3A_416 = arith.constant 0.000000e+00 : f32
      %broadcast_in_dim3A_417 = vector.shape_cast %div3A_390 : vector<256x1xf32> to vector<256x1xf32>
      %broadcast_in_dim3A_418 = vector.broadcast %broadcast_in_dim3A_417 : vector<256x1xf32> to vector<256x128xf32>
      %broadcast_in_dim3A_419 = vector.broadcast %jit3A_416 : f32 to vector<256x128xf32>
      %select_n3A_420 = arith.select %eq3A_415, %broadcast_in_dim3A_418, %broadcast_in_dim3A_419 : vector<256x128xi1>, vector<256x128xf32>
      %add3A_421 = arith.addf %add3A_412, %select_n3A_420 : vector<256x128xf32>
      %eq3A_422 = arith.constant 3 : i32
      %eq3A_423 = vector.broadcast %eq3A_422 : i32 to vector<256x128xi32>
      %eq3A_424 = arith.cmpi eq, %iota3A, %eq3A_423 : vector<256x128xi32>
      %jit3A_425 = arith.constant 0.000000e+00 : f32
      %broadcast_in_dim3A_426 = vector.shape_cast %div3A_393 : vector<256x1xf32> to vector<256x1xf32>
      %broadcast_in_dim3A_427 = vector.broadcast %broadcast_in_dim3A_426 : vector<256x1xf32> to vector<256x128xf32>
      %broadcast_in_dim3A_428 = vector.broadcast %jit3A_425 : f32 to vector<256x128xf32>
      %select_n3A_429 = arith.select %eq3A_424, %broadcast_in_dim3A_427, %broadcast_in_dim3A_428 : vector<256x128xi1>, vector<256x128xf32>
      %add3A_430 = arith.addf %add3A_421, %select_n3A_429 : vector<256x128xf32>
      %swap3A_431 = arith.constant 0 : index
      %swap3A_432 = arith.constant 0 : index
      %swap3A_433 = vector.load %arg22[%swap3A_431, %swap3A_432] : memref<256x128xf32, #tpu.memory_space<vmem>>, vector<256x128xf32>
      tpu.vector_store %arg22[%swap3A_431, %swap3A_432], %add3A_430 {strides = array<i32>} : memref<256x128xf32, #tpu.memory_space<vmem>>, vector<256x128xf32>,
      %mul3A_434 = arith.constant 256 : i32
      %mul3A_435 = arith.muli %arg0, %mul3A_434 : i32
      %swap3A_436 = arith.index_cast %mul3A_435 : i32 to index
      %swap3A_437 = arith.constant 0 : index
      %swap3A_438 = vector.load %arg27[%swap3A_436, %swap3A_437] : memref<2048x128xf32, #tpu.memory_space<vmem>>, vector<256x128xf32>
      tpu.vector_store %arg27[%swap3A_436, %swap3A_437], %add3A_430 {strides = array<i32>} : memref<2048x128xf32, #tpu.memory_space<vmem>>, vector<256x128xf32>,
      %convert_element_type3A_439 = arith.sitofp %broadcast_in_dim3A_358 : vector<256x1xi32> to vector<256x1xf32>
      %eq3A_440 = vector.broadcast %convert_element_type3A_439 : vector<256x1xf32> to vector<256x128xf32>
      %eq3A_441 = arith.cmpf oeq, %convert_element_type3A, %eq3A_440 : vector<256x128xf32>
      %jit3A_442 = arith.constant 1.000000e+00 : f32
      %jit3A_443 = arith.constant 0.000000e+00 : f32
      %broadcast_in_dim3A_444 = vector.broadcast %jit3A_442 : f32 to vector<256x128xf32>
      %broadcast_in_dim3A_445 = vector.broadcast %jit3A_443 : f32 to vector<256x128xf32>
      %select_n3A_446 = arith.select %eq3A_441, %broadcast_in_dim3A_444, %broadcast_in_dim3A_445 : vector<256x128xi1>, vector<256x128xf32>
      %convert_element_type3A_447 = arith.sitofp %broadcast_in_dim3A_376 : vector<256x1xi32> to vector<256x1xf32>
      %eq3A_448 = vector.broadcast %convert_element_type3A_447 : vector<256x1xf32> to vector<256x128xf32>
      %eq3A_449 = arith.cmpf oeq, %convert_element_type3A, %eq3A_448 : vector<256x128xf32>
      %jit3A_450 = arith.constant 1.000000e+00 : f32
      %jit3A_451 = arith.constant 0.000000e+00 : f32
      %broadcast_in_dim3A_452 = vector.broadcast %jit3A_450 : f32 to vector<256x128xf32>
      %broadcast_in_dim3A_453 = vector.broadcast %jit3A_451 : f32 to vector<256x128xf32>
      %select_n3A_454 = arith.select %eq3A_449, %broadcast_in_dim3A_452, %broadcast_in_dim3A_453 : vector<256x128xi1>, vector<256x128xf32>
      %eq3A_455 = arith.constant 0 : i32
      %eq3A_456 = arith.cmpi eq, %arg0, %eq3A_455 : i32
      %convert_element_type3A_457 = arith.extui %eq3A_456 : i1 to i32
      %cond3A_458 = arith.constant 0 : i32
      %cond3A_459 = arith.cmpi ne, %convert_element_type3A_457, %cond3A_458 : i32
      scf.if %cond3A_459 {
        %broadcast_in_dim3A_480 = arith.constant 0.000000e+00 : f32
        %broadcast_in_dim3A_481 = vector.broadcast %broadcast_in_dim3A_480 : f32 to vector<1x128xf32>
        %swap3A_482 = arith.constant 0 : index
        %swap3A_483 = arith.constant 0 : index
        %swap3A_484 = vector.load %arg28[%swap3A_482, %swap3A_483] : memref<1x128xf32, #tpu.memory_space<vmem>>, vector<1x128xf32>
        tpu.vector_store %arg28[%swap3A_482, %swap3A_483], %broadcast_in_dim3A_481 {strides = array<i32>} : memref<1x128xf32, #tpu.memory_space<vmem>>, vector<1x128xf32>,
      } else {
      }
      %get3A_460 = arith.constant 0 : index
      %get3A_461 = arith.constant 0 : index
      %get3A_462 = vector.load %arg28[%get3A_460, %get3A_461] : memref<1x128xf32, #tpu.memory_space<vmem>>, vector<1x128xf32>
      %swap3A_463 = arith.index_cast %arg0 : i32 to index
      %swap3A_464 = arith.constant 0 : index
      %swap3A_465 = vector.load %arg29[%swap3A_463, %swap3A_464] : memref<8x128xf32, #tpu.memory_space<vmem>>, vector<1x128xf32>
      tpu.vector_store %arg29[%swap3A_463, %swap3A_464], %get3A_462 {strides = array<i32>} : memref<8x128xf32, #tpu.memory_space<vmem>>, vector<1x128xf32>,
      %get3A_466 = arith.constant 0 : index
      %get3A_467 = arith.constant 0 : index
      %get3A_468 = vector.load %arg28[%get3A_466, %get3A_467] : memref<1x128xf32, #tpu.memory_space<vmem>>, vector<1x128xf32>
      %reduce_sum3A_469 = arith.constant dense<0.000000e+00> : vector<128xf32>
      %reduce_sum3A_470 = vector.multi_reduction <add>, %select_n3A_446, %reduce_sum3A_469 [0] : vector<256x128xf32> to vector<128xf32>
      %broadcast_in_dim3A_471 = vector.shape_cast %reduce_sum3A_470 : vector<128xf32> to vector<1x128xf32>
      %reduce_sum3A_472 = arith.constant dense<0.000000e+00> : vector<128xf32>
      %reduce_sum3A_473 = vector.multi_reduction <add>, %select_n3A_454, %reduce_sum3A_472 [0] : vector<256x128xf32> to vector<128xf32>
      %broadcast_in_dim3A_474 = vector.shape_cast %reduce_sum3A_473 : vector<128xf32> to vector<1x128xf32>
      %add3A_475 = arith.addf %broadcast_in_dim3A_471, %broadcast_in_dim3A_474 : vector<1x128xf32>
      %add3A_476 = arith.addf %get3A_468, %add3A_475 : vector<1x128xf32>
      %swap3A_477 = arith.constant 0 : index
      %swap3A_478 = arith.constant 0 : index
      %swap3A_479 = vector.load %arg28[%swap3A_477, %swap3A_478] : memref<1x128xf32, #tpu.memory_space<vmem>>, vector<1x128xf32>
      tpu.vector_store %arg28[%swap3A_477, %swap3A_478], %add3A_476 {strides = array<i32>} : memref<1x128xf32, #tpu.memory_space<vmem>>, vector<1x128xf32>,
    } else {
    }
    %eq3A = arith.constant 8 : i32
    %eq3A_3 = arith.cmpi eq, %arg0, %eq3A : i32
    %convert_element_type3A_4 = arith.extui %eq3A_3 : i1 to i32
    %cond3A_5 = arith.constant 0 : i32
    %cond3A_6 = arith.cmpi ne, %convert_element_type3A_4, %cond3A_5 : i32
    scf.if %cond3A_6 {
      %get3A = arith.constant 0 : index
      %get3A_18 = arith.constant 0 : index
      %get3A_19 = vector.load %arg28[%get3A, %get3A_18] : memref<1x128xf32, #tpu.memory_space<vmem>>, vector<1x128xf32>
      %div3A = arith.constant 2.560000e+02 : f32
      %div3A_20 = vector.broadcast %div3A : f32 to vector<1x128xf32>
      %div3A_21 = arith.divf %get3A_19, %div3A_20 : vector<1x128xf32>
      %ceil3A = math.ceil %div3A_21 : vector<1x128xf32>
      %iota3A_22 = tpu.iota {dimensions = array<i32: 0>} : vector<128x128xi32>
      %iota3A_23 = tpu.iota {dimensions = array<i32: 1>} : vector<128x128xi32>
      %le3A = arith.cmpi sle, %iota3A_22, %iota3A_23 : vector<128x128xi32>
      %jit3A = arith.constant 1.000000e+00 : f32
      %jit3A_24 = arith.constant 0.000000e+00 : f32
      %broadcast_in_dim3A = vector.broadcast %jit3A : f32 to vector<128x128xf32>
      %broadcast_in_dim3A_25 = vector.broadcast %jit3A_24 : f32 to vector<128x128xf32>
      %select_n3A = arith.select %le3A, %broadcast_in_dim3A, %broadcast_in_dim3A_25 : vector<128x128xi1>, vector<128x128xf32>
      %lt3A_26 = arith.cmpi slt, %iota3A_22, %iota3A_23 : vector<128x128xi32>
      %jit3A_27 = arith.constant 1.000000e+00 : f32
      %jit3A_28 = arith.constant 0.000000e+00 : f32
      %broadcast_in_dim3A_29 = vector.broadcast %jit3A_27 : f32 to vector<128x128xf32>
      %broadcast_in_dim3A_30 = vector.broadcast %jit3A_28 : f32 to vector<128x128xf32>
      %select_n3A_31 = arith.select %lt3A_26, %broadcast_in_dim3A_29, %broadcast_in_dim3A_30 : vector<128x128xi1>, vector<128x128xf32>
      %dot_general3A = arith.constant dense<0.000000e+00> : vector<1x128xf32>
      %dot_general3A_32 = tpu.matmul %ceil3A, %select_n3A, %dot_general3A {dimension_numbers = #tpu.dot_dimension_numbers<[1], [0], [0], [1], [0, 0, 1, 1], [], []>, transpose_lhs_hint = false} : vector<1x128xf32>, vector<128x128xf32>, vector<1x128xf32> -> vector<1x128xf32>
      %mul3A = arith.constant 2.560000e+02 : f32
      %mul3A_33 = vector.broadcast %mul3A : f32 to vector<1x128xf32>
      %mul3A_34 = arith.mulf %ceil3A, %mul3A_33 : vector<1x128xf32>
      %dot_general3A_35 = arith.constant dense<0.000000e+00> : vector<1x128xf32>
      %dot_general3A_36 = tpu.matmul %mul3A_34, %select_n3A_31, %dot_general3A_35 {dimension_numbers = #tpu.dot_dimension_numbers<[1], [0], [0], [1], [0, 0, 1, 1], [], []>, transpose_lhs_hint = false} : vector<1x128xf32>, vector<128x128xf32>, vector<1x128xf32> -> vector<1x128xf32>
      %swap3A = arith.constant 0 : index
      %swap3A_37 = arith.constant 0 : index
      %swap3A_38 = vector.load %arg30[%swap3A, %swap3A_37] : memref<1x128xf32, #tpu.memory_space<vmem>>, vector<1x128xf32>
      tpu.vector_store %arg30[%swap3A, %swap3A_37], %dot_general3A_36 {strides = array<i32>} : memref<1x128xf32, #tpu.memory_space<vmem>>, vector<1x128xf32>,
      %lt3A_39 = arith.constant 8 : i32
      %lt3A_40 = vector.broadcast %lt3A_39 : i32 to vector<128x128xi32>
      %lt3A_41 = arith.cmpi slt, %iota3A_23, %lt3A_40 : vector<128x128xi32>
      %convert_element_type3A_42 = arith.sitofp %iota3A_22 : vector<128x128xi32> to vector<128x128xf32>
      %broadcast_in_dim3A_43 = vector.shape_cast %dot_general3A_32 : vector<1x128xf32> to vector<1x128xf32>
      %broadcast_in_dim3A_44 = vector.broadcast %broadcast_in_dim3A_43 : vector<1x128xf32> to vector<128x128xf32>
      %ge3A_45 = arith.cmpf oge, %convert_element_type3A_42, %broadcast_in_dim3A_44 : vector<128x128xf32>
      %and3A_46 = arith.andi %lt3A_41, %ge3A_45 : vector<128x128xi1>
      %jit3A_47 = arith.constant 1.000000e+00 : f32
      %jit3A_48 = arith.constant 0.000000e+00 : f32
      %broadcast_in_dim3A_49 = vector.broadcast %jit3A_47 : f32 to vector<128x128xf32>
      %broadcast_in_dim3A_50 = vector.broadcast %jit3A_48 : f32 to vector<128x128xf32>
      %select_n3A_51 = arith.select %and3A_46, %broadcast_in_dim3A_49, %broadcast_in_dim3A_50 : vector<128x128xi1>, vector<128x128xf32>
      %reduce_sum3A = arith.constant dense<0.000000e+00> : vector<128xf32>
      %reduce_sum3A_52 = vector.multi_reduction <add>, %select_n3A_51, %reduce_sum3A [1] : vector<128x128xf32> to vector<128xf32>
      %broadcast_in_dim3A_53 = vector.shape_cast %reduce_sum3A_52 : vector<128xf32> to vector<128x1xf32>
      %min3A = arith.constant 7.000000e+00 : f32
      %min3A_54 = vector.broadcast %min3A : f32 to vector<128x1xf32>
      %min3A_55 = arith.minimumf %broadcast_in_dim3A_53, %min3A_54 : vector<128x1xf32>
      %slice3A = vector.extract_strided_slice %iota3A_23 {offsets = [0, 0], sizes = [1, 128], strides = [1, 1]} : vector<128x128xi32> to vector<1x128xi32>
      %eq3A_56 = arith.constant 7 : i32
      %eq3A_57 = vector.broadcast %eq3A_56 : i32 to vector<1x128xi32>
      %eq3A_58 = arith.cmpi eq, %slice3A, %eq3A_57 : vector<1x128xi32>
      %jit3A_59 = arith.constant 0.000000e+00 : f32
      %broadcast_in_dim3A_60 = vector.broadcast %jit3A_59 : f32 to vector<1x128xf32>
      %select_n3A_61 = arith.select %eq3A_58, %dot_general3A_32, %broadcast_in_dim3A_60 : vector<1x128xi1>, vector<1x128xf32>
      %reduce_sum3A_62 = arith.constant dense<0.000000e+00> : vector<1xf32>
      %reduce_sum3A_63 = vector.multi_reduction <add>, %select_n3A_61, %reduce_sum3A_62 [1] : vector<1x128xf32> to vector<1xf32>
      %broadcast_in_dim3A_64 = vector.shape_cast %reduce_sum3A_63 : vector<1xf32> to vector<1x1xf32>
      %iota3A_65 = tpu.iota {dimensions = array<i32: 0>} : vector<128x1xi32>
      %eq3A_66 = arith.constant 24 : i32
      %eq3A_67 = vector.broadcast %eq3A_66 : i32 to vector<128x1xi32>
      %eq3A_68 = arith.cmpi eq, %iota3A_65, %eq3A_67 : vector<128x1xi32>
      %broadcast_in_dim3A_69 = vector.shape_cast %broadcast_in_dim3A_64 : vector<1x1xf32> to vector<1x1xf32>
      %broadcast_in_dim3A_70 = vector.broadcast %broadcast_in_dim3A_69 : vector<1x1xf32> to vector<128x1xf32>
      %select_n3A_71 = arith.select %eq3A_68, %broadcast_in_dim3A_70, %min3A_55 : vector<128x1xi1>, vector<128x1xf32>
      %convert_element_type3A_72 = arith.fptosi %select_n3A_71 : vector<128x1xf32> to vector<128x1xi32>
      %swap3A_73 = arith.constant 0 : index
      %swap3A_74 = arith.constant 0 : index
      %swap3A_75 = vector.load %arg25[%swap3A_73, %swap3A_74] : memref<128x1xi32, #tpu.memory_space<vmem>>, vector<128x1xi32>
      tpu.vector_store %arg25[%swap3A_73, %swap3A_74], %convert_element_type3A_72 {strides = array<i32>} : memref<128x1xi32, #tpu.memory_space<vmem>>, vector<128x1xi32>,
    } else {
    }
    %ge3A = arith.constant 8 : i32
    %ge3A_7 = arith.cmpi sge, %arg0, %ge3A : i32
    %lt3A_8 = arith.constant 16 : i32
    %lt3A_9 = arith.cmpi slt, %arg0, %lt3A_8 : i32
    %and3A = arith.andi %ge3A_7, %lt3A_9 : i1
    %convert_element_type3A_10 = arith.extui %and3A : i1 to i32
    %cond3A_11 = arith.constant 0 : i32
    %cond3A_12 = arith.cmpi ne, %convert_element_type3A_10, %cond3A_11 : i32
    scf.if %cond3A_12 {
      %sub3A = arith.constant 8 : i32
      %sub3A_18 = arith.subi %arg0, %sub3A : i32
      %mul3A = arith.constant 256 : i32
      %mul3A_19 = arith.muli %sub3A_18, %mul3A : i32
      %get3A = arith.index_cast %mul3A_19 : i32 to index
      %get3A_20 = arith.constant 0 : index
      %get3A_21 = vector.load %arg27[%get3A, %get3A_20] : memref<2048x128xf32, #tpu.memory_space<vmem>>, vector<256x128xf32>
      %slice3A = vector.extract_strided_slice %get3A_21 {offsets = [0, 0], sizes = [256, 1], strides = [1, 1]} : vector<256x128xf32> to vector<256x1xf32>
      %eq3A_22 = vector.broadcast %slice3A : vector<256x1xf32> to vector<256x128xf32>
      %eq3A_23 = arith.cmpf oeq, %convert_element_type3A, %eq3A_22 : vector<256x128xf32>
      %jit3A = arith.constant 1.000000e+00 : f32
      %jit3A_24 = arith.constant 0.000000e+00 : f32
      %broadcast_in_dim3A = vector.broadcast %jit3A : f32 to vector<256x128xf32>
      %broadcast_in_dim3A_25 = vector.broadcast %jit3A_24 : f32 to vector<256x128xf32>
      %select_n3A = arith.select %eq3A_23, %broadcast_in_dim3A, %broadcast_in_dim3A_25 : vector<256x128xi1>, vector<256x128xf32>
      %slice3A_26 = vector.extract_strided_slice %get3A_21 {offsets = [0, 1], sizes = [256, 1], strides = [1, 1]} : vector<256x128xf32> to vector<256x1xf32>
      %eq3A_27 = vector.broadcast %slice3A_26 : vector<256x1xf32> to vector<256x128xf32>
      %eq3A_28 = arith.cmpf oeq, %convert_element_type3A, %eq3A_27 : vector<256x128xf32>
      %jit3A_29 = arith.constant 1.000000e+00 : f32
      %jit3A_30 = arith.constant 0.000000e+00 : f32
      %broadcast_in_dim3A_31 = vector.broadcast %jit3A_29 : f32 to vector<256x128xf32>
      %broadcast_in_dim3A_32 = vector.broadcast %jit3A_30 : f32 to vector<256x128xf32>
      %select_n3A_33 = arith.select %eq3A_28, %broadcast_in_dim3A_31, %broadcast_in_dim3A_32 : vector<256x128xi1>, vector<256x128xf32>
      %get3A_34 = arith.index_cast %sub3A_18 : i32 to index
      %get3A_35 = arith.constant 0 : index
      %get3A_36 = vector.load %arg29[%get3A_34, %get3A_35] : memref<8x128xf32, #tpu.memory_space<vmem>>, vector<1x128xf32>
      %iota3A_37 = tpu.iota {dimensions = array<i32: 0>} : vector<256x256xi32>
      %iota3A_38 = tpu.iota {dimensions = array<i32: 1>} : vector<256x256xi32>
      %ge3A_39 = arith.cmpi sge, %iota3A_37, %iota3A_38 : vector<256x256xi32>
      %jit3A_40 = arith.constant 1.000000e+00 : f32
      %jit3A_41 = arith.constant 0.000000e+00 : f32
      %broadcast_in_dim3A_42 = vector.broadcast %jit3A_40 : f32 to vector<256x256xf32>
      %broadcast_in_dim3A_43 = vector.broadcast %jit3A_41 : f32 to vector<256x256xf32>
      %select_n3A_44 = arith.select %ge3A_39, %broadcast_in_dim3A_42, %broadcast_in_dim3A_43 : vector<256x256xi1>, vector<256x256xf32>
      %dot_general3A = arith.constant dense<0.000000e+00> : vector<256x128xf32>
      %dot_general3A_45 = tpu.matmul %select_n3A_44, %select_n3A, %dot_general3A {dimension_numbers = #tpu.dot_dimension_numbers<[1], [0], [0], [1], [0, 0, 1, 1], [], []>, transpose_lhs_hint = false} : vector<256x256xf32>, vector<256x128xf32>, vector<256x128xf32> -> vector<256x128xf32>
      %sub3A_46 = arith.subf %dot_general3A_45, %select_n3A : vector<256x128xf32>
      %reduce_sum3A = arith.constant dense<0.000000e+00> : vector<128xf32>
      %reduce_sum3A_47 = vector.multi_reduction <add>, %select_n3A, %reduce_sum3A [0] : vector<256x128xf32> to vector<128xf32>
      %broadcast_in_dim3A_48 = vector.shape_cast %reduce_sum3A_47 : vector<128xf32> to vector<1x128xf32>
      %dot_general3A_49 = arith.constant dense<0.000000e+00> : vector<256x128xf32>
      %dot_general3A_50 = tpu.matmul %select_n3A_44, %select_n3A_33, %dot_general3A_49 {dimension_numbers = #tpu.dot_dimension_numbers<[1], [0], [0], [1], [0, 0, 1, 1], [], []>, transpose_lhs_hint = false} : vector<256x256xf32>, vector<256x128xf32>, vector<256x128xf32> -> vector<256x128xf32>
      %sub3A_51 = arith.subf %dot_general3A_50, %select_n3A_33 : vector<256x128xf32>
      %add3A = vector.broadcast %broadcast_in_dim3A_48 : vector<1x128xf32> to vector<256x128xf32>
      %add3A_52 = arith.addf %sub3A_51, %add3A : vector<256x128xf32>
      %get3A_53 = arith.constant 0 : index
      %get3A_54 = arith.constant 0 : index
      %get3A_55 = vector.load %arg30[%get3A_53, %get3A_54] : memref<1x128xf32, #tpu.memory_space<vmem>>, vector<1x128xf32>
      %add3A_56 = arith.addf %get3A_55, %get3A_36 : vector<1x128xf32>
      %add3A_57 = vector.broadcast %add3A_56 : vector<1x128xf32> to vector<256x128xf32>
      %add3A_58 = arith.addf %add3A_57, %sub3A_46 : vector<256x128xf32>
      %mul3A_59 = arith.mulf %select_n3A, %add3A_58 : vector<256x128xf32>
      %reduce_sum3A_60 = arith.constant dense<0.000000e+00> : vector<256xf32>
      %reduce_sum3A_61 = vector.multi_reduction <add>, %mul3A_59, %reduce_sum3A_60 [1] : vector<256x128xf32> to vector<256xf32>
      %broadcast_in_dim3A_62 = vector.shape_cast %reduce_sum3A_61 : vector<256xf32> to vector<256x1xf32>
      %add3A_63 = vector.broadcast %add3A_56 : vector<1x128xf32> to vector<256x128xf32>
      %add3A_64 = arith.addf %add3A_63, %add3A_52 : vector<256x128xf32>
      %mul3A_65 = arith.mulf %select_n3A_33, %add3A_64 : vector<256x128xf32>
      %reduce_sum3A_66 = arith.constant dense<0.000000e+00> : vector<256xf32>
      %reduce_sum3A_67 = vector.multi_reduction <add>, %mul3A_65, %reduce_sum3A_66 [1] : vector<256x128xf32> to vector<256xf32>
      %broadcast_in_dim3A_68 = vector.shape_cast %reduce_sum3A_67 : vector<256xf32> to vector<256x1xf32>
      %convert_element_type3A_69 = arith.fptosi %broadcast_in_dim3A_62 : vector<256x1xf32> to vector<256x1xi32>
      %swap3A = arith.constant 0 : index
      %swap3A_70 = arith.constant 0 : index
      %swap3A_71 = vector.load %arg23[%swap3A, %swap3A_70] : memref<256x1xi32, #tpu.memory_space<vmem>>, vector<256x1xi32>
      tpu.vector_store %arg23[%swap3A, %swap3A_70], %convert_element_type3A_69 {strides = array<i32>} : memref<256x1xi32, #tpu.memory_space<vmem>>, vector<256x1xi32>,
      %convert_element_type3A_72 = arith.fptosi %broadcast_in_dim3A_68 : vector<256x1xf32> to vector<256x1xi32>
      %swap3A_73 = arith.constant 0 : index
      %swap3A_74 = arith.constant 0 : index
      %swap3A_75 = vector.load %arg24[%swap3A_73, %swap3A_74] : memref<256x1xi32, #tpu.memory_space<vmem>>, vector<256x1xi32>
      tpu.vector_store %arg24[%swap3A_73, %swap3A_74], %convert_element_type3A_72 {strides = array<i32>} : memref<256x1xi32, #tpu.memory_space<vmem>>, vector<256x1xi32>,
      %mul3A_76 = arith.constant 256 : i32
      %mul3A_77 = arith.muli %sub3A_18, %mul3A_76 : i32
      %swap3A_78 = arith.index_cast %mul3A_77 : i32 to index
      %swap3A_79 = arith.constant 0 : index
      %swap3A_80 = vector.load %arg31[%swap3A_78, %swap3A_79] : memref<2048x1xf32, #tpu.memory_space<vmem>>, vector<256x1xf32>
      tpu.vector_store %arg31[%swap3A_78, %swap3A_79], %broadcast_in_dim3A_62 {strides = array<i32>} : memref<2048x1xf32, #tpu.memory_space<vmem>>, vector<256x1xf32>,
      %mul3A_81 = arith.constant 256 : i32
      %mul3A_82 = arith.muli %sub3A_18, %mul3A_81 : i32
      %swap3A_83 = arith.index_cast %mul3A_82 : i32 to index
      %swap3A_84 = arith.constant 0 : index
      %swap3A_85 = vector.load %arg32[%swap3A_83, %swap3A_84] : memref<2048x1xf32, #tpu.memory_space<vmem>>, vector<256x1xf32>
      tpu.vector_store %arg32[%swap3A_83, %swap3A_84], %broadcast_in_dim3A_68 {strides = array<i32>} : memref<2048x1xf32, #tpu.memory_space<vmem>>, vector<256x1xf32>,
    } else {
    }
    %ge3A_13 = arith.constant 16 : i32
    %ge3A_14 = arith.cmpi sge, %arg0, %ge3A_13 : i32
    %convert_element_type3A_15 = arith.extui %ge3A_14 : i1 to i32
    %cond3A_16 = arith.constant 0 : i32
    %cond3A_17 = arith.cmpi ne, %convert_element_type3A_15, %cond3A_16 : i32
    scf.if %cond3A_17 {
      %sub3A = arith.constant 16 : i32
      %sub3A_18 = arith.subi %arg0, %sub3A : i32
      %mul3A = arith.constant 256 : i32
      %mul3A_19 = arith.muli %sub3A_18, %mul3A : i32
      %convert_element_type3A_20 = arith.sitofp %mul3A_19 : i32 to f32
      %iota3A_21 = tpu.iota {dimensions = array<i32: 1>} : vector<1x256xi32>
      %convert_element_type3A_22 = arith.sitofp %iota3A_21 : vector<1x256xi32> to vector<1x256xf32>
      %add3A = vector.broadcast %convert_element_type3A_20 : f32 to vector<1x256xf32>
      %add3A_23 = arith.addf %add3A, %convert_element_type3A_22 : vector<1x256xf32>
      %iota3A_24 = tpu.iota {dimensions = array<i32: 0>} : vector<2048x1xi32>
      %convert_element_type3A_25 = arith.sitofp %iota3A_24 : vector<2048x1xi32> to vector<2048x1xf32>
      %get3A = arith.constant 0 : index
      %get3A_26 = arith.constant 0 : index
      %get3A_27 = vector.load %arg31[%get3A, %get3A_26] : memref<2048x1xf32, #tpu.memory_space<vmem>>, vector<2048x1xf32>
      %eq3A_28 = vector.broadcast %get3A_27 : vector<2048x1xf32> to vector<2048x256xf32>
      %eq3A_29 = vector.broadcast %add3A_23 : vector<1x256xf32> to vector<2048x256xf32>
      %eq3A_30 = arith.cmpf oeq, %eq3A_28, %eq3A_29 : vector<2048x256xf32>
      %get3A_31 = arith.constant 0 : index
      %get3A_32 = arith.constant 0 : index
      %get3A_33 = vector.load %arg32[%get3A_31, %get3A_32] : memref<2048x1xf32, #tpu.memory_space<vmem>>, vector<2048x1xf32>
      %eq3A_34 = vector.broadcast %get3A_33 : vector<2048x1xf32> to vector<2048x256xf32>
      %eq3A_35 = vector.broadcast %add3A_23 : vector<1x256xf32> to vector<2048x256xf32>
      %eq3A_36 = arith.cmpf oeq, %eq3A_34, %eq3A_35 : vector<2048x256xf32>
      %or3A = arith.ori %eq3A_30, %eq3A_36 : vector<2048x256xi1>
      %jit3A = arith.constant 0.000000e+00 : f32
      %broadcast_in_dim3A = vector.shape_cast %convert_element_type3A_25 : vector<2048x1xf32> to vector<2048x1xf32>
      %broadcast_in_dim3A_37 = vector.broadcast %broadcast_in_dim3A : vector<2048x1xf32> to vector<2048x256xf32>
      %broadcast_in_dim3A_38 = vector.broadcast %jit3A : f32 to vector<2048x256xf32>
      %select_n3A = arith.select %or3A, %broadcast_in_dim3A_37, %broadcast_in_dim3A_38 : vector<2048x256xi1>, vector<2048x256xf32>
      %reduce_sum3A = arith.constant dense<0.000000e+00> : vector<256xf32>
      %reduce_sum3A_39 = vector.multi_reduction <add>, %select_n3A, %reduce_sum3A [0] : vector<2048x256xf32> to vector<256xf32>
      %broadcast_in_dim3A_40 = vector.shape_cast %reduce_sum3A_39 : vector<256xf32> to vector<1x256xf32>
      %convert_element_type3A_41 = arith.fptosi %broadcast_in_dim3A_40 : vector<1x256xf32> to vector<1x256xi32>
      %swap3A = arith.index_cast %sub3A_18 : i32 to index
      %swap3A_42 = arith.constant 0 : index
      %swap3A_43 = vector.load %arg26[%swap3A, %swap3A_42] : memref<24x256xi32, #tpu.memory_space<vmem>>, vector<1x256xi32>
      tpu.vector_store %arg26[%swap3A, %swap3A_42], %convert_element_type3A_41 {strides = array<i32>} : memref<24x256xi32, #tpu.memory_space<vmem>>, vector<1x256xi32>,
    } else {
    }
    return
  }
  func.func @transform_0(%arg0: i32) -> (i32, i32) {
    %min3A = arith.constant 7 : i32
    %min3A_0 = arith.minsi %arg0, %min3A : i32
    %c0_i32 = arith.constant 0 : i32
    %c0_i32_1 = arith.constant 0 : i32
    return %min3A_0, %c0_i32 : i32, i32
  }
  func.func @transform_1(%arg0: i32) -> (i32, i32) {
    %min3A = arith.constant 7 : i32
    %min3A_0 = arith.minsi %arg0, %min3A : i32
    %c0_i32 = arith.constant 0 : i32
    %c0_i32_1 = arith.constant 0 : i32
    return %min3A_0, %c0_i32 : i32, i32
  }
  func.func @transform_2(%arg0: i32) -> (i32, i32) {
    %min3A = arith.constant 7 : i32
    %min3A_0 = arith.minsi %arg0, %min3A : i32
    %c0_i32 = arith.constant 0 : i32
    %c0_i32_1 = arith.constant 0 : i32
    return %min3A_0, %c0_i32 : i32, i32
  }
  func.func @transform_3(%arg0: i32) -> (i32, i32) {
    %c0_i32 = arith.constant 0 : i32
    %c0_i32_0 = arith.constant 0 : i32
    %c0_i32_1 = arith.constant 0 : i32
    return %c0_i32, %c0_i32_0 : i32, i32
  }
  func.func @transform_4(%arg0: i32) -> (i32, i32) {
    %c0_i32 = arith.constant 0 : i32
    %c0_i32_0 = arith.constant 0 : i32
    %c0_i32_1 = arith.constant 0 : i32
    return %c0_i32, %c0_i32_0 : i32, i32
  }
  func.func @transform_5(%arg0: i32) -> (i32, i32) {
    %c0_i32 = arith.constant 0 : i32
    %c0_i32_0 = arith.constant 0 : i32
    %c0_i32_1 = arith.constant 0 : i32
    return %c0_i32, %c0_i32_0 : i32, i32
  }
  func.func @transform_6(%arg0: i32) -> (i32, i32) {
    %c0_i32 = arith.constant 0 : i32
    %c0_i32_0 = arith.constant 0 : i32
    %c0_i32_1 = arith.constant 0 : i32
    return %c0_i32, %c0_i32_0 : i32, i32
  }
  func.func @transform_7(%arg0: i32) -> (i32, i32) {
    %c0_i32 = arith.constant 0 : i32
    %c0_i32_0 = arith.constant 0 : i32
    %c0_i32_1 = arith.constant 0 : i32
    return %c0_i32, %c0_i32_0 : i32, i32
  }
  func.func @transform_8(%arg0: i32) -> (i32, i32) {
    %c0_i32 = arith.constant 0 : i32
    %c0_i32_0 = arith.constant 0 : i32
    %c0_i32_1 = arith.constant 0 : i32
    return %c0_i32, %c0_i32_0 : i32, i32
  }
  func.func @transform_9(%arg0: i32) -> (i32, i32) {
    %c0_i32 = arith.constant 0 : i32
    %c0_i32_0 = arith.constant 0 : i32
    %c0_i32_1 = arith.constant 0 : i32
    return %c0_i32, %c0_i32_0 : i32, i32
  }
  func.func @transform_10(%arg0: i32) -> (i32, i32) {
    %c0_i32 = arith.constant 0 : i32
    %c0_i32_0 = arith.constant 0 : i32
    %c0_i32_1 = arith.constant 0 : i32
    return %c0_i32, %c0_i32_0 : i32, i32
  }
  func.func @transform_11(%arg0: i32) -> (i32, i32) {
    %c0_i32 = arith.constant 0 : i32
    %c0_i32_0 = arith.constant 0 : i32
    %c0_i32_1 = arith.constant 0 : i32
    return %c0_i32, %c0_i32_0 : i32, i32
  }
  func.func @transform_12(%arg0: i32) -> (i32, i32) {
    %c0_i32 = arith.constant 0 : i32
    %c0_i32_0 = arith.constant 0 : i32
    %c0_i32_1 = arith.constant 0 : i32
    return %c0_i32, %c0_i32_0 : i32, i32
  }
  func.func @transform_13(%arg0: i32) -> (i32, i32) {
    %c0_i32 = arith.constant 0 : i32
    %c0_i32_0 = arith.constant 0 : i32
    %c0_i32_1 = arith.constant 0 : i32
    return %c0_i32, %c0_i32_0 : i32, i32
  }
  func.func @transform_14(%arg0: i32) -> (i32, i32) {
    %c0_i32 = arith.constant 0 : i32
    %c0_i32_0 = arith.constant 0 : i32
    %c0_i32_1 = arith.constant 0 : i32
    return %c0_i32, %c0_i32_0 : i32, i32
  }
  func.func @transform_15(%arg0: i32) -> (i32, i32) {
    %c0_i32 = arith.constant 0 : i32
    %c0_i32_0 = arith.constant 0 : i32
    %c0_i32_1 = arith.constant 0 : i32
    return %c0_i32, %c0_i32_0 : i32, i32
  }
  func.func @transform_16(%arg0: i32) -> (i32, i32) {
    %c0_i32 = arith.constant 0 : i32
    %c0_i32_0 = arith.constant 0 : i32
    %c0_i32_1 = arith.constant 0 : i32
    return %c0_i32, %c0_i32_0 : i32, i32
  }
  func.func @transform_17(%arg0: i32) -> (i32, i32) {
    %c0_i32 = arith.constant 0 : i32
    %c0_i32_0 = arith.constant 0 : i32
    %c0_i32_1 = arith.constant 0 : i32
    return %c0_i32, %c0_i32_0 : i32, i32
  }
  func.func @transform_18(%arg0: i32) -> (i32, i32) {
    %min3A = arith.constant 7 : i32
    %min3A_0 = arith.minsi %arg0, %min3A : i32
    %c0_i32 = arith.constant 0 : i32
    %c0_i32_1 = arith.constant 0 : i32
    return %min3A_0, %c0_i32 : i32, i32
  }
  func.func @transform_19(%arg0: i32) -> (i32, i32) {
    %min3A = arith.constant 7 : i32
    %min3A_0 = arith.minsi %arg0, %min3A : i32
    %c0_i32 = arith.constant 0 : i32
    %c0_i32_1 = arith.constant 0 : i32
    return %min3A_0, %c0_i32 : i32, i32
  }
  func.func @transform_20(%arg0: i32) -> (i32, i32) {
    %min3A = arith.constant 7 : i32
    %min3A_0 = arith.minsi %arg0, %min3A : i32
    %c0_i32 = arith.constant 0 : i32
    %c0_i32_1 = arith.constant 0 : i32
    return %min3A_0, %c0_i32 : i32, i32
  }
  func.func @transform_21(%arg0: i32) -> (i32, i32) {
    %min3A = arith.constant 7 : i32
    %min3A_0 = arith.minsi %arg0, %min3A : i32
    %c0_i32 = arith.constant 0 : i32
    %c0_i32_1 = arith.constant 0 : i32
    return %min3A_0, %c0_i32 : i32, i32
  }
  func.func @transform_22(%arg0: i32) -> (i32, i32) {
    %sub3A = arith.constant 8 : i32
    %sub3A_0 = arith.subi %arg0, %sub3A : i32
    %jit3A = arith.constant 0 : i32
    %jit3A_1 = arith.constant 7 : i32
    %max3A = arith.maxsi %jit3A, %sub3A_0 : i32
    %min3A = arith.minsi %jit3A_1, %max3A : i32
    %c0_i32 = arith.constant 0 : i32
    %c0_i32_2 = arith.constant 0 : i32
    return %min3A, %c0_i32 : i32, i32
  }
  func.func @transform_23(%arg0: i32) -> (i32, i32) {
    %sub3A = arith.constant 8 : i32
    %sub3A_0 = arith.subi %arg0, %sub3A : i32
    %jit3A = arith.constant 0 : i32
    %jit3A_1 = arith.constant 7 : i32
    %max3A = arith.maxsi %jit3A, %sub3A_0 : i32
    %min3A = arith.minsi %jit3A_1, %max3A : i32
    %c0_i32 = arith.constant 0 : i32
    %c0_i32_2 = arith.constant 0 : i32
    return %min3A, %c0_i32 : i32, i32
  }
  func.func @transform_24(%arg0: i32) -> (i32, i32) {
    %c0_i32 = arith.constant 0 : i32
    %c0_i32_0 = arith.constant 0 : i32
    %c0_i32_1 = arith.constant 0 : i32
    return %c0_i32, %c0_i32_0 : i32, i32
  }
  func.func @transform_25(%arg0: i32) -> (i32, i32) {
    %c0_i32 = arith.constant 0 : i32
    %c0_i32_0 = arith.constant 0 : i32
    %c0_i32_1 = arith.constant 0 : i32
    return %c0_i32, %c0_i32_0 : i32, i32
  }
}

module attributes {stable_mosaic.version = 14 : i64} {
  func.func @_final_body(%arg0: i32, %arg1: memref<256x512xf32, #tpu.memory_space<vmem>>, %arg2: memref<256x512xf32, #tpu.memory_space<vmem>>, %arg3: memref<256x128xf32, #tpu.memory_space<vmem>>, %arg4: memref<1x512xf32, #tpu.memory_space<vmem>>, %arg5: memref<1x512xf32, #tpu.memory_space<vmem>>, %arg6: memref<512x512xf32, #tpu.memory_space<vmem>>, %arg7: memref<1x512xf32, #tpu.memory_space<vmem>>, %arg8: memref<512x512xf32, #tpu.memory_space<vmem>>, %arg9: memref<1x512xf32, #tpu.memory_space<vmem>>, %arg10: memref<256x512xf32, #tpu.memory_space<vmem>>, %arg11: memref<1x1x512xf32, #tpu.memory_space<vmem>>, %arg12: memref<8x512xf32, #tpu.memory_space<vmem>>, %arg13: memref<8x512xf32, #tpu.memory_space<vmem>>) attributes {dimension_semantics = [#tpu.dimension_semantics<arbitrary>], iteration_bounds = array<i64: 8>, scalar_prefetch = 0 : i64, scratch_operands = 1 : i64, tpu.core_type = #tpu.core_type<tc>, window_params = [{transform_indices = @transform_0, window_bounds = array<i64: 256, 512>}, {transform_indices = @transform_1, window_bounds = array<i64: 256, 512>}, {transform_indices = @transform_2, window_bounds = array<i64: 256, 128>}, {pipeline_mode = #tpu.pipeline_mode<synchronous>, transform_indices = @transform_3, window_bounds = array<i64: 1, 512>}, {pipeline_mode = #tpu.pipeline_mode<synchronous>, transform_indices = @transform_4, window_bounds = array<i64: 1, 512>}, {pipeline_mode = #tpu.pipeline_mode<synchronous>, transform_indices = @transform_5, window_bounds = array<i64: 512, 512>}, {pipeline_mode = #tpu.pipeline_mode<synchronous>, transform_indices = @transform_6, window_bounds = array<i64: 1, 512>}, {pipeline_mode = #tpu.pipeline_mode<synchronous>, transform_indices = @transform_7, window_bounds = array<i64: 512, 512>}, {pipeline_mode = #tpu.pipeline_mode<synchronous>, transform_indices = @transform_8, window_bounds = array<i64: 1, 512>}, {transform_indices = @transform_9, window_bounds = array<i64: 256, 512>}, {transform_indices = @transform_10, window_bounds = array<i64: 1, 1, 512>}, {pipeline_mode = #tpu.pipeline_mode<synchronous>, transform_indices = @transform_11, window_bounds = array<i64: 8, 512>}]} {
    %get3A = arith.constant 0 : index
    %get3A_0 = arith.constant 0 : index
    %get3A_1 = vector.load %arg3[%get3A, %get3A_0] : memref<256x128xf32, #tpu.memory_space<vmem>>, vector<256x128xf32>
    %iota3A = tpu.iota {dimensions = array<i32: 1>} : vector<256x128xi32>
    %eq3A = arith.constant 2 : i32
    %eq3A_2 = vector.broadcast %eq3A : i32 to vector<256x128xi32>
    %eq3A_3 = arith.cmpi eq, %iota3A, %eq3A_2 : vector<256x128xi32>
    %jit3A = arith.constant 0.000000e+00 : f32
    %broadcast_in_dim3A = vector.broadcast %jit3A : f32 to vector<256x128xf32>
    %select_n3A = arith.select %eq3A_3, %get3A_1, %broadcast_in_dim3A : vector<256x128xi1>, vector<256x128xf32>
    %reduce_sum3A = arith.constant dense<0.000000e+00> : vector<256xf32>
    %reduce_sum3A_4 = vector.multi_reduction <add>, %select_n3A, %reduce_sum3A [1] : vector<256x128xf32> to vector<256xf32>
    %broadcast_in_dim3A_5 = vector.shape_cast %reduce_sum3A_4 : vector<256xf32> to vector<256x1xf32>
    %eq3A_6 = arith.constant 3 : i32
    %eq3A_7 = vector.broadcast %eq3A_6 : i32 to vector<256x128xi32>
    %eq3A_8 = arith.cmpi eq, %iota3A, %eq3A_7 : vector<256x128xi32>
    %jit3A_9 = arith.constant 0.000000e+00 : f32
    %broadcast_in_dim3A_10 = vector.broadcast %jit3A_9 : f32 to vector<256x128xf32>
    %select_n3A_11 = arith.select %eq3A_8, %get3A_1, %broadcast_in_dim3A_10 : vector<256x128xi1>, vector<256x128xf32>
    %reduce_sum3A_12 = arith.constant dense<0.000000e+00> : vector<256xf32>
    %reduce_sum3A_13 = vector.multi_reduction <add>, %select_n3A_11, %reduce_sum3A_12 [1] : vector<256x128xf32> to vector<256xf32>
    %broadcast_in_dim3A_14 = vector.shape_cast %reduce_sum3A_13 : vector<256xf32> to vector<256x1xf32>
    %get3A_15 = arith.constant 0 : index
    %get3A_16 = arith.constant 0 : index
    %get3A_17 = vector.load %arg1[%get3A_15, %get3A_16] : memref<256x512xf32, #tpu.memory_space<vmem>>, vector<256x512xf32>
    %mul3A = vector.broadcast %broadcast_in_dim3A_5 : vector<256x1xf32> to vector<256x512xf32>
    %mul3A_18 = arith.mulf %mul3A, %get3A_17 : vector<256x512xf32>
    %get3A_19 = arith.constant 0 : index
    %get3A_20 = arith.constant 0 : index
    %get3A_21 = vector.load %arg2[%get3A_19, %get3A_20] : memref<256x512xf32, #tpu.memory_space<vmem>>, vector<256x512xf32>
    %mul3A_22 = vector.broadcast %broadcast_in_dim3A_14 : vector<256x1xf32> to vector<256x512xf32>
    %mul3A_23 = arith.mulf %mul3A_22, %get3A_21 : vector<256x512xf32>
    %add3A = arith.addf %mul3A_18, %mul3A_23 : vector<256x512xf32>
    %reduce_sum3A_24 = arith.constant dense<0.000000e+00> : vector<256xf32>
    %reduce_sum3A_25 = vector.multi_reduction <add>, %add3A, %reduce_sum3A_24 [1] : vector<256x512xf32> to vector<256xf32>
    %broadcast_in_dim3A_26 = vector.shape_cast %reduce_sum3A_25 : vector<256xf32> to vector<256x1xf32>
    %div3A = arith.constant 5.120000e+02 : f32
    %div3A_27 = vector.broadcast %div3A : f32 to vector<256x1xf32>
    %div3A_28 = arith.divf %broadcast_in_dim3A_26, %div3A_27 : vector<256x1xf32>
    %sub3A = vector.broadcast %div3A_28 : vector<256x1xf32> to vector<256x512xf32>
    %sub3A_29 = arith.subf %add3A, %sub3A : vector<256x512xf32>
    %integer_pow3A = arith.mulf %sub3A_29, %sub3A_29 : vector<256x512xf32>
    %reduce_sum3A_30 = arith.constant dense<0.000000e+00> : vector<256xf32>
    %reduce_sum3A_31 = vector.multi_reduction <add>, %integer_pow3A, %reduce_sum3A_30 [1] : vector<256x512xf32> to vector<256xf32>
    %broadcast_in_dim3A_32 = vector.shape_cast %reduce_sum3A_31 : vector<256xf32> to vector<256x1xf32>
    %div3A_33 = arith.constant 5.120000e+02 : f32
    %div3A_34 = vector.broadcast %div3A_33 : f32 to vector<256x1xf32>
    %div3A_35 = arith.divf %broadcast_in_dim3A_32, %div3A_34 : vector<256x1xf32>
    %get3A_36 = arith.constant 0 : index
    %get3A_37 = arith.constant 0 : index
    %get3A_38 = vector.load %arg4[%get3A_36, %get3A_37] : memref<1x512xf32, #tpu.memory_space<vmem>>, vector<1x512xf32>
    %sub3A_39 = vector.broadcast %div3A_28 : vector<256x1xf32> to vector<256x512xf32>
    %sub3A_40 = arith.subf %add3A, %sub3A_39 : vector<256x512xf32>
    %mul3A_41 = vector.broadcast %get3A_38 : vector<1x512xf32> to vector<256x512xf32>
    %mul3A_42 = arith.mulf %mul3A_41, %sub3A_40 : vector<256x512xf32>
    %add3A_43 = arith.constant 9.99999974E-6 : f32
    %add3A_44 = vector.broadcast %add3A_43 : f32 to vector<256x1xf32>
    %add3A_45 = arith.addf %div3A_35, %add3A_44 : vector<256x1xf32>
    %rsqrt3A = math.rsqrt %add3A_45 : vector<256x1xf32>
    %mul3A_46 = vector.broadcast %rsqrt3A : vector<256x1xf32> to vector<256x512xf32>
    %mul3A_47 = arith.mulf %mul3A_42, %mul3A_46 : vector<256x512xf32>
    %get3A_48 = arith.constant 0 : index
    %get3A_49 = arith.constant 0 : index
    %get3A_50 = vector.load %arg5[%get3A_48, %get3A_49] : memref<1x512xf32, #tpu.memory_space<vmem>>, vector<1x512xf32>
    %add3A_51 = vector.broadcast %get3A_50 : vector<1x512xf32> to vector<256x512xf32>
    %add3A_52 = arith.addf %mul3A_47, %add3A_51 : vector<256x512xf32>
    %get3A_53 = arith.constant 0 : index
    %get3A_54 = arith.constant 0 : index
    %get3A_55 = vector.load %arg6[%get3A_53, %get3A_54] : memref<512x512xf32, #tpu.memory_space<vmem>>, vector<512x512xf32>
    %dot_general3A = arith.constant dense<0.000000e+00> : vector<256x512xf32>
    %dot_general3A_56 = tpu.matmul %add3A_52, %get3A_55, %dot_general3A {dimension_numbers = #tpu.dot_dimension_numbers<[1], [0], [0], [1], [0, 0, 1, 1], [], []>, transpose_lhs_hint = false} : vector<256x512xf32>, vector<512x512xf32>, vector<256x512xf32> -> vector<256x512xf32>
    %get3A_57 = arith.constant 0 : index
    %get3A_58 = arith.constant 0 : index
    %get3A_59 = vector.load %arg7[%get3A_57, %get3A_58] : memref<1x512xf32, #tpu.memory_space<vmem>>, vector<1x512xf32>
    %add3A_60 = vector.broadcast %get3A_59 : vector<1x512xf32> to vector<256x512xf32>
    %add3A_61 = arith.addf %dot_general3A_56, %add3A_60 : vector<256x512xf32>
    %swap3A = arith.constant 0 : index
    %swap3A_62 = arith.constant 0 : index
    %swap3A_63 = vector.load %arg10[%swap3A, %swap3A_62] : memref<256x512xf32, #tpu.memory_space<vmem>>, vector<256x512xf32>
    tpu.vector_store %arg10[%swap3A, %swap3A_62], %add3A_61 {strides = array<i32>} : memref<256x512xf32, #tpu.memory_space<vmem>>, vector<256x512xf32>,
    %reduce_sum3A_64 = arith.constant dense<0.000000e+00> : vector<512xf32>
    %reduce_sum3A_65 = vector.multi_reduction <add>, %add3A_61, %reduce_sum3A_64 [0] : vector<256x512xf32> to vector<512xf32>
    %broadcast_in_dim3A_66 = vector.shape_cast %reduce_sum3A_65 : vector<512xf32> to vector<1x512xf32>
    %swap3A_67 = arith.constant 0 : index
    %swap3A_68 = arith.constant 0 : index
    %swap3A_69 = arith.constant 0 : index
    %swap3A_70 = vector.load %arg11[%swap3A_67, %swap3A_68, %swap3A_69] : memref<1x1x512xf32, #tpu.memory_space<vmem>>, vector<1x1x512xf32>
    %swap3A_71 = vector.shape_cast %swap3A_70 : vector<1x1x512xf32> to vector<1x512xf32>
    %swap3A_72 = vector.shape_cast %broadcast_in_dim3A_66 : vector<1x512xf32> to vector<1x1x512xf32>
    tpu.vector_store %arg11[%swap3A_67, %swap3A_68, %swap3A_69], %swap3A_72 {strides = array<i32>} : memref<1x1x512xf32, #tpu.memory_space<vmem>>, vector<1x1x512xf32>,
    %swap3A_73 = arith.index_cast %arg0 : i32 to index
    %swap3A_74 = arith.constant 0 : index
    %swap3A_75 = vector.load %arg13[%swap3A_73, %swap3A_74] : memref<8x512xf32, #tpu.memory_space<vmem>>, vector<1x512xf32>
    tpu.vector_store %arg13[%swap3A_73, %swap3A_74], %broadcast_in_dim3A_66 {strides = array<i32>} : memref<8x512xf32, #tpu.memory_space<vmem>>, vector<1x512xf32>,
    %eq3A_76 = arith.constant 7 : i32
    %eq3A_77 = arith.cmpi eq, %arg0, %eq3A_76 : i32
    %convert_element_type3A = arith.extui %eq3A_77 : i1 to i32
    %cond3A = arith.constant 0 : i32
    %cond3A_78 = arith.cmpi ne, %convert_element_type3A, %cond3A : i32
    scf.if %cond3A_78 {
      %get3A_79 = arith.constant 0 : index
      %get3A_80 = arith.constant 0 : index
      %get3A_81 = vector.load %arg13[%get3A_79, %get3A_80] : memref<8x512xf32, #tpu.memory_space<vmem>>, vector<8x512xf32>
      %get3A_82 = arith.constant 0 : index
      %get3A_83 = arith.constant 0 : index
      %get3A_84 = vector.load %arg8[%get3A_82, %get3A_83] : memref<512x512xf32, #tpu.memory_space<vmem>>, vector<512x512xf32>
      %dot_general3A_85 = arith.constant dense<0.000000e+00> : vector<8x512xf32>
      %dot_general3A_86 = tpu.matmul %get3A_81, %get3A_84, %dot_general3A_85 {dimension_numbers = #tpu.dot_dimension_numbers<[1], [0], [0], [1], [0, 0, 1, 1], [], []>, transpose_lhs_hint = false} : vector<8x512xf32>, vector<512x512xf32>, vector<8x512xf32> -> vector<8x512xf32>
      %get3A_87 = arith.constant 0 : index
      %get3A_88 = arith.constant 0 : index
      %get3A_89 = vector.load %arg9[%get3A_87, %get3A_88] : memref<1x512xf32, #tpu.memory_space<vmem>>, vector<1x512xf32>
      %add3A_90 = vector.broadcast %get3A_89 : vector<1x512xf32> to vector<8x512xf32>
      %add3A_91 = arith.addf %dot_general3A_86, %add3A_90 : vector<8x512xf32>
      %swap3A_92 = arith.constant 0 : index
      %swap3A_93 = arith.constant 0 : index
      %swap3A_94 = vector.load %arg12[%swap3A_92, %swap3A_93] : memref<8x512xf32, #tpu.memory_space<vmem>>, vector<8x512xf32>
      tpu.vector_store %arg12[%swap3A_92, %swap3A_93], %add3A_91 {strides = array<i32>} : memref<8x512xf32, #tpu.memory_space<vmem>>, vector<8x512xf32>,
    } else {
    }
    return
  }
  func.func @transform_0(%arg0: i32) -> (i32, i32) {
    %c0_i32 = arith.constant 0 : i32
    %c0_i32_0 = arith.constant 0 : i32
    return %arg0, %c0_i32 : i32, i32
  }
  func.func @transform_1(%arg0: i32) -> (i32, i32) {
    %c0_i32 = arith.constant 0 : i32
    %c0_i32_0 = arith.constant 0 : i32
    return %arg0, %c0_i32 : i32, i32
  }
  func.func @transform_2(%arg0: i32) -> (i32, i32) {
    %c0_i32 = arith.constant 0 : i32
    %c0_i32_0 = arith.constant 0 : i32
    return %arg0, %c0_i32 : i32, i32
  }
  func.func @transform_3(%arg0: i32) -> (i32, i32) {
    %c0_i32 = arith.constant 0 : i32
    %c0_i32_0 = arith.constant 0 : i32
    %c0_i32_1 = arith.constant 0 : i32
    return %c0_i32, %c0_i32_0 : i32, i32
  }
  func.func @transform_4(%arg0: i32) -> (i32, i32) {
    %c0_i32 = arith.constant 0 : i32
    %c0_i32_0 = arith.constant 0 : i32
    %c0_i32_1 = arith.constant 0 : i32
    return %c0_i32, %c0_i32_0 : i32, i32
  }
  func.func @transform_5(%arg0: i32) -> (i32, i32) {
    %c0_i32 = arith.constant 0 : i32
    %c0_i32_0 = arith.constant 0 : i32
    %c0_i32_1 = arith.constant 0 : i32
    return %c0_i32, %c0_i32_0 : i32, i32
  }
  func.func @transform_6(%arg0: i32) -> (i32, i32) {
    %c0_i32 = arith.constant 0 : i32
    %c0_i32_0 = arith.constant 0 : i32
    %c0_i32_1 = arith.constant 0 : i32
    return %c0_i32, %c0_i32_0 : i32, i32
  }
  func.func @transform_7(%arg0: i32) -> (i32, i32) {
    %c0_i32 = arith.constant 0 : i32
    %c0_i32_0 = arith.constant 0 : i32
    %c0_i32_1 = arith.constant 0 : i32
    return %c0_i32, %c0_i32_0 : i32, i32
  }
  func.func @transform_8(%arg0: i32) -> (i32, i32) {
    %c0_i32 = arith.constant 0 : i32
    %c0_i32_0 = arith.constant 0 : i32
    %c0_i32_1 = arith.constant 0 : i32
    return %c0_i32, %c0_i32_0 : i32, i32
  }
  func.func @transform_9(%arg0: i32) -> (i32, i32) {
    %c0_i32 = arith.constant 0 : i32
    %c0_i32_0 = arith.constant 0 : i32
    return %arg0, %c0_i32 : i32, i32
  }
  func.func @transform_10(%arg0: i32) -> (i32, i32, i32) {
    %c0_i32 = arith.constant 0 : i32
    %c0_i32_0 = arith.constant 0 : i32
    %c0_i32_1 = arith.constant 0 : i32
    return %arg0, %c0_i32, %c0_i32_0 : i32, i32, i32
  }
  func.func @transform_11(%arg0: i32) -> (i32, i32) {
    %c0_i32 = arith.constant 0 : i32
    %c0_i32_0 = arith.constant 0 : i32
    %c0_i32_1 = arith.constant 0 : i32
    return %c0_i32, %c0_i32_0 : i32, i32
  }
}

</mosaic_0001>

<sc_bundles>
// kernel: kernel.11.cloned.1.call-start
scs
__scs_entry_jumppad:
0x0: {  	(pc) =	sbr.rel $0x88, $3  }
0x1: {  	(tag) =	ssettag $0x0;
	lr =	simm.s32 $0x1  }
0x2: {  	[smem:$0x3F78] =	sst lr;
	_ =	strace $0xD0000000  }
0x3: {  	_ = 	snop  }
0x4: {  	_ = 	snop  }
0x5: {  	_ = 	snop  }
0x6: {  	_ = 	snop  }
0x7: {  	_ = 	snop  }
__scs_overlays_trampoline_lowered:
0x8: {  	[smem:$0x3F87] =	sst s0  }
0x9: {  	[smem:$0x3F88] =	sst s1  }
0xa: {  	[smem:$0x3F89] =	sst s2  }
0xb: {  	[smem:$0x3F8A] =	sst s3  }
0xc: {  	[smem:$0x3F8B] =	sst s4  }
0xd: {  	[smem:$0x3F8C] =	sst s5  }
0xe: {  	[smem:$0x3F8D] =	sst s6  }
0xf: {  	[smem:$0x3F8E] =	sst s7  }
0x10: {  	[smem:$0x3F8F] =	sst s8  }
0x11: {  	[smem:$0x3F90] =	sst s9;
	s0 =	simm.s32 @!p0 $0x0  }
0x12: {  	s1 =	sld [smem:$0x3F76];
	s0 =	simm.s32 @p0 $0x1  }
0x13: {  	[smem:$0x3F91] =	sst s0;
	s0 =	simm.s32 @!p1 $0x0  }
0x14: {  	s2 =	sld [smem:$0x3F75];
	s0 =	simm.s32 @p1 $0x1  }
0x15: {  	[smem:$0x3F92] =	sst s0;
	s0 =	simm.s32 @!p2 $0x0  }
0x16: {  	s3 =	sld [smem:$0x3FDB];
	s0 =	simm.s32 @p2 $0x1  }
0x17: {  	s4 =	simm.s32 $0x1BF5;
	[smem:$0x3F94] =	sst s0  }
0x18: {  	s0 =	sld [smem:$0x3F77];
	_ =	swait.ge [sflag:s4], $0x0  }
0x19: {  	s7 =	sld [smem:$0x3F78]  }
0x1a: {  	s8 =	sadd.s32 $0xFFFFE003, lr  }
0x1b: {  	s9 =	sadd.s32 $0xFFFFFEF7, lr;
	s5 =	simm.s32 $0xFFFFFFFF;
	p2 =	slt.u32 s8, $0xFFFFF086  }
0x1c: {  	p1 =	slt.u32 s9, $0xF7A;
	s5 =	simm.s32 @!p2 $0x0  }
0x1d: {  	s5 =	simm.s32 @p1 $0x1;
	p0 =	seq.s32 s7, s2  }
0x1e: {  	s7 =	smul.u32 @!p0 $0xF7A, s2;
	p2 =	seq.s32 @!p0 s5, $0x0  }
0x1f: {  	s9 =	smul.u32 $0xF7A, s1;
	s8 =	simm.s32 @!p0 $0x1BF5;
	p2 =	por !p2, p0  }
0x20: {  	[sflag:s8] =	ssyncset.s32 @!p0 $0xFFFFF086;
	s6 =	sadd.s32 @!p0 s3, s7;
	s7 =	simm.s32 @!p0 $0x108  }
0x21: {  	s3 =	sadd.s32 s3, s9;
	s6 =	sadd.s32 @!p0 $0x88, s6;
	s7 =	simm.s32 @p2 $0x1082  }
0x22: {  	[simem:s7], [sflag:s8] =	dma.local @!p0 [hbm:s6], $0xF7A  }
0x23: {  	s9 =	sor.u32 $0xD0000000, s2;
	s6 =	simm.s32 $0x108;
	_ =	swait.ge @!p0 [sflag:s8], $0x0  }
0x24: {  	s3 =	sadd.s32 $0x88, s3;
	s6 =	simm.s32 @!p1 $0x1082;
	[sflag:s4] =	ssyncset.s32 $0xFFFFF086  }
0x25: {  	[simem:s6], [sflag:s4] =	dma.local [hbm:s3], $0xF7A  }
0x26: {  	[smem:$0x3F78] =	sst s1;
	(tag) =	ssettag s2;
	_ =	strace s9  }
0x27: {  	s1 =	sld [smem:$0x3F88]  }
0x28: {  	s2 =	sld [smem:$0x3F89]  }
0x29: {  	s4 =	sld [smem:$0x3F8B]  }
0x2a: {  	p0 =	seq.s32 s5, $0x0;
	s5 =	sld [smem:$0x3F8C]  }
0x2b: {  	s6 =	sld [smem:$0x3F8D]  }
0x2c: {  	s7 =	sld [smem:$0x3F8E]  }
0x2d: {  	s3 =	simm.s32 $0x108;
	s8 =	sld [smem:$0x3F8F]  }
0x2e: {  	s3 =	simm.s32 @!p0 $0x1082;
	s9 =	sld [smem:$0x3F90]  }
0x2f: {  	lr =	sadd.s32 s0, s3;
	s0 =	sld [smem:$0x3F87]  }
0x30: {  	s3 =	sld [smem:$0x3F8A]  }
0x31: {  	[smem:$0x3F93] =	sst s10  }
0x32: {  	s10 =	sld [smem:$0x3F91];
	_ =	sdelay $0x3  }
0x33: {  	p0 =	seq.s32 s10, $0x1;
	s10 =	sld [smem:$0x3F93];
	_ =	sdelay $0x3  }
0x34: {  	[smem:$0x3F93] =	sst s10  }
0x35: {  	s10 =	sld [smem:$0x3F92];
	_ =	sdelay $0x3  }
0x36: {  	p1 =	seq.s32 s10, $0x1;
	s10 =	sld [smem:$0x3F93];
	_ =	sdelay $0x3  }
0x37: {  	[smem:$0x3F93] =	sst s10  }
0x38: {  	s10 =	sld [smem:$0x3F94]  }
0x39: {  	_ = 	snop;
	(pc) =	sbr.ind lr, $3  }
0x3a: {  	_ = 	snop  }
0x3b: {  	_ = 	snop  }
0x3c: {  	p2 =	seq.s32 s10, $0x1;
	s10 =	sld [smem:$0x3F93]  }
0x3d: {  	_ =	shalt  }
0x3e: {  	_ =	shalt  }
0x3f: {  	_ =	shalt  }
0x40: {  	_ =	shalt  }
0x41: {  	_ =	shalt  }
0x42: {  	_ =	shalt  }
0x43: {  	_ =	shalt  }
0x44: {  	_ =	shalt  }
0x45: {  	_ =	shalt  }
0x46: {  	_ =	shalt  }
0x47: {  	_ =	shalt  }
0x48: {  	_ =	shalt  }
0x49: {  	_ =	shalt  }
0x4a: {  	_ =	shalt  }
0x4b: {  	_ =	shalt  }
0x4c: {  	_ =	shalt  }
0x4d: {  	_ =	shalt  }
0x4e: {  	_ =	shalt  }
0x4f: {  	_ =	shalt  }
0x50: {  	_ =	shalt  }
0x51: {  	_ =	shalt  }
0x52: {  	_ =	shalt  }
0x53: {  	_ =	shalt  }
0x54: {  	_ =	shalt  }
0x55: {  	_ =	shalt  }
0x56: {  	_ =	shalt  }
0x57: {  	_ =	shalt  }
0x58: {  	_ =	shalt  }
0x59: {  	_ =	shalt  }
0x5a: {  	_ =	shalt  }
0x5b: {  	_ =	shalt  }
0x5c: {  	_ =	shalt  }
0x5d: {  	_ =	shalt  }
0x5e: {  	_ =	shalt  }
0x5f: {  	_ =	shalt  }
0x60: {  	_ =	shalt  }
0x61: {  	_ =	shalt  }
0x62: {  	_ =	shalt  }
0x63: {  	_ =	shalt  }
0x64: {  	_ =	shalt  }
0x65: {  	_ =	shalt  }
0x66: {  	_ =	shalt  }
0x67: {  	_ =	shalt  }
0x68: {  	_ =	shalt  }
0x69: {  	_ =	shalt  }
0x6a: {  	_ =	shalt  }
0x6b: {  	_ =	shalt  }
0x6c: {  	_ =	shalt  }
0x6d: {  	_ =	shalt  }
0x6e: {  	_ =	shalt  }
0x6f: {  	_ =	shalt  }
0x70: {  	_ =	shalt  }
0x71: {  	_ =	shalt  }
0x72: {  	_ =	shalt  }
0x73: {  	_ =	shalt  }
0x74: {  	_ =	shalt  }
0x75: {  	_ =	shalt  }
0x76: {  	_ =	shalt  }
0x77: {  	_ =	shalt  }
0x78: {  	_ =	shalt  }
0x79: {  	_ =	shalt  }
0x7a: {  	_ =	shalt  }
0x7b: {  	_ =	shalt  }
0x7c: {  	_ =	shalt  }
0x7d: {  	_ =	shalt  }
0x7e: {  	_ =	shalt  }
0x7f: {  	_ =	shalt  }
0x80: {  	_ =	shalt  }
0x81: {  	_ =	shalt  }
0x82: {  	_ =	shalt  }
0x83: {  	_ =	shalt  }
0x84: {  	_ =	shalt  }
0x85: {  	_ =	shalt  }
0x86: {  	_ =	shalt  }
0x87: {  	_ =	shalt  }
.Lfunc_end0:
.L_simem_size_0:
called_computation_lowered:
.L_overlay_start_0:
0x88: {  	s2 =	sld [smem:$0x3FD9]  }
0x89: {  	s3 =	sld [smem:$0x3FFE];
	_ =	sdelay $0x1  }
0x8a: {  	s1 =	srdreg.scid  }
0x8b: {  	s0 =	sand.u32 $0x1, s1  }
0x8c: {  	s14 =	sshll.u32 s0, $0xA;
	s2 =	sadd.s32 s3, s2  }
0x8d: {  	s2 =	sadd.s32 s2, s14  }
0x8e: {  	[smem:$0x3F9F] =	sst s2  }
0x8f: {  	_ = 	snop  }
0x90: {  	s2 =	sld [smem:$0x3FD0];
	_ =	sdelay $0x2  }
0x91: {  	s15 =	simm.s32 $0xA;
	s4 =	simm.s32 $0x10  }
0x92: {  	[smem:s4], [sflag:s15] =	dma.local [hbm:s2], $0x1  }
0x93: {  	_ =	swait.eq [sflag:s15], $0x1  }
0x94: {  	[sflag:s15] =	ssyncset.done $0x0  }
0x95: {  	s16 =	sld [smem:$0x10];
	[sflag:s15] =	ssyncadd.s32 $0xFFFFFFFF  }
0x96: {  	s17 =	sld [smem:$0x11];
	(tm) =	ssettm $0x1  }
0x97: {  	s18 =	sld [smem:$0x3FFB];
	_ =	sdelay $0x3  }
0x98: {  	_ =	strace s18  }
0x99: {  	s4 =	sld [smem:$0x3FFC];
	_ =	sdelay $0x3  }
0x9a: {  	_ =	strace s4  }
0x9b: {  	s4 =	sld [smem:$0x3FFD];
	_ =	sdelay $0x3  }
0x9c: {  	_ =	strace s4  }
0x9d: {  	_ =	strace $0x8FFFFFFF  }
0x9e: {  	s19 =	sld [smem:$0x3FDB];
	_ =	sdelay $0x1  }
0x9f: {  	s5 =	simm.s32 $_scs_section_size  }
0xa0: {  	s6 =	simm.s32 $_size__tile_overlayer_lowered;
	s7 =	simm.s32 $_tile_overlayer_lowered  }
0xa1: {  	s22 =	simm.s32 $0x1BFF;
	s21 =	sshll.u32 s7, $0x1;
	s4 =	sadd.s32 s5, s19  }
0xa2: {  	s8 =	simm.s32 $0x0;
	s20 =	sshll.u32 s6, $0x1;
	s6 =	sadd.s32 s21, s4  }
0xa3: {  	[timem:s8], [sflag:s22] =	dma.local [hbm:s6], s20  }
0xa4: {  	_ =	swait.ge [sflag:s22], s20  }
0xa5: {  	s5 =	ssub.s32 $0x0, s20;
	[sflag:s22] =	ssyncset.done $0x0  }
0xa6: {  	[sflag:s22] =	ssyncadd.s32 s5;
	_ =	sdelay $0x1  }
0xa7: {  	s23 =	simm.s32 $0x1B8B  }
0xa8: {  	_ =	swait.ge [sflag:s23], $0x1  }
0xa9: {  	[sflag:s23] =	ssyncset.done $0x0  }
0xaa: {  	s25 =	simm.s32 $0x1B8E;
	s24 =	sld [smem:$0x3FFE];
	[sflag:s23] =	ssyncadd.s32 $0xFFFFFFFF  }
0xab: {  	s26 =	simm.s32 $execute0_lowered;
	[smem:$0x3FD2] =	sst s25  }
0xac: {  	s6 =	sshll.u32 s26, $0x1;
	_ =	strace $0x80000046;
	[dreg:$0x1] =	wrdreg $0xFFFFFFFF  }
0xad: {  	s28 =	simm.s32 $_size_execute0_lowered;
	s4 =	sadd.s32 s4, s6;
	[dreg:$0x0] =	wrdreg $0x0  }
0xae: {  	s6 =	sshll.u32 s28, $0x1;
	[dreg:$0x2] =	wrdreg s4  }
0xaf: {  	[dreg:$0x3] =	wrdreg s6  }
0xb0: {  	[dreg:$0x4] =	wrdreg $0xC0  }
0xb1: {  	_ =	task [dreg:s8], $0x5FFFF  }
0xb2: {  	[dreg:$0x1] =	wrdreg $0xFFFFFFFF  }
0xb3: {  	[dreg:$0x0] =	wrdreg $0x60  }
0xb4: {  	[dreg:$0x2] =	wrdreg s17  }
0xb5: {  	[dreg:$0x3] =	wrdreg s16  }
0xb6: {  	[dreg:$0x4] =	wrdreg s24  }
0xb7: {  	[dreg:$0x5] =	wrdreg $0x9  }
0xb8: {  	_ =	task.clear_ibuf [dreg:s8], $0x6FFFF;
	_ =	strace $0x90000046  }
0xb9: {  	s29 =	simm.s32 $0x9;
	_ =	strace $0x80000048  }
0xba: {  	_ =	swait.ge [sflag:s29], $0x1  }
0xbb: {  	[sflag:s29] =	ssyncadd.s32 $0xFFFFFFFF  }
0xbc: {  	_ =	strace $0x90000048  }
0xbd: {  	_ =	sfence  }
0xbe: {  	s30 =	sld [smem:$0x0];
	_ =	sdelay $0x2  }
0xbf: {  	s31 =	sshll.u32 s1, $0xD;
	s1 =	sshrl.u32 s1, $0x2  }
0xc0: {  	s3 =	sand.u32 $0x4000, s31;
	s1 =	sadd.s32 s1, s30  }
0xc1: {  	s0 =	sor.u32 s3, s0;
	s1 =	sshll.u32 s1, $0x11  }
0xc2: {  	s0 =	sor.u32 s1, s0  }
0xc3: {  	s0 =	sadd.s32 $0x8F2B, s0  }
0xc4: {  	[sflag:s0] =	ssyncadd.remote.s32 $0x1  }
0xc5: {  	_ =	sfence.sel $0xFFFF  }
0xc6: {  	[dreg:$0x0] =	wrdreg $0xFFFFFFFF;
	(pc) =	sbr.abs _section_cstart, $3  }
0xc7: {  	[dreg:$0x1] =	wrdreg $0xFFFFFFFF  }
0xc8: {  	_ =	task.clear_ibuf [dreg:s8], $0x2FFFF;
	_ =	strace $0x9FFFFFFF  }
0xc9: {  	(tm) =	ssettm $0x7FFFFFFF  }
tec
execute0_lowered:
.L_overlay_start_1:
0x0: {  	(tag) =	ssettag $0x1  }
0x1: {  	s1 =	rddreg [dreg:$0x0]  }
0x2: {  	s9 =	rddreg [dreg:$0x1];
	s2 =	srdreg.scid  }
0x3: {  	s0 =	stileid.u32;
	s4 =	rddreg [dreg:$0x2];
	s3 =	simm.s32 $0x0  }
0x4: {  	s14 =	simm.s32 $0x880;
	s15 =	simm.s32 $0x1080;
	s16 =	simm.s32 $0x1880  }
0x5: {  	s17 =	simm.s32 $0x2080;
	s18 =	simm.s32 $0x2880;
	s19 =	simm.s32 $0x3080  }
0x6: {  	s20 =	simm.s32 $0x3880;
	s21 =	simm.s32 $0x4080;
	s22 =	simm.s32 $0x4880  }
0x7: {  	s23 =	simm.s32 $0x5080;
	s24 =	simm.s32 $0x5880;
	s28 =	simm.s32 $0x7080  }
0x8: {  	s29 =	simm.s32 $0x7880;
	s5 =	sand.u32 $0x1, s2;
	s2 =	rddreg [dreg:$0x3]  }
0x9: {  	s30 =	simm.s32 $0x1;
	s6 =	sshll.u32 s0, $0x1;
	[smem:$0x7FF] =	sst s3  }
0xa: {  	s10 =	sadd.s32 $0x5E00, s4;
	s6 =	sor.u32 s5, s6;
	s25 =	ssub.s32 $0x2, s5  }
0xb: {  	_ =	strace $0x80000047;
	s8 =	smul.u32 $0xC0, s6;
	s5 =	sshrl.u32 s25, $0x1  }
0xc: {  	s6 =	smul.u32 $0x3000, s6;
	s11 =	ssub.s32 s25, s5;
	s5 =	sadd.s32 $0x100, s1  }
0xd: {  	s25 =	simm.s32 $0x6080;
	s7 =	sshrl.u32 s8, $0x3;
	s12 =	sadd.s32 $0x40, s8  }
0xe: {  	s6 =	sadd.s32 s10, s6;
	s13 =	sadd.s32 $0x80, s8;
	s11 =	smax.u32 s11, $0x1  }
0xf: {  	s4 =	sadd.s32 s9, s7;
	s26 =	sshrl.u32 s12, $0x3;
	s12 =	sshll.u32 s12, $0x6  }
0x10: {  	v2 =	vlaneseq.u32;
	s31 =	sshrl.u32 s13, $0x3;
	s13 =	sshll.u32 s13, $0x6;
	s7 =	sadd.s32 s9, s26  }
0x11: {  	vm0 =	vmmov $0xffff;
	v1 =	vshrl.u32 v2, $0x3;
	s8 =	sadd.s32 s10, s12;
	s9 =	sadd.s32 s9, s31;
	s10 =	sadd.s32 s10, s13  }
0x12: {  	v0 =	vand.u32 $0x7, v2;
	v2 =	vor.u32 $0x8, v2;
	v1 =	vmul.u32 $0x8, v1;
	s12 =	simm.s32 $0x2;
	s13 =	simm.s32 $0x80;
	s26 =	simm.s32 $0x6880  }
.LBB2_1:
0x13: {  	[tilespmem:s3], [sflag:$0x2] =	stream.linear.gather [hbm4b:s4+s3], $0x40, $0x38;
	[tilespmem:$0x8080] =	vst v63  }
0x14: {  	_ =	swait.ge [sflag:s12], $0x40  }
0x15: {  	[sflag:s12] =	ssyncset.done $0x0  }
0x16: {  	[sflag:s12] =	ssyncadd.s32 $0xFFFFFFC0  }
0x17: {  	v3 =	vld [tilespmem:$0x0];
	_ =	sdelay $0x4  }
0x18: {  	v4 =	vshll.u32 v3, $0x2  }
0x19: {  	v3 =	vand.u32 $0x7, v3;
	v4 =	vand.u32 $0xFFFFFFE0, v4  }
0x1a: {  	v3 =	vor.u32 v3, v4  }
0x1b: {  	v4 =	vperm.xlane v3, v0;
	_ =	sdelay $0x1  }
0x1c: {  	v4 =	vadd.s32 v1, v4;
	_ =	sdelay $0x1  }
0x1d: {  	v3 =	vperm.xlane v3, v2;
	_ =	sdelay $0x1  }
0x1e: {  	v3 =	vadd.s32 v1, v3  }
0x1f: {  	[tilespmem:s13], [sflag:$0x1] =	stream.indirect_vreg.gather [hbm4b:s1+s3], $0x80, v4, vm0, $0xb8;
	[tilespmem:$0x8080] =	vst v63  }
0x20: {  	_ = 	snop  }
0x21: {  	[tilespmem:s14], [sflag:$0x1] =	stream.indirect_vreg.gather [hbm4b:s5+s3], $0x80, v4, vm0, $0xb8;
	[tilespmem:$0x8080] =	vst v63  }
0x22: {  	_ = 	snop  }
0x23: {  	[tilespmem:s15], [sflag:$0x1] =	stream.indirect_vreg.gather [hbm4b:s1+s3], $0x80, v3, vm0, $0xb8;
	[tilespmem:$0x8080] =	vst v63  }
0x24: {  	_ = 	snop  }
0x25: {  	[tilespmem:s16], [sflag:$0x1] =	stream.indirect_vreg.gather [hbm4b:s5+s3], $0x80, v3, vm0, $0xb8;
	[tilespmem:$0x8080] =	vst v63  }
0x26: {  	v3 =	vld [tilespmem:$0x10];
	_ =	sdelay $0x4  }
0x27: {  	v53 =	vshll.u32 v3, $0x2  }
0x28: {  	v3 =	vand.u32 $0x7, v3;
	v4 =	vand.u32 $0xFFFFFFE0, v53  }
0x29: {  	v3 =	vor.u32 v3, v4  }
0x2a: {  	v4 =	vperm.xlane v3, v0;
	_ =	sdelay $0x1  }
0x2b: {  	v4 =	vadd.s32 v1, v4;
	_ =	sdelay $0x1  }
0x2c: {  	v3 =	vperm.xlane v3, v2;
	_ =	sdelay $0x1  }
0x2d: {  	v3 =	vadd.s32 v1, v3  }
0x2e: {  	[tilespmem:s17], [sflag:$0x1] =	stream.indirect_vreg.gather [hbm4b:s1+s3], $0x80, v4, vm0, $0xb8;
	[tilespmem:$0x8080] =	vst v63  }
0x2f: {  	_ = 	snop  }
0x30: {  	[tilespmem:s18], [sflag:$0x1] =	stream.indirect_vreg.gather [hbm4b:s5+s3], $0x80, v4, vm0, $0xb8;
	[tilespmem:$0x8080] =	vst v63  }
0x31: {  	_ = 	snop  }
0x32: {  	[tilespmem:s19], [sflag:$0x1] =	stream.indirect_vreg.gather [hbm4b:s1+s3], $0x80, v3, vm0, $0xb8;
	[tilespmem:$0x8080] =	vst v63  }
0x33: {  	_ = 	snop  }
0x34: {  	[tilespmem:s20], [sflag:$0x1] =	stream.indirect_vreg.gather [hbm4b:s5+s3], $0x80, v3, vm0, $0xb8;
	[tilespmem:$0x8080] =	vst v63  }
0x35: {  	v3 =	vld [tilespmem:$0x20];
	_ =	sdelay $0x4  }
0x36: {  	v54 =	vshll.u32 v3, $0x2  }
0x37: {  	v3 =	vand.u32 $0x7, v3;
	v4 =	vand.u32 $0xFFFFFFE0, v54  }
0x38: {  	v3 =	vor.u32 v3, v4  }
0x39: {  	v4 =	vperm.xlane v3, v0;
	_ =	sdelay $0x1  }
0x3a: {  	v4 =	vadd.s32 v1, v4;
	_ =	sdelay $0x1  }
0x3b: {  	v3 =	vperm.xlane v3, v2;
	_ =	sdelay $0x1  }
0x3c: {  	v3 =	vadd.s32 v1, v3  }
0x3d: {  	[tilespmem:s21], [sflag:$0x1] =	stream.indirect_vreg.gather [hbm4b:s1+s3], $0x80, v4, vm0, $0xb8;
	[tilespmem:$0x8080] =	vst v63  }
0x3e: {  	_ = 	snop  }
0x3f: {  	[tilespmem:s22], [sflag:$0x1] =	stream.indirect_vreg.gather [hbm4b:s5+s3], $0x80, v4, vm0, $0xb8;
	[tilespmem:$0x8080] =	vst v63  }
0x40: {  	_ = 	snop  }
0x41: {  	[tilespmem:s23], [sflag:$0x1] =	stream.indirect_vreg.gather [hbm4b:s1+s3], $0x80, v3, vm0, $0xb8;
	[tilespmem:$0x8080] =	vst v63  }
0x42: {  	_ = 	snop  }
0x43: {  	[tilespmem:s24], [sflag:$0x1] =	stream.indirect_vreg.gather [hbm4b:s5+s3], $0x80, v3, vm0, $0xb8;
	[tilespmem:$0x8080] =	vst v63  }
0x44: {  	v3 =	vld [tilespmem:$0x30];
	_ =	sdelay $0x4  }
0x45: {  	v55 =	vshll.u32 v3, $0x2  }
0x46: {  	v3 =	vand.u32 $0x7, v3;
	v4 =	vand.u32 $0xFFFFFFE0, v55  }
0x47: {  	v3 =	vor.u32 v3, v4  }
0x48: {  	v4 =	vperm.xlane v3, v0;
	_ =	sdelay $0x1  }
0x49: {  	v4 =	vadd.s32 v1, v4;
	_ =	sdelay $0x1  }
0x4a: {  	v3 =	vperm.xlane v3, v2;
	_ =	sdelay $0x1  }
0x4b: {  	v3 =	vadd.s32 v1, v3  }
0x4c: {  	[tilespmem:s25], [sflag:$0x1] =	stream.indirect_vreg.gather [hbm4b:s1+s3], $0x80, v4, vm0, $0xb8;
	[tilespmem:$0x8080] =	vst v63  }
0x4d: {  	_ = 	snop  }
0x4e: {  	[tilespmem:s26], [sflag:$0x1] =	stream.indirect_vreg.gather [hbm4b:s5+s3], $0x80, v4, vm0, $0xb8;
	[tilespmem:$0x8080] =	vst v63  }
0x4f: {  	_ = 	snop  }
0x50: {  	[tilespmem:s28], [sflag:$0x1] =	stream.indirect_vreg.gather [hbm4b:s1+s3], $0x80, v3, vm0, $0xb8;
	[tilespmem:$0x8080] =	vst v63  }
0x51: {  	_ = 	snop  }
0x52: {  	[tilespmem:s29], [sflag:$0x1] =	stream.indirect_vreg.gather [hbm4b:s5+s3], $0x80, v3, vm0, $0xb8;
	[tilespmem:$0x8080] =	vst v63  }
0x53: {  	_ =	swait.ge [sflag:s30], $0x8000  }
0x54: {  	[sflag:s30] =	ssyncset.done $0x0  }
0x55: {  	[sflag:s30] =	ssyncadd.s32 $0xFFFF8000  }
0x56: {  	[hbm4b:s6+s3] =	stream.linear.scatter [tilespmem:s13], [sflag:$0x2], $0x8000, $0x38;
	[tilespmem:$0x8080] =	vst v63  }
0x57: {  	_ =	swait.ge [sflag:s12], $0x8000  }
0x58: {  	[sflag:s12] =	ssyncset.done $0x0  }
0x59: {  	[sflag:s12] =	ssyncadd.s32 $0xFFFF8000  }
0x5a: {  	[tilespmem:s3], [sflag:$0x2] =	stream.linear.gather [hbm4b:s7+s3], $0x40, $0x38;
	[tilespmem:$0x8080] =	vst v63  }
0x5b: {  	_ =	swait.ge [sflag:s12], $0x40  }
0x5c: {  	[sflag:s12] =	ssyncset.done $0x0  }
0x5d: {  	[sflag:s12] =	ssyncadd.s32 $0xFFFFFFC0  }
0x5e: {  	v3 =	vld [tilespmem:$0x0];
	_ =	sdelay $0x4  }
0x5f: {  	v56 =	vshll.u32 v3, $0x2  }
0x60: {  	v3 =	vand.u32 $0x7, v3;
	v4 =	vand.u32 $0xFFFFFFE0, v56  }
0x61: {  	v3 =	vor.u32 v3, v4  }
0x62: {  	v4 =	vperm.xlane v3, v0;
	_ =	sdelay $0x1  }
0x63: {  	v4 =	vadd.s32 v1, v4;
	_ =	sdelay $0x1  }
0x64: {  	v3 =	vperm.xlane v3, v2;
	_ =	sdelay $0x1  }
0x65: {  	v3 =	vadd.s32 v1, v3  }
0x66: {  	[tilespmem:s13], [sflag:$0x1] =	stream.indirect_vreg.gather [hbm4b:s1+s3], $0x80, v4, vm0, $0xb8;
	[tilespmem:$0x8080] =	vst v63  }
0x67: {  	_ = 	snop  }
0x68: {  	[tilespmem:s14], [sflag:$0x1] =	stream.indirect_vreg.gather [hbm4b:s5+s3], $0x80, v4, vm0, $0xb8;
	[tilespmem:$0x8080] =	vst v63  }
0x69: {  	_ = 	snop  }
0x6a: {  	[tilespmem:s15], [sflag:$0x1] =	stream.indirect_vreg.gather [hbm4b:s1+s3], $0x80, v3, vm0, $0xb8;
	[tilespmem:$0x8080] =	vst v63  }
0x6b: {  	_ = 	snop  }
0x6c: {  	[tilespmem:s16], [sflag:$0x1] =	stream.indirect_vreg.gather [hbm4b:s5+s3], $0x80, v3, vm0, $0xb8;
	[tilespmem:$0x8080] =	vst v63  }
0x6d: {  	v3 =	vld [tilespmem:$0x10];
	_ =	sdelay $0x4  }
0x6e: {  	v57 =	vshll.u32 v3, $0x2  }
0x6f: {  	v3 =	vand.u32 $0x7, v3;
	v4 =	vand.u32 $0xFFFFFFE0, v57  }
0x70: {  	v3 =	vor.u32 v3, v4  }
0x71: {  	v4 =	vperm.xlane v3, v0;
	_ =	sdelay $0x1  }
0x72: {  	v4 =	vadd.s32 v1, v4;
	_ =	sdelay $0x1  }
0x73: {  	v3 =	vperm.xlane v3, v2;
	_ =	sdelay $0x1  }
0x74: {  	v3 =	vadd.s32 v1, v3  }
0x75: {  	[tilespmem:s17], [sflag:$0x1] =	stream.indirect_vreg.gather [hbm4b:s1+s3], $0x80, v4, vm0, $0xb8;
	[tilespmem:$0x8080] =	vst v63  }
0x76: {  	_ = 	snop  }
0x77: {  	[tilespmem:s18], [sflag:$0x1] =	stream.indirect_vreg.gather [hbm4b:s5+s3], $0x80, v4, vm0, $0xb8;
	[tilespmem:$0x8080] =	vst v63  }
0x78: {  	_ = 	snop  }
0x79: {  	[tilespmem:s19], [sflag:$0x1] =	stream.indirect_vreg.gather [hbm4b:s1+s3], $0x80, v3, vm0, $0xb8;
	[tilespmem:$0x8080] =	vst v63  }
0x7a: {  	_ = 	snop  }
0x7b: {  	[tilespmem:s20], [sflag:$0x1] =	stream.indirect_vreg.gather [hbm4b:s5+s3], $0x80, v3, vm0, $0xb8;
	[tilespmem:$0x8080] =	vst v63  }
0x7c: {  	v3 =	vld [tilespmem:$0x20];
	_ =	sdelay $0x4  }
0x7d: {  	v58 =	vshll.u32 v3, $0x2  }
0x7e: {  	v3 =	vand.u32 $0x7, v3;
	v4 =	vand.u32 $0xFFFFFFE0, v58  }
0x7f: {  	v3 =	vor.u32 v3, v4  }
0x80: {  	v4 =	vperm.xlane v3, v0;
	_ =	sdelay $0x1  }
0x81: {  	v4 =	vadd.s32 v1, v4;
	_ =	sdelay $0x1  }
0x82: {  	v3 =	vperm.xlane v3, v2;
	_ =	sdelay $0x1  }
0x83: {  	v3 =	vadd.s32 v1, v3  }
0x84: {  	[tilespmem:s21], [sflag:$0x1] =	stream.indirect_vreg.gather [hbm4b:s1+s3], $0x80, v4, vm0, $0xb8;
	[tilespmem:$0x8080] =	vst v63  }
0x85: {  	_ = 	snop  }
0x86: {  	[tilespmem:s22], [sflag:$0x1] =	stream.indirect_vreg.gather [hbm4b:s5+s3], $0x80, v4, vm0, $0xb8;
	[tilespmem:$0x8080] =	vst v63  }
0x87: {  	_ = 	snop  }
0x88: {  	[tilespmem:s23], [sflag:$0x1] =	stream.indirect_vreg.gather [hbm4b:s1+s3], $0x80, v3, vm0, $0xb8;
	[tilespmem:$0x8080] =	vst v63  }
0x89: {  	_ = 	snop  }
0x8a: {  	[tilespmem:s24], [sflag:$0x1] =	stream.indirect_vreg.gather [hbm4b:s5+s3], $0x80, v3, vm0, $0xb8;
	[tilespmem:$0x8080] =	vst v63  }
0x8b: {  	v3 =	vld [tilespmem:$0x30];
	_ =	sdelay $0x4  }
0x8c: {  	v59 =	vshll.u32 v3, $0x2  }
0x8d: {  	v3 =	vand.u32 $0x7, v3;
	v4 =	vand.u32 $0xFFFFFFE0, v59  }
0x8e: {  	v3 =	vor.u32 v3, v4  }
0x8f: {  	v4 =	vperm.xlane v3, v0;
	_ =	sdelay $0x1  }
0x90: {  	v4 =	vadd.s32 v1, v4;
	_ =	sdelay $0x1  }
0x91: {  	v3 =	vperm.xlane v3, v2;
	_ =	sdelay $0x1  }
0x92: {  	v3 =	vadd.s32 v1, v3  }
0x93: {  	[tilespmem:s25], [sflag:$0x1] =	stream.indirect_vreg.gather [hbm4b:s1+s3], $0x80, v4, vm0, $0xb8;
	[tilespmem:$0x8080] =	vst v63  }
0x94: {  	_ = 	snop  }
0x95: {  	[tilespmem:s26], [sflag:$0x1] =	stream.indirect_vreg.gather [hbm4b:s5+s3], $0x80, v4, vm0, $0xb8;
	[tilespmem:$0x8080] =	vst v63  }
0x96: {  	_ = 	snop  }
0x97: {  	[tilespmem:s28], [sflag:$0x1] =	stream.indirect_vreg.gather [hbm4b:s1+s3], $0x80, v3, vm0, $0xb8;
	[tilespmem:$0x8080] =	vst v63  }
0x98: {  	_ = 	snop  }
0x99: {  	[tilespmem:s29], [sflag:$0x1] =	stream.indirect_vreg.gather [hbm4b:s5+s3], $0x80, v3, vm0, $0xb8;
	[tilespmem:$0x8080] =	vst v63  }
0x9a: {  	_ =	swait.ge [sflag:s30], $0x8000  }
0x9b: {  	[sflag:s30] =	ssyncset.done $0x0  }
0x9c: {  	[sflag:s30] =	ssyncadd.s32 $0xFFFF8000  }
0x9d: {  	[hbm4b:s8+s3] =	stream.linear.scatter [tilespmem:s13], [sflag:$0x2], $0x8000, $0x38;
	[tilespmem:$0x8080] =	vst v63  }
0x9e: {  	_ =	swait.ge [sflag:s12], $0x8000  }
0x9f: {  	[sflag:s12] =	ssyncset.done $0x0  }
0xa0: {  	[sflag:s12] =	ssyncadd.s32 $0xFFFF8000  }
0xa1: {  	[tilespmem:s3], [sflag:$0x2] =	stream.linear.gather [hbm4b:s9+s3], $0x40, $0x38;
	[tilespmem:$0x8080] =	vst v63  }
0xa2: {  	_ =	swait.ge [sflag:s12], $0x40  }
0xa3: {  	[sflag:s12] =	ssyncset.done $0x0  }
0xa4: {  	[sflag:s12] =	ssyncadd.s32 $0xFFFFFFC0  }
0xa5: {  	v3 =	vld [tilespmem:$0x0];
	_ =	sdelay $0x4  }
0xa6: {  	v60 =	vshll.u32 v3, $0x2  }
0xa7: {  	v3 =	vand.u32 $0x7, v3;
	v4 =	vand.u32 $0xFFFFFFE0, v60  }
0xa8: {  	v3 =	vor.u32 v3, v4  }
0xa9: {  	v4 =	vperm.xlane v3, v0;
	_ =	sdelay $0x1  }
0xaa: {  	v4 =	vadd.s32 v1, v4;
	_ =	sdelay $0x1  }
0xab: {  	v3 =	vperm.xlane v3, v2;
	_ =	sdelay $0x1  }
0xac: {  	v3 =	vadd.s32 v1, v3  }
0xad: {  	[tilespmem:s13], [sflag:$0x1] =	stream.indirect_vreg.gather [hbm4b:s1+s3], $0x80, v4, vm0, $0xb8;
	[tilespmem:$0x8080] =	vst v63  }
0xae: {  	_ = 	snop  }
0xaf: {  	[tilespmem:s14], [sflag:$0x1] =	stream.indirect_vreg.gather [hbm4b:s5+s3], $0x80, v4, vm0, $0xb8;
	[tilespmem:$0x8080] =	vst v63  }
0xb0: {  	_ = 	snop  }
0xb1: {  	[tilespmem:s15], [sflag:$0x1] =	stream.indirect_vreg.gather [hbm4b:s1+s3], $0x80, v3, vm0, $0xb8;
	[tilespmem:$0x8080] =	vst v63  }
0xb2: {  	_ = 	snop  }
0xb3: {  	[tilespmem:s16], [sflag:$0x1] =	stream.indirect_vreg.gather [hbm4b:s5+s3], $0x80, v3, vm0, $0xb8;
	[tilespmem:$0x8080] =	vst v63  }
0xb4: {  	v3 =	vld [tilespmem:$0x10];
	_ =	sdelay $0x4  }
0xb5: {  	v61 =	vshll.u32 v3, $0x2  }
0xb6: {  	v3 =	vand.u32 $0x7, v3;
	v4 =	vand.u32 $0xFFFFFFE0, v61  }
0xb7: {  	v3 =	vor.u32 v3, v4  }
0xb8: {  	v4 =	vperm.xlane v3, v0;
	_ =	sdelay $0x1  }
0xb9: {  	v4 =	vadd.s32 v1, v4;
	_ =	sdelay $0x1  }
0xba: {  	v3 =	vperm.xlane v3, v2;
	_ =	sdelay $0x1  }
0xbb: {  	v3 =	vadd.s32 v1, v3  }
0xbc: {  	[tilespmem:s17], [sflag:$0x1] =	stream.indirect_vreg.gather [hbm4b:s1+s3], $0x80, v4, vm0, $0xb8;
	[tilespmem:$0x8080] =	vst v63  }
0xbd: {  	_ = 	snop  }
0xbe: {  	[tilespmem:s18], [sflag:$0x1] =	stream.indirect_vreg.gather [hbm4b:s5+s3], $0x80, v4, vm0, $0xb8;
	[tilespmem:$0x8080] =	vst v63  }
0xbf: {  	_ = 	snop  }
0xc0: {  	[tilespmem:s19], [sflag:$0x1] =	stream.indirect_vreg.gather [hbm4b:s1+s3], $0x80, v3, vm0, $0xb8;
	[tilespmem:$0x8080] =	vst v63  }
0xc1: {  	_ = 	snop  }
0xc2: {  	[tilespmem:s20], [sflag:$0x1] =	stream.indirect_vreg.gather [hbm4b:s5+s3], $0x80, v3, vm0, $0xb8;
	[tilespmem:$0x8080] =	vst v63  }
0xc3: {  	v3 =	vld [tilespmem:$0x20];
	_ =	sdelay $0x4  }
0xc4: {  	v62 =	vshll.u32 v3, $0x2  }
0xc5: {  	v3 =	vand.u32 $0x7, v3;
	v4 =	vand.u32 $0xFFFFFFE0, v62  }
0xc6: {  	v3 =	vor.u32 v3, v4  }
0xc7: {  	v4 =	vperm.xlane v3, v0;
	_ =	sdelay $0x1  }
0xc8: {  	v4 =	vadd.s32 v1, v4;
	_ =	sdelay $0x1  }
0xc9: {  	v3 =	vperm.xlane v3, v2;
	_ =	sdelay $0x1  }
0xca: {  	v3 =	vadd.s32 v1, v3  }
0xcb: {  	[tilespmem:s21], [sflag:$0x1] =	stream.indirect_vreg.gather [hbm4b:s1+s3], $0x80, v4, vm0, $0xb8;
	[tilespmem:$0x8080] =	vst v63  }
0xcc: {  	_ = 	snop  }
0xcd: {  	[tilespmem:s22], [sflag:$0x1] =	stream.indirect_vreg.gather [hbm4b:s5+s3], $0x80, v4, vm0, $0xb8;
	[tilespmem:$0x8080] =	vst v63  }
0xce: {  	_ = 	snop  }
0xcf: {  	[tilespmem:s23], [sflag:$0x1] =	stream.indirect_vreg.gather [hbm4b:s1+s3], $0x80, v3, vm0, $0xb8;
	[tilespmem:$0x8080] =	vst v63  }
0xd0: {  	_ = 	snop  }
0xd1: {  	[tilespmem:s24], [sflag:$0x1] =	stream.indirect_vreg.gather [hbm4b:s5+s3], $0x80, v3, vm0, $0xb8;
	[tilespmem:$0x8080] =	vst v63  }
0xd2: {  	v3 =	vld [tilespmem:$0x30];
	_ =	sdelay $0x4  }
0xd3: {  	v63 =	vshll.u32 v3, $0x2  }
0xd4: {  	v3 =	vand.u32 $0x7, v3;
	v4 =	vand.u32 $0xFFFFFFE0, v63  }
0xd5: {  	v3 =	vor.u32 v3, v4  }
0xd6: {  	v4 =	vperm.xlane v3, v0;
	_ =	sdelay $0x1  }
0xd7: {  	v4 =	vadd.s32 v1, v4;
	_ =	sdelay $0x1  }
0xd8: {  	v3 =	vperm.xlane v3, v2;
	_ =	sdelay $0x1  }
0xd9: {  	v3 =	vadd.s32 v1, v3  }
0xda: {  	[tilespmem:s25], [sflag:$0x1] =	stream.indirect_vreg.gather [hbm4b:s1+s3], $0x80, v4, vm0, $0xb8;
	[tilespmem:$0x8080] =	vst v63  }
0xdb: {  	_ = 	snop  }
0xdc: {  	[tilespmem:s26], [sflag:$0x1] =	stream.indirect_vreg.gather [hbm4b:s5+s3], $0x80, v4, vm0, $0xb8;
	[tilespmem:$0x8080] =	vst v63  }
0xdd: {  	_ = 	snop  }
0xde: {  	[tilespmem:s28], [sflag:$0x1] =	stream.indirect_vreg.gather [hbm4b:s1+s3], $0x80, v3, vm0, $0xb8;
	[tilespmem:$0x8080] =	vst v63  }
0xdf: {  	_ = 	snop  }
0xe0: {  	[tilespmem:s29], [sflag:$0x1] =	stream.indirect_vreg.gather [hbm4b:s5+s3], $0x80, v3, vm0, $0xb8;
	[tilespmem:$0x8080] =	vst v63  }
0xe1: {  	_ =	swait.ge [sflag:s30], $0x8000  }
0xe2: {  	p0 =	sne.s32 s11, $0x1;
	[sflag:s30] =	ssyncset.done $0x0  }
.Ltmp0:
0xe3: {  	[sflag:s30] =	ssyncadd.s32 $0xFFFF8000;
	(pc) =	sbr.rel @p0 .LBB2_1-.Ltmp0, $4  }
0xe4: {  	[hbm4b:s10+s3] =	stream.linear.scatter [tilespmem:s13], [sflag:$0x2], $0x8000, $0x38;
	[tilespmem:$0x8080] =	vst v63  }
0xe5: {  	_ =	swait.ge [sflag:s12], $0x8000  }
0xe6: {  	[sflag:s12] =	ssyncset.done $0x0  }
0xe7: {  	s11 =	sadd.s32 $0xFFFFFFFF, s11;
	[sflag:s12] =	ssyncadd.s32 $0xFFFF8000  }
0xe8: {  	_ =	sfence.sel $0x180000  }
0xe9: {  	[bflag:$0x0] =	sbarrier.arrive $0xFFFF  }
0xea: {  	p0 =	sne.s32 s0, $0x0;
	_ =	strace $0x90000047  }
0xeb: {  	s0 =	sadd.s32 @!p0 $0x100000, s2;
	[bflag:$0x2] =	sbarrier.arrive $0xFFFF  }
0xec: {  	[sflag:s0] =	ssyncadd.tile.s32 @!p0 $0x1;
	_ =	shalt  }
.Lfunc_end2:
_tile_overlayer_lowered:
.L_overlay_start_2:
0xed: {  	(tag) =	ssettag $0x2  }
0xee: {  	s0 =	rddreg [dreg:$0x0];
	s2 =	stileid.u32  }
0xef: {  	s1 =	rddreg [dreg:$0x1];
	p0 =	sne.s32 s2, $0x0  }
0xf0: {  	s3 =	rddreg [dreg:$0x2];
	[bflag:$0x3] =	sbarrier.arrive $0xFFFF;
	s2 =	simm.s32 @!p0 $0x1C02  }
0xf1: {  	[timem:s3], [sflag:s2] =	dma.local @!p0 [hbm:s0], s1  }
0xf2: {  	s0 =	simm.s32 @!p0 $0x2  }
0xf3: {  	_ =	swait.ge @!p0 [sflag:s0], s1  }
0xf4: {  	s1 =	ssub.s32 @!p0 $0x0, s1;
	[sflag:s0] =	ssyncset.done @!p0 $0x0  }
0xf5: {  	[sflag:s0] =	ssyncadd.s32 @!p0 s1  }
0xf6: {  	[bflag:$0x3] =	sbarrier.arrive $0xFFFF  }
0xf7: {  	_ =	shalt  }

// kernel: kernel.14.cloned.1.call-start
scs
__scs_entry_jumppad:
0x0: {  	(pc) =	sbr.rel $0x88, $3  }
0x1: {  	(tag) =	ssettag $0x0;
	lr =	simm.s32 $0x1  }
0x2: {  	[smem:$0x3F78] =	sst lr;
	_ =	strace $0xD0000000  }
0x3: {  	_ = 	snop  }
0x4: {  	_ = 	snop  }
0x5: {  	_ = 	snop  }
0x6: {  	_ = 	snop  }
0x7: {  	_ = 	snop  }
__scs_overlays_trampoline_lowered:
0x8: {  	[smem:$0x3F87] =	sst s0  }
0x9: {  	[smem:$0x3F88] =	sst s1  }
0xa: {  	[smem:$0x3F89] =	sst s2  }
0xb: {  	[smem:$0x3F8A] =	sst s3  }
0xc: {  	[smem:$0x3F8B] =	sst s4  }
0xd: {  	[smem:$0x3F8C] =	sst s5  }
0xe: {  	[smem:$0x3F8D] =	sst s6  }
0xf: {  	[smem:$0x3F8E] =	sst s7  }
0x10: {  	[smem:$0x3F8F] =	sst s8  }
0x11: {  	[smem:$0x3F90] =	sst s9;
	s0 =	simm.s32 @!p0 $0x0  }
0x12: {  	s1 =	sld [smem:$0x3F76];
	s0 =	simm.s32 @p0 $0x1  }
0x13: {  	[smem:$0x3F91] =	sst s0;
	s0 =	simm.s32 @!p1 $0x0  }
0x14: {  	s2 =	sld [smem:$0x3F75];
	s0 =	simm.s32 @p1 $0x1  }
0x15: {  	[smem:$0x3F92] =	sst s0;
	s0 =	simm.s32 @!p2 $0x0  }
0x16: {  	s3 =	sld [smem:$0x3FDB];
	s0 =	simm.s32 @p2 $0x1  }
0x17: {  	s4 =	simm.s32 $0x1BF5;
	[smem:$0x3F94] =	sst s0  }
0x18: {  	s0 =	sld [smem:$0x3F77];
	_ =	swait.ge [sflag:s4], $0x0  }
0x19: {  	s7 =	sld [smem:$0x3F78]  }
0x1a: {  	s8 =	sadd.s32 $0xFFFFE003, lr  }
0x1b: {  	s9 =	sadd.s32 $0xFFFFFEF7, lr;
	s5 =	simm.s32 $0xFFFFFFFF;
	p2 =	slt.u32 s8, $0xFFFFF086  }
0x1c: {  	p1 =	slt.u32 s9, $0xF7A;
	s5 =	simm.s32 @!p2 $0x0  }
0x1d: {  	s5 =	simm.s32 @p1 $0x1;
	p0 =	seq.s32 s7, s2  }
0x1e: {  	s7 =	smul.u32 @!p0 $0xF7A, s2;
	p2 =	seq.s32 @!p0 s5, $0x0  }
0x1f: {  	s9 =	smul.u32 $0xF7A, s1;
	s8 =	simm.s32 @!p0 $0x1BF5;
	p2 =	por !p2, p0  }
0x20: {  	[sflag:s8] =	ssyncset.s32 @!p0 $0xFFFFF086;
	s6 =	sadd.s32 @!p0 s3, s7;
	s7 =	simm.s32 @!p0 $0x108  }
0x21: {  	s3 =	sadd.s32 s3, s9;
	s6 =	sadd.s32 @!p0 $0x88, s6;
	s7 =	simm.s32 @p2 $0x1082  }
0x22: {  	[simem:s7], [sflag:s8] =	dma.local @!p0 [hbm:s6], $0xF7A  }
0x23: {  	s9 =	sor.u32 $0xD0000000, s2;
	s6 =	simm.s32 $0x108;
	_ =	swait.ge @!p0 [sflag:s8], $0x0  }
0x24: {  	s3 =	sadd.s32 $0x88, s3;
	s6 =	simm.s32 @!p1 $0x1082;
	[sflag:s4] =	ssyncset.s32 $0xFFFFF086  }
0x25: {  	[simem:s6], [sflag:s4] =	dma.local [hbm:s3], $0xF7A  }
0x26: {  	[smem:$0x3F78] =	sst s1;
	(tag) =	ssettag s2;
	_ =	strace s9  }
0x27: {  	s1 =	sld [smem:$0x3F88]  }
0x28: {  	s2 =	sld [smem:$0x3F89]  }
0x29: {  	s4 =	sld [smem:$0x3F8B]  }
0x2a: {  	p0 =	seq.s32 s5, $0x0;
	s5 =	sld [smem:$0x3F8C]  }
0x2b: {  	s6 =	sld [smem:$0x3F8D]  }
0x2c: {  	s7 =	sld [smem:$0x3F8E]  }
0x2d: {  	s3 =	simm.s32 $0x108;
	s8 =	sld [smem:$0x3F8F]  }
0x2e: {  	s3 =	simm.s32 @!p0 $0x1082;
	s9 =	sld [smem:$0x3F90]  }
0x2f: {  	lr =	sadd.s32 s0, s3;
	s0 =	sld [smem:$0x3F87]  }
0x30: {  	s3 =	sld [smem:$0x3F8A]  }
0x31: {  	[smem:$0x3F93] =	sst s10  }
0x32: {  	s10 =	sld [smem:$0x3F91];
	_ =	sdelay $0x3  }
0x33: {  	p0 =	seq.s32 s10, $0x1;
	s10 =	sld [smem:$0x3F93];
	_ =	sdelay $0x3  }
0x34: {  	[smem:$0x3F93] =	sst s10  }
0x35: {  	s10 =	sld [smem:$0x3F92];
	_ =	sdelay $0x3  }
0x36: {  	p1 =	seq.s32 s10, $0x1;
	s10 =	sld [smem:$0x3F93];
	_ =	sdelay $0x3  }
0x37: {  	[smem:$0x3F93] =	sst s10  }
0x38: {  	s10 =	sld [smem:$0x3F94]  }
0x39: {  	_ = 	snop;
	(pc) =	sbr.ind lr, $3  }
0x3a: {  	_ = 	snop  }
0x3b: {  	_ = 	snop  }
0x3c: {  	p2 =	seq.s32 s10, $0x1;
	s10 =	sld [smem:$0x3F93]  }
0x3d: {  	_ =	shalt  }
0x3e: {  	_ =	shalt  }
0x3f: {  	_ =	shalt  }
0x40: {  	_ =	shalt  }
0x41: {  	_ =	shalt  }
0x42: {  	_ =	shalt  }
0x43: {  	_ =	shalt  }
0x44: {  	_ =	shalt  }
0x45: {  	_ =	shalt  }
0x46: {  	_ =	shalt  }
0x47: {  	_ =	shalt  }
0x48: {  	_ =	shalt  }
0x49: {  	_ =	shalt  }
0x4a: {  	_ =	shalt  }
0x4b: {  	_ =	shalt  }
0x4c: {  	_ =	shalt  }
0x4d: {  	_ =	shalt  }
0x4e: {  	_ =	shalt  }
0x4f: {  	_ =	shalt  }
0x50: {  	_ =	shalt  }
0x51: {  	_ =	shalt  }
0x52: {  	_ =	shalt  }
0x53: {  	_ =	shalt  }
0x54: {  	_ =	shalt  }
0x55: {  	_ =	shalt  }
0x56: {  	_ =	shalt  }
0x57: {  	_ =	shalt  }
0x58: {  	_ =	shalt  }
0x59: {  	_ =	shalt  }
0x5a: {  	_ =	shalt  }
0x5b: {  	_ =	shalt  }
0x5c: {  	_ =	shalt  }
0x5d: {  	_ =	shalt  }
0x5e: {  	_ =	shalt  }
0x5f: {  	_ =	shalt  }
0x60: {  	_ =	shalt  }
0x61: {  	_ =	shalt  }
0x62: {  	_ =	shalt  }
0x63: {  	_ =	shalt  }
0x64: {  	_ =	shalt  }
0x65: {  	_ =	shalt  }
0x66: {  	_ =	shalt  }
0x67: {  	_ =	shalt  }
0x68: {  	_ =	shalt  }
0x69: {  	_ =	shalt  }
0x6a: {  	_ =	shalt  }
0x6b: {  	_ =	shalt  }
0x6c: {  	_ =	shalt  }
0x6d: {  	_ =	shalt  }
0x6e: {  	_ =	shalt  }
0x6f: {  	_ =	shalt  }
0x70: {  	_ =	shalt  }
0x71: {  	_ =	shalt  }
0x72: {  	_ =	shalt  }
0x73: {  	_ =	shalt  }
0x74: {  	_ =	shalt  }
0x75: {  	_ =	shalt  }
0x76: {  	_ =	shalt  }
0x77: {  	_ =	shalt  }
0x78: {  	_ =	shalt  }
0x79: {  	_ =	shalt  }
0x7a: {  	_ =	shalt  }
0x7b: {  	_ =	shalt  }
0x7c: {  	_ =	shalt  }
0x7d: {  	_ =	shalt  }
0x7e: {  	_ =	shalt  }
0x7f: {  	_ =	shalt  }
0x80: {  	_ =	shalt  }
0x81: {  	_ =	shalt  }
0x82: {  	_ =	shalt  }
0x83: {  	_ =	shalt  }
0x84: {  	_ =	shalt  }
0x85: {  	_ =	shalt  }
0x86: {  	_ =	shalt  }
0x87: {  	_ =	shalt  }
.Lfunc_end0:
.L_simem_size_0:
called_computation.1_lowered:
.L_overlay_start_0:
0x88: {  	s2 =	sld [smem:$0x3FD9]  }
0x89: {  	s3 =	sld [smem:$0x3FFE];
	_ =	sdelay $0x1  }
0x8a: {  	s1 =	srdreg.scid  }
0x8b: {  	s0 =	sand.u32 $0x1, s1  }
0x8c: {  	s14 =	sshll.u32 s0, $0xA;
	s2 =	sadd.s32 s3, s2  }
0x8d: {  	s2 =	sadd.s32 s2, s14  }
0x8e: {  	[smem:$0x3F9F] =	sst s2  }
0x8f: {  	_ = 	snop  }
0x90: {  	s2 =	sld [smem:$0x3FD0];
	_ =	sdelay $0x2  }
0x91: {  	s15 =	simm.s32 $0xA;
	s4 =	simm.s32 $0x10  }
0x92: {  	[smem:s4], [sflag:s15] =	dma.local [hbm:s2], $0x1  }
0x93: {  	_ =	swait.eq [sflag:s15], $0x1  }
0x94: {  	s16 =	sld [smem:$0x11];
	[sflag:s15] =	ssyncset.done $0x0  }
0x95: {  	s17 =	sld [smem:$0x12];
	[sflag:s15] =	ssyncadd.s32 $0xFFFFFFFF  }
0x96: {  	s18 =	sld [smem:$0x13];
	(tm) =	ssettm $0x1  }
0x97: {  	s5 =	sld [smem:$0x3FFB];
	_ =	sdelay $0x3  }
0x98: {  	_ =	strace s5  }
0x99: {  	s5 =	sld [smem:$0x3FFC];
	_ =	sdelay $0x3  }
0x9a: {  	_ =	strace s5  }
0x9b: {  	s5 =	sld [smem:$0x3FFD];
	_ =	sdelay $0x3  }
0x9c: {  	_ =	strace s5  }
0x9d: {  	_ =	strace $0x8FFFFFFF  }
0x9e: {  	s19 =	sld [smem:$0x3FDB];
	_ =	sdelay $0x1  }
0x9f: {  	s6 =	simm.s32 $_scs_section_size  }
0xa0: {  	s7 =	simm.s32 $_size__tile_overlayer_lowered;
	s8 =	simm.s32 $_tile_overlayer_lowered  }
0xa1: {  	s22 =	simm.s32 $0x1BFF;
	s21 =	sshll.u32 s8, $0x1;
	s5 =	sadd.s32 s6, s19  }
0xa2: {  	s9 =	simm.s32 $0x0;
	s20 =	sshll.u32 s7, $0x1;
	s7 =	sadd.s32 s21, s5  }
0xa3: {  	[timem:s9], [sflag:s22] =	dma.local [hbm:s7], s20  }
0xa4: {  	_ =	swait.ge [sflag:s22], s20  }
0xa5: {  	s6 =	ssub.s32 $0x0, s20;
	[sflag:s22] =	ssyncset.done $0x0  }
0xa6: {  	[sflag:s22] =	ssyncadd.s32 s6;
	_ =	sdelay $0x1  }
0xa7: {  	s23 =	simm.s32 $0x1B8B  }
0xa8: {  	_ =	swait.ge [sflag:s23], $0x1  }
0xa9: {  	[sflag:s23] =	ssyncset.done $0x0  }
0xaa: {  	s25 =	simm.s32 $0x1B8E;
	s24 =	sld [smem:$0x3FFE];
	[sflag:s23] =	ssyncadd.s32 $0xFFFFFFFF  }
0xab: {  	s26 =	simm.s32 $execute0_lowered;
	[smem:$0x3FD2] =	sst s25  }
0xac: {  	s7 =	sshll.u32 s26, $0x1;
	_ =	strace $0x80000049;
	[dreg:$0x1] =	wrdreg $0xFFFFFFFF  }
0xad: {  	s28 =	simm.s32 $_size_execute0_lowered;
	s5 =	sadd.s32 s5, s7;
	[dreg:$0x0] =	wrdreg $0x0  }
0xae: {  	s7 =	sshll.u32 s28, $0x1;
	[dreg:$0x2] =	wrdreg s5  }
0xaf: {  	[dreg:$0x3] =	wrdreg s7  }
0xb0: {  	[dreg:$0x4] =	wrdreg $0xC0  }
0xb1: {  	_ =	task [dreg:s9], $0x5FFFF  }
0xb2: {  	[dreg:$0x1] =	wrdreg $0xFFFFFFFF  }
0xb3: {  	[dreg:$0x0] =	wrdreg $0x60  }
0xb4: {  	[dreg:$0x2] =	wrdreg s24  }
0xb5: {  	[dreg:$0x3] =	wrdreg s17  }
0xb6: {  	[dreg:$0x4] =	wrdreg s18  }
0xb7: {  	[dreg:$0x5] =	wrdreg s16  }
0xb8: {  	[dreg:$0x6] =	wrdreg $0x9  }
0xb9: {  	_ =	task.clear_ibuf [dreg:s9], $0x7FFFF;
	_ =	strace $0x90000049  }
0xba: {  	s29 =	simm.s32 $0x9;
	_ =	strace $0x8000004B  }
0xbb: {  	_ =	swait.ge [sflag:s29], $0x1  }
0xbc: {  	[sflag:s29] =	ssyncadd.s32 $0xFFFFFFFF  }
0xbd: {  	_ =	strace $0x9000004B  }
0xbe: {  	_ =	sfence  }
0xbf: {  	s30 =	sld [smem:$0x0];
	_ =	sdelay $0x2  }
0xc0: {  	s31 =	sshll.u32 s1, $0xD;
	s1 =	sshrl.u32 s1, $0x2  }
0xc1: {  	s3 =	sand.u32 $0x4000, s31;
	s1 =	sadd.s32 s1, s30  }
0xc2: {  	s0 =	sor.u32 s3, s0;
	s1 =	sshll.u32 s1, $0x11  }
0xc3: {  	s0 =	sor.u32 s1, s0  }
0xc4: {  	s0 =	sadd.s32 $0x8F2B, s0  }
0xc5: {  	[sflag:s0] =	ssyncadd.remote.s32 $0x1  }
0xc6: {  	_ =	sfence.sel $0xFFFF  }
0xc7: {  	[dreg:$0x0] =	wrdreg $0xFFFFFFFF;
	(pc) =	sbr.abs _section_cstart, $3  }
0xc8: {  	[dreg:$0x1] =	wrdreg $0xFFFFFFFF  }
0xc9: {  	_ =	task.clear_ibuf [dreg:s9], $0x2FFFF;
	_ =	strace $0x9FFFFFFF  }
0xca: {  	(tm) =	ssettm $0x7FFFFFFF  }
0xcb: {  	_ =	shalt  }
tec
execute0_lowered:
.L_overlay_start_1:
0x0: {  	(tag) =	ssettag $0x1  }
0x1: {  	s5 =	rddreg [dreg:$0x0]  }
0x2: {  	s4 =	rddreg [dreg:$0x1]  }
0x3: {  	s7 =	rddreg [dreg:$0x2]  }
0x4: {  	s6 =	rddreg [dreg:$0x3]  }
0x5: {  	s0 =	rddreg [dreg:$0x4];
	s3 =	srdreg.scid  }
0x6: {  	s2 =	simm.s32 $0x0;
	s1 =	stileid.u32;
	s13 =	simm.s32 $0x1080  }
0x7: {  	s14 =	simm.s32 $0x1880;
	s15 =	simm.s32 $0x2080;
	s16 =	simm.s32 $0x2880  }
0x8: {  	s17 =	simm.s32 $0x3080;
	s18 =	simm.s32 $0x3880;
	s19 =	simm.s32 $0x4080  }
0x9: {  	s20 =	simm.s32 $0x4880;
	s21 =	simm.s32 $0x5080;
	s22 =	simm.s32 $0x5880  }
0xa: {  	s23 =	simm.s32 $0x6080;
	s24 =	simm.s32 $0x6880;
	s25 =	simm.s32 $0x7080  }
0xb: {  	s26 =	simm.s32 $0x7880;
	s28 =	simm.s32 $0x1;
	s3 =	sand.u32 $0x1, s3  }
0xc: {  	[smem:$0x7FF] =	sst s2;
	s8 =	sshll.u32 s1, $0x7;
	s9 =	sshll.u32 s3, $0x6  }
0xd: {  	_ =	strace $0x8000004A;
	s31 =	ssub.s32 $0x2, s3;
	s8 =	sor.u32 s9, s8  }
0xe: {  	s3 =	sadd.s32 $0x5E00, s5;
	s11 =	sshrl.u32 s31, $0x1;
	s10 =	sshll.u32 s8, $0x6  }
0xf: {  	s9 =	ssub.s32 s31, s11;
	s8 =	sshrl.u32 s8, $0x3;
	s11 =	simm.s32 $0x80  }
0x10: {  	v2 =	vlaneseq.u32;
	s12 =	sadd.s32 s10, s5;
	s4 =	sadd.s32 s4, s8;
	s5 =	sadd.s32 $0x5F00, s5  }
0x11: {  	vm0 =	vmmov $0xffff;
	v1 =	vshrl.u32 v2, $0x3;
	s6 =	sadd.s32 s6, s10;
	s7 =	sadd.s32 s7, s8;
	s9 =	smax.u32 s9, $0x1  }
0x12: {  	v0 =	vand.u32 $0x7, v2;
	v2 =	vor.u32 $0x8, v2;
	v1 =	vmul.u32 $0x8, v1;
	s10 =	simm.s32 $0x2;
	s8 =	sadd.s32 $0x65E00, s12;
	s12 =	simm.s32 $0x880  }
.LBB2_1:
0x13: {  	[tilespmem:s2], [sflag:$0x2] =	stream.linear.gather [hbm4b:s4+s2], $0x40, $0x38;
	[tilespmem:$0x8080] =	vst v63  }
0x14: {  	_ =	swait.ge [sflag:s10], $0x40  }
0x15: {  	[sflag:s10] =	ssyncset.done $0x0  }
0x16: {  	[sflag:s10] =	ssyncadd.s32 $0xFFFFFFC0  }
0x17: {  	v3 =	vld [tilespmem:$0x0];
	_ =	sdelay $0x4  }
0x18: {  	v4 =	vshll.u32 v3, $0x2  }
0x19: {  	v3 =	vand.u32 $0x7, v3;
	v4 =	vand.u32 $0xFFFFFFE0, v4  }
0x1a: {  	v3 =	vor.u32 v3, v4  }
0x1b: {  	v4 =	vperm.xlane v3, v0;
	_ =	sdelay $0x1  }
0x1c: {  	v4 =	vadd.s32 v1, v4;
	_ =	sdelay $0x1  }
0x1d: {  	v3 =	vperm.xlane v3, v2;
	_ =	sdelay $0x1  }
0x1e: {  	v3 =	vadd.s32 v1, v3  }
0x1f: {  	[tilespmem:s11], [sflag:$0x1] =	stream.indirect_vreg.gather [hbm4b:s3+s2], $0x80, v4, vm0, $0xb8;
	[tilespmem:$0x8080] =	vst v63  }
0x20: {  	_ = 	snop  }
0x21: {  	[tilespmem:s12], [sflag:$0x1] =	stream.indirect_vreg.gather [hbm4b:s5+s2], $0x80, v4, vm0, $0xb8;
	[tilespmem:$0x8080] =	vst v63  }
0x22: {  	_ = 	snop  }
0x23: {  	[tilespmem:s13], [sflag:$0x1] =	stream.indirect_vreg.gather [hbm4b:s3+s2], $0x80, v3, vm0, $0xb8;
	[tilespmem:$0x8080] =	vst v63  }
0x24: {  	_ = 	snop  }
0x25: {  	[tilespmem:s14], [sflag:$0x1] =	stream.indirect_vreg.gather [hbm4b:s5+s2], $0x80, v3, vm0, $0xb8;
	[tilespmem:$0x8080] =	vst v63  }
0x26: {  	v3 =	vld [tilespmem:$0x10];
	_ =	sdelay $0x4  }
0x27: {  	v57 =	vshll.u32 v3, $0x2  }
0x28: {  	v3 =	vand.u32 $0x7, v3;
	v4 =	vand.u32 $0xFFFFFFE0, v57  }
0x29: {  	v3 =	vor.u32 v3, v4  }
0x2a: {  	v4 =	vperm.xlane v3, v0;
	_ =	sdelay $0x1  }
0x2b: {  	v4 =	vadd.s32 v1, v4;
	_ =	sdelay $0x1  }
0x2c: {  	v3 =	vperm.xlane v3, v2;
	_ =	sdelay $0x1  }
0x2d: {  	v3 =	vadd.s32 v1, v3  }
0x2e: {  	[tilespmem:s15], [sflag:$0x1] =	stream.indirect_vreg.gather [hbm4b:s3+s2], $0x80, v4, vm0, $0xb8;
	[tilespmem:$0x8080] =	vst v63  }
0x2f: {  	_ = 	snop  }
0x30: {  	[tilespmem:s16], [sflag:$0x1] =	stream.indirect_vreg.gather [hbm4b:s5+s2], $0x80, v4, vm0, $0xb8;
	[tilespmem:$0x8080] =	vst v63  }
0x31: {  	_ = 	snop  }
0x32: {  	[tilespmem:s17], [sflag:$0x1] =	stream.indirect_vreg.gather [hbm4b:s3+s2], $0x80, v3, vm0, $0xb8;
	[tilespmem:$0x8080] =	vst v63  }
0x33: {  	_ = 	snop  }
0x34: {  	[tilespmem:s18], [sflag:$0x1] =	stream.indirect_vreg.gather [hbm4b:s5+s2], $0x80, v3, vm0, $0xb8;
	[tilespmem:$0x8080] =	vst v63  }
0x35: {  	v3 =	vld [tilespmem:$0x20];
	_ =	sdelay $0x4  }
0x36: {  	v58 =	vshll.u32 v3, $0x2  }
0x37: {  	v3 =	vand.u32 $0x7, v3;
	v4 =	vand.u32 $0xFFFFFFE0, v58  }
0x38: {  	v3 =	vor.u32 v3, v4  }
0x39: {  	v4 =	vperm.xlane v3, v0;
	_ =	sdelay $0x1  }
0x3a: {  	v4 =	vadd.s32 v1, v4;
	_ =	sdelay $0x1  }
0x3b: {  	v3 =	vperm.xlane v3, v2;
	_ =	sdelay $0x1  }
0x3c: {  	v3 =	vadd.s32 v1, v3  }
0x3d: {  	[tilespmem:s19], [sflag:$0x1] =	stream.indirect_vreg.gather [hbm4b:s3+s2], $0x80, v4, vm0, $0xb8;
	[tilespmem:$0x8080] =	vst v63  }
0x3e: {  	_ = 	snop  }
0x3f: {  	[tilespmem:s20], [sflag:$0x1] =	stream.indirect_vreg.gather [hbm4b:s5+s2], $0x80, v4, vm0, $0xb8;
	[tilespmem:$0x8080] =	vst v63  }
0x40: {  	_ = 	snop  }
0x41: {  	[tilespmem:s21], [sflag:$0x1] =	stream.indirect_vreg.gather [hbm4b:s3+s2], $0x80, v3, vm0, $0xb8;
	[tilespmem:$0x8080] =	vst v63  }
0x42: {  	_ = 	snop  }
0x43: {  	[tilespmem:s22], [sflag:$0x1] =	stream.indirect_vreg.gather [hbm4b:s5+s2], $0x80, v3, vm0, $0xb8;
	[tilespmem:$0x8080] =	vst v63  }
0x44: {  	v3 =	vld [tilespmem:$0x30];
	_ =	sdelay $0x4  }
0x45: {  	v59 =	vshll.u32 v3, $0x2  }
0x46: {  	v3 =	vand.u32 $0x7, v3;
	v4 =	vand.u32 $0xFFFFFFE0, v59  }
0x47: {  	v3 =	vor.u32 v3, v4  }
0x48: {  	v4 =	vperm.xlane v3, v0;
	_ =	sdelay $0x1  }
0x49: {  	v4 =	vadd.s32 v1, v4;
	_ =	sdelay $0x1  }
0x4a: {  	v3 =	vperm.xlane v3, v2;
	_ =	sdelay $0x1  }
0x4b: {  	v3 =	vadd.s32 v1, v3  }
0x4c: {  	[tilespmem:s23], [sflag:$0x1] =	stream.indirect_vreg.gather [hbm4b:s3+s2], $0x80, v4, vm0, $0xb8;
	[tilespmem:$0x8080] =	vst v63  }
0x4d: {  	_ = 	snop  }
0x4e: {  	[tilespmem:s24], [sflag:$0x1] =	stream.indirect_vreg.gather [hbm4b:s5+s2], $0x80, v4, vm0, $0xb8;
	[tilespmem:$0x8080] =	vst v63  }
0x4f: {  	_ = 	snop  }
0x50: {  	[tilespmem:s25], [sflag:$0x1] =	stream.indirect_vreg.gather [hbm4b:s3+s2], $0x80, v3, vm0, $0xb8;
	[tilespmem:$0x8080] =	vst v63  }
0x51: {  	_ = 	snop  }
0x52: {  	[tilespmem:s26], [sflag:$0x1] =	stream.indirect_vreg.gather [hbm4b:s5+s2], $0x80, v3, vm0, $0xb8;
	[tilespmem:$0x8080] =	vst v63  }
0x53: {  	_ =	swait.ge [sflag:s28], $0x8000  }
0x54: {  	[sflag:s28] =	ssyncset.done $0x0  }
0x55: {  	[sflag:s28] =	ssyncadd.s32 $0xFFFF8000  }
0x56: {  	[hbm4b:s6+s2] =	stream.linear.scatter [tilespmem:s11], [sflag:$0x2], $0x8000, $0x38;
	[tilespmem:$0x8080] =	vst v63  }
0x57: {  	_ =	swait.ge [sflag:s10], $0x8000  }
0x58: {  	[sflag:s10] =	ssyncset.done $0x0  }
0x59: {  	[sflag:s10] =	ssyncadd.s32 $0xFFFF8000  }
0x5a: {  	[tilespmem:s2], [sflag:$0x2] =	stream.linear.gather [hbm4b:s7+s2], $0x40, $0x38;
	[tilespmem:$0x8080] =	vst v63  }
0x5b: {  	_ =	swait.ge [sflag:s10], $0x40  }
0x5c: {  	[sflag:s10] =	ssyncset.done $0x0  }
0x5d: {  	[sflag:s10] =	ssyncadd.s32 $0xFFFFFFC0  }
0x5e: {  	v3 =	vld [tilespmem:$0x0];
	_ =	sdelay $0x4  }
0x5f: {  	v60 =	vshll.u32 v3, $0x2  }
0x60: {  	v3 =	vand.u32 $0x7, v3;
	v4 =	vand.u32 $0xFFFFFFE0, v60  }
0x61: {  	v3 =	vor.u32 v3, v4  }
0x62: {  	v4 =	vperm.xlane v3, v0;
	_ =	sdelay $0x1  }
0x63: {  	v4 =	vadd.s32 v1, v4;
	_ =	sdelay $0x1  }
0x64: {  	v3 =	vperm.xlane v3, v2;
	_ =	sdelay $0x1  }
0x65: {  	v3 =	vadd.s32 v1, v3  }
0x66: {  	[tilespmem:s11], [sflag:$0x1] =	stream.indirect_vreg.gather [hbm4b:s3+s2], $0x80, v4, vm0, $0xb8;
	[tilespmem:$0x8080] =	vst v63  }
0x67: {  	_ = 	snop  }
0x68: {  	[tilespmem:s12], [sflag:$0x1] =	stream.indirect_vreg.gather [hbm4b:s5+s2], $0x80, v4, vm0, $0xb8;
	[tilespmem:$0x8080] =	vst v63  }
0x69: {  	_ = 	snop  }
0x6a: {  	[tilespmem:s13], [sflag:$0x1] =	stream.indirect_vreg.gather [hbm4b:s3+s2], $0x80, v3, vm0, $0xb8;
	[tilespmem:$0x8080] =	vst v63  }
0x6b: {  	_ = 	snop  }
0x6c: {  	[tilespmem:s14], [sflag:$0x1] =	stream.indirect_vreg.gather [hbm4b:s5+s2], $0x80, v3, vm0, $0xb8;
	[tilespmem:$0x8080] =	vst v63  }
0x6d: {  	v3 =	vld [tilespmem:$0x10];
	_ =	sdelay $0x4  }
0x6e: {  	v61 =	vshll.u32 v3, $0x2  }
0x6f: {  	v3 =	vand.u32 $0x7, v3;
	v4 =	vand.u32 $0xFFFFFFE0, v61  }
0x70: {  	v3 =	vor.u32 v3, v4  }
0x71: {  	v4 =	vperm.xlane v3, v0;
	_ =	sdelay $0x1  }
0x72: {  	v4 =	vadd.s32 v1, v4;
	_ =	sdelay $0x1  }
0x73: {  	v3 =	vperm.xlane v3, v2;
	_ =	sdelay $0x1  }
0x74: {  	v3 =	vadd.s32 v1, v3  }
0x75: {  	[tilespmem:s15], [sflag:$0x1] =	stream.indirect_vreg.gather [hbm4b:s3+s2], $0x80, v4, vm0, $0xb8;
	[tilespmem:$0x8080] =	vst v63  }
0x76: {  	_ = 	snop  }
0x77: {  	[tilespmem:s16], [sflag:$0x1] =	stream.indirect_vreg.gather [hbm4b:s5+s2], $0x80, v4, vm0, $0xb8;
	[tilespmem:$0x8080] =	vst v63  }
0x78: {  	_ = 	snop  }
0x79: {  	[tilespmem:s17], [sflag:$0x1] =	stream.indirect_vreg.gather [hbm4b:s3+s2], $0x80, v3, vm0, $0xb8;
	[tilespmem:$0x8080] =	vst v63  }
0x7a: {  	_ = 	snop  }
0x7b: {  	[tilespmem:s18], [sflag:$0x1] =	stream.indirect_vreg.gather [hbm4b:s5+s2], $0x80, v3, vm0, $0xb8;
	[tilespmem:$0x8080] =	vst v63  }
0x7c: {  	v3 =	vld [tilespmem:$0x20];
	_ =	sdelay $0x4  }
0x7d: {  	v62 =	vshll.u32 v3, $0x2  }
0x7e: {  	v3 =	vand.u32 $0x7, v3;
	v4 =	vand.u32 $0xFFFFFFE0, v62  }
0x7f: {  	v3 =	vor.u32 v3, v4  }
0x80: {  	v4 =	vperm.xlane v3, v0;
	_ =	sdelay $0x1  }
0x81: {  	v4 =	vadd.s32 v1, v4;
	_ =	sdelay $0x1  }
0x82: {  	v3 =	vperm.xlane v3, v2;
	_ =	sdelay $0x1  }
0x83: {  	v3 =	vadd.s32 v1, v3  }
0x84: {  	[tilespmem:s19], [sflag:$0x1] =	stream.indirect_vreg.gather [hbm4b:s3+s2], $0x80, v4, vm0, $0xb8;
	[tilespmem:$0x8080] =	vst v63  }
0x85: {  	_ = 	snop  }
0x86: {  	[tilespmem:s20], [sflag:$0x1] =	stream.indirect_vreg.gather [hbm4b:s5+s2], $0x80, v4, vm0, $0xb8;
	[tilespmem:$0x8080] =	vst v63  }
0x87: {  	_ = 	snop  }
0x88: {  	[tilespmem:s21], [sflag:$0x1] =	stream.indirect_vreg.gather [hbm4b:s3+s2], $0x80, v3, vm0, $0xb8;
	[tilespmem:$0x8080] =	vst v63  }
0x89: {  	_ = 	snop  }
0x8a: {  	[tilespmem:s22], [sflag:$0x1] =	stream.indirect_vreg.gather [hbm4b:s5+s2], $0x80, v3, vm0, $0xb8;
	[tilespmem:$0x8080] =	vst v63  }
0x8b: {  	v3 =	vld [tilespmem:$0x30];
	_ =	sdelay $0x4  }
0x8c: {  	v63 =	vshll.u32 v3, $0x2  }
0x8d: {  	v3 =	vand.u32 $0x7, v3;
	v4 =	vand.u32 $0xFFFFFFE0, v63  }
0x8e: {  	v3 =	vor.u32 v3, v4  }
0x8f: {  	v4 =	vperm.xlane v3, v0;
	_ =	sdelay $0x1  }
0x90: {  	v4 =	vadd.s32 v1, v4;
	_ =	sdelay $0x1  }
0x91: {  	v3 =	vperm.xlane v3, v2;
	_ =	sdelay $0x1  }
0x92: {  	v3 =	vadd.s32 v1, v3  }
0x93: {  	[tilespmem:s23], [sflag:$0x1] =	stream.indirect_vreg.gather [hbm4b:s3+s2], $0x80, v4, vm0, $0xb8;
	[tilespmem:$0x8080] =	vst v63  }
0x94: {  	_ = 	snop  }
0x95: {  	[tilespmem:s24], [sflag:$0x1] =	stream.indirect_vreg.gather [hbm4b:s5+s2], $0x80, v4, vm0, $0xb8;
	[tilespmem:$0x8080] =	vst v63  }
0x96: {  	_ = 	snop  }
0x97: {  	[tilespmem:s25], [sflag:$0x1] =	stream.indirect_vreg.gather [hbm4b:s3+s2], $0x80, v3, vm0, $0xb8;
	[tilespmem:$0x8080] =	vst v63  }
0x98: {  	_ = 	snop  }
0x99: {  	[tilespmem:s26], [sflag:$0x1] =	stream.indirect_vreg.gather [hbm4b:s5+s2], $0x80, v3, vm0, $0xb8;
	[tilespmem:$0x8080] =	vst v63  }
0x9a: {  	_ =	swait.ge [sflag:s28], $0x8000  }
0x9b: {  	p0 =	sne.s32 s9, $0x1;
	[sflag:s28] =	ssyncset.done $0x0  }
.Ltmp0:
0x9c: {  	[sflag:s28] =	ssyncadd.s32 $0xFFFF8000;
	(pc) =	sbr.rel @p0 .LBB2_1-.Ltmp0, $4  }
0x9d: {  	[hbm4b:s8+s2] =	stream.linear.scatter [tilespmem:s11], [sflag:$0x2], $0x8000, $0x38;
	[tilespmem:$0x8080] =	vst v63  }
0x9e: {  	_ =	swait.ge [sflag:s10], $0x8000  }
0x9f: {  	[sflag:s10] =	ssyncset.done $0x0  }
0xa0: {  	s9 =	sadd.s32 $0xFFFFFFFF, s9;
	[sflag:s10] =	ssyncadd.s32 $0xFFFF8000  }
0xa1: {  	_ =	sfence.sel $0x180000  }
0xa2: {  	[bflag:$0x0] =	sbarrier.arrive $0xFFFF  }
0xa3: {  	p0 =	sne.s32 s1, $0x0;
	_ =	strace $0x9000004A  }
0xa4: {  	s0 =	sadd.s32 @!p0 $0x100000, s0;
	[bflag:$0x2] =	sbarrier.arrive $0xFFFF  }
0xa5: {  	[sflag:s0] =	ssyncadd.tile.s32 @!p0 $0x1;
	_ =	shalt  }
.Lfunc_end2:
_tile_overlayer_lowered:
.L_overlay_start_2:
0xa6: {  	(tag) =	ssettag $0x2  }
0xa7: {  	s0 =	rddreg [dreg:$0x0];
	s2 =	stileid.u32  }
0xa8: {  	s1 =	rddreg [dreg:$0x1];
	p0 =	sne.s32 s2, $0x0  }
0xa9: {  	s3 =	rddreg [dreg:$0x2];
	[bflag:$0x3] =	sbarrier.arrive $0xFFFF;
	s2 =	simm.s32 @!p0 $0x1C02  }
0xaa: {  	[timem:s3], [sflag:s2] =	dma.local @!p0 [hbm:s0], s1  }
0xab: {  	s0 =	simm.s32 @!p0 $0x2  }
0xac: {  	_ =	swait.ge @!p0 [sflag:s0], s1  }
0xad: {  	s1 =	ssub.s32 @!p0 $0x0, s1;
	[sflag:s0] =	ssyncset.done @!p0 $0x0  }
0xae: {  	[sflag:s0] =	ssyncadd.s32 @!p0 s1  }
0xaf: {  	[bflag:$0x3] =	sbarrier.arrive $0xFFFF  }
0xb0: {  	_ =	shalt  }

// kernel: kernel.17.cloned.1.call-start
scs
__scs_entry_jumppad:
0x0: {  	(pc) =	sbr.rel $0x88, $3  }
0x1: {  	(tag) =	ssettag $0x0;
	lr =	simm.s32 $0x1  }
0x2: {  	[smem:$0x3F78] =	sst lr;
	_ =	strace $0xD0000000  }
0x3: {  	_ = 	snop  }
0x4: {  	_ = 	snop  }
0x5: {  	_ = 	snop  }
0x6: {  	_ = 	snop  }
0x7: {  	_ = 	snop  }
__scs_overlays_trampoline_lowered:
0x8: {  	[smem:$0x3F87] =	sst s0  }
0x9: {  	[smem:$0x3F88] =	sst s1  }
0xa: {  	[smem:$0x3F89] =	sst s2  }
0xb: {  	[smem:$0x3F8A] =	sst s3  }
0xc: {  	[smem:$0x3F8B] =	sst s4  }
0xd: {  	[smem:$0x3F8C] =	sst s5  }
0xe: {  	[smem:$0x3F8D] =	sst s6  }
0xf: {  	[smem:$0x3F8E] =	sst s7  }
0x10: {  	[smem:$0x3F8F] =	sst s8  }
0x11: {  	[smem:$0x3F90] =	sst s9;
	s0 =	simm.s32 @!p0 $0x0  }
0x12: {  	s1 =	sld [smem:$0x3F76];
	s0 =	simm.s32 @p0 $0x1  }
0x13: {  	[smem:$0x3F91] =	sst s0;
	s0 =	simm.s32 @!p1 $0x0  }
0x14: {  	s2 =	sld [smem:$0x3F75];
	s0 =	simm.s32 @p1 $0x1  }
0x15: {  	[smem:$0x3F92] =	sst s0;
	s0 =	simm.s32 @!p2 $0x0  }
0x16: {  	s3 =	sld [smem:$0x3FDB];
	s0 =	simm.s32 @p2 $0x1  }
0x17: {  	s4 =	simm.s32 $0x1BF5;
	[smem:$0x3F94] =	sst s0  }
0x18: {  	s0 =	sld [smem:$0x3F77];
	_ =	swait.ge [sflag:s4], $0x0  }
0x19: {  	s7 =	sld [smem:$0x3F78]  }
0x1a: {  	s8 =	sadd.s32 $0xFFFFE003, lr  }
0x1b: {  	s9 =	sadd.s32 $0xFFFFFEF7, lr;
	s5 =	simm.s32 $0xFFFFFFFF;
	p2 =	slt.u32 s8, $0xFFFFF086  }
0x1c: {  	p1 =	slt.u32 s9, $0xF7A;
	s5 =	simm.s32 @!p2 $0x0  }
0x1d: {  	s5 =	simm.s32 @p1 $0x1;
	p0 =	seq.s32 s7, s2  }
0x1e: {  	s7 =	smul.u32 @!p0 $0xF7A, s2;
	p2 =	seq.s32 @!p0 s5, $0x0  }
0x1f: {  	s9 =	smul.u32 $0xF7A, s1;
	s8 =	simm.s32 @!p0 $0x1BF5;
	p2 =	por !p2, p0  }
0x20: {  	[sflag:s8] =	ssyncset.s32 @!p0 $0xFFFFF086;
	s6 =	sadd.s32 @!p0 s3, s7;
	s7 =	simm.s32 @!p0 $0x108  }
0x21: {  	s3 =	sadd.s32 s3, s9;
	s6 =	sadd.s32 @!p0 $0x88, s6;
	s7 =	simm.s32 @p2 $0x1082  }
0x22: {  	[simem:s7], [sflag:s8] =	dma.local @!p0 [hbm:s6], $0xF7A  }
0x23: {  	s9 =	sor.u32 $0xD0000000, s2;
	s6 =	simm.s32 $0x108;
	_ =	swait.ge @!p0 [sflag:s8], $0x0  }
0x24: {  	s3 =	sadd.s32 $0x88, s3;
	s6 =	simm.s32 @!p1 $0x1082;
	[sflag:s4] =	ssyncset.s32 $0xFFFFF086  }
0x25: {  	[simem:s6], [sflag:s4] =	dma.local [hbm:s3], $0xF7A  }
0x26: {  	[smem:$0x3F78] =	sst s1;
	(tag) =	ssettag s2;
	_ =	strace s9  }
0x27: {  	s1 =	sld [smem:$0x3F88]  }
0x28: {  	s2 =	sld [smem:$0x3F89]  }
0x29: {  	s4 =	sld [smem:$0x3F8B]  }
0x2a: {  	p0 =	seq.s32 s5, $0x0;
	s5 =	sld [smem:$0x3F8C]  }
0x2b: {  	s6 =	sld [smem:$0x3F8D]  }
0x2c: {  	s7 =	sld [smem:$0x3F8E]  }
0x2d: {  	s3 =	simm.s32 $0x108;
	s8 =	sld [smem:$0x3F8F]  }
0x2e: {  	s3 =	simm.s32 @!p0 $0x1082;
	s9 =	sld [smem:$0x3F90]  }
0x2f: {  	lr =	sadd.s32 s0, s3;
	s0 =	sld [smem:$0x3F87]  }
0x30: {  	s3 =	sld [smem:$0x3F8A]  }
0x31: {  	[smem:$0x3F93] =	sst s10  }
0x32: {  	s10 =	sld [smem:$0x3F91];
	_ =	sdelay $0x3  }
0x33: {  	p0 =	seq.s32 s10, $0x1;
	s10 =	sld [smem:$0x3F93];
	_ =	sdelay $0x3  }
0x34: {  	[smem:$0x3F93] =	sst s10  }
0x35: {  	s10 =	sld [smem:$0x3F92];
	_ =	sdelay $0x3  }
0x36: {  	p1 =	seq.s32 s10, $0x1;
	s10 =	sld [smem:$0x3F93];
	_ =	sdelay $0x3  }
0x37: {  	[smem:$0x3F93] =	sst s10  }
0x38: {  	s10 =	sld [smem:$0x3F94]  }
0x39: {  	_ = 	snop;
	(pc) =	sbr.ind lr, $3  }
0x3a: {  	_ = 	snop  }
0x3b: {  	_ = 	snop  }
0x3c: {  	p2 =	seq.s32 s10, $0x1;
	s10 =	sld [smem:$0x3F93]  }
0x3d: {  	_ =	shalt  }
0x3e: {  	_ =	shalt  }
0x3f: {  	_ =	shalt  }
0x40: {  	_ =	shalt  }
0x41: {  	_ =	shalt  }
0x42: {  	_ =	shalt  }
0x43: {  	_ =	shalt  }
0x44: {  	_ =	shalt  }
0x45: {  	_ =	shalt  }
0x46: {  	_ =	shalt  }
0x47: {  	_ =	shalt  }
0x48: {  	_ =	shalt  }
0x49: {  	_ =	shalt  }
0x4a: {  	_ =	shalt  }
0x4b: {  	_ =	shalt  }
0x4c: {  	_ =	shalt  }
0x4d: {  	_ =	shalt  }
0x4e: {  	_ =	shalt  }
0x4f: {  	_ =	shalt  }
0x50: {  	_ =	shalt  }
0x51: {  	_ =	shalt  }
0x52: {  	_ =	shalt  }
0x53: {  	_ =	shalt  }
0x54: {  	_ =	shalt  }
0x55: {  	_ =	shalt  }
0x56: {  	_ =	shalt  }
0x57: {  	_ =	shalt  }
0x58: {  	_ =	shalt  }
0x59: {  	_ =	shalt  }
0x5a: {  	_ =	shalt  }
0x5b: {  	_ =	shalt  }
0x5c: {  	_ =	shalt  }
0x5d: {  	_ =	shalt  }
0x5e: {  	_ =	shalt  }
0x5f: {  	_ =	shalt  }
0x60: {  	_ =	shalt  }
0x61: {  	_ =	shalt  }
0x62: {  	_ =	shalt  }
0x63: {  	_ =	shalt  }
0x64: {  	_ =	shalt  }
0x65: {  	_ =	shalt  }
0x66: {  	_ =	shalt  }
0x67: {  	_ =	shalt  }
0x68: {  	_ =	shalt  }
0x69: {  	_ =	shalt  }
0x6a: {  	_ =	shalt  }
0x6b: {  	_ =	shalt  }
0x6c: {  	_ =	shalt  }
0x6d: {  	_ =	shalt  }
0x6e: {  	_ =	shalt  }
0x6f: {  	_ =	shalt  }
0x70: {  	_ =	shalt  }
0x71: {  	_ =	shalt  }
0x72: {  	_ =	shalt  }
0x73: {  	_ =	shalt  }
0x74: {  	_ =	shalt  }
0x75: {  	_ =	shalt  }
0x76: {  	_ =	shalt  }
0x77: {  	_ =	shalt  }
0x78: {  	_ =	shalt  }
0x79: {  	_ =	shalt  }
0x7a: {  	_ =	shalt  }
0x7b: {  	_ =	shalt  }
0x7c: {  	_ =	shalt  }
0x7d: {  	_ =	shalt  }
0x7e: {  	_ =	shalt  }
0x7f: {  	_ =	shalt  }
0x80: {  	_ =	shalt  }
0x81: {  	_ =	shalt  }
0x82: {  	_ =	shalt  }
0x83: {  	_ =	shalt  }
0x84: {  	_ =	shalt  }
0x85: {  	_ =	shalt  }
0x86: {  	_ =	shalt  }
0x87: {  	_ =	shalt  }
.Lfunc_end0:
.L_simem_size_0:
called_computation.2_lowered:
.L_overlay_start_0:
0x88: {  	s2 =	sld [smem:$0x3FD9]  }
0x89: {  	s3 =	sld [smem:$0x3FFE];
	_ =	sdelay $0x1  }
0x8a: {  	s1 =	srdreg.scid  }
0x8b: {  	s0 =	sand.u32 $0x1, s1  }
0x8c: {  	s14 =	sshll.u32 s0, $0xA;
	s2 =	sadd.s32 s3, s2  }
0x8d: {  	s2 =	sadd.s32 s2, s14  }
0x8e: {  	[smem:$0x3F9F] =	sst s2  }
0x8f: {  	_ = 	snop  }
0x90: {  	s2 =	sld [smem:$0x3FD0];
	_ =	sdelay $0x2  }
0x91: {  	s15 =	simm.s32 $0xA;
	s4 =	simm.s32 $0x10  }
0x92: {  	[smem:s4], [sflag:s15] =	dma.local [hbm:s2], $0x1  }
0x93: {  	_ =	swait.eq [sflag:s15], $0x1  }
0x94: {  	[sflag:s15] =	ssyncset.done $0x0  }
0x95: {  	[sflag:s15] =	ssyncadd.s32 $0xFFFFFFFF  }
0x96: {  	s16 =	sld [smem:$0x11];
	(tm) =	ssettm $0x1  }
0x97: {  	s17 =	sld [smem:$0x3FFB];
	_ =	sdelay $0x3  }
0x98: {  	_ =	strace s17  }
0x99: {  	s3 =	sld [smem:$0x3FFC];
	_ =	sdelay $0x3  }
0x9a: {  	_ =	strace s3  }
0x9b: {  	s3 =	sld [smem:$0x3FFD];
	_ =	sdelay $0x3  }
0x9c: {  	_ =	strace s3  }
0x9d: {  	_ =	strace $0x8FFFFFFF  }
0x9e: {  	s18 =	sld [smem:$0x3FDB];
	_ =	sdelay $0x1  }
0x9f: {  	s19 =	simm.s32 $_scs_section_size  }
0xa0: {  	s5 =	simm.s32 $_size__tile_overlayer_lowered;
	s6 =	simm.s32 $_tile_overlayer_lowered  }
0xa1: {  	s22 =	simm.s32 $0x1BFF;
	s21 =	sshll.u32 s6, $0x1;
	s3 =	sadd.s32 s19, s18  }
0xa2: {  	s7 =	simm.s32 $0x0;
	s20 =	sshll.u32 s5, $0x1;
	s5 =	sadd.s32 s21, s3  }
0xa3: {  	[timem:s7], [sflag:s22] =	dma.local [hbm:s5], s20  }
0xa4: {  	_ =	swait.ge [sflag:s22], s20  }
0xa5: {  	s4 =	ssub.s32 $0x0, s20;
	[sflag:s22] =	ssyncset.done $0x0  }
0xa6: {  	[sflag:s22] =	ssyncadd.s32 s4;
	_ =	sdelay $0x1  }
0xa7: {  	s23 =	simm.s32 $0x1B8B  }
0xa8: {  	_ =	swait.ge [sflag:s23], $0x1  }
0xa9: {  	[sflag:s23] =	ssyncset.done $0x0  }
0xaa: {  	s25 =	simm.s32 $0x1B8E;
	s24 =	sld [smem:$0x3FFE];
	[sflag:s23] =	ssyncadd.s32 $0xFFFFFFFF  }
0xab: {  	s26 =	simm.s32 $execute0_lowered;
	[smem:$0x3FD2] =	sst s25  }
0xac: {  	s5 =	sshll.u32 s26, $0x1;
	_ =	strace $0x8000004C;
	[dreg:$0x1] =	wrdreg $0xFFFFFFFF  }
0xad: {  	s28 =	simm.s32 $_size_execute0_lowered;
	s3 =	sadd.s32 s3, s5;
	[dreg:$0x0] =	wrdreg $0x0  }
0xae: {  	s5 =	sshll.u32 s28, $0x1;
	[dreg:$0x2] =	wrdreg s3  }
0xaf: {  	[dreg:$0x3] =	wrdreg s5  }
0xb0: {  	[dreg:$0x4] =	wrdreg $0xC0  }
0xb1: {  	_ =	task [dreg:s7], $0x5FFFF  }
0xb2: {  	[dreg:$0x1] =	wrdreg $0xFFFFFFFF  }
0xb3: {  	[dreg:$0x0] =	wrdreg $0x60  }
0xb4: {  	[dreg:$0x2] =	wrdreg s16  }
0xb5: {  	[dreg:$0x3] =	wrdreg s24  }
0xb6: {  	[dreg:$0x4] =	wrdreg $0x9  }
0xb7: {  	_ =	task.clear_ibuf [dreg:s7], $0x5FFFF;
	_ =	strace $0x9000004C  }
0xb8: {  	s29 =	simm.s32 $0x9;
	_ =	strace $0x8000004E  }
0xb9: {  	_ =	swait.ge [sflag:s29], $0x1  }
0xba: {  	[sflag:s29] =	ssyncadd.s32 $0xFFFFFFFF  }
0xbb: {  	_ =	strace $0x9000004E  }
0xbc: {  	_ =	sfence  }
0xbd: {  	s30 =	sld [smem:$0x0];
	_ =	sdelay $0x2  }
0xbe: {  	s31 =	sshll.u32 s1, $0xD;
	s1 =	sshrl.u32 s1, $0x2  }
0xbf: {  	s3 =	sand.u32 $0x4000, s31;
	s1 =	sadd.s32 s1, s30  }
0xc0: {  	s0 =	sor.u32 s3, s0;
	s1 =	sshll.u32 s1, $0x11  }
0xc1: {  	s0 =	sor.u32 s1, s0  }
0xc2: {  	s0 =	sadd.s32 $0x8F2B, s0  }
0xc3: {  	[sflag:s0] =	ssyncadd.remote.s32 $0x1  }
0xc4: {  	_ =	sfence.sel $0xFFFF  }
0xc5: {  	[dreg:$0x0] =	wrdreg $0xFFFFFFFF;
	(pc) =	sbr.abs _section_cstart, $3  }
0xc6: {  	[dreg:$0x1] =	wrdreg $0xFFFFFFFF  }
0xc7: {  	_ =	task.clear_ibuf [dreg:s7], $0x2FFFF;
	_ =	strace $0x9FFFFFFF  }
0xc8: {  	(tm) =	ssettm $0x7FFFFFFF  }
0xc9: {  	_ =	shalt  }
tec
execute0_lowered:
.L_overlay_start_1:
0x0: {  	(tag) =	ssettag $0x1  }
0x1: {  	s2 =	rddreg [dreg:$0x0]  }
0x2: {  	s4 =	rddreg [dreg:$0x1]  }
0x3: {  	s0 =	rddreg [dreg:$0x2]  }
0x4: {  	s5 =	srdreg.scid;
	s1 =	stileid.u32;
	s3 =	simm.s32 $0x0  }
0x5: {  	s14 =	simm.s32 $0x880;
	s15 =	simm.s32 $0x1080;
	s16 =	simm.s32 $0x1880  }
0x6: {  	s17 =	simm.s32 $0x2080;
	s18 =	simm.s32 $0x2880;
	s19 =	simm.s32 $0x3080  }
0x7: {  	s20 =	simm.s32 $0x3880;
	s21 =	simm.s32 $0x4080;
	s22 =	simm.s32 $0x4880  }
0x8: {  	s23 =	simm.s32 $0x5080;
	s24 =	simm.s32 $0x5880;
	s28 =	simm.s32 $0x7080  }
0x9: {  	s29 =	simm.s32 $0x7880;
	s30 =	simm.s32 $0x1;
	s5 =	sand.u32 $0x1, s5  }
0xa: {  	s6 =	sshll.u32 s1, $0x1;
	[smem:$0x7FF] =	sst s3;
	s9 =	sadd.s32 $0x5E00, s4  }
0xb: {  	s10 =	sadd.s32 $0x6200, s4;
	s6 =	sor.u32 s5, s6;
	s25 =	ssub.s32 $0x2, s5  }
0xc: {  	_ =	strace $0x8000004D;
	s8 =	smul.u32 $0xC0, s6;
	s5 =	sshrl.u32 s25, $0x1  }
0xd: {  	s6 =	smul.u32 $0x3000, s6;
	s11 =	ssub.s32 s25, s5;
	s5 =	sadd.s32 $0x100, s2  }
0xe: {  	s25 =	simm.s32 $0x6080;
	s7 =	sshrl.u32 s8, $0x3;
	s12 =	sadd.s32 $0x40, s8  }
0xf: {  	s6 =	sadd.s32 s10, s6;
	s13 =	sadd.s32 $0x80, s8;
	s11 =	smax.u32 s11, $0x1  }
0x10: {  	s4 =	sadd.s32 s9, s7;
	s26 =	sshrl.u32 s12, $0x3;
	s12 =	sshll.u32 s12, $0x6  }
0x11: {  	v2 =	vlaneseq.u32;
	s31 =	sshrl.u32 s13, $0x3;
	s13 =	sshll.u32 s13, $0x6;
	s7 =	sadd.s32 s9, s26  }
0x12: {  	vm0 =	vmmov $0xffff;
	v1 =	vshrl.u32 v2, $0x3;
	s8 =	sadd.s32 s10, s12;
	s9 =	sadd.s32 s9, s31;
	s10 =	sadd.s32 s10, s13  }
0x13: {  	v0 =	vand.u32 $0x7, v2;
	v2 =	vor.u32 $0x8, v2;
	v1 =	vmul.u32 $0x8, v1;
	s12 =	simm.s32 $0x2;
	s13 =	simm.s32 $0x80;
	s26 =	simm.s32 $0x6880  }
.LBB2_1:
0x14: {  	[tilespmem:s3], [sflag:$0x2] =	stream.linear.gather [hbm4b:s4+s3], $0x40, $0x38;
	[tilespmem:$0x8080] =	vst v63  }
0x15: {  	_ =	swait.ge [sflag:s12], $0x40  }
0x16: {  	[sflag:s12] =	ssyncset.done $0x0  }
0x17: {  	[sflag:s12] =	ssyncadd.s32 $0xFFFFFFC0  }
0x18: {  	v3 =	vld [tilespmem:$0x0];
	_ =	sdelay $0x4  }
0x19: {  	v4 =	vshll.u32 v3, $0x2  }
0x1a: {  	v3 =	vand.u32 $0x7, v3;
	v4 =	vand.u32 $0xFFFFFFE0, v4  }
0x1b: {  	v3 =	vor.u32 v3, v4  }
0x1c: {  	v4 =	vperm.xlane v3, v0;
	_ =	sdelay $0x1  }
0x1d: {  	v4 =	vadd.s32 v1, v4;
	_ =	sdelay $0x1  }
0x1e: {  	v3 =	vperm.xlane v3, v2;
	_ =	sdelay $0x1  }
0x1f: {  	v3 =	vadd.s32 v1, v3  }
0x20: {  	[tilespmem:s13], [sflag:$0x1] =	stream.indirect_vreg.gather [hbm4b:s2+s3], $0x80, v4, vm0, $0xb8;
	[tilespmem:$0x8080] =	vst v63  }
0x21: {  	_ = 	snop  }
0x22: {  	[tilespmem:s14], [sflag:$0x1] =	stream.indirect_vreg.gather [hbm4b:s5+s3], $0x80, v4, vm0, $0xb8;
	[tilespmem:$0x8080] =	vst v63  }
0x23: {  	_ = 	snop  }
0x24: {  	[tilespmem:s15], [sflag:$0x1] =	stream.indirect_vreg.gather [hbm4b:s2+s3], $0x80, v3, vm0, $0xb8;
	[tilespmem:$0x8080] =	vst v63  }
0x25: {  	_ = 	snop  }
0x26: {  	[tilespmem:s16], [sflag:$0x1] =	stream.indirect_vreg.gather [hbm4b:s5+s3], $0x80, v3, vm0, $0xb8;
	[tilespmem:$0x8080] =	vst v63  }
0x27: {  	v3 =	vld [tilespmem:$0x10];
	_ =	sdelay $0x4  }
0x28: {  	v53 =	vshll.u32 v3, $0x2  }
0x29: {  	v3 =	vand.u32 $0x7, v3;
	v4 =	vand.u32 $0xFFFFFFE0, v53  }
0x2a: {  	v3 =	vor.u32 v3, v4  }
0x2b: {  	v4 =	vperm.xlane v3, v0;
	_ =	sdelay $0x1  }
0x2c: {  	v4 =	vadd.s32 v1, v4;
	_ =	sdelay $0x1  }
0x2d: {  	v3 =	vperm.xlane v3, v2;
	_ =	sdelay $0x1  }
0x2e: {  	v3 =	vadd.s32 v1, v3  }
0x2f: {  	[tilespmem:s17], [sflag:$0x1] =	stream.indirect_vreg.gather [hbm4b:s2+s3], $0x80, v4, vm0, $0xb8;
	[tilespmem:$0x8080] =	vst v63  }
0x30: {  	_ = 	snop  }
0x31: {  	[tilespmem:s18], [sflag:$0x1] =	stream.indirect_vreg.gather [hbm4b:s5+s3], $0x80, v4, vm0, $0xb8;
	[tilespmem:$0x8080] =	vst v63  }
0x32: {  	_ = 	snop  }
0x33: {  	[tilespmem:s19], [sflag:$0x1] =	stream.indirect_vreg.gather [hbm4b:s2+s3], $0x80, v3, vm0, $0xb8;
	[tilespmem:$0x8080] =	vst v63  }
0x34: {  	_ = 	snop  }
0x35: {  	[tilespmem:s20], [sflag:$0x1] =	stream.indirect_vreg.gather [hbm4b:s5+s3], $0x80, v3, vm0, $0xb8;
	[tilespmem:$0x8080] =	vst v63  }
0x36: {  	v3 =	vld [tilespmem:$0x20];
	_ =	sdelay $0x4  }
0x37: {  	v54 =	vshll.u32 v3, $0x2  }
0x38: {  	v3 =	vand.u32 $0x7, v3;
	v4 =	vand.u32 $0xFFFFFFE0, v54  }
0x39: {  	v3 =	vor.u32 v3, v4  }
0x3a: {  	v4 =	vperm.xlane v3, v0;
	_ =	sdelay $0x1  }
0x3b: {  	v4 =	vadd.s32 v1, v4;
	_ =	sdelay $0x1  }
0x3c: {  	v3 =	vperm.xlane v3, v2;
	_ =	sdelay $0x1  }
0x3d: {  	v3 =	vadd.s32 v1, v3  }
0x3e: {  	[tilespmem:s21], [sflag:$0x1] =	stream.indirect_vreg.gather [hbm4b:s2+s3], $0x80, v4, vm0, $0xb8;
	[tilespmem:$0x8080] =	vst v63  }
0x3f: {  	_ = 	snop  }
0x40: {  	[tilespmem:s22], [sflag:$0x1] =	stream.indirect_vreg.gather [hbm4b:s5+s3], $0x80, v4, vm0, $0xb8;
	[tilespmem:$0x8080] =	vst v63  }
0x41: {  	_ = 	snop  }
0x42: {  	[tilespmem:s23], [sflag:$0x1] =	stream.indirect_vreg.gather [hbm4b:s2+s3], $0x80, v3, vm0, $0xb8;
	[tilespmem:$0x8080] =	vst v63  }
0x43: {  	_ = 	snop  }
0x44: {  	[tilespmem:s24], [sflag:$0x1] =	stream.indirect_vreg.gather [hbm4b:s5+s3], $0x80, v3, vm0, $0xb8;
	[tilespmem:$0x8080] =	vst v63  }
0x45: {  	v3 =	vld [tilespmem:$0x30];
	_ =	sdelay $0x4  }
0x46: {  	v55 =	vshll.u32 v3, $0x2  }
0x47: {  	v3 =	vand.u32 $0x7, v3;
	v4 =	vand.u32 $0xFFFFFFE0, v55  }
0x48: {  	v3 =	vor.u32 v3, v4  }
0x49: {  	v4 =	vperm.xlane v3, v0;
	_ =	sdelay $0x1  }
0x4a: {  	v4 =	vadd.s32 v1, v4;
	_ =	sdelay $0x1  }
0x4b: {  	v3 =	vperm.xlane v3, v2;
	_ =	sdelay $0x1  }
0x4c: {  	v3 =	vadd.s32 v1, v3  }
0x4d: {  	[tilespmem:s25], [sflag:$0x1] =	stream.indirect_vreg.gather [hbm4b:s2+s3], $0x80, v4, vm0, $0xb8;
	[tilespmem:$0x8080] =	vst v63  }
0x4e: {  	_ = 	snop  }
0x4f: {  	[tilespmem:s26], [sflag:$0x1] =	stream.indirect_vreg.gather [hbm4b:s5+s3], $0x80, v4, vm0, $0xb8;
	[tilespmem:$0x8080] =	vst v63  }
0x50: {  	_ = 	snop  }
0x51: {  	[tilespmem:s28], [sflag:$0x1] =	stream.indirect_vreg.gather [hbm4b:s2+s3], $0x80, v3, vm0, $0xb8;
	[tilespmem:$0x8080] =	vst v63  }
0x52: {  	_ = 	snop  }
0x53: {  	[tilespmem:s29], [sflag:$0x1] =	stream.indirect_vreg.gather [hbm4b:s5+s3], $0x80, v3, vm0, $0xb8;
	[tilespmem:$0x8080] =	vst v63  }
0x54: {  	_ =	swait.ge [sflag:s30], $0x8000  }
0x55: {  	[sflag:s30] =	ssyncset.done $0x0  }
0x56: {  	[sflag:s30] =	ssyncadd.s32 $0xFFFF8000  }
0x57: {  	[hbm4b:s6+s3] =	stream.linear.scatter [tilespmem:s13], [sflag:$0x2], $0x8000, $0x38;
	[tilespmem:$0x8080] =	vst v63  }
0x58: {  	_ =	swait.ge [sflag:s12], $0x8000  }
0x59: {  	[sflag:s12] =	ssyncset.done $0x0  }
0x5a: {  	[sflag:s12] =	ssyncadd.s32 $0xFFFF8000  }
0x5b: {  	[tilespmem:s3], [sflag:$0x2] =	stream.linear.gather [hbm4b:s7+s3], $0x40, $0x38;
	[tilespmem:$0x8080] =	vst v63  }
0x5c: {  	_ =	swait.ge [sflag:s12], $0x40  }
0x5d: {  	[sflag:s12] =	ssyncset.done $0x0  }
0x5e: {  	[sflag:s12] =	ssyncadd.s32 $0xFFFFFFC0  }
0x5f: {  	v3 =	vld [tilespmem:$0x0];
	_ =	sdelay $0x4  }
0x60: {  	v56 =	vshll.u32 v3, $0x2  }
0x61: {  	v3 =	vand.u32 $0x7, v3;
	v4 =	vand.u32 $0xFFFFFFE0, v56  }
0x62: {  	v3 =	vor.u32 v3, v4  }
0x63: {  	v4 =	vperm.xlane v3, v0;
	_ =	sdelay $0x1  }
0x64: {  	v4 =	vadd.s32 v1, v4;
	_ =	sdelay $0x1  }
0x65: {  	v3 =	vperm.xlane v3, v2;
	_ =	sdelay $0x1  }
0x66: {  	v3 =	vadd.s32 v1, v3  }
0x67: {  	[tilespmem:s13], [sflag:$0x1] =	stream.indirect_vreg.gather [hbm4b:s2+s3], $0x80, v4, vm0, $0xb8;
	[tilespmem:$0x8080] =	vst v63  }
0x68: {  	_ = 	snop  }
0x69: {  	[tilespmem:s14], [sflag:$0x1] =	stream.indirect_vreg.gather [hbm4b:s5+s3], $0x80, v4, vm0, $0xb8;
	[tilespmem:$0x8080] =	vst v63  }
0x6a: {  	_ = 	snop  }
0x6b: {  	[tilespmem:s15], [sflag:$0x1] =	stream.indirect_vreg.gather [hbm4b:s2+s3], $0x80, v3, vm0, $0xb8;
	[tilespmem:$0x8080] =	vst v63  }
0x6c: {  	_ = 	snop  }
0x6d: {  	[tilespmem:s16], [sflag:$0x1] =	stream.indirect_vreg.gather [hbm4b:s5+s3], $0x80, v3, vm0, $0xb8;
	[tilespmem:$0x8080] =	vst v63  }
0x6e: {  	v3 =	vld [tilespmem:$0x10];
	_ =	sdelay $0x4  }
0x6f: {  	v57 =	vshll.u32 v3, $0x2  }
0x70: {  	v3 =	vand.u32 $0x7, v3;
	v4 =	vand.u32 $0xFFFFFFE0, v57  }
0x71: {  	v3 =	vor.u32 v3, v4  }
0x72: {  	v4 =	vperm.xlane v3, v0;
	_ =	sdelay $0x1  }
0x73: {  	v4 =	vadd.s32 v1, v4;
	_ =	sdelay $0x1  }
0x74: {  	v3 =	vperm.xlane v3, v2;
	_ =	sdelay $0x1  }
0x75: {  	v3 =	vadd.s32 v1, v3  }
0x76: {  	[tilespmem:s17], [sflag:$0x1] =	stream.indirect_vreg.gather [hbm4b:s2+s3], $0x80, v4, vm0, $0xb8;
	[tilespmem:$0x8080] =	vst v63  }
0x77: {  	_ = 	snop  }
0x78: {  	[tilespmem:s18], [sflag:$0x1] =	stream.indirect_vreg.gather [hbm4b:s5+s3], $0x80, v4, vm0, $0xb8;
	[tilespmem:$0x8080] =	vst v63  }
0x79: {  	_ = 	snop  }
0x7a: {  	[tilespmem:s19], [sflag:$0x1] =	stream.indirect_vreg.gather [hbm4b:s2+s3], $0x80, v3, vm0, $0xb8;
	[tilespmem:$0x8080] =	vst v63  }
0x7b: {  	_ = 	snop  }
0x7c: {  	[tilespmem:s20], [sflag:$0x1] =	stream.indirect_vreg.gather [hbm4b:s5+s3], $0x80, v3, vm0, $0xb8;
	[tilespmem:$0x8080] =	vst v63  }
0x7d: {  	v3 =	vld [tilespmem:$0x20];
	_ =	sdelay $0x4  }
0x7e: {  	v58 =	vshll.u32 v3, $0x2  }
0x7f: {  	v3 =	vand.u32 $0x7, v3;
	v4 =	vand.u32 $0xFFFFFFE0, v58  }
0x80: {  	v3 =	vor.u32 v3, v4  }
0x81: {  	v4 =	vperm.xlane v3, v0;
	_ =	sdelay $0x1  }
0x82: {  	v4 =	vadd.s32 v1, v4;
	_ =	sdelay $0x1  }
0x83: {  	v3 =	vperm.xlane v3, v2;
	_ =	sdelay $0x1  }
0x84: {  	v3 =	vadd.s32 v1, v3  }
0x85: {  	[tilespmem:s21], [sflag:$0x1] =	stream.indirect_vreg.gather [hbm4b:s2+s3], $0x80, v4, vm0, $0xb8;
	[tilespmem:$0x8080] =	vst v63  }
0x86: {  	_ = 	snop  }
0x87: {  	[tilespmem:s22], [sflag:$0x1] =	stream.indirect_vreg.gather [hbm4b:s5+s3], $0x80, v4, vm0, $0xb8;
	[tilespmem:$0x8080] =	vst v63  }
0x88: {  	_ = 	snop  }
0x89: {  	[tilespmem:s23], [sflag:$0x1] =	stream.indirect_vreg.gather [hbm4b:s2+s3], $0x80, v3, vm0, $0xb8;
	[tilespmem:$0x8080] =	vst v63  }
0x8a: {  	_ = 	snop  }
0x8b: {  	[tilespmem:s24], [sflag:$0x1] =	stream.indirect_vreg.gather [hbm4b:s5+s3], $0x80, v3, vm0, $0xb8;
	[tilespmem:$0x8080] =	vst v63  }
0x8c: {  	v3 =	vld [tilespmem:$0x30];
	_ =	sdelay $0x4  }
0x8d: {  	v59 =	vshll.u32 v3, $0x2  }
0x8e: {  	v3 =	vand.u32 $0x7, v3;
	v4 =	vand.u32 $0xFFFFFFE0, v59  }
0x8f: {  	v3 =	vor.u32 v3, v4  }
0x90: {  	v4 =	vperm.xlane v3, v0;
	_ =	sdelay $0x1  }
0x91: {  	v4 =	vadd.s32 v1, v4;
	_ =	sdelay $0x1  }
0x92: {  	v3 =	vperm.xlane v3, v2;
	_ =	sdelay $0x1  }
0x93: {  	v3 =	vadd.s32 v1, v3  }
0x94: {  	[tilespmem:s25], [sflag:$0x1] =	stream.indirect_vreg.gather [hbm4b:s2+s3], $0x80, v4, vm0, $0xb8;
	[tilespmem:$0x8080] =	vst v63  }
0x95: {  	_ = 	snop  }
0x96: {  	[tilespmem:s26], [sflag:$0x1] =	stream.indirect_vreg.gather [hbm4b:s5+s3], $0x80, v4, vm0, $0xb8;
	[tilespmem:$0x8080] =	vst v63  }
0x97: {  	_ = 	snop  }
0x98: {  	[tilespmem:s28], [sflag:$0x1] =	stream.indirect_vreg.gather [hbm4b:s2+s3], $0x80, v3, vm0, $0xb8;
	[tilespmem:$0x8080] =	vst v63  }
0x99: {  	_ = 	snop  }
0x9a: {  	[tilespmem:s29], [sflag:$0x1] =	stream.indirect_vreg.gather [hbm4b:s5+s3], $0x80, v3, vm0, $0xb8;
	[tilespmem:$0x8080] =	vst v63  }
0x9b: {  	_ =	swait.ge [sflag:s30], $0x8000  }
0x9c: {  	[sflag:s30] =	ssyncset.done $0x0  }
0x9d: {  	[sflag:s30] =	ssyncadd.s32 $0xFFFF8000  }
0x9e: {  	[hbm4b:s8+s3] =	stream.linear.scatter [tilespmem:s13], [sflag:$0x2], $0x8000, $0x38;
	[tilespmem:$0x8080] =	vst v63  }
0x9f: {  	_ =	swait.ge [sflag:s12], $0x8000  }
0xa0: {  	[sflag:s12] =	ssyncset.done $0x0  }
0xa1: {  	[sflag:s12] =	ssyncadd.s32 $0xFFFF8000  }
0xa2: {  	[tilespmem:s3], [sflag:$0x2] =	stream.linear.gather [hbm4b:s9+s3], $0x40, $0x38;
	[tilespmem:$0x8080] =	vst v63  }
0xa3: {  	_ =	swait.ge [sflag:s12], $0x40  }
0xa4: {  	[sflag:s12] =	ssyncset.done $0x0  }
0xa5: {  	[sflag:s12] =	ssyncadd.s32 $0xFFFFFFC0  }
0xa6: {  	v3 =	vld [tilespmem:$0x0];
	_ =	sdelay $0x4  }
0xa7: {  	v60 =	vshll.u32 v3, $0x2  }
0xa8: {  	v3 =	vand.u32 $0x7, v3;
	v4 =	vand.u32 $0xFFFFFFE0, v60  }
0xa9: {  	v3 =	vor.u32 v3, v4  }
0xaa: {  	v4 =	vperm.xlane v3, v0;
	_ =	sdelay $0x1  }
0xab: {  	v4 =	vadd.s32 v1, v4;
	_ =	sdelay $0x1  }
0xac: {  	v3 =	vperm.xlane v3, v2;
	_ =	sdelay $0x1  }
0xad: {  	v3 =	vadd.s32 v1, v3  }
0xae: {  	[tilespmem:s13], [sflag:$0x1] =	stream.indirect_vreg.gather [hbm4b:s2+s3], $0x80, v4, vm0, $0xb8;
	[tilespmem:$0x8080] =	vst v63  }
0xaf: {  	_ = 	snop  }
0xb0: {  	[tilespmem:s14], [sflag:$0x1] =	stream.indirect_vreg.gather [hbm4b:s5+s3], $0x80, v4, vm0, $0xb8;
	[tilespmem:$0x8080] =	vst v63  }
0xb1: {  	_ = 	snop  }
0xb2: {  	[tilespmem:s15], [sflag:$0x1] =	stream.indirect_vreg.gather [hbm4b:s2+s3], $0x80, v3, vm0, $0xb8;
	[tilespmem:$0x8080] =	vst v63  }
0xb3: {  	_ = 	snop  }
0xb4: {  	[tilespmem:s16], [sflag:$0x1] =	stream.indirect_vreg.gather [hbm4b:s5+s3], $0x80, v3, vm0, $0xb8;
	[tilespmem:$0x8080] =	vst v63  }
0xb5: {  	v3 =	vld [tilespmem:$0x10];
	_ =	sdelay $0x4  }
0xb6: {  	v61 =	vshll.u32 v3, $0x2  }
0xb7: {  	v3 =	vand.u32 $0x7, v3;
	v4 =	vand.u32 $0xFFFFFFE0, v61  }
0xb8: {  	v3 =	vor.u32 v3, v4  }
0xb9: {  	v4 =	vperm.xlane v3, v0;
	_ =	sdelay $0x1  }
0xba: {  	v4 =	vadd.s32 v1, v4;
	_ =	sdelay $0x1  }
0xbb: {  	v3 =	vperm.xlane v3, v2;
	_ =	sdelay $0x1  }
0xbc: {  	v3 =	vadd.s32 v1, v3  }
0xbd: {  	[tilespmem:s17], [sflag:$0x1] =	stream.indirect_vreg.gather [hbm4b:s2+s3], $0x80, v4, vm0, $0xb8;
	[tilespmem:$0x8080] =	vst v63  }
0xbe: {  	_ = 	snop  }
0xbf: {  	[tilespmem:s18], [sflag:$0x1] =	stream.indirect_vreg.gather [hbm4b:s5+s3], $0x80, v4, vm0, $0xb8;
	[tilespmem:$0x8080] =	vst v63  }
0xc0: {  	_ = 	snop  }
0xc1: {  	[tilespmem:s19], [sflag:$0x1] =	stream.indirect_vreg.gather [hbm4b:s2+s3], $0x80, v3, vm0, $0xb8;
	[tilespmem:$0x8080] =	vst v63  }
0xc2: {  	_ = 	snop  }
0xc3: {  	[tilespmem:s20], [sflag:$0x1] =	stream.indirect_vreg.gather [hbm4b:s5+s3], $0x80, v3, vm0, $0xb8;
	[tilespmem:$0x8080] =	vst v63  }
0xc4: {  	v3 =	vld [tilespmem:$0x20];
	_ =	sdelay $0x4  }
0xc5: {  	v62 =	vshll.u32 v3, $0x2  }
0xc6: {  	v3 =	vand.u32 $0x7, v3;
	v4 =	vand.u32 $0xFFFFFFE0, v62  }
0xc7: {  	v3 =	vor.u32 v3, v4  }
0xc8: {  	v4 =	vperm.xlane v3, v0;
	_ =	sdelay $0x1  }
0xc9: {  	v4 =	vadd.s32 v1, v4;
	_ =	sdelay $0x1  }
0xca: {  	v3 =	vperm.xlane v3, v2;
	_ =	sdelay $0x1  }
0xcb: {  	v3 =	vadd.s32 v1, v3  }
0xcc: {  	[tilespmem:s21], [sflag:$0x1] =	stream.indirect_vreg.gather [hbm4b:s2+s3], $0x80, v4, vm0, $0xb8;
	[tilespmem:$0x8080] =	vst v63  }
0xcd: {  	_ = 	snop  }
0xce: {  	[tilespmem:s22], [sflag:$0x1] =	stream.indirect_vreg.gather [hbm4b:s5+s3], $0x80, v4, vm0, $0xb8;
	[tilespmem:$0x8080] =	vst v63  }
0xcf: {  	_ = 	snop  }
0xd0: {  	[tilespmem:s23], [sflag:$0x1] =	stream.indirect_vreg.gather [hbm4b:s2+s3], $0x80, v3, vm0, $0xb8;
	[tilespmem:$0x8080] =	vst v63  }
0xd1: {  	_ = 	snop  }
0xd2: {  	[tilespmem:s24], [sflag:$0x1] =	stream.indirect_vreg.gather [hbm4b:s5+s3], $0x80, v3, vm0, $0xb8;
	[tilespmem:$0x8080] =	vst v63  }
0xd3: {  	v3 =	vld [tilespmem:$0x30];
	_ =	sdelay $0x4  }
0xd4: {  	v63 =	vshll.u32 v3, $0x2  }
0xd5: {  	v3 =	vand.u32 $0x7, v3;
	v4 =	vand.u32 $0xFFFFFFE0, v63  }
0xd6: {  	v3 =	vor.u32 v3, v4  }
0xd7: {  	v4 =	vperm.xlane v3, v0;
	_ =	sdelay $0x1  }
0xd8: {  	v4 =	vadd.s32 v1, v4;
	_ =	sdelay $0x1  }
0xd9: {  	v3 =	vperm.xlane v3, v2;
	_ =	sdelay $0x1  }
0xda: {  	v3 =	vadd.s32 v1, v3  }
0xdb: {  	[tilespmem:s25], [sflag:$0x1] =	stream.indirect_vreg.gather [hbm4b:s2+s3], $0x80, v4, vm0, $0xb8;
	[tilespmem:$0x8080] =	vst v63  }
0xdc: {  	_ = 	snop  }
0xdd: {  	[tilespmem:s26], [sflag:$0x1] =	stream.indirect_vreg.gather [hbm4b:s5+s3], $0x80, v4, vm0, $0xb8;
	[tilespmem:$0x8080] =	vst v63  }
0xde: {  	_ = 	snop  }
0xdf: {  	[tilespmem:s28], [sflag:$0x1] =	stream.indirect_vreg.gather [hbm4b:s2+s3], $0x80, v3, vm0, $0xb8;
	[tilespmem:$0x8080] =	vst v63  }
0xe0: {  	_ = 	snop  }
0xe1: {  	[tilespmem:s29], [sflag:$0x1] =	stream.indirect_vreg.gather [hbm4b:s5+s3], $0x80, v3, vm0, $0xb8;
	[tilespmem:$0x8080] =	vst v63  }
0xe2: {  	_ =	swait.ge [sflag:s30], $0x8000  }
0xe3: {  	p0 =	sne.s32 s11, $0x1;
	[sflag:s30] =	ssyncset.done $0x0  }
.Ltmp0:
0xe4: {  	[sflag:s30] =	ssyncadd.s32 $0xFFFF8000;
	(pc) =	sbr.rel @p0 .LBB2_1-.Ltmp0, $4  }
0xe5: {  	[hbm4b:s10+s3] =	stream.linear.scatter [tilespmem:s13], [sflag:$0x2], $0x8000, $0x38;
	[tilespmem:$0x8080] =	vst v63  }
0xe6: {  	_ =	swait.ge [sflag:s12], $0x8000  }
0xe7: {  	[sflag:s12] =	ssyncset.done $0x0  }
0xe8: {  	s11 =	sadd.s32 $0xFFFFFFFF, s11;
	[sflag:s12] =	ssyncadd.s32 $0xFFFF8000  }
0xe9: {  	_ =	sfence.sel $0x180000  }
0xea: {  	[bflag:$0x0] =	sbarrier.arrive $0xFFFF  }
0xeb: {  	p0 =	sne.s32 s1, $0x0;
	_ =	strace $0x9000004D  }
0xec: {  	s0 =	sadd.s32 @!p0 $0x100000, s0;
	[bflag:$0x2] =	sbarrier.arrive $0xFFFF  }
0xed: {  	[sflag:s0] =	ssyncadd.tile.s32 @!p0 $0x1;
	_ =	shalt  }
.Lfunc_end2:
_tile_overlayer_lowered:
.L_overlay_start_2:
0xee: {  	(tag) =	ssettag $0x2  }
0xef: {  	s0 =	rddreg [dreg:$0x0];
	s2 =	stileid.u32  }
0xf0: {  	s1 =	rddreg [dreg:$0x1];
	p0 =	sne.s32 s2, $0x0  }
0xf1: {  	s3 =	rddreg [dreg:$0x2];
	[bflag:$0x3] =	sbarrier.arrive $0xFFFF;
	s2 =	simm.s32 @!p0 $0x1C02  }
0xf2: {  	[timem:s3], [sflag:s2] =	dma.local @!p0 [hbm:s0], s1  }
0xf3: {  	s0 =	simm.s32 @!p0 $0x2  }
0xf4: {  	_ =	swait.ge @!p0 [sflag:s0], s1  }
0xf5: {  	s1 =	ssub.s32 @!p0 $0x0, s1;
	[sflag:s0] =	ssyncset.done @!p0 $0x0  }
0xf6: {  	[sflag:s0] =	ssyncadd.s32 @!p0 s1  }
0xf7: {  	[bflag:$0x3] =	sbarrier.arrive $0xFFFF  }
0xf8: {  	_ =	shalt  }

// kernel: kernel.20.cloned.1.call-start
scs
__scs_entry_jumppad:
0x0: {  	(pc) =	sbr.rel $0x88, $3  }
0x1: {  	(tag) =	ssettag $0x0;
	lr =	simm.s32 $0x1  }
0x2: {  	[smem:$0x3F78] =	sst lr;
	_ =	strace $0xD0000000  }
0x3: {  	_ = 	snop  }
0x4: {  	_ = 	snop  }
0x5: {  	_ = 	snop  }
0x6: {  	_ = 	snop  }
0x7: {  	_ = 	snop  }
__scs_overlays_trampoline_lowered:
0x8: {  	[smem:$0x3F87] =	sst s0  }
0x9: {  	[smem:$0x3F88] =	sst s1  }
0xa: {  	[smem:$0x3F89] =	sst s2  }
0xb: {  	[smem:$0x3F8A] =	sst s3  }
0xc: {  	[smem:$0x3F8B] =	sst s4  }
0xd: {  	[smem:$0x3F8C] =	sst s5  }
0xe: {  	[smem:$0x3F8D] =	sst s6  }
0xf: {  	[smem:$0x3F8E] =	sst s7  }
0x10: {  	[smem:$0x3F8F] =	sst s8  }
0x11: {  	[smem:$0x3F90] =	sst s9;
	s0 =	simm.s32 @!p0 $0x0  }
0x12: {  	s1 =	sld [smem:$0x3F76];
	s0 =	simm.s32 @p0 $0x1  }
0x13: {  	[smem:$0x3F91] =	sst s0;
	s0 =	simm.s32 @!p1 $0x0  }
0x14: {  	s2 =	sld [smem:$0x3F75];
	s0 =	simm.s32 @p1 $0x1  }
0x15: {  	[smem:$0x3F92] =	sst s0;
	s0 =	simm.s32 @!p2 $0x0  }
0x16: {  	s3 =	sld [smem:$0x3FDB];
	s0 =	simm.s32 @p2 $0x1  }
0x17: {  	s4 =	simm.s32 $0x1BF5;
	[smem:$0x3F94] =	sst s0  }
0x18: {  	s0 =	sld [smem:$0x3F77];
	_ =	swait.ge [sflag:s4], $0x0  }
0x19: {  	s7 =	sld [smem:$0x3F78]  }
0x1a: {  	s8 =	sadd.s32 $0xFFFFE003, lr  }
0x1b: {  	s9 =	sadd.s32 $0xFFFFFEF7, lr;
	s5 =	simm.s32 $0xFFFFFFFF;
	p2 =	slt.u32 s8, $0xFFFFF086  }
0x1c: {  	p1 =	slt.u32 s9, $0xF7A;
	s5 =	simm.s32 @!p2 $0x0  }
0x1d: {  	s5 =	simm.s32 @p1 $0x1;
	p0 =	seq.s32 s7, s2  }
0x1e: {  	s7 =	smul.u32 @!p0 $0xF7A, s2;
	p2 =	seq.s32 @!p0 s5, $0x0  }
0x1f: {  	s9 =	smul.u32 $0xF7A, s1;
	s8 =	simm.s32 @!p0 $0x1BF5;
	p2 =	por !p2, p0  }
0x20: {  	[sflag:s8] =	ssyncset.s32 @!p0 $0xFFFFF086;
	s6 =	sadd.s32 @!p0 s3, s7;
	s7 =	simm.s32 @!p0 $0x108  }
0x21: {  	s3 =	sadd.s32 s3, s9;
	s6 =	sadd.s32 @!p0 $0x88, s6;
	s7 =	simm.s32 @p2 $0x1082  }
0x22: {  	[simem:s7], [sflag:s8] =	dma.local @!p0 [hbm:s6], $0xF7A  }
0x23: {  	s9 =	sor.u32 $0xD0000000, s2;
	s6 =	simm.s32 $0x108;
	_ =	swait.ge @!p0 [sflag:s8], $0x0  }
0x24: {  	s3 =	sadd.s32 $0x88, s3;
	s6 =	simm.s32 @!p1 $0x1082;
	[sflag:s4] =	ssyncset.s32 $0xFFFFF086  }
0x25: {  	[simem:s6], [sflag:s4] =	dma.local [hbm:s3], $0xF7A  }
0x26: {  	[smem:$0x3F78] =	sst s1;
	(tag) =	ssettag s2;
	_ =	strace s9  }
0x27: {  	s1 =	sld [smem:$0x3F88]  }
0x28: {  	s2 =	sld [smem:$0x3F89]  }
0x29: {  	s4 =	sld [smem:$0x3F8B]  }
0x2a: {  	p0 =	seq.s32 s5, $0x0;
	s5 =	sld [smem:$0x3F8C]  }
0x2b: {  	s6 =	sld [smem:$0x3F8D]  }
0x2c: {  	s7 =	sld [smem:$0x3F8E]  }
0x2d: {  	s3 =	simm.s32 $0x108;
	s8 =	sld [smem:$0x3F8F]  }
0x2e: {  	s3 =	simm.s32 @!p0 $0x1082;
	s9 =	sld [smem:$0x3F90]  }
0x2f: {  	lr =	sadd.s32 s0, s3;
	s0 =	sld [smem:$0x3F87]  }
0x30: {  	s3 =	sld [smem:$0x3F8A]  }
0x31: {  	[smem:$0x3F93] =	sst s10  }
0x32: {  	s10 =	sld [smem:$0x3F91];
	_ =	sdelay $0x3  }
0x33: {  	p0 =	seq.s32 s10, $0x1;
	s10 =	sld [smem:$0x3F93];
	_ =	sdelay $0x3  }
0x34: {  	[smem:$0x3F93] =	sst s10  }
0x35: {  	s10 =	sld [smem:$0x3F92];
	_ =	sdelay $0x3  }
0x36: {  	p1 =	seq.s32 s10, $0x1;
	s10 =	sld [smem:$0x3F93];
	_ =	sdelay $0x3  }
0x37: {  	[smem:$0x3F93] =	sst s10  }
0x38: {  	s10 =	sld [smem:$0x3F94]  }
0x39: {  	_ = 	snop;
	(pc) =	sbr.ind lr, $3  }
0x3a: {  	_ = 	snop  }
0x3b: {  	_ = 	snop  }
0x3c: {  	p2 =	seq.s32 s10, $0x1;
	s10 =	sld [smem:$0x3F93]  }
0x3d: {  	_ =	shalt  }
0x3e: {  	_ =	shalt  }
0x3f: {  	_ =	shalt  }
0x40: {  	_ =	shalt  }
0x41: {  	_ =	shalt  }
0x42: {  	_ =	shalt  }
0x43: {  	_ =	shalt  }
0x44: {  	_ =	shalt  }
0x45: {  	_ =	shalt  }
0x46: {  	_ =	shalt  }
0x47: {  	_ =	shalt  }
0x48: {  	_ =	shalt  }
0x49: {  	_ =	shalt  }
0x4a: {  	_ =	shalt  }
0x4b: {  	_ =	shalt  }
0x4c: {  	_ =	shalt  }
0x4d: {  	_ =	shalt  }
0x4e: {  	_ =	shalt  }
0x4f: {  	_ =	shalt  }
0x50: {  	_ =	shalt  }
0x51: {  	_ =	shalt  }
0x52: {  	_ =	shalt  }
0x53: {  	_ =	shalt  }
0x54: {  	_ =	shalt  }
0x55: {  	_ =	shalt  }
0x56: {  	_ =	shalt  }
0x57: {  	_ =	shalt  }
0x58: {  	_ =	shalt  }
0x59: {  	_ =	shalt  }
0x5a: {  	_ =	shalt  }
0x5b: {  	_ =	shalt  }
0x5c: {  	_ =	shalt  }
0x5d: {  	_ =	shalt  }
0x5e: {  	_ =	shalt  }
0x5f: {  	_ =	shalt  }
0x60: {  	_ =	shalt  }
0x61: {  	_ =	shalt  }
0x62: {  	_ =	shalt  }
0x63: {  	_ =	shalt  }
0x64: {  	_ =	shalt  }
0x65: {  	_ =	shalt  }
0x66: {  	_ =	shalt  }
0x67: {  	_ =	shalt  }
0x68: {  	_ =	shalt  }
0x69: {  	_ =	shalt  }
0x6a: {  	_ =	shalt  }
0x6b: {  	_ =	shalt  }
0x6c: {  	_ =	shalt  }
0x6d: {  	_ =	shalt  }
0x6e: {  	_ =	shalt  }
0x6f: {  	_ =	shalt  }
0x70: {  	_ =	shalt  }
0x71: {  	_ =	shalt  }
0x72: {  	_ =	shalt  }
0x73: {  	_ =	shalt  }
0x74: {  	_ =	shalt  }
0x75: {  	_ =	shalt  }
0x76: {  	_ =	shalt  }
0x77: {  	_ =	shalt  }
0x78: {  	_ =	shalt  }
0x79: {  	_ =	shalt  }
0x7a: {  	_ =	shalt  }
0x7b: {  	_ =	shalt  }
0x7c: {  	_ =	shalt  }
0x7d: {  	_ =	shalt  }
0x7e: {  	_ =	shalt  }
0x7f: {  	_ =	shalt  }
0x80: {  	_ =	shalt  }
0x81: {  	_ =	shalt  }
0x82: {  	_ =	shalt  }
0x83: {  	_ =	shalt  }
0x84: {  	_ =	shalt  }
0x85: {  	_ =	shalt  }
0x86: {  	_ =	shalt  }
0x87: {  	_ =	shalt  }
.Lfunc_end0:
.L_simem_size_0:
called_computation.3_lowered:
.L_overlay_start_0:
0x88: {  	s2 =	sld [smem:$0x3FD9]  }
0x89: {  	s3 =	sld [smem:$0x3FFE];
	_ =	sdelay $0x1  }
0x8a: {  	s1 =	srdreg.scid  }
0x8b: {  	s0 =	sand.u32 $0x1, s1  }
0x8c: {  	s14 =	sshll.u32 s0, $0xA;
	s2 =	sadd.s32 s3, s2  }
0x8d: {  	s2 =	sadd.s32 s2, s14  }
0x8e: {  	[smem:$0x3F9F] =	sst s2  }
0x8f: {  	_ = 	snop  }
0x90: {  	s2 =	sld [smem:$0x3FD0];
	_ =	sdelay $0x2  }
0x91: {  	s15 =	simm.s32 $0xA;
	s4 =	simm.s32 $0x10  }
0x92: {  	[smem:s4], [sflag:s15] =	dma.local [hbm:s2], $0x1  }
0x93: {  	_ =	swait.eq [sflag:s15], $0x1  }
0x94: {  	s16 =	sld [smem:$0x11];
	[sflag:s15] =	ssyncset.done $0x0  }
0x95: {  	s17 =	sld [smem:$0x12];
	[sflag:s15] =	ssyncadd.s32 $0xFFFFFFFF  }
0x96: {  	s18 =	sld [smem:$0x13];
	(tm) =	ssettm $0x1  }
0x97: {  	s5 =	sld [smem:$0x3FFB];
	_ =	sdelay $0x3  }
0x98: {  	_ =	strace s5  }
0x99: {  	s5 =	sld [smem:$0x3FFC];
	_ =	sdelay $0x3  }
0x9a: {  	_ =	strace s5  }
0x9b: {  	s5 =	sld [smem:$0x3FFD];
	_ =	sdelay $0x3  }
0x9c: {  	_ =	strace s5  }
0x9d: {  	_ =	strace $0x8FFFFFFF  }
0x9e: {  	s19 =	sld [smem:$0x3FDB];
	_ =	sdelay $0x1  }
0x9f: {  	s6 =	simm.s32 $_scs_section_size  }
0xa0: {  	s7 =	simm.s32 $_size__tile_overlayer_lowered;
	s8 =	simm.s32 $_tile_overlayer_lowered  }
0xa1: {  	s22 =	simm.s32 $0x1BFF;
	s21 =	sshll.u32 s8, $0x1;
	s5 =	sadd.s32 s6, s19  }
0xa2: {  	s9 =	simm.s32 $0x0;
	s20 =	sshll.u32 s7, $0x1;
	s7 =	sadd.s32 s21, s5  }
0xa3: {  	[timem:s9], [sflag:s22] =	dma.local [hbm:s7], s20  }
0xa4: {  	_ =	swait.ge [sflag:s22], s20  }
0xa5: {  	s6 =	ssub.s32 $0x0, s20;
	[sflag:s22] =	ssyncset.done $0x0  }
0xa6: {  	[sflag:s22] =	ssyncadd.s32 s6;
	_ =	sdelay $0x1  }
0xa7: {  	s23 =	simm.s32 $0x1B8B  }
0xa8: {  	_ =	swait.ge [sflag:s23], $0x1  }
0xa9: {  	[sflag:s23] =	ssyncset.done $0x0  }
0xaa: {  	s25 =	simm.s32 $0x1B8E;
	s24 =	sld [smem:$0x3FFE];
	[sflag:s23] =	ssyncadd.s32 $0xFFFFFFFF  }
0xab: {  	s26 =	simm.s32 $execute0_lowered;
	[smem:$0x3FD2] =	sst s25  }
0xac: {  	s7 =	sshll.u32 s26, $0x1;
	_ =	strace $0x8000004F;
	[dreg:$0x1] =	wrdreg $0xFFFFFFFF  }
0xad: {  	s28 =	simm.s32 $_size_execute0_lowered;
	s5 =	sadd.s32 s5, s7;
	[dreg:$0x0] =	wrdreg $0x0  }
0xae: {  	s7 =	sshll.u32 s28, $0x1;
	[dreg:$0x2] =	wrdreg s5  }
0xaf: {  	[dreg:$0x3] =	wrdreg s7  }
0xb0: {  	[dreg:$0x4] =	wrdreg $0xC0  }
0xb1: {  	_ =	task [dreg:s9], $0x5FFFF  }
0xb2: {  	[dreg:$0x1] =	wrdreg $0xFFFFFFFF  }
0xb3: {  	[dreg:$0x0] =	wrdreg $0x60  }
0xb4: {  	[dreg:$0x2] =	wrdreg s24  }
0xb5: {  	[dreg:$0x3] =	wrdreg s17  }
0xb6: {  	[dreg:$0x4] =	wrdreg s18  }
0xb7: {  	[dreg:$0x5] =	wrdreg s16  }
0xb8: {  	[dreg:$0x6] =	wrdreg $0x9  }
0xb9: {  	_ =	task.clear_ibuf [dreg:s9], $0x7FFFF;
	_ =	strace $0x9000004F  }
0xba: {  	s29 =	simm.s32 $0x9;
	_ =	strace $0x80000051  }
0xbb: {  	_ =	swait.ge [sflag:s29], $0x1  }
0xbc: {  	[sflag:s29] =	ssyncadd.s32 $0xFFFFFFFF  }
0xbd: {  	_ =	strace $0x90000051  }
0xbe: {  	_ =	sfence  }
0xbf: {  	s30 =	sld [smem:$0x0];
	_ =	sdelay $0x2  }
0xc0: {  	s31 =	sshll.u32 s1, $0xD;
	s1 =	sshrl.u32 s1, $0x2  }
0xc1: {  	s3 =	sand.u32 $0x4000, s31;
	s1 =	sadd.s32 s1, s30  }
0xc2: {  	s0 =	sor.u32 s3, s0;
	s1 =	sshll.u32 s1, $0x11  }
0xc3: {  	s0 =	sor.u32 s1, s0  }
0xc4: {  	s0 =	sadd.s32 $0x8F2B, s0  }
0xc5: {  	[sflag:s0] =	ssyncadd.remote.s32 $0x1  }
0xc6: {  	_ =	sfence.sel $0xFFFF  }
0xc7: {  	[dreg:$0x0] =	wrdreg $0xFFFFFFFF;
	(pc) =	sbr.abs _section_cstart, $3  }
0xc8: {  	[dreg:$0x1] =	wrdreg $0xFFFFFFFF  }
0xc9: {  	_ =	task.clear_ibuf [dreg:s9], $0x2FFFF;
	_ =	strace $0x9FFFFFFF  }
0xca: {  	(tm) =	ssettm $0x7FFFFFFF  }
0xcb: {  	_ =	shalt  }
tec
execute0_lowered:
.L_overlay_start_1:
0x0: {  	(tag) =	ssettag $0x1  }
0x1: {  	s5 =	rddreg [dreg:$0x0]  }
0x2: {  	s4 =	rddreg [dreg:$0x1]  }
0x3: {  	s7 =	rddreg [dreg:$0x2]  }
0x4: {  	s6 =	rddreg [dreg:$0x3]  }
0x5: {  	s0 =	rddreg [dreg:$0x4];
	s3 =	srdreg.scid  }
0x6: {  	s2 =	simm.s32 $0x0;
	s1 =	stileid.u32;
	s13 =	simm.s32 $0x1080  }
0x7: {  	s14 =	simm.s32 $0x1880;
	s15 =	simm.s32 $0x2080;
	s16 =	simm.s32 $0x2880  }
0x8: {  	s17 =	simm.s32 $0x3080;
	s18 =	simm.s32 $0x3880;
	s19 =	simm.s32 $0x4080  }
0x9: {  	s20 =	simm.s32 $0x4880;
	s21 =	simm.s32 $0x5080;
	s22 =	simm.s32 $0x5880  }
0xa: {  	s23 =	simm.s32 $0x6080;
	s24 =	simm.s32 $0x6880;
	s25 =	simm.s32 $0x7080  }
0xb: {  	s26 =	simm.s32 $0x7880;
	s28 =	simm.s32 $0x1;
	s3 =	sand.u32 $0x1, s3  }
0xc: {  	[smem:$0x7FF] =	sst s2;
	s8 =	sshll.u32 s1, $0x7;
	s9 =	sshll.u32 s3, $0x6  }
0xd: {  	_ =	strace $0x80000050;
	s31 =	ssub.s32 $0x2, s3;
	s8 =	sor.u32 s9, s8  }
0xe: {  	s3 =	sadd.s32 $0x5E00, s5;
	s11 =	sshrl.u32 s31, $0x1;
	s10 =	sshll.u32 s8, $0x6  }
0xf: {  	s9 =	ssub.s32 s31, s11;
	s8 =	sshrl.u32 s8, $0x3;
	s11 =	simm.s32 $0x80  }
0x10: {  	v2 =	vlaneseq.u32;
	s12 =	sadd.s32 s10, s5;
	s4 =	sadd.s32 s4, s8;
	s5 =	sadd.s32 $0x5F00, s5  }
0x11: {  	vm0 =	vmmov $0xffff;
	v1 =	vshrl.u32 v2, $0x3;
	s6 =	sadd.s32 s6, s10;
	s7 =	sadd.s32 s7, s8;
	s9 =	smax.u32 s9, $0x1  }
0x12: {  	v0 =	vand.u32 $0x7, v2;
	v2 =	vor.u32 $0x8, v2;
	v1 =	vmul.u32 $0x8, v1;
	s10 =	simm.s32 $0x2;
	s8 =	sadd.s32 $0x65E00, s12;
	s12 =	simm.s32 $0x880  }
.LBB2_1:
0x13: {  	[tilespmem:s2], [sflag:$0x2] =	stream.linear.gather [hbm4b:s4+s2], $0x40, $0x38;
	[tilespmem:$0x8080] =	vst v63  }
0x14: {  	_ =	swait.ge [sflag:s10], $0x40  }
0x15: {  	[sflag:s10] =	ssyncset.done $0x0  }
0x16: {  	[sflag:s10] =	ssyncadd.s32 $0xFFFFFFC0  }
0x17: {  	v3 =	vld [tilespmem:$0x0];
	_ =	sdelay $0x4  }
0x18: {  	v4 =	vshll.u32 v3, $0x2  }
0x19: {  	v3 =	vand.u32 $0x7, v3;
	v4 =	vand.u32 $0xFFFFFFE0, v4  }
0x1a: {  	v3 =	vor.u32 v3, v4  }
0x1b: {  	v4 =	vperm.xlane v3, v0;
	_ =	sdelay $0x1  }
0x1c: {  	v4 =	vadd.s32 v1, v4;
	_ =	sdelay $0x1  }
0x1d: {  	v3 =	vperm.xlane v3, v2;
	_ =	sdelay $0x1  }
0x1e: {  	v3 =	vadd.s32 v1, v3  }
0x1f: {  	[tilespmem:s11], [sflag:$0x1] =	stream.indirect_vreg.gather [hbm4b:s3+s2], $0x80, v4, vm0, $0xb8;
	[tilespmem:$0x8080] =	vst v63  }
0x20: {  	_ = 	snop  }
0x21: {  	[tilespmem:s12], [sflag:$0x1] =	stream.indirect_vreg.gather [hbm4b:s5+s2], $0x80, v4, vm0, $0xb8;
	[tilespmem:$0x8080] =	vst v63  }
0x22: {  	_ = 	snop  }
0x23: {  	[tilespmem:s13], [sflag:$0x1] =	stream.indirect_vreg.gather [hbm4b:s3+s2], $0x80, v3, vm0, $0xb8;
	[tilespmem:$0x8080] =	vst v63  }
0x24: {  	_ = 	snop  }
0x25: {  	[tilespmem:s14], [sflag:$0x1] =	stream.indirect_vreg.gather [hbm4b:s5+s2], $0x80, v3, vm0, $0xb8;
	[tilespmem:$0x8080] =	vst v63  }
0x26: {  	v3 =	vld [tilespmem:$0x10];
	_ =	sdelay $0x4  }
0x27: {  	v57 =	vshll.u32 v3, $0x2  }
0x28: {  	v3 =	vand.u32 $0x7, v3;
	v4 =	vand.u32 $0xFFFFFFE0, v57  }
0x29: {  	v3 =	vor.u32 v3, v4  }
0x2a: {  	v4 =	vperm.xlane v3, v0;
	_ =	sdelay $0x1  }
0x2b: {  	v4 =	vadd.s32 v1, v4;
	_ =	sdelay $0x1  }
0x2c: {  	v3 =	vperm.xlane v3, v2;
	_ =	sdelay $0x1  }
0x2d: {  	v3 =	vadd.s32 v1, v3  }
0x2e: {  	[tilespmem:s15], [sflag:$0x1] =	stream.indirect_vreg.gather [hbm4b:s3+s2], $0x80, v4, vm0, $0xb8;
	[tilespmem:$0x8080] =	vst v63  }
0x2f: {  	_ = 	snop  }
0x30: {  	[tilespmem:s16], [sflag:$0x1] =	stream.indirect_vreg.gather [hbm4b:s5+s2], $0x80, v4, vm0, $0xb8;
	[tilespmem:$0x8080] =	vst v63  }
0x31: {  	_ = 	snop  }
0x32: {  	[tilespmem:s17], [sflag:$0x1] =	stream.indirect_vreg.gather [hbm4b:s3+s2], $0x80, v3, vm0, $0xb8;
	[tilespmem:$0x8080] =	vst v63  }
0x33: {  	_ = 	snop  }
0x34: {  	[tilespmem:s18], [sflag:$0x1] =	stream.indirect_vreg.gather [hbm4b:s5+s2], $0x80, v3, vm0, $0xb8;
	[tilespmem:$0x8080] =	vst v63  }
0x35: {  	v3 =	vld [tilespmem:$0x20];
	_ =	sdelay $0x4  }
0x36: {  	v58 =	vshll.u32 v3, $0x2  }
0x37: {  	v3 =	vand.u32 $0x7, v3;
	v4 =	vand.u32 $0xFFFFFFE0, v58  }
0x38: {  	v3 =	vor.u32 v3, v4  }
0x39: {  	v4 =	vperm.xlane v3, v0;
	_ =	sdelay $0x1  }
0x3a: {  	v4 =	vadd.s32 v1, v4;
	_ =	sdelay $0x1  }
0x3b: {  	v3 =	vperm.xlane v3, v2;
	_ =	sdelay $0x1  }
0x3c: {  	v3 =	vadd.s32 v1, v3  }
0x3d: {  	[tilespmem:s19], [sflag:$0x1] =	stream.indirect_vreg.gather [hbm4b:s3+s2], $0x80, v4, vm0, $0xb8;
	[tilespmem:$0x8080] =	vst v63  }
0x3e: {  	_ = 	snop  }
0x3f: {  	[tilespmem:s20], [sflag:$0x1] =	stream.indirect_vreg.gather [hbm4b:s5+s2], $0x80, v4, vm0, $0xb8;
	[tilespmem:$0x8080] =	vst v63  }
0x40: {  	_ = 	snop  }
0x41: {  	[tilespmem:s21], [sflag:$0x1] =	stream.indirect_vreg.gather [hbm4b:s3+s2], $0x80, v3, vm0, $0xb8;
	[tilespmem:$0x8080] =	vst v63  }
0x42: {  	_ = 	snop  }
0x43: {  	[tilespmem:s22], [sflag:$0x1] =	stream.indirect_vreg.gather [hbm4b:s5+s2], $0x80, v3, vm0, $0xb8;
	[tilespmem:$0x8080] =	vst v63  }
0x44: {  	v3 =	vld [tilespmem:$0x30];
	_ =	sdelay $0x4  }
0x45: {  	v59 =	vshll.u32 v3, $0x2  }
0x46: {  	v3 =	vand.u32 $0x7, v3;
	v4 =	vand.u32 $0xFFFFFFE0, v59  }
0x47: {  	v3 =	vor.u32 v3, v4  }
0x48: {  	v4 =	vperm.xlane v3, v0;
	_ =	sdelay $0x1  }
0x49: {  	v4 =	vadd.s32 v1, v4;
	_ =	sdelay $0x1  }
0x4a: {  	v3 =	vperm.xlane v3, v2;
	_ =	sdelay $0x1  }
0x4b: {  	v3 =	vadd.s32 v1, v3  }
0x4c: {  	[tilespmem:s23], [sflag:$0x1] =	stream.indirect_vreg.gather [hbm4b:s3+s2], $0x80, v4, vm0, $0xb8;
	[tilespmem:$0x8080] =	vst v63  }
0x4d: {  	_ = 	snop  }
0x4e: {  	[tilespmem:s24], [sflag:$0x1] =	stream.indirect_vreg.gather [hbm4b:s5+s2], $0x80, v4, vm0, $0xb8;
	[tilespmem:$0x8080] =	vst v63  }
0x4f: {  	_ = 	snop  }
0x50: {  	[tilespmem:s25], [sflag:$0x1] =	stream.indirect_vreg.gather [hbm4b:s3+s2], $0x80, v3, vm0, $0xb8;
	[tilespmem:$0x8080] =	vst v63  }
0x51: {  	_ = 	snop  }
0x52: {  	[tilespmem:s26], [sflag:$0x1] =	stream.indirect_vreg.gather [hbm4b:s5+s2], $0x80, v3, vm0, $0xb8;
	[tilespmem:$0x8080] =	vst v63  }
0x53: {  	_ =	swait.ge [sflag:s28], $0x8000  }
0x54: {  	[sflag:s28] =	ssyncset.done $0x0  }
0x55: {  	[sflag:s28] =	ssyncadd.s32 $0xFFFF8000  }
0x56: {  	[hbm4b:s6+s2] =	stream.linear.scatter [tilespmem:s11], [sflag:$0x2], $0x8000, $0x38;
	[tilespmem:$0x8080] =	vst v63  }
0x57: {  	_ =	swait.ge [sflag:s10], $0x8000  }
0x58: {  	[sflag:s10] =	ssyncset.done $0x0  }
0x59: {  	[sflag:s10] =	ssyncadd.s32 $0xFFFF8000  }
0x5a: {  	[tilespmem:s2], [sflag:$0x2] =	stream.linear.gather [hbm4b:s7+s2], $0x40, $0x38;
	[tilespmem:$0x8080] =	vst v63  }
0x5b: {  	_ =	swait.ge [sflag:s10], $0x40  }
0x5c: {  	[sflag:s10] =	ssyncset.done $0x0  }
0x5d: {  	[sflag:s10] =	ssyncadd.s32 $0xFFFFFFC0  }
0x5e: {  	v3 =	vld [tilespmem:$0x0];
	_ =	sdelay $0x4  }
0x5f: {  	v60 =	vshll.u32 v3, $0x2  }
0x60: {  	v3 =	vand.u32 $0x7, v3;
	v4 =	vand.u32 $0xFFFFFFE0, v60  }
0x61: {  	v3 =	vor.u32 v3, v4  }
0x62: {  	v4 =	vperm.xlane v3, v0;
	_ =	sdelay $0x1  }
0x63: {  	v4 =	vadd.s32 v1, v4;
	_ =	sdelay $0x1  }
0x64: {  	v3 =	vperm.xlane v3, v2;
	_ =	sdelay $0x1  }
0x65: {  	v3 =	vadd.s32 v1, v3  }
0x66: {  	[tilespmem:s11], [sflag:$0x1] =	stream.indirect_vreg.gather [hbm4b:s3+s2], $0x80, v4, vm0, $0xb8;
	[tilespmem:$0x8080] =	vst v63  }
0x67: {  	_ = 	snop  }
0x68: {  	[tilespmem:s12], [sflag:$0x1] =	stream.indirect_vreg.gather [hbm4b:s5+s2], $0x80, v4, vm0, $0xb8;
	[tilespmem:$0x8080] =	vst v63  }
0x69: {  	_ = 	snop  }
0x6a: {  	[tilespmem:s13], [sflag:$0x1] =	stream.indirect_vreg.gather [hbm4b:s3+s2], $0x80, v3, vm0, $0xb8;
	[tilespmem:$0x8080] =	vst v63  }
0x6b: {  	_ = 	snop  }
0x6c: {  	[tilespmem:s14], [sflag:$0x1] =	stream.indirect_vreg.gather [hbm4b:s5+s2], $0x80, v3, vm0, $0xb8;
	[tilespmem:$0x8080] =	vst v63  }
0x6d: {  	v3 =	vld [tilespmem:$0x10];
	_ =	sdelay $0x4  }
0x6e: {  	v61 =	vshll.u32 v3, $0x2  }
0x6f: {  	v3 =	vand.u32 $0x7, v3;
	v4 =	vand.u32 $0xFFFFFFE0, v61  }
0x70: {  	v3 =	vor.u32 v3, v4  }
0x71: {  	v4 =	vperm.xlane v3, v0;
	_ =	sdelay $0x1  }
0x72: {  	v4 =	vadd.s32 v1, v4;
	_ =	sdelay $0x1  }
0x73: {  	v3 =	vperm.xlane v3, v2;
	_ =	sdelay $0x1  }
0x74: {  	v3 =	vadd.s32 v1, v3  }
0x75: {  	[tilespmem:s15], [sflag:$0x1] =	stream.indirect_vreg.gather [hbm4b:s3+s2], $0x80, v4, vm0, $0xb8;
	[tilespmem:$0x8080] =	vst v63  }
0x76: {  	_ = 	snop  }
0x77: {  	[tilespmem:s16], [sflag:$0x1] =	stream.indirect_vreg.gather [hbm4b:s5+s2], $0x80, v4, vm0, $0xb8;
	[tilespmem:$0x8080] =	vst v63  }
0x78: {  	_ = 	snop  }
0x79: {  	[tilespmem:s17], [sflag:$0x1] =	stream.indirect_vreg.gather [hbm4b:s3+s2], $0x80, v3, vm0, $0xb8;
	[tilespmem:$0x8080] =	vst v63  }
0x7a: {  	_ = 	snop  }
0x7b: {  	[tilespmem:s18], [sflag:$0x1] =	stream.indirect_vreg.gather [hbm4b:s5+s2], $0x80, v3, vm0, $0xb8;
	[tilespmem:$0x8080] =	vst v63  }
0x7c: {  	v3 =	vld [tilespmem:$0x20];
	_ =	sdelay $0x4  }
0x7d: {  	v62 =	vshll.u32 v3, $0x2  }
0x7e: {  	v3 =	vand.u32 $0x7, v3;
	v4 =	vand.u32 $0xFFFFFFE0, v62  }
0x7f: {  	v3 =	vor.u32 v3, v4  }
0x80: {  	v4 =	vperm.xlane v3, v0;
	_ =	sdelay $0x1  }
0x81: {  	v4 =	vadd.s32 v1, v4;
	_ =	sdelay $0x1  }
0x82: {  	v3 =	vperm.xlane v3, v2;
	_ =	sdelay $0x1  }
0x83: {  	v3 =	vadd.s32 v1, v3  }
0x84: {  	[tilespmem:s19], [sflag:$0x1] =	stream.indirect_vreg.gather [hbm4b:s3+s2], $0x80, v4, vm0, $0xb8;
	[tilespmem:$0x8080] =	vst v63  }
0x85: {  	_ = 	snop  }
0x86: {  	[tilespmem:s20], [sflag:$0x1] =	stream.indirect_vreg.gather [hbm4b:s5+s2], $0x80, v4, vm0, $0xb8;
	[tilespmem:$0x8080] =	vst v63  }
0x87: {  	_ = 	snop  }
0x88: {  	[tilespmem:s21], [sflag:$0x1] =	stream.indirect_vreg.gather [hbm4b:s3+s2], $0x80, v3, vm0, $0xb8;
	[tilespmem:$0x8080] =	vst v63  }
0x89: {  	_ = 	snop  }
0x8a: {  	[tilespmem:s22], [sflag:$0x1] =	stream.indirect_vreg.gather [hbm4b:s5+s2], $0x80, v3, vm0, $0xb8;
	[tilespmem:$0x8080] =	vst v63  }
0x8b: {  	v3 =	vld [tilespmem:$0x30];
	_ =	sdelay $0x4  }
0x8c: {  	v63 =	vshll.u32 v3, $0x2  }
0x8d: {  	v3 =	vand.u32 $0x7, v3;
	v4 =	vand.u32 $0xFFFFFFE0, v63  }
0x8e: {  	v3 =	vor.u32 v3, v4  }
0x8f: {  	v4 =	vperm.xlane v3, v0;
	_ =	sdelay $0x1  }
0x90: {  	v4 =	vadd.s32 v1, v4;
	_ =	sdelay $0x1  }
0x91: {  	v3 =	vperm.xlane v3, v2;
	_ =	sdelay $0x1  }
0x92: {  	v3 =	vadd.s32 v1, v3  }
0x93: {  	[tilespmem:s23], [sflag:$0x1] =	stream.indirect_vreg.gather [hbm4b:s3+s2], $0x80, v4, vm0, $0xb8;
	[tilespmem:$0x8080] =	vst v63  }
0x94: {  	_ = 	snop  }
0x95: {  	[tilespmem:s24], [sflag:$0x1] =	stream.indirect_vreg.gather [hbm4b:s5+s2], $0x80, v4, vm0, $0xb8;
	[tilespmem:$0x8080] =	vst v63  }
0x96: {  	_ = 	snop  }
0x97: {  	[tilespmem:s25], [sflag:$0x1] =	stream.indirect_vreg.gather [hbm4b:s3+s2], $0x80, v3, vm0, $0xb8;
	[tilespmem:$0x8080] =	vst v63  }
0x98: {  	_ = 	snop  }
0x99: {  	[tilespmem:s26], [sflag:$0x1] =	stream.indirect_vreg.gather [hbm4b:s5+s2], $0x80, v3, vm0, $0xb8;
	[tilespmem:$0x8080] =	vst v63  }
0x9a: {  	_ =	swait.ge [sflag:s28], $0x8000  }
0x9b: {  	p0 =	sne.s32 s9, $0x1;
	[sflag:s28] =	ssyncset.done $0x0  }
.Ltmp0:
0x9c: {  	[sflag:s28] =	ssyncadd.s32 $0xFFFF8000;
	(pc) =	sbr.rel @p0 .LBB2_1-.Ltmp0, $4  }
0x9d: {  	[hbm4b:s8+s2] =	stream.linear.scatter [tilespmem:s11], [sflag:$0x2], $0x8000, $0x38;
	[tilespmem:$0x8080] =	vst v63  }
0x9e: {  	_ =	swait.ge [sflag:s10], $0x8000  }
0x9f: {  	[sflag:s10] =	ssyncset.done $0x0  }
0xa0: {  	s9 =	sadd.s32 $0xFFFFFFFF, s9;
	[sflag:s10] =	ssyncadd.s32 $0xFFFF8000  }
0xa1: {  	_ =	sfence.sel $0x180000  }
0xa2: {  	[bflag:$0x0] =	sbarrier.arrive $0xFFFF  }
0xa3: {  	p0 =	sne.s32 s1, $0x0;
	_ =	strace $0x90000050  }
0xa4: {  	s0 =	sadd.s32 @!p0 $0x100000, s0;
	[bflag:$0x2] =	sbarrier.arrive $0xFFFF  }
0xa5: {  	[sflag:s0] =	ssyncadd.tile.s32 @!p0 $0x1;
	_ =	shalt  }
.Lfunc_end2:
_tile_overlayer_lowered:
.L_overlay_start_2:
0xa6: {  	(tag) =	ssettag $0x2  }
0xa7: {  	s0 =	rddreg [dreg:$0x0];
	s2 =	stileid.u32  }
0xa8: {  	s1 =	rddreg [dreg:$0x1];
	p0 =	sne.s32 s2, $0x0  }
0xa9: {  	s3 =	rddreg [dreg:$0x2];
	[bflag:$0x3] =	sbarrier.arrive $0xFFFF;
	s2 =	simm.s32 @!p0 $0x1C02  }
0xaa: {  	[timem:s3], [sflag:s2] =	dma.local @!p0 [hbm:s0], s1  }
0xab: {  	s0 =	simm.s32 @!p0 $0x2  }
0xac: {  	_ =	swait.ge @!p0 [sflag:s0], s1  }
0xad: {  	s1 =	ssub.s32 @!p0 $0x0, s1;
	[sflag:s0] =	ssyncset.done @!p0 $0x0  }
0xae: {  	[sflag:s0] =	ssyncadd.s32 @!p0 s1  }
0xaf: {  	[bflag:$0x3] =	sbarrier.arrive $0xFFFF  }
0xb0: {  	_ =	shalt  }

</sc_bundles>
